<compile_context>
chip_gen: v7x
topology: tpu7x:2x2x1
jax: 0.10.2.dev20260603
libtpu: 0.0.44.dev20260713+nightly
codegen_flags: <defaults>
</compile_context>

<pallas_src>
import functools

import jax
import jax.numpy as jnp
from jax import lax
from jax.experimental import pallas as pl
from jax.experimental.pallas import tpu as pltpu
from jax.experimental.pallas import tpu_sc as plsc

N = 10000
E = 320000
D = 128
T = 4
G = 100
STEPS = 8
HID = 256

NC = 2
NS = 16
NW = NC * NS
EPW = E // NW
CH = 128
CPW = (EPW + CH - 1) // CH
PAD = CPW * CH - EPW
NACC = 10240
ZCH = NACC // NS // CH
ORT = NACC // NS

BN = 2000
NBLK = N // BN


def _table_tc(h, W_et, b_et):
    def body(h_ref, w_ref, b_ref, o_ref):
        o_ref[...] = lax.dot_general(
            h_ref[...], w_ref[0],
            (((1,), (1,)), ((), ())),
            preferred_element_type=jnp.float32) + b_ref[0]

    return pl.pallas_call(
        body,
        grid=(NBLK, T),
        in_specs=[
            pl.BlockSpec((BN, D), lambda i, t: (i, 0)),
            pl.BlockSpec((1, D, D), lambda i, t: (t, 0, 0)),
            pl.BlockSpec((1, 1, D), lambda i, t: (t, 0, 0)),
        ],
        out_specs=pl.BlockSpec((BN, D), lambda i, t: (t * NBLK + i, 0)),
        out_shape=jax.ShapeDtypeStruct((T * N, D), jnp.float32),
    )(h, W_et, b_et)


def _edge_sc(table, flat_w, dst_w, zeros_chunk):
    mesh = plsc.VectorSubcoreMesh(core_axis_name="c", subcore_axis_name="s")

    @functools.partial(
        pl.kernel,
        out_type=jax.ShapeDtypeStruct((NC, NACC, D), jnp.float32),
        mesh=mesh,
        scratch_types=[
            pltpu.VMEM((CPW, CH), jnp.int32),
            pltpu.VMEM((CPW, CH), jnp.int32),
            pltpu.VMEM((CH, D), jnp.float32),
            pltpu.VMEM_SHARED((NACC, D), jnp.float32),
            pltpu.SemaphoreType.DMA,
        ],
    )
    def run(table_h, flat_h, dst_h, zero_h, out_h, idx_v, dst_v, buf_v,
            acc_s, sem):
        c = lax.axis_index("c")
        s = lax.axis_index("s")
        wid = s * NC + c

        pltpu.sync_copy(zero_h, buf_v)
        for z in range(ZCH):
            pltpu.sync_copy(buf_v, acc_s.at[pl.ds(s * ORT + z * CH, CH)])
        plsc.subcore_barrier()

        pltpu.sync_copy(flat_h.at[wid], idx_v)
        pltpu.sync_copy(dst_h.at[wid], dst_v)

        def chunk(j, carry):
            pltpu.async_copy(table_h.at[idx_v.at[j]], buf_v, sem).wait()
            pltpu.sync_copy(buf_v, acc_s.at[dst_v.at[j]], add=True)
            return carry

        lax.fori_loop(0, CPW, chunk, 0)
        plsc.subcore_barrier()

        pltpu.sync_copy(acc_s.at[pl.ds(s * ORT, ORT)],
                        out_h.at[c, pl.ds(s * ORT, ORT)])

    return run(table, flat_w, dst_w, zeros_chunk)


def _gru_tc(aparts, h, W_ih, W_hh, b_ih2, b_hh2):
    def body(a_ref, h_ref, wi_ref, wh_ref, bi_ref, bh_ref, o_ref):
        a = a_ref[0] + a_ref[1]
        hb = h_ref[...]
        gi = lax.dot_general(a, wi_ref[...], (((1,), (1,)), ((), ())),
                             preferred_element_type=jnp.float32) + bi_ref[...]
        gh = lax.dot_general(hb, wh_ref[...], (((1,), (1,)), ((), ())),
                             preferred_element_type=jnp.float32) + bh_ref[...]
        r = jax.nn.sigmoid(gi[:, :D] + gh[:, :D])
        z = jax.nn.sigmoid(gi[:, D:2 * D] + gh[:, D:2 * D])
        n = jnp.tanh(gi[:, 2 * D:] + r * gh[:, 2 * D:])
        o_ref[...] = (1.0 - z) * n + z * hb

    return pl.pallas_call(
        body,
        grid=(NBLK,),
        in_specs=[
            pl.BlockSpec((NC, BN, D), lambda i: (0, i, 0)),
            pl.BlockSpec((BN, D), lambda i: (i, 0)),
            pl.BlockSpec((3 * D, D), lambda i: (0, 0)),
            pl.BlockSpec((3 * D, D), lambda i: (0, 0)),
            pl.BlockSpec((1, 3 * D), lambda i: (0, 0)),
            pl.BlockSpec((1, 3 * D), lambda i: (0, 0)),
        ],
        out_specs=pl.BlockSpec((BN, D), lambda i: (i, 0)),
        out_shape=jax.ShapeDtypeStruct((N, D), jnp.float32),
    )(aparts, h, W_ih, W_hh, b_ih2, b_hh2)


def _pool_mlp_tc(h, gid2, W1, b1_2, W2p, b2r):
    def body(h_ref, g_ref, w1_ref, b1_ref, w2_ref, b2_ref, o_ref, sums, cnts):
        i = pl.program_id(0)
        ids = g_ref[...]
        M = (ids == lax.broadcasted_iota(jnp.int32, (BN, D), 1)
             ).astype(jnp.float32)
        hb = h_ref[...]
        ps = lax.dot_general(M, hb, (((0,), (0,)), ((), ())),
                             preferred_element_type=jnp.float32)
        pc = lax.dot_general(M, jnp.ones((BN, D), jnp.float32),
                             (((0,), (0,)), ((), ())),
                             preferred_element_type=jnp.float32)

        @pl.when(i == 0)
        def _():
            sums[...] = ps
            cnts[...] = pc

        @pl.when(i > 0)
        def _():
            sums[...] += ps
            cnts[...] += pc

        @pl.when(i == NBLK - 1)
        def _():
            mean = sums[...] / jnp.maximum(cnts[...], 1.0)
            hid = jax.nn.relu(
                lax.dot_general(mean, w1_ref[...], (((1,), (1,)), ((), ())),
                                preferred_element_type=jnp.float32)
                + b1_ref[...])
            logit = lax.dot_general(hid, w2_ref[...], (((1,), (1,)), ((), ())),
                                    preferred_element_type=jnp.float32)
            o_ref[...] = jax.nn.sigmoid(logit + b2_ref[...])

    return pl.pallas_call(
        body,
        grid=(NBLK,),
        in_specs=[
            pl.BlockSpec((BN, D), lambda i: (i, 0)),
            pl.BlockSpec((BN, 1), lambda i: (i, 0)),
            pl.BlockSpec((HID, D), lambda i: (0, 0)),
            pl.BlockSpec((1, HID), lambda i: (0, 0)),
            pl.BlockSpec((D, HID), lambda i: (0, 0)),
            pl.BlockSpec((1, D), lambda i: (0, 0)),
        ],
        out_specs=pl.BlockSpec((D, D), lambda i: (0, 0)),
        out_shape=jax.ShapeDtypeStruct((D, D), jnp.float32),
        scratch_shapes=[
            pltpu.VMEM((D, D), jnp.float32),
            pltpu.VMEM((D, D), jnp.float32),
        ],
    )(h, gid2, W1, b1_2, W2p, b2r)



def _gru_table_tc(aparts, h, W_ih, W_hh, b_ih2, b_hh2, W_et, b_et3):
    def body(a_ref, h_ref, wi_ref, wh_ref, bi_ref, bh_ref, we_ref, be_ref,
             oh_ref, ot_ref):
        a = a_ref[0] + a_ref[1]
        hb = h_ref[...]
        gi = lax.dot_general(a, wi_ref[...], (((1,), (1,)), ((), ())),
                             preferred_element_type=jnp.float32) + bi_ref[...]
        gh = lax.dot_general(hb, wh_ref[...], (((1,), (1,)), ((), ())),
                             preferred_element_type=jnp.float32) + bh_ref[...]
        r = jax.nn.sigmoid(gi[:, :D] + gh[:, :D])
        z = jax.nn.sigmoid(gi[:, D:2 * D] + gh[:, D:2 * D])
        n = jnp.tanh(gi[:, 2 * D:] + r * gh[:, 2 * D:])
        hp = (1.0 - z) * n + z * hb
        oh_ref[...] = hp
        for t in range(T):
            ot_ref[t] = lax.dot_general(
                hp, we_ref[t], (((1,), (1,)), ((), ())),
                preferred_element_type=jnp.float32) + be_ref[t]

    return pl.pallas_call(
        body,
        grid=(NBLK,),
        in_specs=[
            pl.BlockSpec((NC, BN, D), lambda i: (0, i, 0)),
            pl.BlockSpec((BN, D), lambda i: (i, 0)),
            pl.BlockSpec((3 * D, D), lambda i: (0, 0)),
            pl.BlockSpec((3 * D, D), lambda i: (0, 0)),
            pl.BlockSpec((1, 3 * D), lambda i: (0, 0)),
            pl.BlockSpec((1, 3 * D), lambda i: (0, 0)),
            pl.BlockSpec((T, D, D), lambda i: (0, 0, 0)),
            pl.BlockSpec((T, 1, D), lambda i: (0, 0, 0)),
        ],
        out_specs=[
            pl.BlockSpec((BN, D), lambda i: (i, 0)),
            pl.BlockSpec((T, BN, D), lambda i: (0, i, 0)),
        ],
        out_shape=[
            jax.ShapeDtypeStruct((N, D), jnp.float32),
            jax.ShapeDtypeStruct((T, N, D), jnp.float32),
        ],
    )(aparts, h, W_ih, W_hh, b_ih2, b_hh2, W_et, b_et3)


def _gru_pool_tc(aparts, h, W_ih, W_hh, b_ih2, b_hh2, gid2, W1, b1_2, W2p,
                 b2r):
    def body(a_ref, h_ref, wi_ref, wh_ref, bi_ref, bh_ref, g_ref, w1_ref,
             b1_ref, w2_ref, b2_ref, o_ref, sums, cnts):
        i = pl.program_id(0)
        a = a_ref[0] + a_ref[1]
        hb = h_ref[...]
        gi = lax.dot_general(a, wi_ref[...], (((1,), (1,)), ((), ())),
                             preferred_element_type=jnp.float32) + bi_ref[...]
        gh = lax.dot_general(hb, wh_ref[...], (((1,), (1,)), ((), ())),
                             preferred_element_type=jnp.float32) + bh_ref[...]
        r = jax.nn.sigmoid(gi[:, :D] + gh[:, :D])
        z = jax.nn.sigmoid(gi[:, D:2 * D] + gh[:, D:2 * D])
        n = jnp.tanh(gi[:, 2 * D:] + r * gh[:, 2 * D:])
        hp = (1.0 - z) * n + z * hb

        M = (g_ref[...] == lax.broadcasted_iota(jnp.int32, (BN, D), 1)
             ).astype(jnp.float32)
        ps = lax.dot_general(M, hp, (((0,), (0,)), ((), ())),
                             preferred_element_type=jnp.float32)
        pc = lax.dot_general(M, jnp.ones((BN, D), jnp.float32),
                             (((0,), (0,)), ((), ())),
                             preferred_element_type=jnp.float32)

        @pl.when(i == 0)
        def _():
            sums[...] = ps
            cnts[...] = pc

        @pl.when(i > 0)
        def _():
            sums[...] += ps
            cnts[...] += pc

        @pl.when(i == NBLK - 1)
        def _():
            mean = sums[...] / jnp.maximum(cnts[...], 1.0)
            hid = jax.nn.relu(
                lax.dot_general(mean, w1_ref[...], (((1,), (1,)), ((), ())),
                                preferred_element_type=jnp.float32)
                + b1_ref[...])
            logit = lax.dot_general(hid, w2_ref[...], (((1,), (1,)), ((), ())),
                                    preferred_element_type=jnp.float32)
            o_ref[...] = jax.nn.sigmoid(logit + b2_ref[...])

    return pl.pallas_call(
        body,
        grid=(NBLK,),
        in_specs=[
            pl.BlockSpec((NC, BN, D), lambda i: (0, i, 0)),
            pl.BlockSpec((BN, D), lambda i: (i, 0)),
            pl.BlockSpec((3 * D, D), lambda i: (0, 0)),
            pl.BlockSpec((3 * D, D), lambda i: (0, 0)),
            pl.BlockSpec((1, 3 * D), lambda i: (0, 0)),
            pl.BlockSpec((1, 3 * D), lambda i: (0, 0)),
            pl.BlockSpec((BN, 1), lambda i: (i, 0)),
            pl.BlockSpec((HID, D), lambda i: (0, 0)),
            pl.BlockSpec((1, HID), lambda i: (0, 0)),
            pl.BlockSpec((D, HID), lambda i: (0, 0)),
            pl.BlockSpec((1, D), lambda i: (0, 0)),
        ],
        out_specs=pl.BlockSpec((D, D), lambda i: (0, 0)),
        out_shape=jax.ShapeDtypeStruct((D, D), jnp.float32),
        scratch_shapes=[
            pltpu.VMEM((D, D), jnp.float32),
            pltpu.VMEM((D, D), jnp.float32),
        ],
    )(aparts, h, W_ih, W_hh, b_ih2, b_hh2, gid2, W1, b1_2, W2p, b2r)


def kernel(x, edge_index, edge_types, graph_ids, W_et, b_et, W_ih, W_hh,
           b_ih, b_hh, W1, b1, W2, b2):
    src = edge_index[0]
    dst = edge_index[1]
    flat = edge_types * N + src

    flat_w = jnp.pad(flat.reshape(NW, EPW), ((0, 0), (0, PAD)),
                     constant_values=0).reshape(NW, CPW, CH)
    dst_w = jnp.pad(dst.reshape(NW, EPW), ((0, 0), (0, PAD)),
                    constant_values=N).reshape(NW, CPW, CH)
    zeros_chunk = jnp.zeros((CH, D), jnp.float32)

    b_et3 = b_et.reshape(T, 1, D)
    b_ih2 = b_ih.reshape(1, 3 * D)
    b_hh2 = b_hh.reshape(1, 3 * D)
    b1_2 = b1.reshape(1, HID)
    gid2 = graph_ids.reshape(N, 1)
    W2p = jnp.zeros((D, HID), jnp.float32).at[0].set(W2[0])
    b2r = jnp.broadcast_to(b2.reshape(1, 1), (1, D))

    h = x
    table = _table_tc(h, W_et, b_et3)
    for s in range(STEPS):
        aparts = _edge_sc(table, flat_w, dst_w, zeros_chunk)
        if s < STEPS - 1:
            h, table3 = _gru_table_tc(aparts, h, W_ih, W_hh, b_ih2, b_hh2,
                                      W_et, b_et3)
            table = table3.reshape(T * N, D)
        else:
            out_full = _gru_pool_tc(aparts, h, W_ih, W_hh, b_ih2, b_hh2,
                                    gid2, W1, b1_2, W2p, b2r)
    return out_full[:G, :1]

# --- scband reference (transcript-rebuilt; emitter-appended) ---
"""Pipeline reference for scband-ggnnmean-end2-end-3298534883491 (READ-ONLY COPY).

The authoritative reference and input builder live on the scoring server;
editing this copy changes nothing except your own understanding.
"""

import jax, jax.numpy as jnp
import numpy as np

N = 10000
E = 320000
D = 128
T = 4
G = 100
STEPS = 8
HID = 256


def setup_inputs(seed: int = 0) -> dict:
    key = jax.random.key(seed)
    ks = jax.random.split(key, 16)
    x = jax.random.normal(ks[0], (N, D), dtype=jnp.float32)
    edge_index = jax.random.randint(ks[1], (2, E), 0, N, dtype=jnp.int32)
    edge_types = jax.random.randint(ks[2], (E,), 0, T, dtype=jnp.int32)
    graph_ids = jnp.sort(jax.random.randint(ks[3], (N,), 0, G, dtype=jnp.int32))
    s = 1.0 / np.sqrt(D)
    W_et = jax.random.normal(ks[4], (T, D, D), dtype=jnp.float32) * s
    b_et = jax.random.normal(ks[5], (T, D), dtype=jnp.float32) * 0.01
    W_ih = jax.random.normal(ks[6], (3 * D, D), dtype=jnp.float32) * s
    W_hh = jax.random.normal(ks[7], (3 * D, D), dtype=jnp.float32) * s
    b_ih = jax.random.normal(ks[8], (3 * D,), dtype=jnp.float32) * 0.01
    b_hh = jax.random.normal(ks[9], (3 * D,), dtype=jnp.float32) * 0.01
    W1 = jax.random.normal(ks[10], (HID, D), dtype=jnp.float32) * s
    b1 = jax.random.normal(ks[11], (HID,), dtype=jnp.float32) * 0.01
    W2 = jax.random.normal(ks[12], (1, HID), dtype=jnp.float32) * (1.0 / np.sqrt(HID))
    b2 = jax.random.normal(ks[13], (1,), dtype=jnp.float32) * 0.01
    return {"x": x, "edge_index": edge_index, "edge_types": edge_types,
            "graph_ids": graph_ids, "W_et": W_et, "b_et": b_et,
            "W_ih": W_ih, "W_hh": W_hh, "b_ih": b_ih, "b_hh": b_hh,
            "W1": W1, "b1": b1, "W2": W2, "b2": b2}


def reference(x, edge_index, edge_types, graph_ids, W_et, b_et, W_ih, W_hh, b_ih, b_hh, W1, b1, W2, b2):
    src = edge_index[0]
    dst = edge_index[1]
    h = x  # in_feats == out_feats, no padding needed
    K = D
    for _ in range(STEPS):
        # per-edge-type linear applied to node features (DGL GatedGraphConv)
        hT = jnp.einsum('nd,tkd->tnk', h, W_et) + b_et[:, None, :]  # [T, N, D]
        msg = hT[edge_types, src]  # gather transformed src features per edge [E, D]
        a = jax.ops.segment_sum(msg, dst, num_segments=N)  # scatter-add to dst
        # GRUCell update
        gi = a @ W_ih.T + b_ih
        gh = h @ W_hh.T + b_hh
        r = jax.nn.sigmoid(gi[:, :K] + gh[:, :K])
        z = jax.nn.sigmoid(gi[:, K:2 * K] + gh[:, K:2 * K])
        n = jnp.tanh(gi[:, 2 * K:] + r * gh[:, 2 * K:])
        h = (1.0 - z) * n + z * h
    # de-batchify + masked mean over nodes per graph
    sums = jax.ops.segment_sum(h, graph_ids, num_segments=G)
    counts = jax.ops.segment_sum(jnp.ones((N,), dtype=h.dtype), graph_ids, num_segments=G)
    mean = sums / jnp.maximum(counts, 1.0)[:, None]
    # LinearSigmoidClassifier (dropout inactive at eval)
    hid = jax.nn.relu(mean @ W1.T + b1)
    logit = hid @ W2.T + b2
    return jax.nn.sigmoid(logit)

if __name__ == "__main__":
    import jax
    _d = setup_inputs()
    print(jax.jit(kernel)(*tuple(_d.values())))

</pallas_src>

<mosaic_0001>
#map = affine_map<(d0, d1) -> (0, 0)>
#map1 = affine_map<(d0, d1) -> (0, 0, 0)>
module attributes {stable_mosaic.version = 14 : i64} {
  func.func @run(%arg0: i32, %arg1: i32, %arg2: memref<40000x128xf32, #tpu.memory_space<hbm>>, %arg3: memref<32x79x128xi32, #tpu.memory_space<hbm>>, %arg4: memref<32x79x128xi32, #tpu.memory_space<hbm>>, %arg5: memref<128x128xf32, #tpu.memory_space<hbm>>, %arg6: memref<2x10240x128xf32, #tpu.memory_space<hbm>>, %arg7: memref<79x128xi32, #tpu.memory_space<vmem>>, %arg8: memref<79x128xi32, #tpu.memory_space<vmem>>, %arg9: memref<128x128xf32, #tpu.memory_space<vmem>>, %arg10: memref<10240x128xf32, #tpu.memory_space<vmem_shared>>, %arg11: memref<!tpu.dma_semaphore, #tpu.memory_space<semaphore_mem>>) attributes {dimension_semantics = [#tpu.dimension_semantics<core_parallel>, #tpu.dimension_semantics<subcore_parallel>], iteration_bounds = array<i64: 2, 16>, scalar_prefetch = 0 : i64, scratch_operands = 5 : i64, tpu.core_type = #tpu.core_type<sc_vector_subcore>, window_params = [{transform_indices = #map}, {transform_indices = #map1}, {transform_indices = #map1}, {transform_indices = #map}, {transform_indices = #map1}]} {
    %mul3A = arith.constant 2 : i32
    %mul3A_0 = arith.muli %arg1, %mul3A : i32
    %add3A = arith.addi %mul3A_0, %arg0 : i32
    "tpu.region"() ({
      %run_scoped3A = tpu.sem_alloc : memref<!tpu.dma_semaphore, #tpu.memory_space<semaphore_mem>>
      tpu.enqueue_dma source(%arg5 : memref<128x128xf32, #tpu.memory_space<hbm>>) target(%arg9 : memref<128x128xf32, #tpu.memory_space<vmem>>) target_semaphore(%run_scoped3A : memref<!tpu.dma_semaphore, #tpu.memory_space<semaphore_mem>>)
      tpu.wait_dma2 semaphore(%run_scoped3A : memref<!tpu.dma_semaphore, #tpu.memory_space<semaphore_mem>>) src(%arg5 : memref<128x128xf32, #tpu.memory_space<hbm>>) dst(%arg9 : memref<128x128xf32, #tpu.memory_space<vmem>>)
      tpu.yield
    }) : () -> ()
    %mul3A_1 = arith.constant 640 : i32
    %mul3A_2 = arith.muli %arg1, %mul3A_1 : i32
    %add3A_3 = arith.constant 0 : i32
    %add3A_4 = arith.addi %mul3A_2, %add3A_3 : i32
    "tpu.region"() ({
      %run_scoped3A = tpu.sem_alloc : memref<!tpu.dma_semaphore, #tpu.memory_space<semaphore_mem>>
      %dma_start3A = arith.constant 0 : i32
      %dma_start3A_31 = tpu.memref_slice %arg10[%add3A_4, %dma_start3A] : memref<10240x128xf32, #tpu.memory_space<vmem_shared>> -> memref<128x128xf32, #tpu.memory_space<vmem_shared>>
      %dma_start3A_32 = arith.constant 0 : i32
      %dma_start3A_33 = tpu.memref_slice %arg10[%add3A_4, %dma_start3A_32] : memref<10240x128xf32, #tpu.memory_space<vmem_shared>> -> memref<128x128xf32, #tpu.memory_space<vmem_shared>>
      tpu.enqueue_dma source(%arg9 : memref<128x128xf32, #tpu.memory_space<vmem>>) target(%dma_start3A_33 : memref<128x128xf32, #tpu.memory_space<vmem_shared>>) target_semaphore(%run_scoped3A : memref<!tpu.dma_semaphore, #tpu.memory_space<semaphore_mem>>)
      %dma_wait3A = arith.constant 0 : i32
      %dma_wait3A_34 = tpu.memref_slice %arg10[%add3A_4, %dma_wait3A] : memref<10240x128xf32, #tpu.memory_space<vmem_shared>> -> memref<128x128xf32, #tpu.memory_space<vmem_shared>>
      %dma_wait3A_35 = arith.constant 0 : i32
      %dma_wait3A_36 = tpu.memref_slice %arg10[%add3A_4, %dma_wait3A_35] : memref<10240x128xf32, #tpu.memory_space<vmem_shared>> -> memref<128x128xf32, #tpu.memory_space<vmem_shared>>
      tpu.wait_dma2 semaphore(%run_scoped3A : memref<!tpu.dma_semaphore, #tpu.memory_space<semaphore_mem>>) src(%arg9 : memref<128x128xf32, #tpu.memory_space<vmem>>) dst(%dma_wait3A_36 : memref<128x128xf32, #tpu.memory_space<vmem_shared>>)
      tpu.yield
    }) : () -> ()
    %mul3A_5 = arith.constant 640 : i32
    %mul3A_6 = arith.muli %arg1, %mul3A_5 : i32
    %add3A_7 = arith.constant 128 : i32
    %add3A_8 = arith.addi %mul3A_6, %add3A_7 : i32
    "tpu.region"() ({
      %run_scoped3A = tpu.sem_alloc : memref<!tpu.dma_semaphore, #tpu.memory_space<semaphore_mem>>
      %dma_start3A = arith.constant 0 : i32
      %dma_start3A_31 = tpu.memref_slice %arg10[%add3A_8, %dma_start3A] : memref<10240x128xf32, #tpu.memory_space<vmem_shared>> -> memref<128x128xf32, #tpu.memory_space<vmem_shared>>
      %dma_start3A_32 = arith.constant 0 : i32
      %dma_start3A_33 = tpu.memref_slice %arg10[%add3A_8, %dma_start3A_32] : memref<10240x128xf32, #tpu.memory_space<vmem_shared>> -> memref<128x128xf32, #tpu.memory_space<vmem_shared>>
      tpu.enqueue_dma source(%arg9 : memref<128x128xf32, #tpu.memory_space<vmem>>) target(%dma_start3A_33 : memref<128x128xf32, #tpu.memory_space<vmem_shared>>) target_semaphore(%run_scoped3A : memref<!tpu.dma_semaphore, #tpu.memory_space<semaphore_mem>>)
      %dma_wait3A = arith.constant 0 : i32
      %dma_wait3A_34 = tpu.memref_slice %arg10[%add3A_8, %dma_wait3A] : memref<10240x128xf32, #tpu.memory_space<vmem_shared>> -> memref<128x128xf32, #tpu.memory_space<vmem_shared>>
      %dma_wait3A_35 = arith.constant 0 : i32
      %dma_wait3A_36 = tpu.memref_slice %arg10[%add3A_8, %dma_wait3A_35] : memref<10240x128xf32, #tpu.memory_space<vmem_shared>> -> memref<128x128xf32, #tpu.memory_space<vmem_shared>>
      tpu.wait_dma2 semaphore(%run_scoped3A : memref<!tpu.dma_semaphore, #tpu.memory_space<semaphore_mem>>) src(%arg9 : memref<128x128xf32, #tpu.memory_space<vmem>>) dst(%dma_wait3A_36 : memref<128x128xf32, #tpu.memory_space<vmem_shared>>)
      tpu.yield
    }) : () -> ()
    %mul3A_9 = arith.constant 640 : i32
    %mul3A_10 = arith.muli %arg1, %mul3A_9 : i32
    %add3A_11 = arith.constant 256 : i32
    %add3A_12 = arith.addi %mul3A_10, %add3A_11 : i32
    "tpu.region"() ({
      %run_scoped3A = tpu.sem_alloc : memref<!tpu.dma_semaphore, #tpu.memory_space<semaphore_mem>>
      %dma_start3A = arith.constant 0 : i32
      %dma_start3A_31 = tpu.memref_slice %arg10[%add3A_12, %dma_start3A] : memref<10240x128xf32, #tpu.memory_space<vmem_shared>> -> memref<128x128xf32, #tpu.memory_space<vmem_shared>>
      %dma_start3A_32 = arith.constant 0 : i32
      %dma_start3A_33 = tpu.memref_slice %arg10[%add3A_12, %dma_start3A_32] : memref<10240x128xf32, #tpu.memory_space<vmem_shared>> -> memref<128x128xf32, #tpu.memory_space<vmem_shared>>
      tpu.enqueue_dma source(%arg9 : memref<128x128xf32, #tpu.memory_space<vmem>>) target(%dma_start3A_33 : memref<128x128xf32, #tpu.memory_space<vmem_shared>>) target_semaphore(%run_scoped3A : memref<!tpu.dma_semaphore, #tpu.memory_space<semaphore_mem>>)
      %dma_wait3A = arith.constant 0 : i32
      %dma_wait3A_34 = tpu.memref_slice %arg10[%add3A_12, %dma_wait3A] : memref<10240x128xf32, #tpu.memory_space<vmem_shared>> -> memref<128x128xf32, #tpu.memory_space<vmem_shared>>
      %dma_wait3A_35 = arith.constant 0 : i32
      %dma_wait3A_36 = tpu.memref_slice %arg10[%add3A_12, %dma_wait3A_35] : memref<10240x128xf32, #tpu.memory_space<vmem_shared>> -> memref<128x128xf32, #tpu.memory_space<vmem_shared>>
      tpu.wait_dma2 semaphore(%run_scoped3A : memref<!tpu.dma_semaphore, #tpu.memory_space<semaphore_mem>>) src(%arg9 : memref<128x128xf32, #tpu.memory_space<vmem>>) dst(%dma_wait3A_36 : memref<128x128xf32, #tpu.memory_space<vmem_shared>>)
      tpu.yield
    }) : () -> ()
    %mul3A_13 = arith.constant 640 : i32
    %mul3A_14 = arith.muli %arg1, %mul3A_13 : i32
    %add3A_15 = arith.constant 384 : i32
    %add3A_16 = arith.addi %mul3A_14, %add3A_15 : i32
    "tpu.region"() ({
      %run_scoped3A = tpu.sem_alloc : memref<!tpu.dma_semaphore, #tpu.memory_space<semaphore_mem>>
      %dma_start3A = arith.constant 0 : i32
      %dma_start3A_31 = tpu.memref_slice %arg10[%add3A_16, %dma_start3A] : memref<10240x128xf32, #tpu.memory_space<vmem_shared>> -> memref<128x128xf32, #tpu.memory_space<vmem_shared>>
      %dma_start3A_32 = arith.constant 0 : i32
      %dma_start3A_33 = tpu.memref_slice %arg10[%add3A_16, %dma_start3A_32] : memref<10240x128xf32, #tpu.memory_space<vmem_shared>> -> memref<128x128xf32, #tpu.memory_space<vmem_shared>>
      tpu.enqueue_dma source(%arg9 : memref<128x128xf32, #tpu.memory_space<vmem>>) target(%dma_start3A_33 : memref<128x128xf32, #tpu.memory_space<vmem_shared>>) target_semaphore(%run_scoped3A : memref<!tpu.dma_semaphore, #tpu.memory_space<semaphore_mem>>)
      %dma_wait3A = arith.constant 0 : i32
      %dma_wait3A_34 = tpu.memref_slice %arg10[%add3A_16, %dma_wait3A] : memref<10240x128xf32, #tpu.memory_space<vmem_shared>> -> memref<128x128xf32, #tpu.memory_space<vmem_shared>>
      %dma_wait3A_35 = arith.constant 0 : i32
      %dma_wait3A_36 = tpu.memref_slice %arg10[%add3A_16, %dma_wait3A_35] : memref<10240x128xf32, #tpu.memory_space<vmem_shared>> -> memref<128x128xf32, #tpu.memory_space<vmem_shared>>
      tpu.wait_dma2 semaphore(%run_scoped3A : memref<!tpu.dma_semaphore, #tpu.memory_space<semaphore_mem>>) src(%arg9 : memref<128x128xf32, #tpu.memory_space<vmem>>) dst(%dma_wait3A_36 : memref<128x128xf32, #tpu.memory_space<vmem_shared>>)
      tpu.yield
    }) : () -> ()
    %mul3A_17 = arith.constant 640 : i32
    %mul3A_18 = arith.muli %arg1, %mul3A_17 : i32
    %add3A_19 = arith.constant 512 : i32
    %add3A_20 = arith.addi %mul3A_18, %add3A_19 : i32
    "tpu.region"() ({
      %run_scoped3A = tpu.sem_alloc : memref<!tpu.dma_semaphore, #tpu.memory_space<semaphore_mem>>
      %dma_start3A = arith.constant 0 : i32
      %dma_start3A_31 = tpu.memref_slice %arg10[%add3A_20, %dma_start3A] : memref<10240x128xf32, #tpu.memory_space<vmem_shared>> -> memref<128x128xf32, #tpu.memory_space<vmem_shared>>
      %dma_start3A_32 = arith.constant 0 : i32
      %dma_start3A_33 = tpu.memref_slice %arg10[%add3A_20, %dma_start3A_32] : memref<10240x128xf32, #tpu.memory_space<vmem_shared>> -> memref<128x128xf32, #tpu.memory_space<vmem_shared>>
      tpu.enqueue_dma source(%arg9 : memref<128x128xf32, #tpu.memory_space<vmem>>) target(%dma_start3A_33 : memref<128x128xf32, #tpu.memory_space<vmem_shared>>) target_semaphore(%run_scoped3A : memref<!tpu.dma_semaphore, #tpu.memory_space<semaphore_mem>>)
      %dma_wait3A = arith.constant 0 : i32
      %dma_wait3A_34 = tpu.memref_slice %arg10[%add3A_20, %dma_wait3A] : memref<10240x128xf32, #tpu.memory_space<vmem_shared>> -> memref<128x128xf32, #tpu.memory_space<vmem_shared>>
      %dma_wait3A_35 = arith.constant 0 : i32
      %dma_wait3A_36 = tpu.memref_slice %arg10[%add3A_20, %dma_wait3A_35] : memref<10240x128xf32, #tpu.memory_space<vmem_shared>> -> memref<128x128xf32, #tpu.memory_space<vmem_shared>>
      tpu.wait_dma2 semaphore(%run_scoped3A : memref<!tpu.dma_semaphore, #tpu.memory_space<semaphore_mem>>) src(%arg9 : memref<128x128xf32, #tpu.memory_space<vmem>>) dst(%dma_wait3A_36 : memref<128x128xf32, #tpu.memory_space<vmem_shared>>)
      tpu.yield
    }) : () -> ()
    %barrier3A = arith.constant 0 : index
    tpu.barrier barrier_id(%barrier3A)
    "tpu.region"() ({
      %run_scoped3A = tpu.sem_alloc : memref<!tpu.dma_semaphore, #tpu.memory_space<semaphore_mem>>
      %dma_start3A = arith.constant 0 : i32
      %dma_start3A_31 = arith.constant 0 : i32
      %dma_start3A_32 = tpu.memref_slice %arg3[%add3A, %dma_start3A, %dma_start3A_31] : memref<32x79x128xi32, #tpu.memory_space<hbm>> -> memref<1x79x128xi32, #tpu.memory_space<hbm>>
      %dma_start3A_33 = tpu.memref_squeeze %dma_start3A_32 : memref<1x79x128xi32, #tpu.memory_space<hbm>> -> memref<79x128xi32, #tpu.memory_space<hbm>>
      %dma_start3A_34 = arith.constant 0 : i32
      %dma_start3A_35 = arith.constant 0 : i32
      %dma_start3A_36 = tpu.memref_slice %arg3[%add3A, %dma_start3A_34, %dma_start3A_35] : memref<32x79x128xi32, #tpu.memory_space<hbm>> -> memref<1x79x128xi32, #tpu.memory_space<hbm>>
      %dma_start3A_37 = tpu.memref_squeeze %dma_start3A_36 : memref<1x79x128xi32, #tpu.memory_space<hbm>> -> memref<79x128xi32, #tpu.memory_space<hbm>>
      tpu.enqueue_dma source(%dma_start3A_37 : memref<79x128xi32, #tpu.memory_space<hbm>>) target(%arg7 : memref<79x128xi32, #tpu.memory_space<vmem>>) target_semaphore(%run_scoped3A : memref<!tpu.dma_semaphore, #tpu.memory_space<semaphore_mem>>)
      %dma_wait3A = arith.constant 0 : i32
      %dma_wait3A_38 = arith.constant 0 : i32
      %dma_wait3A_39 = tpu.memref_slice %arg3[%add3A, %dma_wait3A, %dma_wait3A_38] : memref<32x79x128xi32, #tpu.memory_space<hbm>> -> memref<1x79x128xi32, #tpu.memory_space<hbm>>
      %dma_wait3A_40 = tpu.memref_squeeze %dma_wait3A_39 : memref<1x79x128xi32, #tpu.memory_space<hbm>> -> memref<79x128xi32, #tpu.memory_space<hbm>>
      %dma_wait3A_41 = arith.constant 0 : i32
      %dma_wait3A_42 = arith.constant 0 : i32
      %dma_wait3A_43 = tpu.memref_slice %arg3[%add3A, %dma_wait3A_41, %dma_wait3A_42] : memref<32x79x128xi32, #tpu.memory_space<hbm>> -> memref<1x79x128xi32, #tpu.memory_space<hbm>>
      %dma_wait3A_44 = tpu.memref_squeeze %dma_wait3A_43 : memref<1x79x128xi32, #tpu.memory_space<hbm>> -> memref<79x128xi32, #tpu.memory_space<hbm>>
      tpu.wait_dma2 semaphore(%run_scoped3A : memref<!tpu.dma_semaphore, #tpu.memory_space<semaphore_mem>>) src(%dma_wait3A_44 : memref<79x128xi32, #tpu.memory_space<hbm>>) dst(%arg7 : memref<79x128xi32, #tpu.memory_space<vmem>>)
      tpu.yield
    }) : () -> ()
    "tpu.region"() ({
      %run_scoped3A = tpu.sem_alloc : memref<!tpu.dma_semaphore, #tpu.memory_space<semaphore_mem>>
      %dma_start3A = arith.constant 0 : i32
      %dma_start3A_31 = arith.constant 0 : i32
      %dma_start3A_32 = tpu.memref_slice %arg4[%add3A, %dma_start3A, %dma_start3A_31] : memref<32x79x128xi32, #tpu.memory_space<hbm>> -> memref<1x79x128xi32, #tpu.memory_space<hbm>>
      %dma_start3A_33 = tpu.memref_squeeze %dma_start3A_32 : memref<1x79x128xi32, #tpu.memory_space<hbm>> -> memref<79x128xi32, #tpu.memory_space<hbm>>
      %dma_start3A_34 = arith.constant 0 : i32
      %dma_start3A_35 = arith.constant 0 : i32
      %dma_start3A_36 = tpu.memref_slice %arg4[%add3A, %dma_start3A_34, %dma_start3A_35] : memref<32x79x128xi32, #tpu.memory_space<hbm>> -> memref<1x79x128xi32, #tpu.memory_space<hbm>>
      %dma_start3A_37 = tpu.memref_squeeze %dma_start3A_36 : memref<1x79x128xi32, #tpu.memory_space<hbm>> -> memref<79x128xi32, #tpu.memory_space<hbm>>
      tpu.enqueue_dma source(%dma_start3A_37 : memref<79x128xi32, #tpu.memory_space<hbm>>) target(%arg8 : memref<79x128xi32, #tpu.memory_space<vmem>>) target_semaphore(%run_scoped3A : memref<!tpu.dma_semaphore, #tpu.memory_space<semaphore_mem>>)
      %dma_wait3A = arith.constant 0 : i32
      %dma_wait3A_38 = arith.constant 0 : i32
      %dma_wait3A_39 = tpu.memref_slice %arg4[%add3A, %dma_wait3A, %dma_wait3A_38] : memref<32x79x128xi32, #tpu.memory_space<hbm>> -> memref<1x79x128xi32, #tpu.memory_space<hbm>>
      %dma_wait3A_40 = tpu.memref_squeeze %dma_wait3A_39 : memref<1x79x128xi32, #tpu.memory_space<hbm>> -> memref<79x128xi32, #tpu.memory_space<hbm>>
      %dma_wait3A_41 = arith.constant 0 : i32
      %dma_wait3A_42 = arith.constant 0 : i32
      %dma_wait3A_43 = tpu.memref_slice %arg4[%add3A, %dma_wait3A_41, %dma_wait3A_42] : memref<32x79x128xi32, #tpu.memory_space<hbm>> -> memref<1x79x128xi32, #tpu.memory_space<hbm>>
      %dma_wait3A_44 = tpu.memref_squeeze %dma_wait3A_43 : memref<1x79x128xi32, #tpu.memory_space<hbm>> -> memref<79x128xi32, #tpu.memory_space<hbm>>
      tpu.wait_dma2 semaphore(%run_scoped3A : memref<!tpu.dma_semaphore, #tpu.memory_space<semaphore_mem>>) src(%dma_wait3A_44 : memref<79x128xi32, #tpu.memory_space<hbm>>) dst(%arg8 : memref<79x128xi32, #tpu.memory_space<vmem>>)
      tpu.yield
    }) : () -> ()
    %scan3A = arith.constant 0 : i32
    %scan3A_21 = arith.constant 0 : i32
    %scan3A_22 = arith.constant 79 : i32
    %scan3A_23 = arith.addi %scan3A_21, %scan3A_22 : i32
    %scan3A_24 = arith.constant 1 : i32
    scf.for %scan3A_31 = %scan3A_21 to %scan3A_23 step %scan3A_24  : i32 {
      %dma_start3A = arith.constant 0 : i32
      %dma_start3A_32 = tpu.memref_slice %arg7[%scan3A_31, %dma_start3A] : memref<79x128xi32, #tpu.memory_space<vmem>> -> memref<1x128xi32, #tpu.memory_space<vmem>>
      %dma_start3A_33 = tpu.memref_squeeze %dma_start3A_32 : memref<1x128xi32, #tpu.memory_space<vmem>> -> memref<128xi32, #tpu.memory_space<vmem>>
      %dma_start3A_34 = arith.constant 0 : i32
      %dma_start3A_35 = arith.constant 0 : i32
      %dma_start3A_36 = tpu.memref_slice %arg2[%dma_start3A_34, %dma_start3A_35] : memref<40000x128xf32, #tpu.memory_space<hbm>> -> memref<40000x128xf32, #tpu.memory_space<hbm>>
      tpu.enqueue_indirect_dma source(%dma_start3A_36 : memref<40000x128xf32, #tpu.memory_space<hbm>>) target(%arg9 : memref<128x128xf32, #tpu.memory_space<vmem>>) offsets(%dma_start3A_33 : memref<128xi32, #tpu.memory_space<vmem>>) semaphore(%arg11 : memref<!tpu.dma_semaphore, #tpu.memory_space<semaphore_mem>>)
      %dma_wait3A = arith.constant 0 : i32
      %dma_wait3A_37 = tpu.memref_slice %arg7[%scan3A_31, %dma_wait3A] : memref<79x128xi32, #tpu.memory_space<vmem>> -> memref<1x128xi32, #tpu.memory_space<vmem>>
      %dma_wait3A_38 = tpu.memref_squeeze %dma_wait3A_37 : memref<1x128xi32, #tpu.memory_space<vmem>> -> memref<128xi32, #tpu.memory_space<vmem>>
      %dma_wait3A_39 = arith.constant 0 : i32
      %dma_wait3A_40 = arith.constant 0 : i32
      %dma_wait3A_41 = tpu.memref_slice %arg2[%dma_wait3A_39, %dma_wait3A_40] : memref<40000x128xf32, #tpu.memory_space<hbm>> -> memref<40000x128xf32, #tpu.memory_space<hbm>>
      tpu.wait_indirect_dma semaphore(%arg11 : memref<!tpu.dma_semaphore, #tpu.memory_space<semaphore_mem>>) src(%dma_wait3A_41 : memref<40000x128xf32, #tpu.memory_space<hbm>>) dst(%arg9 : memref<128x128xf32, #tpu.memory_space<vmem>>)
      "tpu.region"() ({
        %run_scoped3A = tpu.sem_alloc : memref<!tpu.dma_semaphore, #tpu.memory_space<semaphore_mem>>
        %dma_start3A_42 = arith.constant 0 : i32
        %dma_start3A_43 = tpu.memref_slice %arg8[%scan3A_31, %dma_start3A_42] : memref<79x128xi32, #tpu.memory_space<vmem>> -> memref<1x128xi32, #tpu.memory_space<vmem>>
        %dma_start3A_44 = tpu.memref_squeeze %dma_start3A_43 : memref<1x128xi32, #tpu.memory_space<vmem>> -> memref<128xi32, #tpu.memory_space<vmem>>
        %dma_start3A_45 = arith.constant 0 : i32
        %dma_start3A_46 = arith.constant 0 : i32
        %dma_start3A_47 = tpu.memref_slice %arg10[%dma_start3A_45, %dma_start3A_46] : memref<10240x128xf32, #tpu.memory_space<vmem_shared>> -> memref<10240x128xf32, #tpu.memory_space<vmem_shared>>
        tpu.enqueue_indirect_dma source(%arg9 : memref<128x128xf32, #tpu.memory_space<vmem>>) target(%dma_start3A_47 : memref<10240x128xf32, #tpu.memory_space<vmem_shared>>) offsets(%dma_start3A_44 : memref<128xi32, #tpu.memory_space<vmem>>) semaphore(%run_scoped3A : memref<!tpu.dma_semaphore, #tpu.memory_space<semaphore_mem>>) {add = true}
        %dma_wait3A_48 = arith.constant 0 : i32
        %dma_wait3A_49 = tpu.memref_slice %arg8[%scan3A_31, %dma_wait3A_48] : memref<79x128xi32, #tpu.memory_space<vmem>> -> memref<1x128xi32, #tpu.memory_space<vmem>>
        %dma_wait3A_50 = tpu.memref_squeeze %dma_wait3A_49 : memref<1x128xi32, #tpu.memory_space<vmem>> -> memref<128xi32, #tpu.memory_space<vmem>>
        %dma_wait3A_51 = arith.constant 0 : i32
        %dma_wait3A_52 = arith.constant 0 : i32
        %dma_wait3A_53 = tpu.memref_slice %arg10[%dma_wait3A_51, %dma_wait3A_52] : memref<10240x128xf32, #tpu.memory_space<vmem_shared>> -> memref<10240x128xf32, #tpu.memory_space<vmem_shared>>
        tpu.wait_indirect_dma semaphore(%run_scoped3A : memref<!tpu.dma_semaphore, #tpu.memory_space<semaphore_mem>>) src(%arg9 : memref<128x128xf32, #tpu.memory_space<vmem>>) dst(%dma_wait3A_53 : memref<10240x128xf32, #tpu.memory_space<vmem_shared>>)
        tpu.yield
      }) : () -> ()
    }
    %scan3A_25 = arith.constant 79 : i32
    %barrier3A_26 = arith.constant 0 : index
    tpu.barrier barrier_id(%barrier3A_26)
    %mul3A_27 = arith.constant 640 : i32
    %mul3A_28 = arith.muli %arg1, %mul3A_27 : i32
    %mul3A_29 = arith.constant 640 : i32
    %mul3A_30 = arith.muli %arg1, %mul3A_29 : i32
    "tpu.region"() ({
      %run_scoped3A = tpu.sem_alloc : memref<!tpu.dma_semaphore, #tpu.memory_space<semaphore_mem>>
      %dma_start3A = arith.constant 0 : i32
      %dma_start3A_31 = tpu.memref_slice %arg6[%arg0, %mul3A_30, %dma_start3A] : memref<2x10240x128xf32, #tpu.memory_space<hbm>> -> memref<1x640x128xf32, #tpu.memory_space<hbm>>
      %dma_start3A_32 = tpu.memref_squeeze %dma_start3A_31 : memref<1x640x128xf32, #tpu.memory_space<hbm>> -> memref<640x128xf32, #tpu.memory_space<hbm>>
      %dma_start3A_33 = arith.constant 0 : i32
      %dma_start3A_34 = tpu.memref_slice %arg10[%mul3A_28, %dma_start3A_33] : memref<10240x128xf32, #tpu.memory_space<vmem_shared>> -> memref<640x128xf32, #tpu.memory_space<vmem_shared>>
      tpu.enqueue_dma source(%dma_start3A_34 : memref<640x128xf32, #tpu.memory_space<vmem_shared>>) target(%dma_start3A_32 : memref<640x128xf32, #tpu.memory_space<hbm>>) target_semaphore(%run_scoped3A : memref<!tpu.dma_semaphore, #tpu.memory_space<semaphore_mem>>)
      %dma_wait3A = arith.constant 0 : i32
      %dma_wait3A_35 = tpu.memref_slice %arg6[%arg0, %mul3A_30, %dma_wait3A] : memref<2x10240x128xf32, #tpu.memory_space<hbm>> -> memref<1x640x128xf32, #tpu.memory_space<hbm>>
      %dma_wait3A_36 = tpu.memref_squeeze %dma_wait3A_35 : memref<1x640x128xf32, #tpu.memory_space<hbm>> -> memref<640x128xf32, #tpu.memory_space<hbm>>
      %dma_wait3A_37 = arith.constant 0 : i32
      %dma_wait3A_38 = tpu.memref_slice %arg10[%mul3A_28, %dma_wait3A_37] : memref<10240x128xf32, #tpu.memory_space<vmem_shared>> -> memref<640x128xf32, #tpu.memory_space<vmem_shared>>
      tpu.wait_dma2 semaphore(%run_scoped3A : memref<!tpu.dma_semaphore, #tpu.memory_space<semaphore_mem>>) src(%dma_wait3A_38 : memref<640x128xf32, #tpu.memory_space<vmem_shared>>) dst(%dma_wait3A_36 : memref<640x128xf32, #tpu.memory_space<hbm>>)
      tpu.yield
    }) : () -> ()
    return
  }
}

#map = affine_map<(d0, d1) -> (0, 0)>
#map1 = affine_map<(d0, d1) -> (0, 0, 0)>
module attributes {stable_mosaic.version = 14 : i64} {
  func.func @run(%arg0: i32, %arg1: i32, %arg2: memref<40000x128xf32, #tpu.memory_space<hbm>>, %arg3: memref<32x79x128xi32, #tpu.memory_space<hbm>>, %arg4: memref<32x79x128xi32, #tpu.memory_space<hbm>>, %arg5: memref<128x128xf32, #tpu.memory_space<hbm>>, %arg6: memref<2x10240x128xf32, #tpu.memory_space<hbm>>, %arg7: memref<79x128xi32, #tpu.memory_space<vmem>>, %arg8: memref<79x128xi32, #tpu.memory_space<vmem>>, %arg9: memref<128x128xf32, #tpu.memory_space<vmem>>, %arg10: memref<10240x128xf32, #tpu.memory_space<vmem_shared>>, %arg11: memref<!tpu.dma_semaphore, #tpu.memory_space<semaphore_mem>>) attributes {dimension_semantics = [#tpu.dimension_semantics<core_parallel>, #tpu.dimension_semantics<subcore_parallel>], iteration_bounds = array<i64: 2, 16>, scalar_prefetch = 0 : i64, scratch_operands = 5 : i64, tpu.core_type = #tpu.core_type<sc_vector_subcore>, window_params = [{transform_indices = #map}, {transform_indices = #map1}, {transform_indices = #map1}, {transform_indices = #map}, {transform_indices = #map1}]} {
    %mul3A = arith.constant 2 : i32
    %mul3A_0 = arith.muli %arg1, %mul3A : i32
    %add3A = arith.addi %mul3A_0, %arg0 : i32
    "tpu.region"() ({
      %run_scoped3A = tpu.sem_alloc : memref<!tpu.dma_semaphore, #tpu.memory_space<semaphore_mem>>
      tpu.enqueue_dma source(%arg5 : memref<128x128xf32, #tpu.memory_space<hbm>>) target(%arg9 : memref<128x128xf32, #tpu.memory_space<vmem>>) target_semaphore(%run_scoped3A : memref<!tpu.dma_semaphore, #tpu.memory_space<semaphore_mem>>)
      tpu.wait_dma2 semaphore(%run_scoped3A : memref<!tpu.dma_semaphore, #tpu.memory_space<semaphore_mem>>) src(%arg5 : memref<128x128xf32, #tpu.memory_space<hbm>>) dst(%arg9 : memref<128x128xf32, #tpu.memory_space<vmem>>)
      tpu.yield
    }) : () -> ()
    %mul3A_1 = arith.constant 640 : i32
    %mul3A_2 = arith.muli %arg1, %mul3A_1 : i32
    %add3A_3 = arith.constant 0 : i32
    %add3A_4 = arith.addi %mul3A_2, %add3A_3 : i32
    "tpu.region"() ({
      %run_scoped3A = tpu.sem_alloc : memref<!tpu.dma_semaphore, #tpu.memory_space<semaphore_mem>>
      %dma_start3A = arith.constant 0 : i32
      %dma_start3A_31 = tpu.memref_slice %arg10[%add3A_4, %dma_start3A] : memref<10240x128xf32, #tpu.memory_space<vmem_shared>> -> memref<128x128xf32, #tpu.memory_space<vmem_shared>>
      %dma_start3A_32 = arith.constant 0 : i32
      %dma_start3A_33 = tpu.memref_slice %arg10[%add3A_4, %dma_start3A_32] : memref<10240x128xf32, #tpu.memory_space<vmem_shared>> -> memref<128x128xf32, #tpu.memory_space<vmem_shared>>
      tpu.enqueue_dma source(%arg9 : memref<128x128xf32, #tpu.memory_space<vmem>>) target(%dma_start3A_33 : memref<128x128xf32, #tpu.memory_space<vmem_shared>>) target_semaphore(%run_scoped3A : memref<!tpu.dma_semaphore, #tpu.memory_space<semaphore_mem>>)
      %dma_wait3A = arith.constant 0 : i32
      %dma_wait3A_34 = tpu.memref_slice %arg10[%add3A_4, %dma_wait3A] : memref<10240x128xf32, #tpu.memory_space<vmem_shared>> -> memref<128x128xf32, #tpu.memory_space<vmem_shared>>
      %dma_wait3A_35 = arith.constant 0 : i32
      %dma_wait3A_36 = tpu.memref_slice %arg10[%add3A_4, %dma_wait3A_35] : memref<10240x128xf32, #tpu.memory_space<vmem_shared>> -> memref<128x128xf32, #tpu.memory_space<vmem_shared>>
      tpu.wait_dma2 semaphore(%run_scoped3A : memref<!tpu.dma_semaphore, #tpu.memory_space<semaphore_mem>>) src(%arg9 : memref<128x128xf32, #tpu.memory_space<vmem>>) dst(%dma_wait3A_36 : memref<128x128xf32, #tpu.memory_space<vmem_shared>>)
      tpu.yield
    }) : () -> ()
    %mul3A_5 = arith.constant 640 : i32
    %mul3A_6 = arith.muli %arg1, %mul3A_5 : i32
    %add3A_7 = arith.constant 128 : i32
    %add3A_8 = arith.addi %mul3A_6, %add3A_7 : i32
    "tpu.region"() ({
      %run_scoped3A = tpu.sem_alloc : memref<!tpu.dma_semaphore, #tpu.memory_space<semaphore_mem>>
      %dma_start3A = arith.constant 0 : i32
      %dma_start3A_31 = tpu.memref_slice %arg10[%add3A_8, %dma_start3A] : memref<10240x128xf32, #tpu.memory_space<vmem_shared>> -> memref<128x128xf32, #tpu.memory_space<vmem_shared>>
      %dma_start3A_32 = arith.constant 0 : i32
      %dma_start3A_33 = tpu.memref_slice %arg10[%add3A_8, %dma_start3A_32] : memref<10240x128xf32, #tpu.memory_space<vmem_shared>> -> memref<128x128xf32, #tpu.memory_space<vmem_shared>>
      tpu.enqueue_dma source(%arg9 : memref<128x128xf32, #tpu.memory_space<vmem>>) target(%dma_start3A_33 : memref<128x128xf32, #tpu.memory_space<vmem_shared>>) target_semaphore(%run_scoped3A : memref<!tpu.dma_semaphore, #tpu.memory_space<semaphore_mem>>)
      %dma_wait3A = arith.constant 0 : i32
      %dma_wait3A_34 = tpu.memref_slice %arg10[%add3A_8, %dma_wait3A] : memref<10240x128xf32, #tpu.memory_space<vmem_shared>> -> memref<128x128xf32, #tpu.memory_space<vmem_shared>>
      %dma_wait3A_35 = arith.constant 0 : i32
      %dma_wait3A_36 = tpu.memref_slice %arg10[%add3A_8, %dma_wait3A_35] : memref<10240x128xf32, #tpu.memory_space<vmem_shared>> -> memref<128x128xf32, #tpu.memory_space<vmem_shared>>
      tpu.wait_dma2 semaphore(%run_scoped3A : memref<!tpu.dma_semaphore, #tpu.memory_space<semaphore_mem>>) src(%arg9 : memref<128x128xf32, #tpu.memory_space<vmem>>) dst(%dma_wait3A_36 : memref<128x128xf32, #tpu.memory_space<vmem_shared>>)
      tpu.yield
    }) : () -> ()
    %mul3A_9 = arith.constant 640 : i32
    %mul3A_10 = arith.muli %arg1, %mul3A_9 : i32
    %add3A_11 = arith.constant 256 : i32
    %add3A_12 = arith.addi %mul3A_10, %add3A_11 : i32
    "tpu.region"() ({
      %run_scoped3A = tpu.sem_alloc : memref<!tpu.dma_semaphore, #tpu.memory_space<semaphore_mem>>
      %dma_start3A = arith.constant 0 : i32
      %dma_start3A_31 = tpu.memref_slice %arg10[%add3A_12, %dma_start3A] : memref<10240x128xf32, #tpu.memory_space<vmem_shared>> -> memref<128x128xf32, #tpu.memory_space<vmem_shared>>
      %dma_start3A_32 = arith.constant 0 : i32
      %dma_start3A_33 = tpu.memref_slice %arg10[%add3A_12, %dma_start3A_32] : memref<10240x128xf32, #tpu.memory_space<vmem_shared>> -> memref<128x128xf32, #tpu.memory_space<vmem_shared>>
      tpu.enqueue_dma source(%arg9 : memref<128x128xf32, #tpu.memory_space<vmem>>) target(%dma_start3A_33 : memref<128x128xf32, #tpu.memory_space<vmem_shared>>) target_semaphore(%run_scoped3A : memref<!tpu.dma_semaphore, #tpu.memory_space<semaphore_mem>>)
      %dma_wait3A = arith.constant 0 : i32
      %dma_wait3A_34 = tpu.memref_slice %arg10[%add3A_12, %dma_wait3A] : memref<10240x128xf32, #tpu.memory_space<vmem_shared>> -> memref<128x128xf32, #tpu.memory_space<vmem_shared>>
      %dma_wait3A_35 = arith.constant 0 : i32
      %dma_wait3A_36 = tpu.memref_slice %arg10[%add3A_12, %dma_wait3A_35] : memref<10240x128xf32, #tpu.memory_space<vmem_shared>> -> memref<128x128xf32, #tpu.memory_space<vmem_shared>>
      tpu.wait_dma2 semaphore(%run_scoped3A : memref<!tpu.dma_semaphore, #tpu.memory_space<semaphore_mem>>) src(%arg9 : memref<128x128xf32, #tpu.memory_space<vmem>>) dst(%dma_wait3A_36 : memref<128x128xf32, #tpu.memory_space<vmem_shared>>)
      tpu.yield
    }) : () -> ()
    %mul3A_13 = arith.constant 640 : i32
    %mul3A_14 = arith.muli %arg1, %mul3A_13 : i32
    %add3A_15 = arith.constant 384 : i32
    %add3A_16 = arith.addi %mul3A_14, %add3A_15 : i32
    "tpu.region"() ({
      %run_scoped3A = tpu.sem_alloc : memref<!tpu.dma_semaphore, #tpu.memory_space<semaphore_mem>>
      %dma_start3A = arith.constant 0 : i32
      %dma_start3A_31 = tpu.memref_slice %arg10[%add3A_16, %dma_start3A] : memref<10240x128xf32, #tpu.memory_space<vmem_shared>> -> memref<128x128xf32, #tpu.memory_space<vmem_shared>>
      %dma_start3A_32 = arith.constant 0 : i32
      %dma_start3A_33 = tpu.memref_slice %arg10[%add3A_16, %dma_start3A_32] : memref<10240x128xf32, #tpu.memory_space<vmem_shared>> -> memref<128x128xf32, #tpu.memory_space<vmem_shared>>
      tpu.enqueue_dma source(%arg9 : memref<128x128xf32, #tpu.memory_space<vmem>>) target(%dma_start3A_33 : memref<128x128xf32, #tpu.memory_space<vmem_shared>>) target_semaphore(%run_scoped3A : memref<!tpu.dma_semaphore, #tpu.memory_space<semaphore_mem>>)
      %dma_wait3A = arith.constant 0 : i32
      %dma_wait3A_34 = tpu.memref_slice %arg10[%add3A_16, %dma_wait3A] : memref<10240x128xf32, #tpu.memory_space<vmem_shared>> -> memref<128x128xf32, #tpu.memory_space<vmem_shared>>
      %dma_wait3A_35 = arith.constant 0 : i32
      %dma_wait3A_36 = tpu.memref_slice %arg10[%add3A_16, %dma_wait3A_35] : memref<10240x128xf32, #tpu.memory_space<vmem_shared>> -> memref<128x128xf32, #tpu.memory_space<vmem_shared>>
      tpu.wait_dma2 semaphore(%run_scoped3A : memref<!tpu.dma_semaphore, #tpu.memory_space<semaphore_mem>>) src(%arg9 : memref<128x128xf32, #tpu.memory_space<vmem>>) dst(%dma_wait3A_36 : memref<128x128xf32, #tpu.memory_space<vmem_shared>>)
      tpu.yield
    }) : () -> ()
    %mul3A_17 = arith.constant 640 : i32
    %mul3A_18 = arith.muli %arg1, %mul3A_17 : i32
    %add3A_19 = arith.constant 512 : i32
    %add3A_20 = arith.addi %mul3A_18, %add3A_19 : i32
    "tpu.region"() ({
      %run_scoped3A = tpu.sem_alloc : memref<!tpu.dma_semaphore, #tpu.memory_space<semaphore_mem>>
      %dma_start3A = arith.constant 0 : i32
      %dma_start3A_31 = tpu.memref_slice %arg10[%add3A_20, %dma_start3A] : memref<10240x128xf32, #tpu.memory_space<vmem_shared>> -> memref<128x128xf32, #tpu.memory_space<vmem_shared>>
      %dma_start3A_32 = arith.constant 0 : i32
      %dma_start3A_33 = tpu.memref_slice %arg10[%add3A_20, %dma_start3A_32] : memref<10240x128xf32, #tpu.memory_space<vmem_shared>> -> memref<128x128xf32, #tpu.memory_space<vmem_shared>>
      tpu.enqueue_dma source(%arg9 : memref<128x128xf32, #tpu.memory_space<vmem>>) target(%dma_start3A_33 : memref<128x128xf32, #tpu.memory_space<vmem_shared>>) target_semaphore(%run_scoped3A : memref<!tpu.dma_semaphore, #tpu.memory_space<semaphore_mem>>)
      %dma_wait3A = arith.constant 0 : i32
      %dma_wait3A_34 = tpu.memref_slice %arg10[%add3A_20, %dma_wait3A] : memref<10240x128xf32, #tpu.memory_space<vmem_shared>> -> memref<128x128xf32, #tpu.memory_space<vmem_shared>>
      %dma_wait3A_35 = arith.constant 0 : i32
      %dma_wait3A_36 = tpu.memref_slice %arg10[%add3A_20, %dma_wait3A_35] : memref<10240x128xf32, #tpu.memory_space<vmem_shared>> -> memref<128x128xf32, #tpu.memory_space<vmem_shared>>
      tpu.wait_dma2 semaphore(%run_scoped3A : memref<!tpu.dma_semaphore, #tpu.memory_space<semaphore_mem>>) src(%arg9 : memref<128x128xf32, #tpu.memory_space<vmem>>) dst(%dma_wait3A_36 : memref<128x128xf32, #tpu.memory_space<vmem_shared>>)
      tpu.yield
    }) : () -> ()
    %barrier3A = arith.constant 0 : index
    tpu.barrier barrier_id(%barrier3A)
    "tpu.region"() ({
      %run_scoped3A = tpu.sem_alloc : memref<!tpu.dma_semaphore, #tpu.memory_space<semaphore_mem>>
      %dma_start3A = arith.constant 0 : i32
      %dma_start3A_31 = arith.constant 0 : i32
      %dma_start3A_32 = tpu.memref_slice %arg3[%add3A, %dma_start3A, %dma_start3A_31] : memref<32x79x128xi32, #tpu.memory_space<hbm>> -> memref<1x79x128xi32, #tpu.memory_space<hbm>>
      %dma_start3A_33 = tpu.memref_squeeze %dma_start3A_32 : memref<1x79x128xi32, #tpu.memory_space<hbm>> -> memref<79x128xi32, #tpu.memory_space<hbm>>
      %dma_start3A_34 = arith.constant 0 : i32
      %dma_start3A_35 = arith.constant 0 : i32
      %dma_start3A_36 = tpu.memref_slice %arg3[%add3A, %dma_start3A_34, %dma_start3A_35] : memref<32x79x128xi32, #tpu.memory_space<hbm>> -> memref<1x79x128xi32, #tpu.memory_space<hbm>>
      %dma_start3A_37 = tpu.memref_squeeze %dma_start3A_36 : memref<1x79x128xi32, #tpu.memory_space<hbm>> -> memref<79x128xi32, #tpu.memory_space<hbm>>
      tpu.enqueue_dma source(%dma_start3A_37 : memref<79x128xi32, #tpu.memory_space<hbm>>) target(%arg7 : memref<79x128xi32, #tpu.memory_space<vmem>>) target_semaphore(%run_scoped3A : memref<!tpu.dma_semaphore, #tpu.memory_space<semaphore_mem>>)
      %dma_wait3A = arith.constant 0 : i32
      %dma_wait3A_38 = arith.constant 0 : i32
      %dma_wait3A_39 = tpu.memref_slice %arg3[%add3A, %dma_wait3A, %dma_wait3A_38] : memref<32x79x128xi32, #tpu.memory_space<hbm>> -> memref<1x79x128xi32, #tpu.memory_space<hbm>>
      %dma_wait3A_40 = tpu.memref_squeeze %dma_wait3A_39 : memref<1x79x128xi32, #tpu.memory_space<hbm>> -> memref<79x128xi32, #tpu.memory_space<hbm>>
      %dma_wait3A_41 = arith.constant 0 : i32
      %dma_wait3A_42 = arith.constant 0 : i32
      %dma_wait3A_43 = tpu.memref_slice %arg3[%add3A, %dma_wait3A_41, %dma_wait3A_42] : memref<32x79x128xi32, #tpu.memory_space<hbm>> -> memref<1x79x128xi32, #tpu.memory_space<hbm>>
      %dma_wait3A_44 = tpu.memref_squeeze %dma_wait3A_43 : memref<1x79x128xi32, #tpu.memory_space<hbm>> -> memref<79x128xi32, #tpu.memory_space<hbm>>
      tpu.wait_dma2 semaphore(%run_scoped3A : memref<!tpu.dma_semaphore, #tpu.memory_space<semaphore_mem>>) src(%dma_wait3A_44 : memref<79x128xi32, #tpu.memory_space<hbm>>) dst(%arg7 : memref<79x128xi32, #tpu.memory_space<vmem>>)
      tpu.yield
    }) : () -> ()
    "tpu.region"() ({
      %run_scoped3A = tpu.sem_alloc : memref<!tpu.dma_semaphore, #tpu.memory_space<semaphore_mem>>
      %dma_start3A = arith.constant 0 : i32
      %dma_start3A_31 = arith.constant 0 : i32
      %dma_start3A_32 = tpu.memref_slice %arg4[%add3A, %dma_start3A, %dma_start3A_31] : memref<32x79x128xi32, #tpu.memory_space<hbm>> -> memref<1x79x128xi32, #tpu.memory_space<hbm>>
      %dma_start3A_33 = tpu.memref_squeeze %dma_start3A_32 : memref<1x79x128xi32, #tpu.memory_space<hbm>> -> memref<79x128xi32, #tpu.memory_space<hbm>>
      %dma_start3A_34 = arith.constant 0 : i32
      %dma_start3A_35 = arith.constant 0 : i32
      %dma_start3A_36 = tpu.memref_slice %arg4[%add3A, %dma_start3A_34, %dma_start3A_35] : memref<32x79x128xi32, #tpu.memory_space<hbm>> -> memref<1x79x128xi32, #tpu.memory_space<hbm>>
      %dma_start3A_37 = tpu.memref_squeeze %dma_start3A_36 : memref<1x79x128xi32, #tpu.memory_space<hbm>> -> memref<79x128xi32, #tpu.memory_space<hbm>>
      tpu.enqueue_dma source(%dma_start3A_37 : memref<79x128xi32, #tpu.memory_space<hbm>>) target(%arg8 : memref<79x128xi32, #tpu.memory_space<vmem>>) target_semaphore(%run_scoped3A : memref<!tpu.dma_semaphore, #tpu.memory_space<semaphore_mem>>)
      %dma_wait3A = arith.constant 0 : i32
      %dma_wait3A_38 = arith.constant 0 : i32
      %dma_wait3A_39 = tpu.memref_slice %arg4[%add3A, %dma_wait3A, %dma_wait3A_38] : memref<32x79x128xi32, #tpu.memory_space<hbm>> -> memref<1x79x128xi32, #tpu.memory_space<hbm>>
      %dma_wait3A_40 = tpu.memref_squeeze %dma_wait3A_39 : memref<1x79x128xi32, #tpu.memory_space<hbm>> -> memref<79x128xi32, #tpu.memory_space<hbm>>
      %dma_wait3A_41 = arith.constant 0 : i32
      %dma_wait3A_42 = arith.constant 0 : i32
      %dma_wait3A_43 = tpu.memref_slice %arg4[%add3A, %dma_wait3A_41, %dma_wait3A_42] : memref<32x79x128xi32, #tpu.memory_space<hbm>> -> memref<1x79x128xi32, #tpu.memory_space<hbm>>
      %dma_wait3A_44 = tpu.memref_squeeze %dma_wait3A_43 : memref<1x79x128xi32, #tpu.memory_space<hbm>> -> memref<79x128xi32, #tpu.memory_space<hbm>>
      tpu.wait_dma2 semaphore(%run_scoped3A : memref<!tpu.dma_semaphore, #tpu.memory_space<semaphore_mem>>) src(%dma_wait3A_44 : memref<79x128xi32, #tpu.memory_space<hbm>>) dst(%arg8 : memref<79x128xi32, #tpu.memory_space<vmem>>)
      tpu.yield
    }) : () -> ()
    %scan3A = arith.constant 0 : i32
    %scan3A_21 = arith.constant 0 : i32
    %scan3A_22 = arith.constant 79 : i32
    %scan3A_23 = arith.addi %scan3A_21, %scan3A_22 : i32
    %scan3A_24 = arith.constant 1 : i32
    scf.for %scan3A_31 = %scan3A_21 to %scan3A_23 step %scan3A_24  : i32 {
      %dma_start3A = arith.constant 0 : i32
      %dma_start3A_32 = tpu.memref_slice %arg7[%scan3A_31, %dma_start3A] : memref<79x128xi32, #tpu.memory_space<vmem>> -> memref<1x128xi32, #tpu.memory_space<vmem>>
      %dma_start3A_33 = tpu.memref_squeeze %dma_start3A_32 : memref<1x128xi32, #tpu.memory_space<vmem>> -> memref<128xi32, #tpu.memory_space<vmem>>
      %dma_start3A_34 = arith.constant 0 : i32
      %dma_start3A_35 = arith.constant 0 : i32
      %dma_start3A_36 = tpu.memref_slice %arg2[%dma_start3A_34, %dma_start3A_35] : memref<40000x128xf32, #tpu.memory_space<hbm>> -> memref<40000x128xf32, #tpu.memory_space<hbm>>
      tpu.enqueue_indirect_dma source(%dma_start3A_36 : memref<40000x128xf32, #tpu.memory_space<hbm>>) target(%arg9 : memref<128x128xf32, #tpu.memory_space<vmem>>) offsets(%dma_start3A_33 : memref<128xi32, #tpu.memory_space<vmem>>) semaphore(%arg11 : memref<!tpu.dma_semaphore, #tpu.memory_space<semaphore_mem>>)
      %dma_wait3A = arith.constant 0 : i32
      %dma_wait3A_37 = tpu.memref_slice %arg7[%scan3A_31, %dma_wait3A] : memref<79x128xi32, #tpu.memory_space<vmem>> -> memref<1x128xi32, #tpu.memory_space<vmem>>
      %dma_wait3A_38 = tpu.memref_squeeze %dma_wait3A_37 : memref<1x128xi32, #tpu.memory_space<vmem>> -> memref<128xi32, #tpu.memory_space<vmem>>
      %dma_wait3A_39 = arith.constant 0 : i32
      %dma_wait3A_40 = arith.constant 0 : i32
      %dma_wait3A_41 = tpu.memref_slice %arg2[%dma_wait3A_39, %dma_wait3A_40] : memref<40000x128xf32, #tpu.memory_space<hbm>> -> memref<40000x128xf32, #tpu.memory_space<hbm>>
      tpu.wait_indirect_dma semaphore(%arg11 : memref<!tpu.dma_semaphore, #tpu.memory_space<semaphore_mem>>) src(%dma_wait3A_41 : memref<40000x128xf32, #tpu.memory_space<hbm>>) dst(%arg9 : memref<128x128xf32, #tpu.memory_space<vmem>>)
      "tpu.region"() ({
        %run_scoped3A = tpu.sem_alloc : memref<!tpu.dma_semaphore, #tpu.memory_space<semaphore_mem>>
        %dma_start3A_42 = arith.constant 0 : i32
        %dma_start3A_43 = tpu.memref_slice %arg8[%scan3A_31, %dma_start3A_42] : memref<79x128xi32, #tpu.memory_space<vmem>> -> memref<1x128xi32, #tpu.memory_space<vmem>>
        %dma_start3A_44 = tpu.memref_squeeze %dma_start3A_43 : memref<1x128xi32, #tpu.memory_space<vmem>> -> memref<128xi32, #tpu.memory_space<vmem>>
        %dma_start3A_45 = arith.constant 0 : i32
        %dma_start3A_46 = arith.constant 0 : i32
        %dma_start3A_47 = tpu.memref_slice %arg10[%dma_start3A_45, %dma_start3A_46] : memref<10240x128xf32, #tpu.memory_space<vmem_shared>> -> memref<10240x128xf32, #tpu.memory_space<vmem_shared>>
        tpu.enqueue_indirect_dma source(%arg9 : memref<128x128xf32, #tpu.memory_space<vmem>>) target(%dma_start3A_47 : memref<10240x128xf32, #tpu.memory_space<vmem_shared>>) offsets(%dma_start3A_44 : memref<128xi32, #tpu.memory_space<vmem>>) semaphore(%run_scoped3A : memref<!tpu.dma_semaphore, #tpu.memory_space<semaphore_mem>>) {add = true}
        %dma_wait3A_48 = arith.constant 0 : i32
        %dma_wait3A_49 = tpu.memref_slice %arg8[%scan3A_31, %dma_wait3A_48] : memref<79x128xi32, #tpu.memory_space<vmem>> -> memref<1x128xi32, #tpu.memory_space<vmem>>
        %dma_wait3A_50 = tpu.memref_squeeze %dma_wait3A_49 : memref<1x128xi32, #tpu.memory_space<vmem>> -> memref<128xi32, #tpu.memory_space<vmem>>
        %dma_wait3A_51 = arith.constant 0 : i32
        %dma_wait3A_52 = arith.constant 0 : i32
        %dma_wait3A_53 = tpu.memref_slice %arg10[%dma_wait3A_51, %dma_wait3A_52] : memref<10240x128xf32, #tpu.memory_space<vmem_shared>> -> memref<10240x128xf32, #tpu.memory_space<vmem_shared>>
        tpu.wait_indirect_dma semaphore(%run_scoped3A : memref<!tpu.dma_semaphore, #tpu.memory_space<semaphore_mem>>) src(%arg9 : memref<128x128xf32, #tpu.memory_space<vmem>>) dst(%dma_wait3A_53 : memref<10240x128xf32, #tpu.memory_space<vmem_shared>>)
        tpu.yield
      }) : () -> ()
    }
    %scan3A_25 = arith.constant 79 : i32
    %barrier3A_26 = arith.constant 0 : index
    tpu.barrier barrier_id(%barrier3A_26)
    %mul3A_27 = arith.constant 640 : i32
    %mul3A_28 = arith.muli %arg1, %mul3A_27 : i32
    %mul3A_29 = arith.constant 640 : i32
    %mul3A_30 = arith.muli %arg1, %mul3A_29 : i32
    "tpu.region"() ({
      %run_scoped3A = tpu.sem_alloc : memref<!tpu.dma_semaphore, #tpu.memory_space<semaphore_mem>>
      %dma_start3A = arith.constant 0 : i32
      %dma_start3A_31 = tpu.memref_slice %arg6[%arg0, %mul3A_30, %dma_start3A] : memref<2x10240x128xf32, #tpu.memory_space<hbm>> -> memref<1x640x128xf32, #tpu.memory_space<hbm>>
      %dma_start3A_32 = tpu.memref_squeeze %dma_start3A_31 : memref<1x640x128xf32, #tpu.memory_space<hbm>> -> memref<640x128xf32, #tpu.memory_space<hbm>>
      %dma_start3A_33 = arith.constant 0 : i32
      %dma_start3A_34 = tpu.memref_slice %arg10[%mul3A_28, %dma_start3A_33] : memref<10240x128xf32, #tpu.memory_space<vmem_shared>> -> memref<640x128xf32, #tpu.memory_space<vmem_shared>>
      tpu.enqueue_dma source(%dma_start3A_34 : memref<640x128xf32, #tpu.memory_space<vmem_shared>>) target(%dma_start3A_32 : memref<640x128xf32, #tpu.memory_space<hbm>>) target_semaphore(%run_scoped3A : memref<!tpu.dma_semaphore, #tpu.memory_space<semaphore_mem>>)
      %dma_wait3A = arith.constant 0 : i32
      %dma_wait3A_35 = tpu.memref_slice %arg6[%arg0, %mul3A_30, %dma_wait3A] : memref<2x10240x128xf32, #tpu.memory_space<hbm>> -> memref<1x640x128xf32, #tpu.memory_space<hbm>>
      %dma_wait3A_36 = tpu.memref_squeeze %dma_wait3A_35 : memref<1x640x128xf32, #tpu.memory_space<hbm>> -> memref<640x128xf32, #tpu.memory_space<hbm>>
      %dma_wait3A_37 = arith.constant 0 : i32
      %dma_wait3A_38 = tpu.memref_slice %arg10[%mul3A_28, %dma_wait3A_37] : memref<10240x128xf32, #tpu.memory_space<vmem_shared>> -> memref<640x128xf32, #tpu.memory_space<vmem_shared>>
      tpu.wait_dma2 semaphore(%run_scoped3A : memref<!tpu.dma_semaphore, #tpu.memory_space<semaphore_mem>>) src(%dma_wait3A_38 : memref<640x128xf32, #tpu.memory_space<vmem_shared>>) dst(%dma_wait3A_36 : memref<640x128xf32, #tpu.memory_space<hbm>>)
      tpu.yield
    }) : () -> ()
    return
  }
}

#map = affine_map<(d0, d1) -> (0, 0)>
#map1 = affine_map<(d0, d1) -> (0, 0, 0)>
module attributes {stable_mosaic.version = 14 : i64} {
  func.func @run(%arg0: i32, %arg1: i32, %arg2: memref<40000x128xf32, #tpu.memory_space<hbm>>, %arg3: memref<32x79x128xi32, #tpu.memory_space<hbm>>, %arg4: memref<32x79x128xi32, #tpu.memory_space<hbm>>, %arg5: memref<128x128xf32, #tpu.memory_space<hbm>>, %arg6: memref<2x10240x128xf32, #tpu.memory_space<hbm>>, %arg7: memref<79x128xi32, #tpu.memory_space<vmem>>, %arg8: memref<79x128xi32, #tpu.memory_space<vmem>>, %arg9: memref<128x128xf32, #tpu.memory_space<vmem>>, %arg10: memref<10240x128xf32, #tpu.memory_space<vmem_shared>>, %arg11: memref<!tpu.dma_semaphore, #tpu.memory_space<semaphore_mem>>) attributes {dimension_semantics = [#tpu.dimension_semantics<core_parallel>, #tpu.dimension_semantics<subcore_parallel>], iteration_bounds = array<i64: 2, 16>, scalar_prefetch = 0 : i64, scratch_operands = 5 : i64, tpu.core_type = #tpu.core_type<sc_vector_subcore>, window_params = [{transform_indices = #map}, {transform_indices = #map1}, {transform_indices = #map1}, {transform_indices = #map}, {transform_indices = #map1}]} {
    %mul3A = arith.constant 2 : i32
    %mul3A_0 = arith.muli %arg1, %mul3A : i32
    %add3A = arith.addi %mul3A_0, %arg0 : i32
    "tpu.region"() ({
      %run_scoped3A = tpu.sem_alloc : memref<!tpu.dma_semaphore, #tpu.memory_space<semaphore_mem>>
      tpu.enqueue_dma source(%arg5 : memref<128x128xf32, #tpu.memory_space<hbm>>) target(%arg9 : memref<128x128xf32, #tpu.memory_space<vmem>>) target_semaphore(%run_scoped3A : memref<!tpu.dma_semaphore, #tpu.memory_space<semaphore_mem>>)
      tpu.wait_dma2 semaphore(%run_scoped3A : memref<!tpu.dma_semaphore, #tpu.memory_space<semaphore_mem>>) src(%arg5 : memref<128x128xf32, #tpu.memory_space<hbm>>) dst(%arg9 : memref<128x128xf32, #tpu.memory_space<vmem>>)
      tpu.yield
    }) : () -> ()
    %mul3A_1 = arith.constant 640 : i32
    %mul3A_2 = arith.muli %arg1, %mul3A_1 : i32
    %add3A_3 = arith.constant 0 : i32
    %add3A_4 = arith.addi %mul3A_2, %add3A_3 : i32
    "tpu.region"() ({
      %run_scoped3A = tpu.sem_alloc : memref<!tpu.dma_semaphore, #tpu.memory_space<semaphore_mem>>
      %dma_start3A = arith.constant 0 : i32
      %dma_start3A_31 = tpu.memref_slice %arg10[%add3A_4, %dma_start3A] : memref<10240x128xf32, #tpu.memory_space<vmem_shared>> -> memref<128x128xf32, #tpu.memory_space<vmem_shared>>
      %dma_start3A_32 = arith.constant 0 : i32
      %dma_start3A_33 = tpu.memref_slice %arg10[%add3A_4, %dma_start3A_32] : memref<10240x128xf32, #tpu.memory_space<vmem_shared>> -> memref<128x128xf32, #tpu.memory_space<vmem_shared>>
      tpu.enqueue_dma source(%arg9 : memref<128x128xf32, #tpu.memory_space<vmem>>) target(%dma_start3A_33 : memref<128x128xf32, #tpu.memory_space<vmem_shared>>) target_semaphore(%run_scoped3A : memref<!tpu.dma_semaphore, #tpu.memory_space<semaphore_mem>>)
      %dma_wait3A = arith.constant 0 : i32
      %dma_wait3A_34 = tpu.memref_slice %arg10[%add3A_4, %dma_wait3A] : memref<10240x128xf32, #tpu.memory_space<vmem_shared>> -> memref<128x128xf32, #tpu.memory_space<vmem_shared>>
      %dma_wait3A_35 = arith.constant 0 : i32
      %dma_wait3A_36 = tpu.memref_slice %arg10[%add3A_4, %dma_wait3A_35] : memref<10240x128xf32, #tpu.memory_space<vmem_shared>> -> memref<128x128xf32, #tpu.memory_space<vmem_shared>>
      tpu.wait_dma2 semaphore(%run_scoped3A : memref<!tpu.dma_semaphore, #tpu.memory_space<semaphore_mem>>) src(%arg9 : memref<128x128xf32, #tpu.memory_space<vmem>>) dst(%dma_wait3A_36 : memref<128x128xf32, #tpu.memory_space<vmem_shared>>)
      tpu.yield
    }) : () -> ()
    %mul3A_5 = arith.constant 640 : i32
    %mul3A_6 = arith.muli %arg1, %mul3A_5 : i32
    %add3A_7 = arith.constant 128 : i32
    %add3A_8 = arith.addi %mul3A_6, %add3A_7 : i32
    "tpu.region"() ({
      %run_scoped3A = tpu.sem_alloc : memref<!tpu.dma_semaphore, #tpu.memory_space<semaphore_mem>>
      %dma_start3A = arith.constant 0 : i32
      %dma_start3A_31 = tpu.memref_slice %arg10[%add3A_8, %dma_start3A] : memref<10240x128xf32, #tpu.memory_space<vmem_shared>> -> memref<128x128xf32, #tpu.memory_space<vmem_shared>>
      %dma_start3A_32 = arith.constant 0 : i32
      %dma_start3A_33 = tpu.memref_slice %arg10[%add3A_8, %dma_start3A_32] : memref<10240x128xf32, #tpu.memory_space<vmem_shared>> -> memref<128x128xf32, #tpu.memory_space<vmem_shared>>
      tpu.enqueue_dma source(%arg9 : memref<128x128xf32, #tpu.memory_space<vmem>>) target(%dma_start3A_33 : memref<128x128xf32, #tpu.memory_space<vmem_shared>>) target_semaphore(%run_scoped3A : memref<!tpu.dma_semaphore, #tpu.memory_space<semaphore_mem>>)
      %dma_wait3A = arith.constant 0 : i32
      %dma_wait3A_34 = tpu.memref_slice %arg10[%add3A_8, %dma_wait3A] : memref<10240x128xf32, #tpu.memory_space<vmem_shared>> -> memref<128x128xf32, #tpu.memory_space<vmem_shared>>
      %dma_wait3A_35 = arith.constant 0 : i32
      %dma_wait3A_36 = tpu.memref_slice %arg10[%add3A_8, %dma_wait3A_35] : memref<10240x128xf32, #tpu.memory_space<vmem_shared>> -> memref<128x128xf32, #tpu.memory_space<vmem_shared>>
      tpu.wait_dma2 semaphore(%run_scoped3A : memref<!tpu.dma_semaphore, #tpu.memory_space<semaphore_mem>>) src(%arg9 : memref<128x128xf32, #tpu.memory_space<vmem>>) dst(%dma_wait3A_36 : memref<128x128xf32, #tpu.memory_space<vmem_shared>>)
      tpu.yield
    }) : () -> ()
    %mul3A_9 = arith.constant 640 : i32
    %mul3A_10 = arith.muli %arg1, %mul3A_9 : i32
    %add3A_11 = arith.constant 256 : i32
    %add3A_12 = arith.addi %mul3A_10, %add3A_11 : i32
    "tpu.region"() ({
      %run_scoped3A = tpu.sem_alloc : memref<!tpu.dma_semaphore, #tpu.memory_space<semaphore_mem>>
      %dma_start3A = arith.constant 0 : i32
      %dma_start3A_31 = tpu.memref_slice %arg10[%add3A_12, %dma_start3A] : memref<10240x128xf32, #tpu.memory_space<vmem_shared>> -> memref<128x128xf32, #tpu.memory_space<vmem_shared>>
      %dma_start3A_32 = arith.constant 0 : i32
      %dma_start3A_33 = tpu.memref_slice %arg10[%add3A_12, %dma_start3A_32] : memref<10240x128xf32, #tpu.memory_space<vmem_shared>> -> memref<128x128xf32, #tpu.memory_space<vmem_shared>>
      tpu.enqueue_dma source(%arg9 : memref<128x128xf32, #tpu.memory_space<vmem>>) target(%dma_start3A_33 : memref<128x128xf32, #tpu.memory_space<vmem_shared>>) target_semaphore(%run_scoped3A : memref<!tpu.dma_semaphore, #tpu.memory_space<semaphore_mem>>)
      %dma_wait3A = arith.constant 0 : i32
      %dma_wait3A_34 = tpu.memref_slice %arg10[%add3A_12, %dma_wait3A] : memref<10240x128xf32, #tpu.memory_space<vmem_shared>> -> memref<128x128xf32, #tpu.memory_space<vmem_shared>>
      %dma_wait3A_35 = arith.constant 0 : i32
      %dma_wait3A_36 = tpu.memref_slice %arg10[%add3A_12, %dma_wait3A_35] : memref<10240x128xf32, #tpu.memory_space<vmem_shared>> -> memref<128x128xf32, #tpu.memory_space<vmem_shared>>
      tpu.wait_dma2 semaphore(%run_scoped3A : memref<!tpu.dma_semaphore, #tpu.memory_space<semaphore_mem>>) src(%arg9 : memref<128x128xf32, #tpu.memory_space<vmem>>) dst(%dma_wait3A_36 : memref<128x128xf32, #tpu.memory_space<vmem_shared>>)
      tpu.yield
    }) : () -> ()
    %mul3A_13 = arith.constant 640 : i32
    %mul3A_14 = arith.muli %arg1, %mul3A_13 : i32
    %add3A_15 = arith.constant 384 : i32
    %add3A_16 = arith.addi %mul3A_14, %add3A_15 : i32
    "tpu.region"() ({
      %run_scoped3A = tpu.sem_alloc : memref<!tpu.dma_semaphore, #tpu.memory_space<semaphore_mem>>
      %dma_start3A = arith.constant 0 : i32
      %dma_start3A_31 = tpu.memref_slice %arg10[%add3A_16, %dma_start3A] : memref<10240x128xf32, #tpu.memory_space<vmem_shared>> -> memref<128x128xf32, #tpu.memory_space<vmem_shared>>
      %dma_start3A_32 = arith.constant 0 : i32
      %dma_start3A_33 = tpu.memref_slice %arg10[%add3A_16, %dma_start3A_32] : memref<10240x128xf32, #tpu.memory_space<vmem_shared>> -> memref<128x128xf32, #tpu.memory_space<vmem_shared>>
      tpu.enqueue_dma source(%arg9 : memref<128x128xf32, #tpu.memory_space<vmem>>) target(%dma_start3A_33 : memref<128x128xf32, #tpu.memory_space<vmem_shared>>) target_semaphore(%run_scoped3A : memref<!tpu.dma_semaphore, #tpu.memory_space<semaphore_mem>>)
      %dma_wait3A = arith.constant 0 : i32
      %dma_wait3A_34 = tpu.memref_slice %arg10[%add3A_16, %dma_wait3A] : memref<10240x128xf32, #tpu.memory_space<vmem_shared>> -> memref<128x128xf32, #tpu.memory_space<vmem_shared>>
      %dma_wait3A_35 = arith.constant 0 : i32
      %dma_wait3A_36 = tpu.memref_slice %arg10[%add3A_16, %dma_wait3A_35] : memref<10240x128xf32, #tpu.memory_space<vmem_shared>> -> memref<128x128xf32, #tpu.memory_space<vmem_shared>>
      tpu.wait_dma2 semaphore(%run_scoped3A : memref<!tpu.dma_semaphore, #tpu.memory_space<semaphore_mem>>) src(%arg9 : memref<128x128xf32, #tpu.memory_space<vmem>>) dst(%dma_wait3A_36 : memref<128x128xf32, #tpu.memory_space<vmem_shared>>)
      tpu.yield
    }) : () -> ()
    %mul3A_17 = arith.constant 640 : i32
    %mul3A_18 = arith.muli %arg1, %mul3A_17 : i32
    %add3A_19 = arith.constant 512 : i32
    %add3A_20 = arith.addi %mul3A_18, %add3A_19 : i32
    "tpu.region"() ({
      %run_scoped3A = tpu.sem_alloc : memref<!tpu.dma_semaphore, #tpu.memory_space<semaphore_mem>>
      %dma_start3A = arith.constant 0 : i32
      %dma_start3A_31 = tpu.memref_slice %arg10[%add3A_20, %dma_start3A] : memref<10240x128xf32, #tpu.memory_space<vmem_shared>> -> memref<128x128xf32, #tpu.memory_space<vmem_shared>>
      %dma_start3A_32 = arith.constant 0 : i32
      %dma_start3A_33 = tpu.memref_slice %arg10[%add3A_20, %dma_start3A_32] : memref<10240x128xf32, #tpu.memory_space<vmem_shared>> -> memref<128x128xf32, #tpu.memory_space<vmem_shared>>
      tpu.enqueue_dma source(%arg9 : memref<128x128xf32, #tpu.memory_space<vmem>>) target(%dma_start3A_33 : memref<128x128xf32, #tpu.memory_space<vmem_shared>>) target_semaphore(%run_scoped3A : memref<!tpu.dma_semaphore, #tpu.memory_space<semaphore_mem>>)
      %dma_wait3A = arith.constant 0 : i32
      %dma_wait3A_34 = tpu.memref_slice %arg10[%add3A_20, %dma_wait3A] : memref<10240x128xf32, #tpu.memory_space<vmem_shared>> -> memref<128x128xf32, #tpu.memory_space<vmem_shared>>
      %dma_wait3A_35 = arith.constant 0 : i32
      %dma_wait3A_36 = tpu.memref_slice %arg10[%add3A_20, %dma_wait3A_35] : memref<10240x128xf32, #tpu.memory_space<vmem_shared>> -> memref<128x128xf32, #tpu.memory_space<vmem_shared>>
      tpu.wait_dma2 semaphore(%run_scoped3A : memref<!tpu.dma_semaphore, #tpu.memory_space<semaphore_mem>>) src(%arg9 : memref<128x128xf32, #tpu.memory_space<vmem>>) dst(%dma_wait3A_36 : memref<128x128xf32, #tpu.memory_space<vmem_shared>>)
      tpu.yield
    }) : () -> ()
    %barrier3A = arith.constant 0 : index
    tpu.barrier barrier_id(%barrier3A)
    "tpu.region"() ({
      %run_scoped3A = tpu.sem_alloc : memref<!tpu.dma_semaphore, #tpu.memory_space<semaphore_mem>>
      %dma_start3A = arith.constant 0 : i32
      %dma_start3A_31 = arith.constant 0 : i32
      %dma_start3A_32 = tpu.memref_slice %arg3[%add3A, %dma_start3A, %dma_start3A_31] : memref<32x79x128xi32, #tpu.memory_space<hbm>> -> memref<1x79x128xi32, #tpu.memory_space<hbm>>
      %dma_start3A_33 = tpu.memref_squeeze %dma_start3A_32 : memref<1x79x128xi32, #tpu.memory_space<hbm>> -> memref<79x128xi32, #tpu.memory_space<hbm>>
      %dma_start3A_34 = arith.constant 0 : i32
      %dma_start3A_35 = arith.constant 0 : i32
      %dma_start3A_36 = tpu.memref_slice %arg3[%add3A, %dma_start3A_34, %dma_start3A_35] : memref<32x79x128xi32, #tpu.memory_space<hbm>> -> memref<1x79x128xi32, #tpu.memory_space<hbm>>
      %dma_start3A_37 = tpu.memref_squeeze %dma_start3A_36 : memref<1x79x128xi32, #tpu.memory_space<hbm>> -> memref<79x128xi32, #tpu.memory_space<hbm>>
      tpu.enqueue_dma source(%dma_start3A_37 : memref<79x128xi32, #tpu.memory_space<hbm>>) target(%arg7 : memref<79x128xi32, #tpu.memory_space<vmem>>) target_semaphore(%run_scoped3A : memref<!tpu.dma_semaphore, #tpu.memory_space<semaphore_mem>>)
      %dma_wait3A = arith.constant 0 : i32
      %dma_wait3A_38 = arith.constant 0 : i32
      %dma_wait3A_39 = tpu.memref_slice %arg3[%add3A, %dma_wait3A, %dma_wait3A_38] : memref<32x79x128xi32, #tpu.memory_space<hbm>> -> memref<1x79x128xi32, #tpu.memory_space<hbm>>
      %dma_wait3A_40 = tpu.memref_squeeze %dma_wait3A_39 : memref<1x79x128xi32, #tpu.memory_space<hbm>> -> memref<79x128xi32, #tpu.memory_space<hbm>>
      %dma_wait3A_41 = arith.constant 0 : i32
      %dma_wait3A_42 = arith.constant 0 : i32
      %dma_wait3A_43 = tpu.memref_slice %arg3[%add3A, %dma_wait3A_41, %dma_wait3A_42] : memref<32x79x128xi32, #tpu.memory_space<hbm>> -> memref<1x79x128xi32, #tpu.memory_space<hbm>>
      %dma_wait3A_44 = tpu.memref_squeeze %dma_wait3A_43 : memref<1x79x128xi32, #tpu.memory_space<hbm>> -> memref<79x128xi32, #tpu.memory_space<hbm>>
      tpu.wait_dma2 semaphore(%run_scoped3A : memref<!tpu.dma_semaphore, #tpu.memory_space<semaphore_mem>>) src(%dma_wait3A_44 : memref<79x128xi32, #tpu.memory_space<hbm>>) dst(%arg7 : memref<79x128xi32, #tpu.memory_space<vmem>>)
      tpu.yield
    }) : () -> ()
    "tpu.region"() ({
      %run_scoped3A = tpu.sem_alloc : memref<!tpu.dma_semaphore, #tpu.memory_space<semaphore_mem>>
      %dma_start3A = arith.constant 0 : i32
      %dma_start3A_31 = arith.constant 0 : i32
      %dma_start3A_32 = tpu.memref_slice %arg4[%add3A, %dma_start3A, %dma_start3A_31] : memref<32x79x128xi32, #tpu.memory_space<hbm>> -> memref<1x79x128xi32, #tpu.memory_space<hbm>>
      %dma_start3A_33 = tpu.memref_squeeze %dma_start3A_32 : memref<1x79x128xi32, #tpu.memory_space<hbm>> -> memref<79x128xi32, #tpu.memory_space<hbm>>
      %dma_start3A_34 = arith.constant 0 : i32
      %dma_start3A_35 = arith.constant 0 : i32
      %dma_start3A_36 = tpu.memref_slice %arg4[%add3A, %dma_start3A_34, %dma_start3A_35] : memref<32x79x128xi32, #tpu.memory_space<hbm>> -> memref<1x79x128xi32, #tpu.memory_space<hbm>>
      %dma_start3A_37 = tpu.memref_squeeze %dma_start3A_36 : memref<1x79x128xi32, #tpu.memory_space<hbm>> -> memref<79x128xi32, #tpu.memory_space<hbm>>
      tpu.enqueue_dma source(%dma_start3A_37 : memref<79x128xi32, #tpu.memory_space<hbm>>) target(%arg8 : memref<79x128xi32, #tpu.memory_space<vmem>>) target_semaphore(%run_scoped3A : memref<!tpu.dma_semaphore, #tpu.memory_space<semaphore_mem>>)
      %dma_wait3A = arith.constant 0 : i32
      %dma_wait3A_38 = arith.constant 0 : i32
      %dma_wait3A_39 = tpu.memref_slice %arg4[%add3A, %dma_wait3A, %dma_wait3A_38] : memref<32x79x128xi32, #tpu.memory_space<hbm>> -> memref<1x79x128xi32, #tpu.memory_space<hbm>>
      %dma_wait3A_40 = tpu.memref_squeeze %dma_wait3A_39 : memref<1x79x128xi32, #tpu.memory_space<hbm>> -> memref<79x128xi32, #tpu.memory_space<hbm>>
      %dma_wait3A_41 = arith.constant 0 : i32
      %dma_wait3A_42 = arith.constant 0 : i32
      %dma_wait3A_43 = tpu.memref_slice %arg4[%add3A, %dma_wait3A_41, %dma_wait3A_42] : memref<32x79x128xi32, #tpu.memory_space<hbm>> -> memref<1x79x128xi32, #tpu.memory_space<hbm>>
      %dma_wait3A_44 = tpu.memref_squeeze %dma_wait3A_43 : memref<1x79x128xi32, #tpu.memory_space<hbm>> -> memref<79x128xi32, #tpu.memory_space<hbm>>
      tpu.wait_dma2 semaphore(%run_scoped3A : memref<!tpu.dma_semaphore, #tpu.memory_space<semaphore_mem>>) src(%dma_wait3A_44 : memref<79x128xi32, #tpu.memory_space<hbm>>) dst(%arg8 : memref<79x128xi32, #tpu.memory_space<vmem>>)
      tpu.yield
    }) : () -> ()
    %scan3A = arith.constant 0 : i32
    %scan3A_21 = arith.constant 0 : i32
    %scan3A_22 = arith.constant 79 : i32
    %scan3A_23 = arith.addi %scan3A_21, %scan3A_22 : i32
    %scan3A_24 = arith.constant 1 : i32
    scf.for %scan3A_31 = %scan3A_21 to %scan3A_23 step %scan3A_24  : i32 {
      %dma_start3A = arith.constant 0 : i32
      %dma_start3A_32 = tpu.memref_slice %arg7[%scan3A_31, %dma_start3A] : memref<79x128xi32, #tpu.memory_space<vmem>> -> memref<1x128xi32, #tpu.memory_space<vmem>>
      %dma_start3A_33 = tpu.memref_squeeze %dma_start3A_32 : memref<1x128xi32, #tpu.memory_space<vmem>> -> memref<128xi32, #tpu.memory_space<vmem>>
      %dma_start3A_34 = arith.constant 0 : i32
      %dma_start3A_35 = arith.constant 0 : i32
      %dma_start3A_36 = tpu.memref_slice %arg2[%dma_start3A_34, %dma_start3A_35] : memref<40000x128xf32, #tpu.memory_space<hbm>> -> memref<40000x128xf32, #tpu.memory_space<hbm>>
      tpu.enqueue_indirect_dma source(%dma_start3A_36 : memref<40000x128xf32, #tpu.memory_space<hbm>>) target(%arg9 : memref<128x128xf32, #tpu.memory_space<vmem>>) offsets(%dma_start3A_33 : memref<128xi32, #tpu.memory_space<vmem>>) semaphore(%arg11 : memref<!tpu.dma_semaphore, #tpu.memory_space<semaphore_mem>>)
      %dma_wait3A = arith.constant 0 : i32
      %dma_wait3A_37 = tpu.memref_slice %arg7[%scan3A_31, %dma_wait3A] : memref<79x128xi32, #tpu.memory_space<vmem>> -> memref<1x128xi32, #tpu.memory_space<vmem>>
      %dma_wait3A_38 = tpu.memref_squeeze %dma_wait3A_37 : memref<1x128xi32, #tpu.memory_space<vmem>> -> memref<128xi32, #tpu.memory_space<vmem>>
      %dma_wait3A_39 = arith.constant 0 : i32
      %dma_wait3A_40 = arith.constant 0 : i32
      %dma_wait3A_41 = tpu.memref_slice %arg2[%dma_wait3A_39, %dma_wait3A_40] : memref<40000x128xf32, #tpu.memory_space<hbm>> -> memref<40000x128xf32, #tpu.memory_space<hbm>>
      tpu.wait_indirect_dma semaphore(%arg11 : memref<!tpu.dma_semaphore, #tpu.memory_space<semaphore_mem>>) src(%dma_wait3A_41 : memref<40000x128xf32, #tpu.memory_space<hbm>>) dst(%arg9 : memref<128x128xf32, #tpu.memory_space<vmem>>)
      "tpu.region"() ({
        %run_scoped3A = tpu.sem_alloc : memref<!tpu.dma_semaphore, #tpu.memory_space<semaphore_mem>>
        %dma_start3A_42 = arith.constant 0 : i32
        %dma_start3A_43 = tpu.memref_slice %arg8[%scan3A_31, %dma_start3A_42] : memref<79x128xi32, #tpu.memory_space<vmem>> -> memref<1x128xi32, #tpu.memory_space<vmem>>
        %dma_start3A_44 = tpu.memref_squeeze %dma_start3A_43 : memref<1x128xi32, #tpu.memory_space<vmem>> -> memref<128xi32, #tpu.memory_space<vmem>>
        %dma_start3A_45 = arith.constant 0 : i32
        %dma_start3A_46 = arith.constant 0 : i32
        %dma_start3A_47 = tpu.memref_slice %arg10[%dma_start3A_45, %dma_start3A_46] : memref<10240x128xf32, #tpu.memory_space<vmem_shared>> -> memref<10240x128xf32, #tpu.memory_space<vmem_shared>>
        tpu.enqueue_indirect_dma source(%arg9 : memref<128x128xf32, #tpu.memory_space<vmem>>) target(%dma_start3A_47 : memref<10240x128xf32, #tpu.memory_space<vmem_shared>>) offsets(%dma_start3A_44 : memref<128xi32, #tpu.memory_space<vmem>>) semaphore(%run_scoped3A : memref<!tpu.dma_semaphore, #tpu.memory_space<semaphore_mem>>) {add = true}
        %dma_wait3A_48 = arith.constant 0 : i32
        %dma_wait3A_49 = tpu.memref_slice %arg8[%scan3A_31, %dma_wait3A_48] : memref<79x128xi32, #tpu.memory_space<vmem>> -> memref<1x128xi32, #tpu.memory_space<vmem>>
        %dma_wait3A_50 = tpu.memref_squeeze %dma_wait3A_49 : memref<1x128xi32, #tpu.memory_space<vmem>> -> memref<128xi32, #tpu.memory_space<vmem>>
        %dma_wait3A_51 = arith.constant 0 : i32
        %dma_wait3A_52 = arith.constant 0 : i32
        %dma_wait3A_53 = tpu.memref_slice %arg10[%dma_wait3A_51, %dma_wait3A_52] : memref<10240x128xf32, #tpu.memory_space<vmem_shared>> -> memref<10240x128xf32, #tpu.memory_space<vmem_shared>>
        tpu.wait_indirect_dma semaphore(%run_scoped3A : memref<!tpu.dma_semaphore, #tpu.memory_space<semaphore_mem>>) src(%arg9 : memref<128x128xf32, #tpu.memory_space<vmem>>) dst(%dma_wait3A_53 : memref<10240x128xf32, #tpu.memory_space<vmem_shared>>)
        tpu.yield
      }) : () -> ()
    }
    %scan3A_25 = arith.constant 79 : i32
    %barrier3A_26 = arith.constant 0 : index
    tpu.barrier barrier_id(%barrier3A_26)
    %mul3A_27 = arith.constant 640 : i32
    %mul3A_28 = arith.muli %arg1, %mul3A_27 : i32
    %mul3A_29 = arith.constant 640 : i32
    %mul3A_30 = arith.muli %arg1, %mul3A_29 : i32
    "tpu.region"() ({
      %run_scoped3A = tpu.sem_alloc : memref<!tpu.dma_semaphore, #tpu.memory_space<semaphore_mem>>
      %dma_start3A = arith.constant 0 : i32
      %dma_start3A_31 = tpu.memref_slice %arg6[%arg0, %mul3A_30, %dma_start3A] : memref<2x10240x128xf32, #tpu.memory_space<hbm>> -> memref<1x640x128xf32, #tpu.memory_space<hbm>>
      %dma_start3A_32 = tpu.memref_squeeze %dma_start3A_31 : memref<1x640x128xf32, #tpu.memory_space<hbm>> -> memref<640x128xf32, #tpu.memory_space<hbm>>
      %dma_start3A_33 = arith.constant 0 : i32
      %dma_start3A_34 = tpu.memref_slice %arg10[%mul3A_28, %dma_start3A_33] : memref<10240x128xf32, #tpu.memory_space<vmem_shared>> -> memref<640x128xf32, #tpu.memory_space<vmem_shared>>
      tpu.enqueue_dma source(%dma_start3A_34 : memref<640x128xf32, #tpu.memory_space<vmem_shared>>) target(%dma_start3A_32 : memref<640x128xf32, #tpu.memory_space<hbm>>) target_semaphore(%run_scoped3A : memref<!tpu.dma_semaphore, #tpu.memory_space<semaphore_mem>>)
      %dma_wait3A = arith.constant 0 : i32
      %dma_wait3A_35 = tpu.memref_slice %arg6[%arg0, %mul3A_30, %dma_wait3A] : memref<2x10240x128xf32, #tpu.memory_space<hbm>> -> memref<1x640x128xf32, #tpu.memory_space<hbm>>
      %dma_wait3A_36 = tpu.memref_squeeze %dma_wait3A_35 : memref<1x640x128xf32, #tpu.memory_space<hbm>> -> memref<640x128xf32, #tpu.memory_space<hbm>>
      %dma_wait3A_37 = arith.constant 0 : i32
      %dma_wait3A_38 = tpu.memref_slice %arg10[%mul3A_28, %dma_wait3A_37] : memref<10240x128xf32, #tpu.memory_space<vmem_shared>> -> memref<640x128xf32, #tpu.memory_space<vmem_shared>>
      tpu.wait_dma2 semaphore(%run_scoped3A : memref<!tpu.dma_semaphore, #tpu.memory_space<semaphore_mem>>) src(%dma_wait3A_38 : memref<640x128xf32, #tpu.memory_space<vmem_shared>>) dst(%dma_wait3A_36 : memref<640x128xf32, #tpu.memory_space<hbm>>)
      tpu.yield
    }) : () -> ()
    return
  }
}

#map = affine_map<(d0, d1) -> (0, 0)>
#map1 = affine_map<(d0, d1) -> (0, 0, 0)>
module attributes {stable_mosaic.version = 14 : i64} {
  func.func @run(%arg0: i32, %arg1: i32, %arg2: memref<40000x128xf32, #tpu.memory_space<hbm>>, %arg3: memref<32x79x128xi32, #tpu.memory_space<hbm>>, %arg4: memref<32x79x128xi32, #tpu.memory_space<hbm>>, %arg5: memref<128x128xf32, #tpu.memory_space<hbm>>, %arg6: memref<2x10240x128xf32, #tpu.memory_space<hbm>>, %arg7: memref<79x128xi32, #tpu.memory_space<vmem>>, %arg8: memref<79x128xi32, #tpu.memory_space<vmem>>, %arg9: memref<128x128xf32, #tpu.memory_space<vmem>>, %arg10: memref<10240x128xf32, #tpu.memory_space<vmem_shared>>, %arg11: memref<!tpu.dma_semaphore, #tpu.memory_space<semaphore_mem>>) attributes {dimension_semantics = [#tpu.dimension_semantics<core_parallel>, #tpu.dimension_semantics<subcore_parallel>], iteration_bounds = array<i64: 2, 16>, scalar_prefetch = 0 : i64, scratch_operands = 5 : i64, tpu.core_type = #tpu.core_type<sc_vector_subcore>, window_params = [{transform_indices = #map}, {transform_indices = #map1}, {transform_indices = #map1}, {transform_indices = #map}, {transform_indices = #map1}]} {
    %mul3A = arith.constant 2 : i32
    %mul3A_0 = arith.muli %arg1, %mul3A : i32
    %add3A = arith.addi %mul3A_0, %arg0 : i32
    "tpu.region"() ({
      %run_scoped3A = tpu.sem_alloc : memref<!tpu.dma_semaphore, #tpu.memory_space<semaphore_mem>>
      tpu.enqueue_dma source(%arg5 : memref<128x128xf32, #tpu.memory_space<hbm>>) target(%arg9 : memref<128x128xf32, #tpu.memory_space<vmem>>) target_semaphore(%run_scoped3A : memref<!tpu.dma_semaphore, #tpu.memory_space<semaphore_mem>>)
      tpu.wait_dma2 semaphore(%run_scoped3A : memref<!tpu.dma_semaphore, #tpu.memory_space<semaphore_mem>>) src(%arg5 : memref<128x128xf32, #tpu.memory_space<hbm>>) dst(%arg9 : memref<128x128xf32, #tpu.memory_space<vmem>>)
      tpu.yield
    }) : () -> ()
    %mul3A_1 = arith.constant 640 : i32
    %mul3A_2 = arith.muli %arg1, %mul3A_1 : i32
    %add3A_3 = arith.constant 0 : i32
    %add3A_4 = arith.addi %mul3A_2, %add3A_3 : i32
    "tpu.region"() ({
      %run_scoped3A = tpu.sem_alloc : memref<!tpu.dma_semaphore, #tpu.memory_space<semaphore_mem>>
      %dma_start3A = arith.constant 0 : i32
      %dma_start3A_31 = tpu.memref_slice %arg10[%add3A_4, %dma_start3A] : memref<10240x128xf32, #tpu.memory_space<vmem_shared>> -> memref<128x128xf32, #tpu.memory_space<vmem_shared>>
      %dma_start3A_32 = arith.constant 0 : i32
      %dma_start3A_33 = tpu.memref_slice %arg10[%add3A_4, %dma_start3A_32] : memref<10240x128xf32, #tpu.memory_space<vmem_shared>> -> memref<128x128xf32, #tpu.memory_space<vmem_shared>>
      tpu.enqueue_dma source(%arg9 : memref<128x128xf32, #tpu.memory_space<vmem>>) target(%dma_start3A_33 : memref<128x128xf32, #tpu.memory_space<vmem_shared>>) target_semaphore(%run_scoped3A : memref<!tpu.dma_semaphore, #tpu.memory_space<semaphore_mem>>)
      %dma_wait3A = arith.constant 0 : i32
      %dma_wait3A_34 = tpu.memref_slice %arg10[%add3A_4, %dma_wait3A] : memref<10240x128xf32, #tpu.memory_space<vmem_shared>> -> memref<128x128xf32, #tpu.memory_space<vmem_shared>>
      %dma_wait3A_35 = arith.constant 0 : i32
      %dma_wait3A_36 = tpu.memref_slice %arg10[%add3A_4, %dma_wait3A_35] : memref<10240x128xf32, #tpu.memory_space<vmem_shared>> -> memref<128x128xf32, #tpu.memory_space<vmem_shared>>
      tpu.wait_dma2 semaphore(%run_scoped3A : memref<!tpu.dma_semaphore, #tpu.memory_space<semaphore_mem>>) src(%arg9 : memref<128x128xf32, #tpu.memory_space<vmem>>) dst(%dma_wait3A_36 : memref<128x128xf32, #tpu.memory_space<vmem_shared>>)
      tpu.yield
    }) : () -> ()
    %mul3A_5 = arith.constant 640 : i32
    %mul3A_6 = arith.muli %arg1, %mul3A_5 : i32
    %add3A_7 = arith.constant 128 : i32
    %add3A_8 = arith.addi %mul3A_6, %add3A_7 : i32
    "tpu.region"() ({
      %run_scoped3A = tpu.sem_alloc : memref<!tpu.dma_semaphore, #tpu.memory_space<semaphore_mem>>
      %dma_start3A = arith.constant 0 : i32
      %dma_start3A_31 = tpu.memref_slice %arg10[%add3A_8, %dma_start3A] : memref<10240x128xf32, #tpu.memory_space<vmem_shared>> -> memref<128x128xf32, #tpu.memory_space<vmem_shared>>
      %dma_start3A_32 = arith.constant 0 : i32
      %dma_start3A_33 = tpu.memref_slice %arg10[%add3A_8, %dma_start3A_32] : memref<10240x128xf32, #tpu.memory_space<vmem_shared>> -> memref<128x128xf32, #tpu.memory_space<vmem_shared>>
      tpu.enqueue_dma source(%arg9 : memref<128x128xf32, #tpu.memory_space<vmem>>) target(%dma_start3A_33 : memref<128x128xf32, #tpu.memory_space<vmem_shared>>) target_semaphore(%run_scoped3A : memref<!tpu.dma_semaphore, #tpu.memory_space<semaphore_mem>>)
      %dma_wait3A = arith.constant 0 : i32
      %dma_wait3A_34 = tpu.memref_slice %arg10[%add3A_8, %dma_wait3A] : memref<10240x128xf32, #tpu.memory_space<vmem_shared>> -> memref<128x128xf32, #tpu.memory_space<vmem_shared>>
      %dma_wait3A_35 = arith.constant 0 : i32
      %dma_wait3A_36 = tpu.memref_slice %arg10[%add3A_8, %dma_wait3A_35] : memref<10240x128xf32, #tpu.memory_space<vmem_shared>> -> memref<128x128xf32, #tpu.memory_space<vmem_shared>>
      tpu.wait_dma2 semaphore(%run_scoped3A : memref<!tpu.dma_semaphore, #tpu.memory_space<semaphore_mem>>) src(%arg9 : memref<128x128xf32, #tpu.memory_space<vmem>>) dst(%dma_wait3A_36 : memref<128x128xf32, #tpu.memory_space<vmem_shared>>)
      tpu.yield
    }) : () -> ()
    %mul3A_9 = arith.constant 640 : i32
    %mul3A_10 = arith.muli %arg1, %mul3A_9 : i32
    %add3A_11 = arith.constant 256 : i32
    %add3A_12 = arith.addi %mul3A_10, %add3A_11 : i32
    "tpu.region"() ({
      %run_scoped3A = tpu.sem_alloc : memref<!tpu.dma_semaphore, #tpu.memory_space<semaphore_mem>>
      %dma_start3A = arith.constant 0 : i32
      %dma_start3A_31 = tpu.memref_slice %arg10[%add3A_12, %dma_start3A] : memref<10240x128xf32, #tpu.memory_space<vmem_shared>> -> memref<128x128xf32, #tpu.memory_space<vmem_shared>>
      %dma_start3A_32 = arith.constant 0 : i32
      %dma_start3A_33 = tpu.memref_slice %arg10[%add3A_12, %dma_start3A_32] : memref<10240x128xf32, #tpu.memory_space<vmem_shared>> -> memref<128x128xf32, #tpu.memory_space<vmem_shared>>
      tpu.enqueue_dma source(%arg9 : memref<128x128xf32, #tpu.memory_space<vmem>>) target(%dma_start3A_33 : memref<128x128xf32, #tpu.memory_space<vmem_shared>>) target_semaphore(%run_scoped3A : memref<!tpu.dma_semaphore, #tpu.memory_space<semaphore_mem>>)
      %dma_wait3A = arith.constant 0 : i32
      %dma_wait3A_34 = tpu.memref_slice %arg10[%add3A_12, %dma_wait3A] : memref<10240x128xf32, #tpu.memory_space<vmem_shared>> -> memref<128x128xf32, #tpu.memory_space<vmem_shared>>
      %dma_wait3A_35 = arith.constant 0 : i32
      %dma_wait3A_36 = tpu.memref_slice %arg10[%add3A_12, %dma_wait3A_35] : memref<10240x128xf32, #tpu.memory_space<vmem_shared>> -> memref<128x128xf32, #tpu.memory_space<vmem_shared>>
      tpu.wait_dma2 semaphore(%run_scoped3A : memref<!tpu.dma_semaphore, #tpu.memory_space<semaphore_mem>>) src(%arg9 : memref<128x128xf32, #tpu.memory_space<vmem>>) dst(%dma_wait3A_36 : memref<128x128xf32, #tpu.memory_space<vmem_shared>>)
      tpu.yield
    }) : () -> ()
    %mul3A_13 = arith.constant 640 : i32
    %mul3A_14 = arith.muli %arg1, %mul3A_13 : i32
    %add3A_15 = arith.constant 384 : i32
    %add3A_16 = arith.addi %mul3A_14, %add3A_15 : i32
    "tpu.region"() ({
      %run_scoped3A = tpu.sem_alloc : memref<!tpu.dma_semaphore, #tpu.memory_space<semaphore_mem>>
      %dma_start3A = arith.constant 0 : i32
      %dma_start3A_31 = tpu.memref_slice %arg10[%add3A_16, %dma_start3A] : memref<10240x128xf32, #tpu.memory_space<vmem_shared>> -> memref<128x128xf32, #tpu.memory_space<vmem_shared>>
      %dma_start3A_32 = arith.constant 0 : i32
      %dma_start3A_33 = tpu.memref_slice %arg10[%add3A_16, %dma_start3A_32] : memref<10240x128xf32, #tpu.memory_space<vmem_shared>> -> memref<128x128xf32, #tpu.memory_space<vmem_shared>>
      tpu.enqueue_dma source(%arg9 : memref<128x128xf32, #tpu.memory_space<vmem>>) target(%dma_start3A_33 : memref<128x128xf32, #tpu.memory_space<vmem_shared>>) target_semaphore(%run_scoped3A : memref<!tpu.dma_semaphore, #tpu.memory_space<semaphore_mem>>)
      %dma_wait3A = arith.constant 0 : i32
      %dma_wait3A_34 = tpu.memref_slice %arg10[%add3A_16, %dma_wait3A] : memref<10240x128xf32, #tpu.memory_space<vmem_shared>> -> memref<128x128xf32, #tpu.memory_space<vmem_shared>>
      %dma_wait3A_35 = arith.constant 0 : i32
      %dma_wait3A_36 = tpu.memref_slice %arg10[%add3A_16, %dma_wait3A_35] : memref<10240x128xf32, #tpu.memory_space<vmem_shared>> -> memref<128x128xf32, #tpu.memory_space<vmem_shared>>
      tpu.wait_dma2 semaphore(%run_scoped3A : memref<!tpu.dma_semaphore, #tpu.memory_space<semaphore_mem>>) src(%arg9 : memref<128x128xf32, #tpu.memory_space<vmem>>) dst(%dma_wait3A_36 : memref<128x128xf32, #tpu.memory_space<vmem_shared>>)
      tpu.yield
    }) : () -> ()
    %mul3A_17 = arith.constant 640 : i32
    %mul3A_18 = arith.muli %arg1, %mul3A_17 : i32
    %add3A_19 = arith.constant 512 : i32
    %add3A_20 = arith.addi %mul3A_18, %add3A_19 : i32
    "tpu.region"() ({
      %run_scoped3A = tpu.sem_alloc : memref<!tpu.dma_semaphore, #tpu.memory_space<semaphore_mem>>
      %dma_start3A = arith.constant 0 : i32
      %dma_start3A_31 = tpu.memref_slice %arg10[%add3A_20, %dma_start3A] : memref<10240x128xf32, #tpu.memory_space<vmem_shared>> -> memref<128x128xf32, #tpu.memory_space<vmem_shared>>
      %dma_start3A_32 = arith.constant 0 : i32
      %dma_start3A_33 = tpu.memref_slice %arg10[%add3A_20, %dma_start3A_32] : memref<10240x128xf32, #tpu.memory_space<vmem_shared>> -> memref<128x128xf32, #tpu.memory_space<vmem_shared>>
      tpu.enqueue_dma source(%arg9 : memref<128x128xf32, #tpu.memory_space<vmem>>) target(%dma_start3A_33 : memref<128x128xf32, #tpu.memory_space<vmem_shared>>) target_semaphore(%run_scoped3A : memref<!tpu.dma_semaphore, #tpu.memory_space<semaphore_mem>>)
      %dma_wait3A = arith.constant 0 : i32
      %dma_wait3A_34 = tpu.memref_slice %arg10[%add3A_20, %dma_wait3A] : memref<10240x128xf32, #tpu.memory_space<vmem_shared>> -> memref<128x128xf32, #tpu.memory_space<vmem_shared>>
      %dma_wait3A_35 = arith.constant 0 : i32
      %dma_wait3A_36 = tpu.memref_slice %arg10[%add3A_20, %dma_wait3A_35] : memref<10240x128xf32, #tpu.memory_space<vmem_shared>> -> memref<128x128xf32, #tpu.memory_space<vmem_shared>>
      tpu.wait_dma2 semaphore(%run_scoped3A : memref<!tpu.dma_semaphore, #tpu.memory_space<semaphore_mem>>) src(%arg9 : memref<128x128xf32, #tpu.memory_space<vmem>>) dst(%dma_wait3A_36 : memref<128x128xf32, #tpu.memory_space<vmem_shared>>)
      tpu.yield
    }) : () -> ()
    %barrier3A = arith.constant 0 : index
    tpu.barrier barrier_id(%barrier3A)
    "tpu.region"() ({
      %run_scoped3A = tpu.sem_alloc : memref<!tpu.dma_semaphore, #tpu.memory_space<semaphore_mem>>
      %dma_start3A = arith.constant 0 : i32
      %dma_start3A_31 = arith.constant 0 : i32
      %dma_start3A_32 = tpu.memref_slice %arg3[%add3A, %dma_start3A, %dma_start3A_31] : memref<32x79x128xi32, #tpu.memory_space<hbm>> -> memref<1x79x128xi32, #tpu.memory_space<hbm>>
      %dma_start3A_33 = tpu.memref_squeeze %dma_start3A_32 : memref<1x79x128xi32, #tpu.memory_space<hbm>> -> memref<79x128xi32, #tpu.memory_space<hbm>>
      %dma_start3A_34 = arith.constant 0 : i32
      %dma_start3A_35 = arith.constant 0 : i32
      %dma_start3A_36 = tpu.memref_slice %arg3[%add3A, %dma_start3A_34, %dma_start3A_35] : memref<32x79x128xi32, #tpu.memory_space<hbm>> -> memref<1x79x128xi32, #tpu.memory_space<hbm>>
      %dma_start3A_37 = tpu.memref_squeeze %dma_start3A_36 : memref<1x79x128xi32, #tpu.memory_space<hbm>> -> memref<79x128xi32, #tpu.memory_space<hbm>>
      tpu.enqueue_dma source(%dma_start3A_37 : memref<79x128xi32, #tpu.memory_space<hbm>>) target(%arg7 : memref<79x128xi32, #tpu.memory_space<vmem>>) target_semaphore(%run_scoped3A : memref<!tpu.dma_semaphore, #tpu.memory_space<semaphore_mem>>)
      %dma_wait3A = arith.constant 0 : i32
      %dma_wait3A_38 = arith.constant 0 : i32
      %dma_wait3A_39 = tpu.memref_slice %arg3[%add3A, %dma_wait3A, %dma_wait3A_38] : memref<32x79x128xi32, #tpu.memory_space<hbm>> -> memref<1x79x128xi32, #tpu.memory_space<hbm>>
      %dma_wait3A_40 = tpu.memref_squeeze %dma_wait3A_39 : memref<1x79x128xi32, #tpu.memory_space<hbm>> -> memref<79x128xi32, #tpu.memory_space<hbm>>
      %dma_wait3A_41 = arith.constant 0 : i32
      %dma_wait3A_42 = arith.constant 0 : i32
      %dma_wait3A_43 = tpu.memref_slice %arg3[%add3A, %dma_wait3A_41, %dma_wait3A_42] : memref<32x79x128xi32, #tpu.memory_space<hbm>> -> memref<1x79x128xi32, #tpu.memory_space<hbm>>
      %dma_wait3A_44 = tpu.memref_squeeze %dma_wait3A_43 : memref<1x79x128xi32, #tpu.memory_space<hbm>> -> memref<79x128xi32, #tpu.memory_space<hbm>>
      tpu.wait_dma2 semaphore(%run_scoped3A : memref<!tpu.dma_semaphore, #tpu.memory_space<semaphore_mem>>) src(%dma_wait3A_44 : memref<79x128xi32, #tpu.memory_space<hbm>>) dst(%arg7 : memref<79x128xi32, #tpu.memory_space<vmem>>)
      tpu.yield
    }) : () -> ()
    "tpu.region"() ({
      %run_scoped3A = tpu.sem_alloc : memref<!tpu.dma_semaphore, #tpu.memory_space<semaphore_mem>>
      %dma_start3A = arith.constant 0 : i32
      %dma_start3A_31 = arith.constant 0 : i32
      %dma_start3A_32 = tpu.memref_slice %arg4[%add3A, %dma_start3A, %dma_start3A_31] : memref<32x79x128xi32, #tpu.memory_space<hbm>> -> memref<1x79x128xi32, #tpu.memory_space<hbm>>
      %dma_start3A_33 = tpu.memref_squeeze %dma_start3A_32 : memref<1x79x128xi32, #tpu.memory_space<hbm>> -> memref<79x128xi32, #tpu.memory_space<hbm>>
      %dma_start3A_34 = arith.constant 0 : i32
      %dma_start3A_35 = arith.constant 0 : i32
      %dma_start3A_36 = tpu.memref_slice %arg4[%add3A, %dma_start3A_34, %dma_start3A_35] : memref<32x79x128xi32, #tpu.memory_space<hbm>> -> memref<1x79x128xi32, #tpu.memory_space<hbm>>
      %dma_start3A_37 = tpu.memref_squeeze %dma_start3A_36 : memref<1x79x128xi32, #tpu.memory_space<hbm>> -> memref<79x128xi32, #tpu.memory_space<hbm>>
      tpu.enqueue_dma source(%dma_start3A_37 : memref<79x128xi32, #tpu.memory_space<hbm>>) target(%arg8 : memref<79x128xi32, #tpu.memory_space<vmem>>) target_semaphore(%run_scoped3A : memref<!tpu.dma_semaphore, #tpu.memory_space<semaphore_mem>>)
      %dma_wait3A = arith.constant 0 : i32
      %dma_wait3A_38 = arith.constant 0 : i32
      %dma_wait3A_39 = tpu.memref_slice %arg4[%add3A, %dma_wait3A, %dma_wait3A_38] : memref<32x79x128xi32, #tpu.memory_space<hbm>> -> memref<1x79x128xi32, #tpu.memory_space<hbm>>
      %dma_wait3A_40 = tpu.memref_squeeze %dma_wait3A_39 : memref<1x79x128xi32, #tpu.memory_space<hbm>> -> memref<79x128xi32, #tpu.memory_space<hbm>>
      %dma_wait3A_41 = arith.constant 0 : i32
      %dma_wait3A_42 = arith.constant 0 : i32
      %dma_wait3A_43 = tpu.memref_slice %arg4[%add3A, %dma_wait3A_41, %dma_wait3A_42] : memref<32x79x128xi32, #tpu.memory_space<hbm>> -> memref<1x79x128xi32, #tpu.memory_space<hbm>>
      %dma_wait3A_44 = tpu.memref_squeeze %dma_wait3A_43 : memref<1x79x128xi32, #tpu.memory_space<hbm>> -> memref<79x128xi32, #tpu.memory_space<hbm>>
      tpu.wait_dma2 semaphore(%run_scoped3A : memref<!tpu.dma_semaphore, #tpu.memory_space<semaphore_mem>>) src(%dma_wait3A_44 : memref<79x128xi32, #tpu.memory_space<hbm>>) dst(%arg8 : memref<79x128xi32, #tpu.memory_space<vmem>>)
      tpu.yield
    }) : () -> ()
    %scan3A = arith.constant 0 : i32
    %scan3A_21 = arith.constant 0 : i32
    %scan3A_22 = arith.constant 79 : i32
    %scan3A_23 = arith.addi %scan3A_21, %scan3A_22 : i32
    %scan3A_24 = arith.constant 1 : i32
    scf.for %scan3A_31 = %scan3A_21 to %scan3A_23 step %scan3A_24  : i32 {
      %dma_start3A = arith.constant 0 : i32
      %dma_start3A_32 = tpu.memref_slice %arg7[%scan3A_31, %dma_start3A] : memref<79x128xi32, #tpu.memory_space<vmem>> -> memref<1x128xi32, #tpu.memory_space<vmem>>
      %dma_start3A_33 = tpu.memref_squeeze %dma_start3A_32 : memref<1x128xi32, #tpu.memory_space<vmem>> -> memref<128xi32, #tpu.memory_space<vmem>>
      %dma_start3A_34 = arith.constant 0 : i32
      %dma_start3A_35 = arith.constant 0 : i32
      %dma_start3A_36 = tpu.memref_slice %arg2[%dma_start3A_34, %dma_start3A_35] : memref<40000x128xf32, #tpu.memory_space<hbm>> -> memref<40000x128xf32, #tpu.memory_space<hbm>>
      tpu.enqueue_indirect_dma source(%dma_start3A_36 : memref<40000x128xf32, #tpu.memory_space<hbm>>) target(%arg9 : memref<128x128xf32, #tpu.memory_space<vmem>>) offsets(%dma_start3A_33 : memref<128xi32, #tpu.memory_space<vmem>>) semaphore(%arg11 : memref<!tpu.dma_semaphore, #tpu.memory_space<semaphore_mem>>)
      %dma_wait3A = arith.constant 0 : i32
      %dma_wait3A_37 = tpu.memref_slice %arg7[%scan3A_31, %dma_wait3A] : memref<79x128xi32, #tpu.memory_space<vmem>> -> memref<1x128xi32, #tpu.memory_space<vmem>>
      %dma_wait3A_38 = tpu.memref_squeeze %dma_wait3A_37 : memref<1x128xi32, #tpu.memory_space<vmem>> -> memref<128xi32, #tpu.memory_space<vmem>>
      %dma_wait3A_39 = arith.constant 0 : i32
      %dma_wait3A_40 = arith.constant 0 : i32
      %dma_wait3A_41 = tpu.memref_slice %arg2[%dma_wait3A_39, %dma_wait3A_40] : memref<40000x128xf32, #tpu.memory_space<hbm>> -> memref<40000x128xf32, #tpu.memory_space<hbm>>
      tpu.wait_indirect_dma semaphore(%arg11 : memref<!tpu.dma_semaphore, #tpu.memory_space<semaphore_mem>>) src(%dma_wait3A_41 : memref<40000x128xf32, #tpu.memory_space<hbm>>) dst(%arg9 : memref<128x128xf32, #tpu.memory_space<vmem>>)
      "tpu.region"() ({
        %run_scoped3A = tpu.sem_alloc : memref<!tpu.dma_semaphore, #tpu.memory_space<semaphore_mem>>
        %dma_start3A_42 = arith.constant 0 : i32
        %dma_start3A_43 = tpu.memref_slice %arg8[%scan3A_31, %dma_start3A_42] : memref<79x128xi32, #tpu.memory_space<vmem>> -> memref<1x128xi32, #tpu.memory_space<vmem>>
        %dma_start3A_44 = tpu.memref_squeeze %dma_start3A_43 : memref<1x128xi32, #tpu.memory_space<vmem>> -> memref<128xi32, #tpu.memory_space<vmem>>
        %dma_start3A_45 = arith.constant 0 : i32
        %dma_start3A_46 = arith.constant 0 : i32
        %dma_start3A_47 = tpu.memref_slice %arg10[%dma_start3A_45, %dma_start3A_46] : memref<10240x128xf32, #tpu.memory_space<vmem_shared>> -> memref<10240x128xf32, #tpu.memory_space<vmem_shared>>
        tpu.enqueue_indirect_dma source(%arg9 : memref<128x128xf32, #tpu.memory_space<vmem>>) target(%dma_start3A_47 : memref<10240x128xf32, #tpu.memory_space<vmem_shared>>) offsets(%dma_start3A_44 : memref<128xi32, #tpu.memory_space<vmem>>) semaphore(%run_scoped3A : memref<!tpu.dma_semaphore, #tpu.memory_space<semaphore_mem>>) {add = true}
        %dma_wait3A_48 = arith.constant 0 : i32
        %dma_wait3A_49 = tpu.memref_slice %arg8[%scan3A_31, %dma_wait3A_48] : memref<79x128xi32, #tpu.memory_space<vmem>> -> memref<1x128xi32, #tpu.memory_space<vmem>>
        %dma_wait3A_50 = tpu.memref_squeeze %dma_wait3A_49 : memref<1x128xi32, #tpu.memory_space<vmem>> -> memref<128xi32, #tpu.memory_space<vmem>>
        %dma_wait3A_51 = arith.constant 0 : i32
        %dma_wait3A_52 = arith.constant 0 : i32
        %dma_wait3A_53 = tpu.memref_slice %arg10[%dma_wait3A_51, %dma_wait3A_52] : memref<10240x128xf32, #tpu.memory_space<vmem_shared>> -> memref<10240x128xf32, #tpu.memory_space<vmem_shared>>
        tpu.wait_indirect_dma semaphore(%run_scoped3A : memref<!tpu.dma_semaphore, #tpu.memory_space<semaphore_mem>>) src(%arg9 : memref<128x128xf32, #tpu.memory_space<vmem>>) dst(%dma_wait3A_53 : memref<10240x128xf32, #tpu.memory_space<vmem_shared>>)
        tpu.yield
      }) : () -> ()
    }
    %scan3A_25 = arith.constant 79 : i32
    %barrier3A_26 = arith.constant 0 : index
    tpu.barrier barrier_id(%barrier3A_26)
    %mul3A_27 = arith.constant 640 : i32
    %mul3A_28 = arith.muli %arg1, %mul3A_27 : i32
    %mul3A_29 = arith.constant 640 : i32
    %mul3A_30 = arith.muli %arg1, %mul3A_29 : i32
    "tpu.region"() ({
      %run_scoped3A = tpu.sem_alloc : memref<!tpu.dma_semaphore, #tpu.memory_space<semaphore_mem>>
      %dma_start3A = arith.constant 0 : i32
      %dma_start3A_31 = tpu.memref_slice %arg6[%arg0, %mul3A_30, %dma_start3A] : memref<2x10240x128xf32, #tpu.memory_space<hbm>> -> memref<1x640x128xf32, #tpu.memory_space<hbm>>
      %dma_start3A_32 = tpu.memref_squeeze %dma_start3A_31 : memref<1x640x128xf32, #tpu.memory_space<hbm>> -> memref<640x128xf32, #tpu.memory_space<hbm>>
      %dma_start3A_33 = arith.constant 0 : i32
      %dma_start3A_34 = tpu.memref_slice %arg10[%mul3A_28, %dma_start3A_33] : memref<10240x128xf32, #tpu.memory_space<vmem_shared>> -> memref<640x128xf32, #tpu.memory_space<vmem_shared>>
      tpu.enqueue_dma source(%dma_start3A_34 : memref<640x128xf32, #tpu.memory_space<vmem_shared>>) target(%dma_start3A_32 : memref<640x128xf32, #tpu.memory_space<hbm>>) target_semaphore(%run_scoped3A : memref<!tpu.dma_semaphore, #tpu.memory_space<semaphore_mem>>)
      %dma_wait3A = arith.constant 0 : i32
      %dma_wait3A_35 = tpu.memref_slice %arg6[%arg0, %mul3A_30, %dma_wait3A] : memref<2x10240x128xf32, #tpu.memory_space<hbm>> -> memref<1x640x128xf32, #tpu.memory_space<hbm>>
      %dma_wait3A_36 = tpu.memref_squeeze %dma_wait3A_35 : memref<1x640x128xf32, #tpu.memory_space<hbm>> -> memref<640x128xf32, #tpu.memory_space<hbm>>
      %dma_wait3A_37 = arith.constant 0 : i32
      %dma_wait3A_38 = tpu.memref_slice %arg10[%mul3A_28, %dma_wait3A_37] : memref<10240x128xf32, #tpu.memory_space<vmem_shared>> -> memref<640x128xf32, #tpu.memory_space<vmem_shared>>
      tpu.wait_dma2 semaphore(%run_scoped3A : memref<!tpu.dma_semaphore, #tpu.memory_space<semaphore_mem>>) src(%dma_wait3A_38 : memref<640x128xf32, #tpu.memory_space<vmem_shared>>) dst(%dma_wait3A_36 : memref<640x128xf32, #tpu.memory_space<hbm>>)
      tpu.yield
    }) : () -> ()
    return
  }
}

#map = affine_map<(d0, d1) -> (0, 0)>
#map1 = affine_map<(d0, d1) -> (0, 0, 0)>
module attributes {stable_mosaic.version = 14 : i64} {
  func.func @run(%arg0: i32, %arg1: i32, %arg2: memref<40000x128xf32, #tpu.memory_space<hbm>>, %arg3: memref<32x79x128xi32, #tpu.memory_space<hbm>>, %arg4: memref<32x79x128xi32, #tpu.memory_space<hbm>>, %arg5: memref<128x128xf32, #tpu.memory_space<hbm>>, %arg6: memref<2x10240x128xf32, #tpu.memory_space<hbm>>, %arg7: memref<79x128xi32, #tpu.memory_space<vmem>>, %arg8: memref<79x128xi32, #tpu.memory_space<vmem>>, %arg9: memref<128x128xf32, #tpu.memory_space<vmem>>, %arg10: memref<10240x128xf32, #tpu.memory_space<vmem_shared>>, %arg11: memref<!tpu.dma_semaphore, #tpu.memory_space<semaphore_mem>>) attributes {dimension_semantics = [#tpu.dimension_semantics<core_parallel>, #tpu.dimension_semantics<subcore_parallel>], iteration_bounds = array<i64: 2, 16>, scalar_prefetch = 0 : i64, scratch_operands = 5 : i64, tpu.core_type = #tpu.core_type<sc_vector_subcore>, window_params = [{transform_indices = #map}, {transform_indices = #map1}, {transform_indices = #map1}, {transform_indices = #map}, {transform_indices = #map1}]} {
    %mul3A = arith.constant 2 : i32
    %mul3A_0 = arith.muli %arg1, %mul3A : i32
    %add3A = arith.addi %mul3A_0, %arg0 : i32
    "tpu.region"() ({
      %run_scoped3A = tpu.sem_alloc : memref<!tpu.dma_semaphore, #tpu.memory_space<semaphore_mem>>
      tpu.enqueue_dma source(%arg5 : memref<128x128xf32, #tpu.memory_space<hbm>>) target(%arg9 : memref<128x128xf32, #tpu.memory_space<vmem>>) target_semaphore(%run_scoped3A : memref<!tpu.dma_semaphore, #tpu.memory_space<semaphore_mem>>)
      tpu.wait_dma2 semaphore(%run_scoped3A : memref<!tpu.dma_semaphore, #tpu.memory_space<semaphore_mem>>) src(%arg5 : memref<128x128xf32, #tpu.memory_space<hbm>>) dst(%arg9 : memref<128x128xf32, #tpu.memory_space<vmem>>)
      tpu.yield
    }) : () -> ()
    %mul3A_1 = arith.constant 640 : i32
    %mul3A_2 = arith.muli %arg1, %mul3A_1 : i32
    %add3A_3 = arith.constant 0 : i32
    %add3A_4 = arith.addi %mul3A_2, %add3A_3 : i32
    "tpu.region"() ({
      %run_scoped3A = tpu.sem_alloc : memref<!tpu.dma_semaphore, #tpu.memory_space<semaphore_mem>>
      %dma_start3A = arith.constant 0 : i32
      %dma_start3A_31 = tpu.memref_slice %arg10[%add3A_4, %dma_start3A] : memref<10240x128xf32, #tpu.memory_space<vmem_shared>> -> memref<128x128xf32, #tpu.memory_space<vmem_shared>>
      %dma_start3A_32 = arith.constant 0 : i32
      %dma_start3A_33 = tpu.memref_slice %arg10[%add3A_4, %dma_start3A_32] : memref<10240x128xf32, #tpu.memory_space<vmem_shared>> -> memref<128x128xf32, #tpu.memory_space<vmem_shared>>
      tpu.enqueue_dma source(%arg9 : memref<128x128xf32, #tpu.memory_space<vmem>>) target(%dma_start3A_33 : memref<128x128xf32, #tpu.memory_space<vmem_shared>>) target_semaphore(%run_scoped3A : memref<!tpu.dma_semaphore, #tpu.memory_space<semaphore_mem>>)
      %dma_wait3A = arith.constant 0 : i32
      %dma_wait3A_34 = tpu.memref_slice %arg10[%add3A_4, %dma_wait3A] : memref<10240x128xf32, #tpu.memory_space<vmem_shared>> -> memref<128x128xf32, #tpu.memory_space<vmem_shared>>
      %dma_wait3A_35 = arith.constant 0 : i32
      %dma_wait3A_36 = tpu.memref_slice %arg10[%add3A_4, %dma_wait3A_35] : memref<10240x128xf32, #tpu.memory_space<vmem_shared>> -> memref<128x128xf32, #tpu.memory_space<vmem_shared>>
      tpu.wait_dma2 semaphore(%run_scoped3A : memref<!tpu.dma_semaphore, #tpu.memory_space<semaphore_mem>>) src(%arg9 : memref<128x128xf32, #tpu.memory_space<vmem>>) dst(%dma_wait3A_36 : memref<128x128xf32, #tpu.memory_space<vmem_shared>>)
      tpu.yield
    }) : () -> ()
    %mul3A_5 = arith.constant 640 : i32
    %mul3A_6 = arith.muli %arg1, %mul3A_5 : i32
    %add3A_7 = arith.constant 128 : i32
    %add3A_8 = arith.addi %mul3A_6, %add3A_7 : i32
    "tpu.region"() ({
      %run_scoped3A = tpu.sem_alloc : memref<!tpu.dma_semaphore, #tpu.memory_space<semaphore_mem>>
      %dma_start3A = arith.constant 0 : i32
      %dma_start3A_31 = tpu.memref_slice %arg10[%add3A_8, %dma_start3A] : memref<10240x128xf32, #tpu.memory_space<vmem_shared>> -> memref<128x128xf32, #tpu.memory_space<vmem_shared>>
      %dma_start3A_32 = arith.constant 0 : i32
      %dma_start3A_33 = tpu.memref_slice %arg10[%add3A_8, %dma_start3A_32] : memref<10240x128xf32, #tpu.memory_space<vmem_shared>> -> memref<128x128xf32, #tpu.memory_space<vmem_shared>>
      tpu.enqueue_dma source(%arg9 : memref<128x128xf32, #tpu.memory_space<vmem>>) target(%dma_start3A_33 : memref<128x128xf32, #tpu.memory_space<vmem_shared>>) target_semaphore(%run_scoped3A : memref<!tpu.dma_semaphore, #tpu.memory_space<semaphore_mem>>)
      %dma_wait3A = arith.constant 0 : i32
      %dma_wait3A_34 = tpu.memref_slice %arg10[%add3A_8, %dma_wait3A] : memref<10240x128xf32, #tpu.memory_space<vmem_shared>> -> memref<128x128xf32, #tpu.memory_space<vmem_shared>>
      %dma_wait3A_35 = arith.constant 0 : i32
      %dma_wait3A_36 = tpu.memref_slice %arg10[%add3A_8, %dma_wait3A_35] : memref<10240x128xf32, #tpu.memory_space<vmem_shared>> -> memref<128x128xf32, #tpu.memory_space<vmem_shared>>
      tpu.wait_dma2 semaphore(%run_scoped3A : memref<!tpu.dma_semaphore, #tpu.memory_space<semaphore_mem>>) src(%arg9 : memref<128x128xf32, #tpu.memory_space<vmem>>) dst(%dma_wait3A_36 : memref<128x128xf32, #tpu.memory_space<vmem_shared>>)
      tpu.yield
    }) : () -> ()
    %mul3A_9 = arith.constant 640 : i32
    %mul3A_10 = arith.muli %arg1, %mul3A_9 : i32
    %add3A_11 = arith.constant 256 : i32
    %add3A_12 = arith.addi %mul3A_10, %add3A_11 : i32
    "tpu.region"() ({
      %run_scoped3A = tpu.sem_alloc : memref<!tpu.dma_semaphore, #tpu.memory_space<semaphore_mem>>
      %dma_start3A = arith.constant 0 : i32
      %dma_start3A_31 = tpu.memref_slice %arg10[%add3A_12, %dma_start3A] : memref<10240x128xf32, #tpu.memory_space<vmem_shared>> -> memref<128x128xf32, #tpu.memory_space<vmem_shared>>
      %dma_start3A_32 = arith.constant 0 : i32
      %dma_start3A_33 = tpu.memref_slice %arg10[%add3A_12, %dma_start3A_32] : memref<10240x128xf32, #tpu.memory_space<vmem_shared>> -> memref<128x128xf32, #tpu.memory_space<vmem_shared>>
      tpu.enqueue_dma source(%arg9 : memref<128x128xf32, #tpu.memory_space<vmem>>) target(%dma_start3A_33 : memref<128x128xf32, #tpu.memory_space<vmem_shared>>) target_semaphore(%run_scoped3A : memref<!tpu.dma_semaphore, #tpu.memory_space<semaphore_mem>>)
      %dma_wait3A = arith.constant 0 : i32
      %dma_wait3A_34 = tpu.memref_slice %arg10[%add3A_12, %dma_wait3A] : memref<10240x128xf32, #tpu.memory_space<vmem_shared>> -> memref<128x128xf32, #tpu.memory_space<vmem_shared>>
      %dma_wait3A_35 = arith.constant 0 : i32
      %dma_wait3A_36 = tpu.memref_slice %arg10[%add3A_12, %dma_wait3A_35] : memref<10240x128xf32, #tpu.memory_space<vmem_shared>> -> memref<128x128xf32, #tpu.memory_space<vmem_shared>>
      tpu.wait_dma2 semaphore(%run_scoped3A : memref<!tpu.dma_semaphore, #tpu.memory_space<semaphore_mem>>) src(%arg9 : memref<128x128xf32, #tpu.memory_space<vmem>>) dst(%dma_wait3A_36 : memref<128x128xf32, #tpu.memory_space<vmem_shared>>)
      tpu.yield
    }) : () -> ()
    %mul3A_13 = arith.constant 640 : i32
    %mul3A_14 = arith.muli %arg1, %mul3A_13 : i32
    %add3A_15 = arith.constant 384 : i32
    %add3A_16 = arith.addi %mul3A_14, %add3A_15 : i32
    "tpu.region"() ({
      %run_scoped3A = tpu.sem_alloc : memref<!tpu.dma_semaphore, #tpu.memory_space<semaphore_mem>>
      %dma_start3A = arith.constant 0 : i32
      %dma_start3A_31 = tpu.memref_slice %arg10[%add3A_16, %dma_start3A] : memref<10240x128xf32, #tpu.memory_space<vmem_shared>> -> memref<128x128xf32, #tpu.memory_space<vmem_shared>>
      %dma_start3A_32 = arith.constant 0 : i32
      %dma_start3A_33 = tpu.memref_slice %arg10[%add3A_16, %dma_start3A_32] : memref<10240x128xf32, #tpu.memory_space<vmem_shared>> -> memref<128x128xf32, #tpu.memory_space<vmem_shared>>
      tpu.enqueue_dma source(%arg9 : memref<128x128xf32, #tpu.memory_space<vmem>>) target(%dma_start3A_33 : memref<128x128xf32, #tpu.memory_space<vmem_shared>>) target_semaphore(%run_scoped3A : memref<!tpu.dma_semaphore, #tpu.memory_space<semaphore_mem>>)
      %dma_wait3A = arith.constant 0 : i32
      %dma_wait3A_34 = tpu.memref_slice %arg10[%add3A_16, %dma_wait3A] : memref<10240x128xf32, #tpu.memory_space<vmem_shared>> -> memref<128x128xf32, #tpu.memory_space<vmem_shared>>
      %dma_wait3A_35 = arith.constant 0 : i32
      %dma_wait3A_36 = tpu.memref_slice %arg10[%add3A_16, %dma_wait3A_35] : memref<10240x128xf32, #tpu.memory_space<vmem_shared>> -> memref<128x128xf32, #tpu.memory_space<vmem_shared>>
      tpu.wait_dma2 semaphore(%run_scoped3A : memref<!tpu.dma_semaphore, #tpu.memory_space<semaphore_mem>>) src(%arg9 : memref<128x128xf32, #tpu.memory_space<vmem>>) dst(%dma_wait3A_36 : memref<128x128xf32, #tpu.memory_space<vmem_shared>>)
      tpu.yield
    }) : () -> ()
    %mul3A_17 = arith.constant 640 : i32
    %mul3A_18 = arith.muli %arg1, %mul3A_17 : i32
    %add3A_19 = arith.constant 512 : i32
    %add3A_20 = arith.addi %mul3A_18, %add3A_19 : i32
    "tpu.region"() ({
      %run_scoped3A = tpu.sem_alloc : memref<!tpu.dma_semaphore, #tpu.memory_space<semaphore_mem>>
      %dma_start3A = arith.constant 0 : i32
      %dma_start3A_31 = tpu.memref_slice %arg10[%add3A_20, %dma_start3A] : memref<10240x128xf32, #tpu.memory_space<vmem_shared>> -> memref<128x128xf32, #tpu.memory_space<vmem_shared>>
      %dma_start3A_32 = arith.constant 0 : i32
      %dma_start3A_33 = tpu.memref_slice %arg10[%add3A_20, %dma_start3A_32] : memref<10240x128xf32, #tpu.memory_space<vmem_shared>> -> memref<128x128xf32, #tpu.memory_space<vmem_shared>>
      tpu.enqueue_dma source(%arg9 : memref<128x128xf32, #tpu.memory_space<vmem>>) target(%dma_start3A_33 : memref<128x128xf32, #tpu.memory_space<vmem_shared>>) target_semaphore(%run_scoped3A : memref<!tpu.dma_semaphore, #tpu.memory_space<semaphore_mem>>)
      %dma_wait3A = arith.constant 0 : i32
      %dma_wait3A_34 = tpu.memref_slice %arg10[%add3A_20, %dma_wait3A] : memref<10240x128xf32, #tpu.memory_space<vmem_shared>> -> memref<128x128xf32, #tpu.memory_space<vmem_shared>>
      %dma_wait3A_35 = arith.constant 0 : i32
      %dma_wait3A_36 = tpu.memref_slice %arg10[%add3A_20, %dma_wait3A_35] : memref<10240x128xf32, #tpu.memory_space<vmem_shared>> -> memref<128x128xf32, #tpu.memory_space<vmem_shared>>
      tpu.wait_dma2 semaphore(%run_scoped3A : memref<!tpu.dma_semaphore, #tpu.memory_space<semaphore_mem>>) src(%arg9 : memref<128x128xf32, #tpu.memory_space<vmem>>) dst(%dma_wait3A_36 : memref<128x128xf32, #tpu.memory_space<vmem_shared>>)
      tpu.yield
    }) : () -> ()
    %barrier3A = arith.constant 0 : index
    tpu.barrier barrier_id(%barrier3A)
    "tpu.region"() ({
      %run_scoped3A = tpu.sem_alloc : memref<!tpu.dma_semaphore, #tpu.memory_space<semaphore_mem>>
      %dma_start3A = arith.constant 0 : i32
      %dma_start3A_31 = arith.constant 0 : i32
      %dma_start3A_32 = tpu.memref_slice %arg3[%add3A, %dma_start3A, %dma_start3A_31] : memref<32x79x128xi32, #tpu.memory_space<hbm>> -> memref<1x79x128xi32, #tpu.memory_space<hbm>>
      %dma_start3A_33 = tpu.memref_squeeze %dma_start3A_32 : memref<1x79x128xi32, #tpu.memory_space<hbm>> -> memref<79x128xi32, #tpu.memory_space<hbm>>
      %dma_start3A_34 = arith.constant 0 : i32
      %dma_start3A_35 = arith.constant 0 : i32
      %dma_start3A_36 = tpu.memref_slice %arg3[%add3A, %dma_start3A_34, %dma_start3A_35] : memref<32x79x128xi32, #tpu.memory_space<hbm>> -> memref<1x79x128xi32, #tpu.memory_space<hbm>>
      %dma_start3A_37 = tpu.memref_squeeze %dma_start3A_36 : memref<1x79x128xi32, #tpu.memory_space<hbm>> -> memref<79x128xi32, #tpu.memory_space<hbm>>
      tpu.enqueue_dma source(%dma_start3A_37 : memref<79x128xi32, #tpu.memory_space<hbm>>) target(%arg7 : memref<79x128xi32, #tpu.memory_space<vmem>>) target_semaphore(%run_scoped3A : memref<!tpu.dma_semaphore, #tpu.memory_space<semaphore_mem>>)
      %dma_wait3A = arith.constant 0 : i32
      %dma_wait3A_38 = arith.constant 0 : i32
      %dma_wait3A_39 = tpu.memref_slice %arg3[%add3A, %dma_wait3A, %dma_wait3A_38] : memref<32x79x128xi32, #tpu.memory_space<hbm>> -> memref<1x79x128xi32, #tpu.memory_space<hbm>>
      %dma_wait3A_40 = tpu.memref_squeeze %dma_wait3A_39 : memref<1x79x128xi32, #tpu.memory_space<hbm>> -> memref<79x128xi32, #tpu.memory_space<hbm>>
      %dma_wait3A_41 = arith.constant 0 : i32
      %dma_wait3A_42 = arith.constant 0 : i32
      %dma_wait3A_43 = tpu.memref_slice %arg3[%add3A, %dma_wait3A_41, %dma_wait3A_42] : memref<32x79x128xi32, #tpu.memory_space<hbm>> -> memref<1x79x128xi32, #tpu.memory_space<hbm>>
      %dma_wait3A_44 = tpu.memref_squeeze %dma_wait3A_43 : memref<1x79x128xi32, #tpu.memory_space<hbm>> -> memref<79x128xi32, #tpu.memory_space<hbm>>
      tpu.wait_dma2 semaphore(%run_scoped3A : memref<!tpu.dma_semaphore, #tpu.memory_space<semaphore_mem>>) src(%dma_wait3A_44 : memref<79x128xi32, #tpu.memory_space<hbm>>) dst(%arg7 : memref<79x128xi32, #tpu.memory_space<vmem>>)
      tpu.yield
    }) : () -> ()
    "tpu.region"() ({
      %run_scoped3A = tpu.sem_alloc : memref<!tpu.dma_semaphore, #tpu.memory_space<semaphore_mem>>
      %dma_start3A = arith.constant 0 : i32
      %dma_start3A_31 = arith.constant 0 : i32
      %dma_start3A_32 = tpu.memref_slice %arg4[%add3A, %dma_start3A, %dma_start3A_31] : memref<32x79x128xi32, #tpu.memory_space<hbm>> -> memref<1x79x128xi32, #tpu.memory_space<hbm>>
      %dma_start3A_33 = tpu.memref_squeeze %dma_start3A_32 : memref<1x79x128xi32, #tpu.memory_space<hbm>> -> memref<79x128xi32, #tpu.memory_space<hbm>>
      %dma_start3A_34 = arith.constant 0 : i32
      %dma_start3A_35 = arith.constant 0 : i32
      %dma_start3A_36 = tpu.memref_slice %arg4[%add3A, %dma_start3A_34, %dma_start3A_35] : memref<32x79x128xi32, #tpu.memory_space<hbm>> -> memref<1x79x128xi32, #tpu.memory_space<hbm>>
      %dma_start3A_37 = tpu.memref_squeeze %dma_start3A_36 : memref<1x79x128xi32, #tpu.memory_space<hbm>> -> memref<79x128xi32, #tpu.memory_space<hbm>>
      tpu.enqueue_dma source(%dma_start3A_37 : memref<79x128xi32, #tpu.memory_space<hbm>>) target(%arg8 : memref<79x128xi32, #tpu.memory_space<vmem>>) target_semaphore(%run_scoped3A : memref<!tpu.dma_semaphore, #tpu.memory_space<semaphore_mem>>)
      %dma_wait3A = arith.constant 0 : i32
      %dma_wait3A_38 = arith.constant 0 : i32
      %dma_wait3A_39 = tpu.memref_slice %arg4[%add3A, %dma_wait3A, %dma_wait3A_38] : memref<32x79x128xi32, #tpu.memory_space<hbm>> -> memref<1x79x128xi32, #tpu.memory_space<hbm>>
      %dma_wait3A_40 = tpu.memref_squeeze %dma_wait3A_39 : memref<1x79x128xi32, #tpu.memory_space<hbm>> -> memref<79x128xi32, #tpu.memory_space<hbm>>
      %dma_wait3A_41 = arith.constant 0 : i32
      %dma_wait3A_42 = arith.constant 0 : i32
      %dma_wait3A_43 = tpu.memref_slice %arg4[%add3A, %dma_wait3A_41, %dma_wait3A_42] : memref<32x79x128xi32, #tpu.memory_space<hbm>> -> memref<1x79x128xi32, #tpu.memory_space<hbm>>
      %dma_wait3A_44 = tpu.memref_squeeze %dma_wait3A_43 : memref<1x79x128xi32, #tpu.memory_space<hbm>> -> memref<79x128xi32, #tpu.memory_space<hbm>>
      tpu.wait_dma2 semaphore(%run_scoped3A : memref<!tpu.dma_semaphore, #tpu.memory_space<semaphore_mem>>) src(%dma_wait3A_44 : memref<79x128xi32, #tpu.memory_space<hbm>>) dst(%arg8 : memref<79x128xi32, #tpu.memory_space<vmem>>)
      tpu.yield
    }) : () -> ()
    %scan3A = arith.constant 0 : i32
    %scan3A_21 = arith.constant 0 : i32
    %scan3A_22 = arith.constant 79 : i32
    %scan3A_23 = arith.addi %scan3A_21, %scan3A_22 : i32
    %scan3A_24 = arith.constant 1 : i32
    scf.for %scan3A_31 = %scan3A_21 to %scan3A_23 step %scan3A_24  : i32 {
      %dma_start3A = arith.constant 0 : i32
      %dma_start3A_32 = tpu.memref_slice %arg7[%scan3A_31, %dma_start3A] : memref<79x128xi32, #tpu.memory_space<vmem>> -> memref<1x128xi32, #tpu.memory_space<vmem>>
      %dma_start3A_33 = tpu.memref_squeeze %dma_start3A_32 : memref<1x128xi32, #tpu.memory_space<vmem>> -> memref<128xi32, #tpu.memory_space<vmem>>
      %dma_start3A_34 = arith.constant 0 : i32
      %dma_start3A_35 = arith.constant 0 : i32
      %dma_start3A_36 = tpu.memref_slice %arg2[%dma_start3A_34, %dma_start3A_35] : memref<40000x128xf32, #tpu.memory_space<hbm>> -> memref<40000x128xf32, #tpu.memory_space<hbm>>
      tpu.enqueue_indirect_dma source(%dma_start3A_36 : memref<40000x128xf32, #tpu.memory_space<hbm>>) target(%arg9 : memref<128x128xf32, #tpu.memory_space<vmem>>) offsets(%dma_start3A_33 : memref<128xi32, #tpu.memory_space<vmem>>) semaphore(%arg11 : memref<!tpu.dma_semaphore, #tpu.memory_space<semaphore_mem>>)
      %dma_wait3A = arith.constant 0 : i32
      %dma_wait3A_37 = tpu.memref_slice %arg7[%scan3A_31, %dma_wait3A] : memref<79x128xi32, #tpu.memory_space<vmem>> -> memref<1x128xi32, #tpu.memory_space<vmem>>
      %dma_wait3A_38 = tpu.memref_squeeze %dma_wait3A_37 : memref<1x128xi32, #tpu.memory_space<vmem>> -> memref<128xi32, #tpu.memory_space<vmem>>
      %dma_wait3A_39 = arith.constant 0 : i32
      %dma_wait3A_40 = arith.constant 0 : i32
      %dma_wait3A_41 = tpu.memref_slice %arg2[%dma_wait3A_39, %dma_wait3A_40] : memref<40000x128xf32, #tpu.memory_space<hbm>> -> memref<40000x128xf32, #tpu.memory_space<hbm>>
      tpu.wait_indirect_dma semaphore(%arg11 : memref<!tpu.dma_semaphore, #tpu.memory_space<semaphore_mem>>) src(%dma_wait3A_41 : memref<40000x128xf32, #tpu.memory_space<hbm>>) dst(%arg9 : memref<128x128xf32, #tpu.memory_space<vmem>>)
      "tpu.region"() ({
        %run_scoped3A = tpu.sem_alloc : memref<!tpu.dma_semaphore, #tpu.memory_space<semaphore_mem>>
        %dma_start3A_42 = arith.constant 0 : i32
        %dma_start3A_43 = tpu.memref_slice %arg8[%scan3A_31, %dma_start3A_42] : memref<79x128xi32, #tpu.memory_space<vmem>> -> memref<1x128xi32, #tpu.memory_space<vmem>>
        %dma_start3A_44 = tpu.memref_squeeze %dma_start3A_43 : memref<1x128xi32, #tpu.memory_space<vmem>> -> memref<128xi32, #tpu.memory_space<vmem>>
        %dma_start3A_45 = arith.constant 0 : i32
        %dma_start3A_46 = arith.constant 0 : i32
        %dma_start3A_47 = tpu.memref_slice %arg10[%dma_start3A_45, %dma_start3A_46] : memref<10240x128xf32, #tpu.memory_space<vmem_shared>> -> memref<10240x128xf32, #tpu.memory_space<vmem_shared>>
        tpu.enqueue_indirect_dma source(%arg9 : memref<128x128xf32, #tpu.memory_space<vmem>>) target(%dma_start3A_47 : memref<10240x128xf32, #tpu.memory_space<vmem_shared>>) offsets(%dma_start3A_44 : memref<128xi32, #tpu.memory_space<vmem>>) semaphore(%run_scoped3A : memref<!tpu.dma_semaphore, #tpu.memory_space<semaphore_mem>>) {add = true}
        %dma_wait3A_48 = arith.constant 0 : i32
        %dma_wait3A_49 = tpu.memref_slice %arg8[%scan3A_31, %dma_wait3A_48] : memref<79x128xi32, #tpu.memory_space<vmem>> -> memref<1x128xi32, #tpu.memory_space<vmem>>
        %dma_wait3A_50 = tpu.memref_squeeze %dma_wait3A_49 : memref<1x128xi32, #tpu.memory_space<vmem>> -> memref<128xi32, #tpu.memory_space<vmem>>
        %dma_wait3A_51 = arith.constant 0 : i32
        %dma_wait3A_52 = arith.constant 0 : i32
        %dma_wait3A_53 = tpu.memref_slice %arg10[%dma_wait3A_51, %dma_wait3A_52] : memref<10240x128xf32, #tpu.memory_space<vmem_shared>> -> memref<10240x128xf32, #tpu.memory_space<vmem_shared>>
        tpu.wait_indirect_dma semaphore(%run_scoped3A : memref<!tpu.dma_semaphore, #tpu.memory_space<semaphore_mem>>) src(%arg9 : memref<128x128xf32, #tpu.memory_space<vmem>>) dst(%dma_wait3A_53 : memref<10240x128xf32, #tpu.memory_space<vmem_shared>>)
        tpu.yield
      }) : () -> ()
    }
    %scan3A_25 = arith.constant 79 : i32
    %barrier3A_26 = arith.constant 0 : index
    tpu.barrier barrier_id(%barrier3A_26)
    %mul3A_27 = arith.constant 640 : i32
    %mul3A_28 = arith.muli %arg1, %mul3A_27 : i32
    %mul3A_29 = arith.constant 640 : i32
    %mul3A_30 = arith.muli %arg1, %mul3A_29 : i32
    "tpu.region"() ({
      %run_scoped3A = tpu.sem_alloc : memref<!tpu.dma_semaphore, #tpu.memory_space<semaphore_mem>>
      %dma_start3A = arith.constant 0 : i32
      %dma_start3A_31 = tpu.memref_slice %arg6[%arg0, %mul3A_30, %dma_start3A] : memref<2x10240x128xf32, #tpu.memory_space<hbm>> -> memref<1x640x128xf32, #tpu.memory_space<hbm>>
      %dma_start3A_32 = tpu.memref_squeeze %dma_start3A_31 : memref<1x640x128xf32, #tpu.memory_space<hbm>> -> memref<640x128xf32, #tpu.memory_space<hbm>>
      %dma_start3A_33 = arith.constant 0 : i32
      %dma_start3A_34 = tpu.memref_slice %arg10[%mul3A_28, %dma_start3A_33] : memref<10240x128xf32, #tpu.memory_space<vmem_shared>> -> memref<640x128xf32, #tpu.memory_space<vmem_shared>>
      tpu.enqueue_dma source(%dma_start3A_34 : memref<640x128xf32, #tpu.memory_space<vmem_shared>>) target(%dma_start3A_32 : memref<640x128xf32, #tpu.memory_space<hbm>>) target_semaphore(%run_scoped3A : memref<!tpu.dma_semaphore, #tpu.memory_space<semaphore_mem>>)
      %dma_wait3A = arith.constant 0 : i32
      %dma_wait3A_35 = tpu.memref_slice %arg6[%arg0, %mul3A_30, %dma_wait3A] : memref<2x10240x128xf32, #tpu.memory_space<hbm>> -> memref<1x640x128xf32, #tpu.memory_space<hbm>>
      %dma_wait3A_36 = tpu.memref_squeeze %dma_wait3A_35 : memref<1x640x128xf32, #tpu.memory_space<hbm>> -> memref<640x128xf32, #tpu.memory_space<hbm>>
      %dma_wait3A_37 = arith.constant 0 : i32
      %dma_wait3A_38 = tpu.memref_slice %arg10[%mul3A_28, %dma_wait3A_37] : memref<10240x128xf32, #tpu.memory_space<vmem_shared>> -> memref<640x128xf32, #tpu.memory_space<vmem_shared>>
      tpu.wait_dma2 semaphore(%run_scoped3A : memref<!tpu.dma_semaphore, #tpu.memory_space<semaphore_mem>>) src(%dma_wait3A_38 : memref<640x128xf32, #tpu.memory_space<vmem_shared>>) dst(%dma_wait3A_36 : memref<640x128xf32, #tpu.memory_space<hbm>>)
      tpu.yield
    }) : () -> ()
    return
  }
}

#map = affine_map<(d0, d1) -> (0, 0)>
#map1 = affine_map<(d0, d1) -> (0, 0, 0)>
module attributes {stable_mosaic.version = 14 : i64} {
  func.func @run(%arg0: i32, %arg1: i32, %arg2: memref<40000x128xf32, #tpu.memory_space<hbm>>, %arg3: memref<32x79x128xi32, #tpu.memory_space<hbm>>, %arg4: memref<32x79x128xi32, #tpu.memory_space<hbm>>, %arg5: memref<128x128xf32, #tpu.memory_space<hbm>>, %arg6: memref<2x10240x128xf32, #tpu.memory_space<hbm>>, %arg7: memref<79x128xi32, #tpu.memory_space<vmem>>, %arg8: memref<79x128xi32, #tpu.memory_space<vmem>>, %arg9: memref<128x128xf32, #tpu.memory_space<vmem>>, %arg10: memref<10240x128xf32, #tpu.memory_space<vmem_shared>>, %arg11: memref<!tpu.dma_semaphore, #tpu.memory_space<semaphore_mem>>) attributes {dimension_semantics = [#tpu.dimension_semantics<core_parallel>, #tpu.dimension_semantics<subcore_parallel>], iteration_bounds = array<i64: 2, 16>, scalar_prefetch = 0 : i64, scratch_operands = 5 : i64, tpu.core_type = #tpu.core_type<sc_vector_subcore>, window_params = [{transform_indices = #map}, {transform_indices = #map1}, {transform_indices = #map1}, {transform_indices = #map}, {transform_indices = #map1}]} {
    %mul3A = arith.constant 2 : i32
    %mul3A_0 = arith.muli %arg1, %mul3A : i32
    %add3A = arith.addi %mul3A_0, %arg0 : i32
    "tpu.region"() ({
      %run_scoped3A = tpu.sem_alloc : memref<!tpu.dma_semaphore, #tpu.memory_space<semaphore_mem>>
      tpu.enqueue_dma source(%arg5 : memref<128x128xf32, #tpu.memory_space<hbm>>) target(%arg9 : memref<128x128xf32, #tpu.memory_space<vmem>>) target_semaphore(%run_scoped3A : memref<!tpu.dma_semaphore, #tpu.memory_space<semaphore_mem>>)
      tpu.wait_dma2 semaphore(%run_scoped3A : memref<!tpu.dma_semaphore, #tpu.memory_space<semaphore_mem>>) src(%arg5 : memref<128x128xf32, #tpu.memory_space<hbm>>) dst(%arg9 : memref<128x128xf32, #tpu.memory_space<vmem>>)
      tpu.yield
    }) : () -> ()
    %mul3A_1 = arith.constant 640 : i32
    %mul3A_2 = arith.muli %arg1, %mul3A_1 : i32
    %add3A_3 = arith.constant 0 : i32
    %add3A_4 = arith.addi %mul3A_2, %add3A_3 : i32
    "tpu.region"() ({
      %run_scoped3A = tpu.sem_alloc : memref<!tpu.dma_semaphore, #tpu.memory_space<semaphore_mem>>
      %dma_start3A = arith.constant 0 : i32
      %dma_start3A_31 = tpu.memref_slice %arg10[%add3A_4, %dma_start3A] : memref<10240x128xf32, #tpu.memory_space<vmem_shared>> -> memref<128x128xf32, #tpu.memory_space<vmem_shared>>
      %dma_start3A_32 = arith.constant 0 : i32
      %dma_start3A_33 = tpu.memref_slice %arg10[%add3A_4, %dma_start3A_32] : memref<10240x128xf32, #tpu.memory_space<vmem_shared>> -> memref<128x128xf32, #tpu.memory_space<vmem_shared>>
      tpu.enqueue_dma source(%arg9 : memref<128x128xf32, #tpu.memory_space<vmem>>) target(%dma_start3A_33 : memref<128x128xf32, #tpu.memory_space<vmem_shared>>) target_semaphore(%run_scoped3A : memref<!tpu.dma_semaphore, #tpu.memory_space<semaphore_mem>>)
      %dma_wait3A = arith.constant 0 : i32
      %dma_wait3A_34 = tpu.memref_slice %arg10[%add3A_4, %dma_wait3A] : memref<10240x128xf32, #tpu.memory_space<vmem_shared>> -> memref<128x128xf32, #tpu.memory_space<vmem_shared>>
      %dma_wait3A_35 = arith.constant 0 : i32
      %dma_wait3A_36 = tpu.memref_slice %arg10[%add3A_4, %dma_wait3A_35] : memref<10240x128xf32, #tpu.memory_space<vmem_shared>> -> memref<128x128xf32, #tpu.memory_space<vmem_shared>>
      tpu.wait_dma2 semaphore(%run_scoped3A : memref<!tpu.dma_semaphore, #tpu.memory_space<semaphore_mem>>) src(%arg9 : memref<128x128xf32, #tpu.memory_space<vmem>>) dst(%dma_wait3A_36 : memref<128x128xf32, #tpu.memory_space<vmem_shared>>)
      tpu.yield
    }) : () -> ()
    %mul3A_5 = arith.constant 640 : i32
    %mul3A_6 = arith.muli %arg1, %mul3A_5 : i32
    %add3A_7 = arith.constant 128 : i32
    %add3A_8 = arith.addi %mul3A_6, %add3A_7 : i32
    "tpu.region"() ({
      %run_scoped3A = tpu.sem_alloc : memref<!tpu.dma_semaphore, #tpu.memory_space<semaphore_mem>>
      %dma_start3A = arith.constant 0 : i32
      %dma_start3A_31 = tpu.memref_slice %arg10[%add3A_8, %dma_start3A] : memref<10240x128xf32, #tpu.memory_space<vmem_shared>> -> memref<128x128xf32, #tpu.memory_space<vmem_shared>>
      %dma_start3A_32 = arith.constant 0 : i32
      %dma_start3A_33 = tpu.memref_slice %arg10[%add3A_8, %dma_start3A_32] : memref<10240x128xf32, #tpu.memory_space<vmem_shared>> -> memref<128x128xf32, #tpu.memory_space<vmem_shared>>
      tpu.enqueue_dma source(%arg9 : memref<128x128xf32, #tpu.memory_space<vmem>>) target(%dma_start3A_33 : memref<128x128xf32, #tpu.memory_space<vmem_shared>>) target_semaphore(%run_scoped3A : memref<!tpu.dma_semaphore, #tpu.memory_space<semaphore_mem>>)
      %dma_wait3A = arith.constant 0 : i32
      %dma_wait3A_34 = tpu.memref_slice %arg10[%add3A_8, %dma_wait3A] : memref<10240x128xf32, #tpu.memory_space<vmem_shared>> -> memref<128x128xf32, #tpu.memory_space<vmem_shared>>
      %dma_wait3A_35 = arith.constant 0 : i32
      %dma_wait3A_36 = tpu.memref_slice %arg10[%add3A_8, %dma_wait3A_35] : memref<10240x128xf32, #tpu.memory_space<vmem_shared>> -> memref<128x128xf32, #tpu.memory_space<vmem_shared>>
      tpu.wait_dma2 semaphore(%run_scoped3A : memref<!tpu.dma_semaphore, #tpu.memory_space<semaphore_mem>>) src(%arg9 : memref<128x128xf32, #tpu.memory_space<vmem>>) dst(%dma_wait3A_36 : memref<128x128xf32, #tpu.memory_space<vmem_shared>>)
      tpu.yield
    }) : () -> ()
    %mul3A_9 = arith.constant 640 : i32
    %mul3A_10 = arith.muli %arg1, %mul3A_9 : i32
    %add3A_11 = arith.constant 256 : i32
    %add3A_12 = arith.addi %mul3A_10, %add3A_11 : i32
    "tpu.region"() ({
      %run_scoped3A = tpu.sem_alloc : memref<!tpu.dma_semaphore, #tpu.memory_space<semaphore_mem>>
      %dma_start3A = arith.constant 0 : i32
      %dma_start3A_31 = tpu.memref_slice %arg10[%add3A_12, %dma_start3A] : memref<10240x128xf32, #tpu.memory_space<vmem_shared>> -> memref<128x128xf32, #tpu.memory_space<vmem_shared>>
      %dma_start3A_32 = arith.constant 0 : i32
      %dma_start3A_33 = tpu.memref_slice %arg10[%add3A_12, %dma_start3A_32] : memref<10240x128xf32, #tpu.memory_space<vmem_shared>> -> memref<128x128xf32, #tpu.memory_space<vmem_shared>>
      tpu.enqueue_dma source(%arg9 : memref<128x128xf32, #tpu.memory_space<vmem>>) target(%dma_start3A_33 : memref<128x128xf32, #tpu.memory_space<vmem_shared>>) target_semaphore(%run_scoped3A : memref<!tpu.dma_semaphore, #tpu.memory_space<semaphore_mem>>)
      %dma_wait3A = arith.constant 0 : i32
      %dma_wait3A_34 = tpu.memref_slice %arg10[%add3A_12, %dma_wait3A] : memref<10240x128xf32, #tpu.memory_space<vmem_shared>> -> memref<128x128xf32, #tpu.memory_space<vmem_shared>>
      %dma_wait3A_35 = arith.constant 0 : i32
      %dma_wait3A_36 = tpu.memref_slice %arg10[%add3A_12, %dma_wait3A_35] : memref<10240x128xf32, #tpu.memory_space<vmem_shared>> -> memref<128x128xf32, #tpu.memory_space<vmem_shared>>
      tpu.wait_dma2 semaphore(%run_scoped3A : memref<!tpu.dma_semaphore, #tpu.memory_space<semaphore_mem>>) src(%arg9 : memref<128x128xf32, #tpu.memory_space<vmem>>) dst(%dma_wait3A_36 : memref<128x128xf32, #tpu.memory_space<vmem_shared>>)
      tpu.yield
    }) : () -> ()
    %mul3A_13 = arith.constant 640 : i32
    %mul3A_14 = arith.muli %arg1, %mul3A_13 : i32
    %add3A_15 = arith.constant 384 : i32
    %add3A_16 = arith.addi %mul3A_14, %add3A_15 : i32
    "tpu.region"() ({
      %run_scoped3A = tpu.sem_alloc : memref<!tpu.dma_semaphore, #tpu.memory_space<semaphore_mem>>
      %dma_start3A = arith.constant 0 : i32
      %dma_start3A_31 = tpu.memref_slice %arg10[%add3A_16, %dma_start3A] : memref<10240x128xf32, #tpu.memory_space<vmem_shared>> -> memref<128x128xf32, #tpu.memory_space<vmem_shared>>
      %dma_start3A_32 = arith.constant 0 : i32
      %dma_start3A_33 = tpu.memref_slice %arg10[%add3A_16, %dma_start3A_32] : memref<10240x128xf32, #tpu.memory_space<vmem_shared>> -> memref<128x128xf32, #tpu.memory_space<vmem_shared>>
      tpu.enqueue_dma source(%arg9 : memref<128x128xf32, #tpu.memory_space<vmem>>) target(%dma_start3A_33 : memref<128x128xf32, #tpu.memory_space<vmem_shared>>) target_semaphore(%run_scoped3A : memref<!tpu.dma_semaphore, #tpu.memory_space<semaphore_mem>>)
      %dma_wait3A = arith.constant 0 : i32
      %dma_wait3A_34 = tpu.memref_slice %arg10[%add3A_16, %dma_wait3A] : memref<10240x128xf32, #tpu.memory_space<vmem_shared>> -> memref<128x128xf32, #tpu.memory_space<vmem_shared>>
      %dma_wait3A_35 = arith.constant 0 : i32
      %dma_wait3A_36 = tpu.memref_slice %arg10[%add3A_16, %dma_wait3A_35] : memref<10240x128xf32, #tpu.memory_space<vmem_shared>> -> memref<128x128xf32, #tpu.memory_space<vmem_shared>>
      tpu.wait_dma2 semaphore(%run_scoped3A : memref<!tpu.dma_semaphore, #tpu.memory_space<semaphore_mem>>) src(%arg9 : memref<128x128xf32, #tpu.memory_space<vmem>>) dst(%dma_wait3A_36 : memref<128x128xf32, #tpu.memory_space<vmem_shared>>)
      tpu.yield
    }) : () -> ()
    %mul3A_17 = arith.constant 640 : i32
    %mul3A_18 = arith.muli %arg1, %mul3A_17 : i32
    %add3A_19 = arith.constant 512 : i32
    %add3A_20 = arith.addi %mul3A_18, %add3A_19 : i32
    "tpu.region"() ({
      %run_scoped3A = tpu.sem_alloc : memref<!tpu.dma_semaphore, #tpu.memory_space<semaphore_mem>>
      %dma_start3A = arith.constant 0 : i32
      %dma_start3A_31 = tpu.memref_slice %arg10[%add3A_20, %dma_start3A] : memref<10240x128xf32, #tpu.memory_space<vmem_shared>> -> memref<128x128xf32, #tpu.memory_space<vmem_shared>>
      %dma_start3A_32 = arith.constant 0 : i32
      %dma_start3A_33 = tpu.memref_slice %arg10[%add3A_20, %dma_start3A_32] : memref<10240x128xf32, #tpu.memory_space<vmem_shared>> -> memref<128x128xf32, #tpu.memory_space<vmem_shared>>
      tpu.enqueue_dma source(%arg9 : memref<128x128xf32, #tpu.memory_space<vmem>>) target(%dma_start3A_33 : memref<128x128xf32, #tpu.memory_space<vmem_shared>>) target_semaphore(%run_scoped3A : memref<!tpu.dma_semaphore, #tpu.memory_space<semaphore_mem>>)
      %dma_wait3A = arith.constant 0 : i32
      %dma_wait3A_34 = tpu.memref_slice %arg10[%add3A_20, %dma_wait3A] : memref<10240x128xf32, #tpu.memory_space<vmem_shared>> -> memref<128x128xf32, #tpu.memory_space<vmem_shared>>
      %dma_wait3A_35 = arith.constant 0 : i32
      %dma_wait3A_36 = tpu.memref_slice %arg10[%add3A_20, %dma_wait3A_35] : memref<10240x128xf32, #tpu.memory_space<vmem_shared>> -> memref<128x128xf32, #tpu.memory_space<vmem_shared>>
      tpu.wait_dma2 semaphore(%run_scoped3A : memref<!tpu.dma_semaphore, #tpu.memory_space<semaphore_mem>>) src(%arg9 : memref<128x128xf32, #tpu.memory_space<vmem>>) dst(%dma_wait3A_36 : memref<128x128xf32, #tpu.memory_space<vmem_shared>>)
      tpu.yield
    }) : () -> ()
    %barrier3A = arith.constant 0 : index
    tpu.barrier barrier_id(%barrier3A)
    "tpu.region"() ({
      %run_scoped3A = tpu.sem_alloc : memref<!tpu.dma_semaphore, #tpu.memory_space<semaphore_mem>>
      %dma_start3A = arith.constant 0 : i32
      %dma_start3A_31 = arith.constant 0 : i32
      %dma_start3A_32 = tpu.memref_slice %arg3[%add3A, %dma_start3A, %dma_start3A_31] : memref<32x79x128xi32, #tpu.memory_space<hbm>> -> memref<1x79x128xi32, #tpu.memory_space<hbm>>
      %dma_start3A_33 = tpu.memref_squeeze %dma_start3A_32 : memref<1x79x128xi32, #tpu.memory_space<hbm>> -> memref<79x128xi32, #tpu.memory_space<hbm>>
      %dma_start3A_34 = arith.constant 0 : i32
      %dma_start3A_35 = arith.constant 0 : i32
      %dma_start3A_36 = tpu.memref_slice %arg3[%add3A, %dma_start3A_34, %dma_start3A_35] : memref<32x79x128xi32, #tpu.memory_space<hbm>> -> memref<1x79x128xi32, #tpu.memory_space<hbm>>
      %dma_start3A_37 = tpu.memref_squeeze %dma_start3A_36 : memref<1x79x128xi32, #tpu.memory_space<hbm>> -> memref<79x128xi32, #tpu.memory_space<hbm>>
      tpu.enqueue_dma source(%dma_start3A_37 : memref<79x128xi32, #tpu.memory_space<hbm>>) target(%arg7 : memref<79x128xi32, #tpu.memory_space<vmem>>) target_semaphore(%run_scoped3A : memref<!tpu.dma_semaphore, #tpu.memory_space<semaphore_mem>>)
      %dma_wait3A = arith.constant 0 : i32
      %dma_wait3A_38 = arith.constant 0 : i32
      %dma_wait3A_39 = tpu.memref_slice %arg3[%add3A, %dma_wait3A, %dma_wait3A_38] : memref<32x79x128xi32, #tpu.memory_space<hbm>> -> memref<1x79x128xi32, #tpu.memory_space<hbm>>
      %dma_wait3A_40 = tpu.memref_squeeze %dma_wait3A_39 : memref<1x79x128xi32, #tpu.memory_space<hbm>> -> memref<79x128xi32, #tpu.memory_space<hbm>>
      %dma_wait3A_41 = arith.constant 0 : i32
      %dma_wait3A_42 = arith.constant 0 : i32
      %dma_wait3A_43 = tpu.memref_slice %arg3[%add3A, %dma_wait3A_41, %dma_wait3A_42] : memref<32x79x128xi32, #tpu.memory_space<hbm>> -> memref<1x79x128xi32, #tpu.memory_space<hbm>>
      %dma_wait3A_44 = tpu.memref_squeeze %dma_wait3A_43 : memref<1x79x128xi32, #tpu.memory_space<hbm>> -> memref<79x128xi32, #tpu.memory_space<hbm>>
      tpu.wait_dma2 semaphore(%run_scoped3A : memref<!tpu.dma_semaphore, #tpu.memory_space<semaphore_mem>>) src(%dma_wait3A_44 : memref<79x128xi32, #tpu.memory_space<hbm>>) dst(%arg7 : memref<79x128xi32, #tpu.memory_space<vmem>>)
      tpu.yield
    }) : () -> ()
    "tpu.region"() ({
      %run_scoped3A = tpu.sem_alloc : memref<!tpu.dma_semaphore, #tpu.memory_space<semaphore_mem>>
      %dma_start3A = arith.constant 0 : i32
      %dma_start3A_31 = arith.constant 0 : i32
      %dma_start3A_32 = tpu.memref_slice %arg4[%add3A, %dma_start3A, %dma_start3A_31] : memref<32x79x128xi32, #tpu.memory_space<hbm>> -> memref<1x79x128xi32, #tpu.memory_space<hbm>>
      %dma_start3A_33 = tpu.memref_squeeze %dma_start3A_32 : memref<1x79x128xi32, #tpu.memory_space<hbm>> -> memref<79x128xi32, #tpu.memory_space<hbm>>
      %dma_start3A_34 = arith.constant 0 : i32
      %dma_start3A_35 = arith.constant 0 : i32
      %dma_start3A_36 = tpu.memref_slice %arg4[%add3A, %dma_start3A_34, %dma_start3A_35] : memref<32x79x128xi32, #tpu.memory_space<hbm>> -> memref<1x79x128xi32, #tpu.memory_space<hbm>>
      %dma_start3A_37 = tpu.memref_squeeze %dma_start3A_36 : memref<1x79x128xi32, #tpu.memory_space<hbm>> -> memref<79x128xi32, #tpu.memory_space<hbm>>
      tpu.enqueue_dma source(%dma_start3A_37 : memref<79x128xi32, #tpu.memory_space<hbm>>) target(%arg8 : memref<79x128xi32, #tpu.memory_space<vmem>>) target_semaphore(%run_scoped3A : memref<!tpu.dma_semaphore, #tpu.memory_space<semaphore_mem>>)
      %dma_wait3A = arith.constant 0 : i32
      %dma_wait3A_38 = arith.constant 0 : i32
      %dma_wait3A_39 = tpu.memref_slice %arg4[%add3A, %dma_wait3A, %dma_wait3A_38] : memref<32x79x128xi32, #tpu.memory_space<hbm>> -> memref<1x79x128xi32, #tpu.memory_space<hbm>>
      %dma_wait3A_40 = tpu.memref_squeeze %dma_wait3A_39 : memref<1x79x128xi32, #tpu.memory_space<hbm>> -> memref<79x128xi32, #tpu.memory_space<hbm>>
      %dma_wait3A_41 = arith.constant 0 : i32
      %dma_wait3A_42 = arith.constant 0 : i32
      %dma_wait3A_43 = tpu.memref_slice %arg4[%add3A, %dma_wait3A_41, %dma_wait3A_42] : memref<32x79x128xi32, #tpu.memory_space<hbm>> -> memref<1x79x128xi32, #tpu.memory_space<hbm>>
      %dma_wait3A_44 = tpu.memref_squeeze %dma_wait3A_43 : memref<1x79x128xi32, #tpu.memory_space<hbm>> -> memref<79x128xi32, #tpu.memory_space<hbm>>
      tpu.wait_dma2 semaphore(%run_scoped3A : memref<!tpu.dma_semaphore, #tpu.memory_space<semaphore_mem>>) src(%dma_wait3A_44 : memref<79x128xi32, #tpu.memory_space<hbm>>) dst(%arg8 : memref<79x128xi32, #tpu.memory_space<vmem>>)
      tpu.yield
    }) : () -> ()
    %scan3A = arith.constant 0 : i32
    %scan3A_21 = arith.constant 0 : i32
    %scan3A_22 = arith.constant 79 : i32
    %scan3A_23 = arith.addi %scan3A_21, %scan3A_22 : i32
    %scan3A_24 = arith.constant 1 : i32
    scf.for %scan3A_31 = %scan3A_21 to %scan3A_23 step %scan3A_24  : i32 {
      %dma_start3A = arith.constant 0 : i32
      %dma_start3A_32 = tpu.memref_slice %arg7[%scan3A_31, %dma_start3A] : memref<79x128xi32, #tpu.memory_space<vmem>> -> memref<1x128xi32, #tpu.memory_space<vmem>>
      %dma_start3A_33 = tpu.memref_squeeze %dma_start3A_32 : memref<1x128xi32, #tpu.memory_space<vmem>> -> memref<128xi32, #tpu.memory_space<vmem>>
      %dma_start3A_34 = arith.constant 0 : i32
      %dma_start3A_35 = arith.constant 0 : i32
      %dma_start3A_36 = tpu.memref_slice %arg2[%dma_start3A_34, %dma_start3A_35] : memref<40000x128xf32, #tpu.memory_space<hbm>> -> memref<40000x128xf32, #tpu.memory_space<hbm>>
      tpu.enqueue_indirect_dma source(%dma_start3A_36 : memref<40000x128xf32, #tpu.memory_space<hbm>>) target(%arg9 : memref<128x128xf32, #tpu.memory_space<vmem>>) offsets(%dma_start3A_33 : memref<128xi32, #tpu.memory_space<vmem>>) semaphore(%arg11 : memref<!tpu.dma_semaphore, #tpu.memory_space<semaphore_mem>>)
      %dma_wait3A = arith.constant 0 : i32
      %dma_wait3A_37 = tpu.memref_slice %arg7[%scan3A_31, %dma_wait3A] : memref<79x128xi32, #tpu.memory_space<vmem>> -> memref<1x128xi32, #tpu.memory_space<vmem>>
      %dma_wait3A_38 = tpu.memref_squeeze %dma_wait3A_37 : memref<1x128xi32, #tpu.memory_space<vmem>> -> memref<128xi32, #tpu.memory_space<vmem>>
      %dma_wait3A_39 = arith.constant 0 : i32
      %dma_wait3A_40 = arith.constant 0 : i32
      %dma_wait3A_41 = tpu.memref_slice %arg2[%dma_wait3A_39, %dma_wait3A_40] : memref<40000x128xf32, #tpu.memory_space<hbm>> -> memref<40000x128xf32, #tpu.memory_space<hbm>>
      tpu.wait_indirect_dma semaphore(%arg11 : memref<!tpu.dma_semaphore, #tpu.memory_space<semaphore_mem>>) src(%dma_wait3A_41 : memref<40000x128xf32, #tpu.memory_space<hbm>>) dst(%arg9 : memref<128x128xf32, #tpu.memory_space<vmem>>)
      "tpu.region"() ({
        %run_scoped3A = tpu.sem_alloc : memref<!tpu.dma_semaphore, #tpu.memory_space<semaphore_mem>>
        %dma_start3A_42 = arith.constant 0 : i32
        %dma_start3A_43 = tpu.memref_slice %arg8[%scan3A_31, %dma_start3A_42] : memref<79x128xi32, #tpu.memory_space<vmem>> -> memref<1x128xi32, #tpu.memory_space<vmem>>
        %dma_start3A_44 = tpu.memref_squeeze %dma_start3A_43 : memref<1x128xi32, #tpu.memory_space<vmem>> -> memref<128xi32, #tpu.memory_space<vmem>>
        %dma_start3A_45 = arith.constant 0 : i32
        %dma_start3A_46 = arith.constant 0 : i32
        %dma_start3A_47 = tpu.memref_slice %arg10[%dma_start3A_45, %dma_start3A_46] : memref<10240x128xf32, #tpu.memory_space<vmem_shared>> -> memref<10240x128xf32, #tpu.memory_space<vmem_shared>>
        tpu.enqueue_indirect_dma source(%arg9 : memref<128x128xf32, #tpu.memory_space<vmem>>) target(%dma_start3A_47 : memref<10240x128xf32, #tpu.memory_space<vmem_shared>>) offsets(%dma_start3A_44 : memref<128xi32, #tpu.memory_space<vmem>>) semaphore(%run_scoped3A : memref<!tpu.dma_semaphore, #tpu.memory_space<semaphore_mem>>) {add = true}
        %dma_wait3A_48 = arith.constant 0 : i32
        %dma_wait3A_49 = tpu.memref_slice %arg8[%scan3A_31, %dma_wait3A_48] : memref<79x128xi32, #tpu.memory_space<vmem>> -> memref<1x128xi32, #tpu.memory_space<vmem>>
        %dma_wait3A_50 = tpu.memref_squeeze %dma_wait3A_49 : memref<1x128xi32, #tpu.memory_space<vmem>> -> memref<128xi32, #tpu.memory_space<vmem>>
        %dma_wait3A_51 = arith.constant 0 : i32
        %dma_wait3A_52 = arith.constant 0 : i32
        %dma_wait3A_53 = tpu.memref_slice %arg10[%dma_wait3A_51, %dma_wait3A_52] : memref<10240x128xf32, #tpu.memory_space<vmem_shared>> -> memref<10240x128xf32, #tpu.memory_space<vmem_shared>>
        tpu.wait_indirect_dma semaphore(%run_scoped3A : memref<!tpu.dma_semaphore, #tpu.memory_space<semaphore_mem>>) src(%arg9 : memref<128x128xf32, #tpu.memory_space<vmem>>) dst(%dma_wait3A_53 : memref<10240x128xf32, #tpu.memory_space<vmem_shared>>)
        tpu.yield
      }) : () -> ()
    }
    %scan3A_25 = arith.constant 79 : i32
    %barrier3A_26 = arith.constant 0 : index
    tpu.barrier barrier_id(%barrier3A_26)
    %mul3A_27 = arith.constant 640 : i32
    %mul3A_28 = arith.muli %arg1, %mul3A_27 : i32
    %mul3A_29 = arith.constant 640 : i32
    %mul3A_30 = arith.muli %arg1, %mul3A_29 : i32
    "tpu.region"() ({
      %run_scoped3A = tpu.sem_alloc : memref<!tpu.dma_semaphore, #tpu.memory_space<semaphore_mem>>
      %dma_start3A = arith.constant 0 : i32
      %dma_start3A_31 = tpu.memref_slice %arg6[%arg0, %mul3A_30, %dma_start3A] : memref<2x10240x128xf32, #tpu.memory_space<hbm>> -> memref<1x640x128xf32, #tpu.memory_space<hbm>>
      %dma_start3A_32 = tpu.memref_squeeze %dma_start3A_31 : memref<1x640x128xf32, #tpu.memory_space<hbm>> -> memref<640x128xf32, #tpu.memory_space<hbm>>
      %dma_start3A_33 = arith.constant 0 : i32
      %dma_start3A_34 = tpu.memref_slice %arg10[%mul3A_28, %dma_start3A_33] : memref<10240x128xf32, #tpu.memory_space<vmem_shared>> -> memref<640x128xf32, #tpu.memory_space<vmem_shared>>
      tpu.enqueue_dma source(%dma_start3A_34 : memref<640x128xf32, #tpu.memory_space<vmem_shared>>) target(%dma_start3A_32 : memref<640x128xf32, #tpu.memory_space<hbm>>) target_semaphore(%run_scoped3A : memref<!tpu.dma_semaphore, #tpu.memory_space<semaphore_mem>>)
      %dma_wait3A = arith.constant 0 : i32
      %dma_wait3A_35 = tpu.memref_slice %arg6[%arg0, %mul3A_30, %dma_wait3A] : memref<2x10240x128xf32, #tpu.memory_space<hbm>> -> memref<1x640x128xf32, #tpu.memory_space<hbm>>
      %dma_wait3A_36 = tpu.memref_squeeze %dma_wait3A_35 : memref<1x640x128xf32, #tpu.memory_space<hbm>> -> memref<640x128xf32, #tpu.memory_space<hbm>>
      %dma_wait3A_37 = arith.constant 0 : i32
      %dma_wait3A_38 = tpu.memref_slice %arg10[%mul3A_28, %dma_wait3A_37] : memref<10240x128xf32, #tpu.memory_space<vmem_shared>> -> memref<640x128xf32, #tpu.memory_space<vmem_shared>>
      tpu.wait_dma2 semaphore(%run_scoped3A : memref<!tpu.dma_semaphore, #tpu.memory_space<semaphore_mem>>) src(%dma_wait3A_38 : memref<640x128xf32, #tpu.memory_space<vmem_shared>>) dst(%dma_wait3A_36 : memref<640x128xf32, #tpu.memory_space<hbm>>)
      tpu.yield
    }) : () -> ()
    return
  }
}

#map = affine_map<(d0, d1) -> (0, 0)>
#map1 = affine_map<(d0, d1) -> (0, 0, 0)>
module attributes {stable_mosaic.version = 14 : i64} {
  func.func @run(%arg0: i32, %arg1: i32, %arg2: memref<40000x128xf32, #tpu.memory_space<hbm>>, %arg3: memref<32x79x128xi32, #tpu.memory_space<hbm>>, %arg4: memref<32x79x128xi32, #tpu.memory_space<hbm>>, %arg5: memref<128x128xf32, #tpu.memory_space<hbm>>, %arg6: memref<2x10240x128xf32, #tpu.memory_space<hbm>>, %arg7: memref<79x128xi32, #tpu.memory_space<vmem>>, %arg8: memref<79x128xi32, #tpu.memory_space<vmem>>, %arg9: memref<128x128xf32, #tpu.memory_space<vmem>>, %arg10: memref<10240x128xf32, #tpu.memory_space<vmem_shared>>, %arg11: memref<!tpu.dma_semaphore, #tpu.memory_space<semaphore_mem>>) attributes {dimension_semantics = [#tpu.dimension_semantics<core_parallel>, #tpu.dimension_semantics<subcore_parallel>], iteration_bounds = array<i64: 2, 16>, scalar_prefetch = 0 : i64, scratch_operands = 5 : i64, tpu.core_type = #tpu.core_type<sc_vector_subcore>, window_params = [{transform_indices = #map}, {transform_indices = #map1}, {transform_indices = #map1}, {transform_indices = #map}, {transform_indices = #map1}]} {
    %mul3A = arith.constant 2 : i32
    %mul3A_0 = arith.muli %arg1, %mul3A : i32
    %add3A = arith.addi %mul3A_0, %arg0 : i32
    "tpu.region"() ({
      %run_scoped3A = tpu.sem_alloc : memref<!tpu.dma_semaphore, #tpu.memory_space<semaphore_mem>>
      tpu.enqueue_dma source(%arg5 : memref<128x128xf32, #tpu.memory_space<hbm>>) target(%arg9 : memref<128x128xf32, #tpu.memory_space<vmem>>) target_semaphore(%run_scoped3A : memref<!tpu.dma_semaphore, #tpu.memory_space<semaphore_mem>>)
      tpu.wait_dma2 semaphore(%run_scoped3A : memref<!tpu.dma_semaphore, #tpu.memory_space<semaphore_mem>>) src(%arg5 : memref<128x128xf32, #tpu.memory_space<hbm>>) dst(%arg9 : memref<128x128xf32, #tpu.memory_space<vmem>>)
      tpu.yield
    }) : () -> ()
    %mul3A_1 = arith.constant 640 : i32
    %mul3A_2 = arith.muli %arg1, %mul3A_1 : i32
    %add3A_3 = arith.constant 0 : i32
    %add3A_4 = arith.addi %mul3A_2, %add3A_3 : i32
    "tpu.region"() ({
      %run_scoped3A = tpu.sem_alloc : memref<!tpu.dma_semaphore, #tpu.memory_space<semaphore_mem>>
      %dma_start3A = arith.constant 0 : i32
      %dma_start3A_31 = tpu.memref_slice %arg10[%add3A_4, %dma_start3A] : memref<10240x128xf32, #tpu.memory_space<vmem_shared>> -> memref<128x128xf32, #tpu.memory_space<vmem_shared>>
      %dma_start3A_32 = arith.constant 0 : i32
      %dma_start3A_33 = tpu.memref_slice %arg10[%add3A_4, %dma_start3A_32] : memref<10240x128xf32, #tpu.memory_space<vmem_shared>> -> memref<128x128xf32, #tpu.memory_space<vmem_shared>>
      tpu.enqueue_dma source(%arg9 : memref<128x128xf32, #tpu.memory_space<vmem>>) target(%dma_start3A_33 : memref<128x128xf32, #tpu.memory_space<vmem_shared>>) target_semaphore(%run_scoped3A : memref<!tpu.dma_semaphore, #tpu.memory_space<semaphore_mem>>)
      %dma_wait3A = arith.constant 0 : i32
      %dma_wait3A_34 = tpu.memref_slice %arg10[%add3A_4, %dma_wait3A] : memref<10240x128xf32, #tpu.memory_space<vmem_shared>> -> memref<128x128xf32, #tpu.memory_space<vmem_shared>>
      %dma_wait3A_35 = arith.constant 0 : i32
      %dma_wait3A_36 = tpu.memref_slice %arg10[%add3A_4, %dma_wait3A_35] : memref<10240x128xf32, #tpu.memory_space<vmem_shared>> -> memref<128x128xf32, #tpu.memory_space<vmem_shared>>
      tpu.wait_dma2 semaphore(%run_scoped3A : memref<!tpu.dma_semaphore, #tpu.memory_space<semaphore_mem>>) src(%arg9 : memref<128x128xf32, #tpu.memory_space<vmem>>) dst(%dma_wait3A_36 : memref<128x128xf32, #tpu.memory_space<vmem_shared>>)
      tpu.yield
    }) : () -> ()
    %mul3A_5 = arith.constant 640 : i32
    %mul3A_6 = arith.muli %arg1, %mul3A_5 : i32
    %add3A_7 = arith.constant 128 : i32
    %add3A_8 = arith.addi %mul3A_6, %add3A_7 : i32
    "tpu.region"() ({
      %run_scoped3A = tpu.sem_alloc : memref<!tpu.dma_semaphore, #tpu.memory_space<semaphore_mem>>
      %dma_start3A = arith.constant 0 : i32
      %dma_start3A_31 = tpu.memref_slice %arg10[%add3A_8, %dma_start3A] : memref<10240x128xf32, #tpu.memory_space<vmem_shared>> -> memref<128x128xf32, #tpu.memory_space<vmem_shared>>
      %dma_start3A_32 = arith.constant 0 : i32
      %dma_start3A_33 = tpu.memref_slice %arg10[%add3A_8, %dma_start3A_32] : memref<10240x128xf32, #tpu.memory_space<vmem_shared>> -> memref<128x128xf32, #tpu.memory_space<vmem_shared>>
      tpu.enqueue_dma source(%arg9 : memref<128x128xf32, #tpu.memory_space<vmem>>) target(%dma_start3A_33 : memref<128x128xf32, #tpu.memory_space<vmem_shared>>) target_semaphore(%run_scoped3A : memref<!tpu.dma_semaphore, #tpu.memory_space<semaphore_mem>>)
      %dma_wait3A = arith.constant 0 : i32
      %dma_wait3A_34 = tpu.memref_slice %arg10[%add3A_8, %dma_wait3A] : memref<10240x128xf32, #tpu.memory_space<vmem_shared>> -> memref<128x128xf32, #tpu.memory_space<vmem_shared>>
      %dma_wait3A_35 = arith.constant 0 : i32
      %dma_wait3A_36 = tpu.memref_slice %arg10[%add3A_8, %dma_wait3A_35] : memref<10240x128xf32, #tpu.memory_space<vmem_shared>> -> memref<128x128xf32, #tpu.memory_space<vmem_shared>>
      tpu.wait_dma2 semaphore(%run_scoped3A : memref<!tpu.dma_semaphore, #tpu.memory_space<semaphore_mem>>) src(%arg9 : memref<128x128xf32, #tpu.memory_space<vmem>>) dst(%dma_wait3A_36 : memref<128x128xf32, #tpu.memory_space<vmem_shared>>)
      tpu.yield
    }) : () -> ()
    %mul3A_9 = arith.constant 640 : i32
    %mul3A_10 = arith.muli %arg1, %mul3A_9 : i32
    %add3A_11 = arith.constant 256 : i32
    %add3A_12 = arith.addi %mul3A_10, %add3A_11 : i32
    "tpu.region"() ({
      %run_scoped3A = tpu.sem_alloc : memref<!tpu.dma_semaphore, #tpu.memory_space<semaphore_mem>>
      %dma_start3A = arith.constant 0 : i32
      %dma_start3A_31 = tpu.memref_slice %arg10[%add3A_12, %dma_start3A] : memref<10240x128xf32, #tpu.memory_space<vmem_shared>> -> memref<128x128xf32, #tpu.memory_space<vmem_shared>>
      %dma_start3A_32 = arith.constant 0 : i32
      %dma_start3A_33 = tpu.memref_slice %arg10[%add3A_12, %dma_start3A_32] : memref<10240x128xf32, #tpu.memory_space<vmem_shared>> -> memref<128x128xf32, #tpu.memory_space<vmem_shared>>
      tpu.enqueue_dma source(%arg9 : memref<128x128xf32, #tpu.memory_space<vmem>>) target(%dma_start3A_33 : memref<128x128xf32, #tpu.memory_space<vmem_shared>>) target_semaphore(%run_scoped3A : memref<!tpu.dma_semaphore, #tpu.memory_space<semaphore_mem>>)
      %dma_wait3A = arith.constant 0 : i32
      %dma_wait3A_34 = tpu.memref_slice %arg10[%add3A_12, %dma_wait3A] : memref<10240x128xf32, #tpu.memory_space<vmem_shared>> -> memref<128x128xf32, #tpu.memory_space<vmem_shared>>
      %dma_wait3A_35 = arith.constant 0 : i32
      %dma_wait3A_36 = tpu.memref_slice %arg10[%add3A_12, %dma_wait3A_35] : memref<10240x128xf32, #tpu.memory_space<vmem_shared>> -> memref<128x128xf32, #tpu.memory_space<vmem_shared>>
      tpu.wait_dma2 semaphore(%run_scoped3A : memref<!tpu.dma_semaphore, #tpu.memory_space<semaphore_mem>>) src(%arg9 : memref<128x128xf32, #tpu.memory_space<vmem>>) dst(%dma_wait3A_36 : memref<128x128xf32, #tpu.memory_space<vmem_shared>>)
      tpu.yield
    }) : () -> ()
    %mul3A_13 = arith.constant 640 : i32
    %mul3A_14 = arith.muli %arg1, %mul3A_13 : i32
    %add3A_15 = arith.constant 384 : i32
    %add3A_16 = arith.addi %mul3A_14, %add3A_15 : i32
    "tpu.region"() ({
      %run_scoped3A = tpu.sem_alloc : memref<!tpu.dma_semaphore, #tpu.memory_space<semaphore_mem>>
      %dma_start3A = arith.constant 0 : i32
      %dma_start3A_31 = tpu.memref_slice %arg10[%add3A_16, %dma_start3A] : memref<10240x128xf32, #tpu.memory_space<vmem_shared>> -> memref<128x128xf32, #tpu.memory_space<vmem_shared>>
      %dma_start3A_32 = arith.constant 0 : i32
      %dma_start3A_33 = tpu.memref_slice %arg10[%add3A_16, %dma_start3A_32] : memref<10240x128xf32, #tpu.memory_space<vmem_shared>> -> memref<128x128xf32, #tpu.memory_space<vmem_shared>>
      tpu.enqueue_dma source(%arg9 : memref<128x128xf32, #tpu.memory_space<vmem>>) target(%dma_start3A_33 : memref<128x128xf32, #tpu.memory_space<vmem_shared>>) target_semaphore(%run_scoped3A : memref<!tpu.dma_semaphore, #tpu.memory_space<semaphore_mem>>)
      %dma_wait3A = arith.constant 0 : i32
      %dma_wait3A_34 = tpu.memref_slice %arg10[%add3A_16, %dma_wait3A] : memref<10240x128xf32, #tpu.memory_space<vmem_shared>> -> memref<128x128xf32, #tpu.memory_space<vmem_shared>>
      %dma_wait3A_35 = arith.constant 0 : i32
      %dma_wait3A_36 = tpu.memref_slice %arg10[%add3A_16, %dma_wait3A_35] : memref<10240x128xf32, #tpu.memory_space<vmem_shared>> -> memref<128x128xf32, #tpu.memory_space<vmem_shared>>
      tpu.wait_dma2 semaphore(%run_scoped3A : memref<!tpu.dma_semaphore, #tpu.memory_space<semaphore_mem>>) src(%arg9 : memref<128x128xf32, #tpu.memory_space<vmem>>) dst(%dma_wait3A_36 : memref<128x128xf32, #tpu.memory_space<vmem_shared>>)
      tpu.yield
    }) : () -> ()
    %mul3A_17 = arith.constant 640 : i32
    %mul3A_18 = arith.muli %arg1, %mul3A_17 : i32
    %add3A_19 = arith.constant 512 : i32
    %add3A_20 = arith.addi %mul3A_18, %add3A_19 : i32
    "tpu.region"() ({
      %run_scoped3A = tpu.sem_alloc : memref<!tpu.dma_semaphore, #tpu.memory_space<semaphore_mem>>
      %dma_start3A = arith.constant 0 : i32
      %dma_start3A_31 = tpu.memref_slice %arg10[%add3A_20, %dma_start3A] : memref<10240x128xf32, #tpu.memory_space<vmem_shared>> -> memref<128x128xf32, #tpu.memory_space<vmem_shared>>
      %dma_start3A_32 = arith.constant 0 : i32
      %dma_start3A_33 = tpu.memref_slice %arg10[%add3A_20, %dma_start3A_32] : memref<10240x128xf32, #tpu.memory_space<vmem_shared>> -> memref<128x128xf32, #tpu.memory_space<vmem_shared>>
      tpu.enqueue_dma source(%arg9 : memref<128x128xf32, #tpu.memory_space<vmem>>) target(%dma_start3A_33 : memref<128x128xf32, #tpu.memory_space<vmem_shared>>) target_semaphore(%run_scoped3A : memref<!tpu.dma_semaphore, #tpu.memory_space<semaphore_mem>>)
      %dma_wait3A = arith.constant 0 : i32
      %dma_wait3A_34 = tpu.memref_slice %arg10[%add3A_20, %dma_wait3A] : memref<10240x128xf32, #tpu.memory_space<vmem_shared>> -> memref<128x128xf32, #tpu.memory_space<vmem_shared>>
      %dma_wait3A_35 = arith.constant 0 : i32
      %dma_wait3A_36 = tpu.memref_slice %arg10[%add3A_20, %dma_wait3A_35] : memref<10240x128xf32, #tpu.memory_space<vmem_shared>> -> memref<128x128xf32, #tpu.memory_space<vmem_shared>>
      tpu.wait_dma2 semaphore(%run_scoped3A : memref<!tpu.dma_semaphore, #tpu.memory_space<semaphore_mem>>) src(%arg9 : memref<128x128xf32, #tpu.memory_space<vmem>>) dst(%dma_wait3A_36 : memref<128x128xf32, #tpu.memory_space<vmem_shared>>)
      tpu.yield
    }) : () -> ()
    %barrier3A = arith.constant 0 : index
    tpu.barrier barrier_id(%barrier3A)
    "tpu.region"() ({
      %run_scoped3A = tpu.sem_alloc : memref<!tpu.dma_semaphore, #tpu.memory_space<semaphore_mem>>
      %dma_start3A = arith.constant 0 : i32
      %dma_start3A_31 = arith.constant 0 : i32
      %dma_start3A_32 = tpu.memref_slice %arg3[%add3A, %dma_start3A, %dma_start3A_31] : memref<32x79x128xi32, #tpu.memory_space<hbm>> -> memref<1x79x128xi32, #tpu.memory_space<hbm>>
      %dma_start3A_33 = tpu.memref_squeeze %dma_start3A_32 : memref<1x79x128xi32, #tpu.memory_space<hbm>> -> memref<79x128xi32, #tpu.memory_space<hbm>>
      %dma_start3A_34 = arith.constant 0 : i32
      %dma_start3A_35 = arith.constant 0 : i32
      %dma_start3A_36 = tpu.memref_slice %arg3[%add3A, %dma_start3A_34, %dma_start3A_35] : memref<32x79x128xi32, #tpu.memory_space<hbm>> -> memref<1x79x128xi32, #tpu.memory_space<hbm>>
      %dma_start3A_37 = tpu.memref_squeeze %dma_start3A_36 : memref<1x79x128xi32, #tpu.memory_space<hbm>> -> memref<79x128xi32, #tpu.memory_space<hbm>>
      tpu.enqueue_dma source(%dma_start3A_37 : memref<79x128xi32, #tpu.memory_space<hbm>>) target(%arg7 : memref<79x128xi32, #tpu.memory_space<vmem>>) target_semaphore(%run_scoped3A : memref<!tpu.dma_semaphore, #tpu.memory_space<semaphore_mem>>)
      %dma_wait3A = arith.constant 0 : i32
      %dma_wait3A_38 = arith.constant 0 : i32
      %dma_wait3A_39 = tpu.memref_slice %arg3[%add3A, %dma_wait3A, %dma_wait3A_38] : memref<32x79x128xi32, #tpu.memory_space<hbm>> -> memref<1x79x128xi32, #tpu.memory_space<hbm>>
      %dma_wait3A_40 = tpu.memref_squeeze %dma_wait3A_39 : memref<1x79x128xi32, #tpu.memory_space<hbm>> -> memref<79x128xi32, #tpu.memory_space<hbm>>
      %dma_wait3A_41 = arith.constant 0 : i32
      %dma_wait3A_42 = arith.constant 0 : i32
      %dma_wait3A_43 = tpu.memref_slice %arg3[%add3A, %dma_wait3A_41, %dma_wait3A_42] : memref<32x79x128xi32, #tpu.memory_space<hbm>> -> memref<1x79x128xi32, #tpu.memory_space<hbm>>
      %dma_wait3A_44 = tpu.memref_squeeze %dma_wait3A_43 : memref<1x79x128xi32, #tpu.memory_space<hbm>> -> memref<79x128xi32, #tpu.memory_space<hbm>>
      tpu.wait_dma2 semaphore(%run_scoped3A : memref<!tpu.dma_semaphore, #tpu.memory_space<semaphore_mem>>) src(%dma_wait3A_44 : memref<79x128xi32, #tpu.memory_space<hbm>>) dst(%arg7 : memref<79x128xi32, #tpu.memory_space<vmem>>)
      tpu.yield
    }) : () -> ()
    "tpu.region"() ({
      %run_scoped3A = tpu.sem_alloc : memref<!tpu.dma_semaphore, #tpu.memory_space<semaphore_mem>>
      %dma_start3A = arith.constant 0 : i32
      %dma_start3A_31 = arith.constant 0 : i32
      %dma_start3A_32 = tpu.memref_slice %arg4[%add3A, %dma_start3A, %dma_start3A_31] : memref<32x79x128xi32, #tpu.memory_space<hbm>> -> memref<1x79x128xi32, #tpu.memory_space<hbm>>
      %dma_start3A_33 = tpu.memref_squeeze %dma_start3A_32 : memref<1x79x128xi32, #tpu.memory_space<hbm>> -> memref<79x128xi32, #tpu.memory_space<hbm>>
      %dma_start3A_34 = arith.constant 0 : i32
      %dma_start3A_35 = arith.constant 0 : i32
      %dma_start3A_36 = tpu.memref_slice %arg4[%add3A, %dma_start3A_34, %dma_start3A_35] : memref<32x79x128xi32, #tpu.memory_space<hbm>> -> memref<1x79x128xi32, #tpu.memory_space<hbm>>
      %dma_start3A_37 = tpu.memref_squeeze %dma_start3A_36 : memref<1x79x128xi32, #tpu.memory_space<hbm>> -> memref<79x128xi32, #tpu.memory_space<hbm>>
      tpu.enqueue_dma source(%dma_start3A_37 : memref<79x128xi32, #tpu.memory_space<hbm>>) target(%arg8 : memref<79x128xi32, #tpu.memory_space<vmem>>) target_semaphore(%run_scoped3A : memref<!tpu.dma_semaphore, #tpu.memory_space<semaphore_mem>>)
      %dma_wait3A = arith.constant 0 : i32
      %dma_wait3A_38 = arith.constant 0 : i32
      %dma_wait3A_39 = tpu.memref_slice %arg4[%add3A, %dma_wait3A, %dma_wait3A_38] : memref<32x79x128xi32, #tpu.memory_space<hbm>> -> memref<1x79x128xi32, #tpu.memory_space<hbm>>
      %dma_wait3A_40 = tpu.memref_squeeze %dma_wait3A_39 : memref<1x79x128xi32, #tpu.memory_space<hbm>> -> memref<79x128xi32, #tpu.memory_space<hbm>>
      %dma_wait3A_41 = arith.constant 0 : i32
      %dma_wait3A_42 = arith.constant 0 : i32
      %dma_wait3A_43 = tpu.memref_slice %arg4[%add3A, %dma_wait3A_41, %dma_wait3A_42] : memref<32x79x128xi32, #tpu.memory_space<hbm>> -> memref<1x79x128xi32, #tpu.memory_space<hbm>>
      %dma_wait3A_44 = tpu.memref_squeeze %dma_wait3A_43 : memref<1x79x128xi32, #tpu.memory_space<hbm>> -> memref<79x128xi32, #tpu.memory_space<hbm>>
      tpu.wait_dma2 semaphore(%run_scoped3A : memref<!tpu.dma_semaphore, #tpu.memory_space<semaphore_mem>>) src(%dma_wait3A_44 : memref<79x128xi32, #tpu.memory_space<hbm>>) dst(%arg8 : memref<79x128xi32, #tpu.memory_space<vmem>>)
      tpu.yield
    }) : () -> ()
    %scan3A = arith.constant 0 : i32
    %scan3A_21 = arith.constant 0 : i32
    %scan3A_22 = arith.constant 79 : i32
    %scan3A_23 = arith.addi %scan3A_21, %scan3A_22 : i32
    %scan3A_24 = arith.constant 1 : i32
    scf.for %scan3A_31 = %scan3A_21 to %scan3A_23 step %scan3A_24  : i32 {
      %dma_start3A = arith.constant 0 : i32
      %dma_start3A_32 = tpu.memref_slice %arg7[%scan3A_31, %dma_start3A] : memref<79x128xi32, #tpu.memory_space<vmem>> -> memref<1x128xi32, #tpu.memory_space<vmem>>
      %dma_start3A_33 = tpu.memref_squeeze %dma_start3A_32 : memref<1x128xi32, #tpu.memory_space<vmem>> -> memref<128xi32, #tpu.memory_space<vmem>>
      %dma_start3A_34 = arith.constant 0 : i32
      %dma_start3A_35 = arith.constant 0 : i32
      %dma_start3A_36 = tpu.memref_slice %arg2[%dma_start3A_34, %dma_start3A_35] : memref<40000x128xf32, #tpu.memory_space<hbm>> -> memref<40000x128xf32, #tpu.memory_space<hbm>>
      tpu.enqueue_indirect_dma source(%dma_start3A_36 : memref<40000x128xf32, #tpu.memory_space<hbm>>) target(%arg9 : memref<128x128xf32, #tpu.memory_space<vmem>>) offsets(%dma_start3A_33 : memref<128xi32, #tpu.memory_space<vmem>>) semaphore(%arg11 : memref<!tpu.dma_semaphore, #tpu.memory_space<semaphore_mem>>)
      %dma_wait3A = arith.constant 0 : i32
      %dma_wait3A_37 = tpu.memref_slice %arg7[%scan3A_31, %dma_wait3A] : memref<79x128xi32, #tpu.memory_space<vmem>> -> memref<1x128xi32, #tpu.memory_space<vmem>>
      %dma_wait3A_38 = tpu.memref_squeeze %dma_wait3A_37 : memref<1x128xi32, #tpu.memory_space<vmem>> -> memref<128xi32, #tpu.memory_space<vmem>>
      %dma_wait3A_39 = arith.constant 0 : i32
      %dma_wait3A_40 = arith.constant 0 : i32
      %dma_wait3A_41 = tpu.memref_slice %arg2[%dma_wait3A_39, %dma_wait3A_40] : memref<40000x128xf32, #tpu.memory_space<hbm>> -> memref<40000x128xf32, #tpu.memory_space<hbm>>
      tpu.wait_indirect_dma semaphore(%arg11 : memref<!tpu.dma_semaphore, #tpu.memory_space<semaphore_mem>>) src(%dma_wait3A_41 : memref<40000x128xf32, #tpu.memory_space<hbm>>) dst(%arg9 : memref<128x128xf32, #tpu.memory_space<vmem>>)
      "tpu.region"() ({
        %run_scoped3A = tpu.sem_alloc : memref<!tpu.dma_semaphore, #tpu.memory_space<semaphore_mem>>
        %dma_start3A_42 = arith.constant 0 : i32
        %dma_start3A_43 = tpu.memref_slice %arg8[%scan3A_31, %dma_start3A_42] : memref<79x128xi32, #tpu.memory_space<vmem>> -> memref<1x128xi32, #tpu.memory_space<vmem>>
        %dma_start3A_44 = tpu.memref_squeeze %dma_start3A_43 : memref<1x128xi32, #tpu.memory_space<vmem>> -> memref<128xi32, #tpu.memory_space<vmem>>
        %dma_start3A_45 = arith.constant 0 : i32
        %dma_start3A_46 = arith.constant 0 : i32
        %dma_start3A_47 = tpu.memref_slice %arg10[%dma_start3A_45, %dma_start3A_46] : memref<10240x128xf32, #tpu.memory_space<vmem_shared>> -> memref<10240x128xf32, #tpu.memory_space<vmem_shared>>
        tpu.enqueue_indirect_dma source(%arg9 : memref<128x128xf32, #tpu.memory_space<vmem>>) target(%dma_start3A_47 : memref<10240x128xf32, #tpu.memory_space<vmem_shared>>) offsets(%dma_start3A_44 : memref<128xi32, #tpu.memory_space<vmem>>) semaphore(%run_scoped3A : memref<!tpu.dma_semaphore, #tpu.memory_space<semaphore_mem>>) {add = true}
        %dma_wait3A_48 = arith.constant 0 : i32
        %dma_wait3A_49 = tpu.memref_slice %arg8[%scan3A_31, %dma_wait3A_48] : memref<79x128xi32, #tpu.memory_space<vmem>> -> memref<1x128xi32, #tpu.memory_space<vmem>>
        %dma_wait3A_50 = tpu.memref_squeeze %dma_wait3A_49 : memref<1x128xi32, #tpu.memory_space<vmem>> -> memref<128xi32, #tpu.memory_space<vmem>>
        %dma_wait3A_51 = arith.constant 0 : i32
        %dma_wait3A_52 = arith.constant 0 : i32
        %dma_wait3A_53 = tpu.memref_slice %arg10[%dma_wait3A_51, %dma_wait3A_52] : memref<10240x128xf32, #tpu.memory_space<vmem_shared>> -> memref<10240x128xf32, #tpu.memory_space<vmem_shared>>
        tpu.wait_indirect_dma semaphore(%run_scoped3A : memref<!tpu.dma_semaphore, #tpu.memory_space<semaphore_mem>>) src(%arg9 : memref<128x128xf32, #tpu.memory_space<vmem>>) dst(%dma_wait3A_53 : memref<10240x128xf32, #tpu.memory_space<vmem_shared>>)
        tpu.yield
      }) : () -> ()
    }
    %scan3A_25 = arith.constant 79 : i32
    %barrier3A_26 = arith.constant 0 : index
    tpu.barrier barrier_id(%barrier3A_26)
    %mul3A_27 = arith.constant 640 : i32
    %mul3A_28 = arith.muli %arg1, %mul3A_27 : i32
    %mul3A_29 = arith.constant 640 : i32
    %mul3A_30 = arith.muli %arg1, %mul3A_29 : i32
    "tpu.region"() ({
      %run_scoped3A = tpu.sem_alloc : memref<!tpu.dma_semaphore, #tpu.memory_space<semaphore_mem>>
      %dma_start3A = arith.constant 0 : i32
      %dma_start3A_31 = tpu.memref_slice %arg6[%arg0, %mul3A_30, %dma_start3A] : memref<2x10240x128xf32, #tpu.memory_space<hbm>> -> memref<1x640x128xf32, #tpu.memory_space<hbm>>
      %dma_start3A_32 = tpu.memref_squeeze %dma_start3A_31 : memref<1x640x128xf32, #tpu.memory_space<hbm>> -> memref<640x128xf32, #tpu.memory_space<hbm>>
      %dma_start3A_33 = arith.constant 0 : i32
      %dma_start3A_34 = tpu.memref_slice %arg10[%mul3A_28, %dma_start3A_33] : memref<10240x128xf32, #tpu.memory_space<vmem_shared>> -> memref<640x128xf32, #tpu.memory_space<vmem_shared>>
      tpu.enqueue_dma source(%dma_start3A_34 : memref<640x128xf32, #tpu.memory_space<vmem_shared>>) target(%dma_start3A_32 : memref<640x128xf32, #tpu.memory_space<hbm>>) target_semaphore(%run_scoped3A : memref<!tpu.dma_semaphore, #tpu.memory_space<semaphore_mem>>)
      %dma_wait3A = arith.constant 0 : i32
      %dma_wait3A_35 = tpu.memref_slice %arg6[%arg0, %mul3A_30, %dma_wait3A] : memref<2x10240x128xf32, #tpu.memory_space<hbm>> -> memref<1x640x128xf32, #tpu.memory_space<hbm>>
      %dma_wait3A_36 = tpu.memref_squeeze %dma_wait3A_35 : memref<1x640x128xf32, #tpu.memory_space<hbm>> -> memref<640x128xf32, #tpu.memory_space<hbm>>
      %dma_wait3A_37 = arith.constant 0 : i32
      %dma_wait3A_38 = tpu.memref_slice %arg10[%mul3A_28, %dma_wait3A_37] : memref<10240x128xf32, #tpu.memory_space<vmem_shared>> -> memref<640x128xf32, #tpu.memory_space<vmem_shared>>
      tpu.wait_dma2 semaphore(%run_scoped3A : memref<!tpu.dma_semaphore, #tpu.memory_space<semaphore_mem>>) src(%dma_wait3A_38 : memref<640x128xf32, #tpu.memory_space<vmem_shared>>) dst(%dma_wait3A_36 : memref<640x128xf32, #tpu.memory_space<hbm>>)
      tpu.yield
    }) : () -> ()
    return
  }
}

#map = affine_map<(d0, d1) -> (0, 0)>
#map1 = affine_map<(d0, d1) -> (0, 0, 0)>
module attributes {stable_mosaic.version = 14 : i64} {
  func.func @run(%arg0: i32, %arg1: i32, %arg2: memref<40000x128xf32, #tpu.memory_space<hbm>>, %arg3: memref<32x79x128xi32, #tpu.memory_space<hbm>>, %arg4: memref<32x79x128xi32, #tpu.memory_space<hbm>>, %arg5: memref<128x128xf32, #tpu.memory_space<hbm>>, %arg6: memref<2x10240x128xf32, #tpu.memory_space<hbm>>, %arg7: memref<79x128xi32, #tpu.memory_space<vmem>>, %arg8: memref<79x128xi32, #tpu.memory_space<vmem>>, %arg9: memref<128x128xf32, #tpu.memory_space<vmem>>, %arg10: memref<10240x128xf32, #tpu.memory_space<vmem_shared>>, %arg11: memref<!tpu.dma_semaphore, #tpu.memory_space<semaphore_mem>>) attributes {dimension_semantics = [#tpu.dimension_semantics<core_parallel>, #tpu.dimension_semantics<subcore_parallel>], iteration_bounds = array<i64: 2, 16>, scalar_prefetch = 0 : i64, scratch_operands = 5 : i64, tpu.core_type = #tpu.core_type<sc_vector_subcore>, window_params = [{transform_indices = #map}, {transform_indices = #map1}, {transform_indices = #map1}, {transform_indices = #map}, {transform_indices = #map1}]} {
    %mul3A = arith.constant 2 : i32
    %mul3A_0 = arith.muli %arg1, %mul3A : i32
    %add3A = arith.addi %mul3A_0, %arg0 : i32
    "tpu.region"() ({
      %run_scoped3A = tpu.sem_alloc : memref<!tpu.dma_semaphore, #tpu.memory_space<semaphore_mem>>
      tpu.enqueue_dma source(%arg5 : memref<128x128xf32, #tpu.memory_space<hbm>>) target(%arg9 : memref<128x128xf32, #tpu.memory_space<vmem>>) target_semaphore(%run_scoped3A : memref<!tpu.dma_semaphore, #tpu.memory_space<semaphore_mem>>)
      tpu.wait_dma2 semaphore(%run_scoped3A : memref<!tpu.dma_semaphore, #tpu.memory_space<semaphore_mem>>) src(%arg5 : memref<128x128xf32, #tpu.memory_space<hbm>>) dst(%arg9 : memref<128x128xf32, #tpu.memory_space<vmem>>)
      tpu.yield
    }) : () -> ()
    %mul3A_1 = arith.constant 640 : i32
    %mul3A_2 = arith.muli %arg1, %mul3A_1 : i32
    %add3A_3 = arith.constant 0 : i32
    %add3A_4 = arith.addi %mul3A_2, %add3A_3 : i32
    "tpu.region"() ({
      %run_scoped3A = tpu.sem_alloc : memref<!tpu.dma_semaphore, #tpu.memory_space<semaphore_mem>>
      %dma_start3A = arith.constant 0 : i32
      %dma_start3A_31 = tpu.memref_slice %arg10[%add3A_4, %dma_start3A] : memref<10240x128xf32, #tpu.memory_space<vmem_shared>> -> memref<128x128xf32, #tpu.memory_space<vmem_shared>>
      %dma_start3A_32 = arith.constant 0 : i32
      %dma_start3A_33 = tpu.memref_slice %arg10[%add3A_4, %dma_start3A_32] : memref<10240x128xf32, #tpu.memory_space<vmem_shared>> -> memref<128x128xf32, #tpu.memory_space<vmem_shared>>
      tpu.enqueue_dma source(%arg9 : memref<128x128xf32, #tpu.memory_space<vmem>>) target(%dma_start3A_33 : memref<128x128xf32, #tpu.memory_space<vmem_shared>>) target_semaphore(%run_scoped3A : memref<!tpu.dma_semaphore, #tpu.memory_space<semaphore_mem>>)
      %dma_wait3A = arith.constant 0 : i32
      %dma_wait3A_34 = tpu.memref_slice %arg10[%add3A_4, %dma_wait3A] : memref<10240x128xf32, #tpu.memory_space<vmem_shared>> -> memref<128x128xf32, #tpu.memory_space<vmem_shared>>
      %dma_wait3A_35 = arith.constant 0 : i32
      %dma_wait3A_36 = tpu.memref_slice %arg10[%add3A_4, %dma_wait3A_35] : memref<10240x128xf32, #tpu.memory_space<vmem_shared>> -> memref<128x128xf32, #tpu.memory_space<vmem_shared>>
      tpu.wait_dma2 semaphore(%run_scoped3A : memref<!tpu.dma_semaphore, #tpu.memory_space<semaphore_mem>>) src(%arg9 : memref<128x128xf32, #tpu.memory_space<vmem>>) dst(%dma_wait3A_36 : memref<128x128xf32, #tpu.memory_space<vmem_shared>>)
      tpu.yield
    }) : () -> ()
    %mul3A_5 = arith.constant 640 : i32
    %mul3A_6 = arith.muli %arg1, %mul3A_5 : i32
    %add3A_7 = arith.constant 128 : i32
    %add3A_8 = arith.addi %mul3A_6, %add3A_7 : i32
    "tpu.region"() ({
      %run_scoped3A = tpu.sem_alloc : memref<!tpu.dma_semaphore, #tpu.memory_space<semaphore_mem>>
      %dma_start3A = arith.constant 0 : i32
      %dma_start3A_31 = tpu.memref_slice %arg10[%add3A_8, %dma_start3A] : memref<10240x128xf32, #tpu.memory_space<vmem_shared>> -> memref<128x128xf32, #tpu.memory_space<vmem_shared>>
      %dma_start3A_32 = arith.constant 0 : i32
      %dma_start3A_33 = tpu.memref_slice %arg10[%add3A_8, %dma_start3A_32] : memref<10240x128xf32, #tpu.memory_space<vmem_shared>> -> memref<128x128xf32, #tpu.memory_space<vmem_shared>>
      tpu.enqueue_dma source(%arg9 : memref<128x128xf32, #tpu.memory_space<vmem>>) target(%dma_start3A_33 : memref<128x128xf32, #tpu.memory_space<vmem_shared>>) target_semaphore(%run_scoped3A : memref<!tpu.dma_semaphore, #tpu.memory_space<semaphore_mem>>)
      %dma_wait3A = arith.constant 0 : i32
      %dma_wait3A_34 = tpu.memref_slice %arg10[%add3A_8, %dma_wait3A] : memref<10240x128xf32, #tpu.memory_space<vmem_shared>> -> memref<128x128xf32, #tpu.memory_space<vmem_shared>>
      %dma_wait3A_35 = arith.constant 0 : i32
      %dma_wait3A_36 = tpu.memref_slice %arg10[%add3A_8, %dma_wait3A_35] : memref<10240x128xf32, #tpu.memory_space<vmem_shared>> -> memref<128x128xf32, #tpu.memory_space<vmem_shared>>
      tpu.wait_dma2 semaphore(%run_scoped3A : memref<!tpu.dma_semaphore, #tpu.memory_space<semaphore_mem>>) src(%arg9 : memref<128x128xf32, #tpu.memory_space<vmem>>) dst(%dma_wait3A_36 : memref<128x128xf32, #tpu.memory_space<vmem_shared>>)
      tpu.yield
    }) : () -> ()
    %mul3A_9 = arith.constant 640 : i32
    %mul3A_10 = arith.muli %arg1, %mul3A_9 : i32
    %add3A_11 = arith.constant 256 : i32
    %add3A_12 = arith.addi %mul3A_10, %add3A_11 : i32
    "tpu.region"() ({
      %run_scoped3A = tpu.sem_alloc : memref<!tpu.dma_semaphore, #tpu.memory_space<semaphore_mem>>
      %dma_start3A = arith.constant 0 : i32
      %dma_start3A_31 = tpu.memref_slice %arg10[%add3A_12, %dma_start3A] : memref<10240x128xf32, #tpu.memory_space<vmem_shared>> -> memref<128x128xf32, #tpu.memory_space<vmem_shared>>
      %dma_start3A_32 = arith.constant 0 : i32
      %dma_start3A_33 = tpu.memref_slice %arg10[%add3A_12, %dma_start3A_32] : memref<10240x128xf32, #tpu.memory_space<vmem_shared>> -> memref<128x128xf32, #tpu.memory_space<vmem_shared>>
      tpu.enqueue_dma source(%arg9 : memref<128x128xf32, #tpu.memory_space<vmem>>) target(%dma_start3A_33 : memref<128x128xf32, #tpu.memory_space<vmem_shared>>) target_semaphore(%run_scoped3A : memref<!tpu.dma_semaphore, #tpu.memory_space<semaphore_mem>>)
      %dma_wait3A = arith.constant 0 : i32
      %dma_wait3A_34 = tpu.memref_slice %arg10[%add3A_12, %dma_wait3A] : memref<10240x128xf32, #tpu.memory_space<vmem_shared>> -> memref<128x128xf32, #tpu.memory_space<vmem_shared>>
      %dma_wait3A_35 = arith.constant 0 : i32
      %dma_wait3A_36 = tpu.memref_slice %arg10[%add3A_12, %dma_wait3A_35] : memref<10240x128xf32, #tpu.memory_space<vmem_shared>> -> memref<128x128xf32, #tpu.memory_space<vmem_shared>>
      tpu.wait_dma2 semaphore(%run_scoped3A : memref<!tpu.dma_semaphore, #tpu.memory_space<semaphore_mem>>) src(%arg9 : memref<128x128xf32, #tpu.memory_space<vmem>>) dst(%dma_wait3A_36 : memref<128x128xf32, #tpu.memory_space<vmem_shared>>)
      tpu.yield
    }) : () -> ()
    %mul3A_13 = arith.constant 640 : i32
    %mul3A_14 = arith.muli %arg1, %mul3A_13 : i32
    %add3A_15 = arith.constant 384 : i32
    %add3A_16 = arith.addi %mul3A_14, %add3A_15 : i32
    "tpu.region"() ({
      %run_scoped3A = tpu.sem_alloc : memref<!tpu.dma_semaphore, #tpu.memory_space<semaphore_mem>>
      %dma_start3A = arith.constant 0 : i32
      %dma_start3A_31 = tpu.memref_slice %arg10[%add3A_16, %dma_start3A] : memref<10240x128xf32, #tpu.memory_space<vmem_shared>> -> memref<128x128xf32, #tpu.memory_space<vmem_shared>>
      %dma_start3A_32 = arith.constant 0 : i32
      %dma_start3A_33 = tpu.memref_slice %arg10[%add3A_16, %dma_start3A_32] : memref<10240x128xf32, #tpu.memory_space<vmem_shared>> -> memref<128x128xf32, #tpu.memory_space<vmem_shared>>
      tpu.enqueue_dma source(%arg9 : memref<128x128xf32, #tpu.memory_space<vmem>>) target(%dma_start3A_33 : memref<128x128xf32, #tpu.memory_space<vmem_shared>>) target_semaphore(%run_scoped3A : memref<!tpu.dma_semaphore, #tpu.memory_space<semaphore_mem>>)
      %dma_wait3A = arith.constant 0 : i32
      %dma_wait3A_34 = tpu.memref_slice %arg10[%add3A_16, %dma_wait3A] : memref<10240x128xf32, #tpu.memory_space<vmem_shared>> -> memref<128x128xf32, #tpu.memory_space<vmem_shared>>
      %dma_wait3A_35 = arith.constant 0 : i32
      %dma_wait3A_36 = tpu.memref_slice %arg10[%add3A_16, %dma_wait3A_35] : memref<10240x128xf32, #tpu.memory_space<vmem_shared>> -> memref<128x128xf32, #tpu.memory_space<vmem_shared>>
      tpu.wait_dma2 semaphore(%run_scoped3A : memref<!tpu.dma_semaphore, #tpu.memory_space<semaphore_mem>>) src(%arg9 : memref<128x128xf32, #tpu.memory_space<vmem>>) dst(%dma_wait3A_36 : memref<128x128xf32, #tpu.memory_space<vmem_shared>>)
      tpu.yield
    }) : () -> ()
    %mul3A_17 = arith.constant 640 : i32
    %mul3A_18 = arith.muli %arg1, %mul3A_17 : i32
    %add3A_19 = arith.constant 512 : i32
    %add3A_20 = arith.addi %mul3A_18, %add3A_19 : i32
    "tpu.region"() ({
      %run_scoped3A = tpu.sem_alloc : memref<!tpu.dma_semaphore, #tpu.memory_space<semaphore_mem>>
      %dma_start3A = arith.constant 0 : i32
      %dma_start3A_31 = tpu.memref_slice %arg10[%add3A_20, %dma_start3A] : memref<10240x128xf32, #tpu.memory_space<vmem_shared>> -> memref<128x128xf32, #tpu.memory_space<vmem_shared>>
      %dma_start3A_32 = arith.constant 0 : i32
      %dma_start3A_33 = tpu.memref_slice %arg10[%add3A_20, %dma_start3A_32] : memref<10240x128xf32, #tpu.memory_space<vmem_shared>> -> memref<128x128xf32, #tpu.memory_space<vmem_shared>>
      tpu.enqueue_dma source(%arg9 : memref<128x128xf32, #tpu.memory_space<vmem>>) target(%dma_start3A_33 : memref<128x128xf32, #tpu.memory_space<vmem_shared>>) target_semaphore(%run_scoped3A : memref<!tpu.dma_semaphore, #tpu.memory_space<semaphore_mem>>)
      %dma_wait3A = arith.constant 0 : i32
      %dma_wait3A_34 = tpu.memref_slice %arg10[%add3A_20, %dma_wait3A] : memref<10240x128xf32, #tpu.memory_space<vmem_shared>> -> memref<128x128xf32, #tpu.memory_space<vmem_shared>>
      %dma_wait3A_35 = arith.constant 0 : i32
      %dma_wait3A_36 = tpu.memref_slice %arg10[%add3A_20, %dma_wait3A_35] : memref<10240x128xf32, #tpu.memory_space<vmem_shared>> -> memref<128x128xf32, #tpu.memory_space<vmem_shared>>
      tpu.wait_dma2 semaphore(%run_scoped3A : memref<!tpu.dma_semaphore, #tpu.memory_space<semaphore_mem>>) src(%arg9 : memref<128x128xf32, #tpu.memory_space<vmem>>) dst(%dma_wait3A_36 : memref<128x128xf32, #tpu.memory_space<vmem_shared>>)
      tpu.yield
    }) : () -> ()
    %barrier3A = arith.constant 0 : index
    tpu.barrier barrier_id(%barrier3A)
    "tpu.region"() ({
      %run_scoped3A = tpu.sem_alloc : memref<!tpu.dma_semaphore, #tpu.memory_space<semaphore_mem>>
      %dma_start3A = arith.constant 0 : i32
      %dma_start3A_31 = arith.constant 0 : i32
      %dma_start3A_32 = tpu.memref_slice %arg3[%add3A, %dma_start3A, %dma_start3A_31] : memref<32x79x128xi32, #tpu.memory_space<hbm>> -> memref<1x79x128xi32, #tpu.memory_space<hbm>>
      %dma_start3A_33 = tpu.memref_squeeze %dma_start3A_32 : memref<1x79x128xi32, #tpu.memory_space<hbm>> -> memref<79x128xi32, #tpu.memory_space<hbm>>
      %dma_start3A_34 = arith.constant 0 : i32
      %dma_start3A_35 = arith.constant 0 : i32
      %dma_start3A_36 = tpu.memref_slice %arg3[%add3A, %dma_start3A_34, %dma_start3A_35] : memref<32x79x128xi32, #tpu.memory_space<hbm>> -> memref<1x79x128xi32, #tpu.memory_space<hbm>>
      %dma_start3A_37 = tpu.memref_squeeze %dma_start3A_36 : memref<1x79x128xi32, #tpu.memory_space<hbm>> -> memref<79x128xi32, #tpu.memory_space<hbm>>
      tpu.enqueue_dma source(%dma_start3A_37 : memref<79x128xi32, #tpu.memory_space<hbm>>) target(%arg7 : memref<79x128xi32, #tpu.memory_space<vmem>>) target_semaphore(%run_scoped3A : memref<!tpu.dma_semaphore, #tpu.memory_space<semaphore_mem>>)
      %dma_wait3A = arith.constant 0 : i32
      %dma_wait3A_38 = arith.constant 0 : i32
      %dma_wait3A_39 = tpu.memref_slice %arg3[%add3A, %dma_wait3A, %dma_wait3A_38] : memref<32x79x128xi32, #tpu.memory_space<hbm>> -> memref<1x79x128xi32, #tpu.memory_space<hbm>>
      %dma_wait3A_40 = tpu.memref_squeeze %dma_wait3A_39 : memref<1x79x128xi32, #tpu.memory_space<hbm>> -> memref<79x128xi32, #tpu.memory_space<hbm>>
      %dma_wait3A_41 = arith.constant 0 : i32
      %dma_wait3A_42 = arith.constant 0 : i32
      %dma_wait3A_43 = tpu.memref_slice %arg3[%add3A, %dma_wait3A_41, %dma_wait3A_42] : memref<32x79x128xi32, #tpu.memory_space<hbm>> -> memref<1x79x128xi32, #tpu.memory_space<hbm>>
      %dma_wait3A_44 = tpu.memref_squeeze %dma_wait3A_43 : memref<1x79x128xi32, #tpu.memory_space<hbm>> -> memref<79x128xi32, #tpu.memory_space<hbm>>
      tpu.wait_dma2 semaphore(%run_scoped3A : memref<!tpu.dma_semaphore, #tpu.memory_space<semaphore_mem>>) src(%dma_wait3A_44 : memref<79x128xi32, #tpu.memory_space<hbm>>) dst(%arg7 : memref<79x128xi32, #tpu.memory_space<vmem>>)
      tpu.yield
    }) : () -> ()
    "tpu.region"() ({
      %run_scoped3A = tpu.sem_alloc : memref<!tpu.dma_semaphore, #tpu.memory_space<semaphore_mem>>
      %dma_start3A = arith.constant 0 : i32
      %dma_start3A_31 = arith.constant 0 : i32
      %dma_start3A_32 = tpu.memref_slice %arg4[%add3A, %dma_start3A, %dma_start3A_31] : memref<32x79x128xi32, #tpu.memory_space<hbm>> -> memref<1x79x128xi32, #tpu.memory_space<hbm>>
      %dma_start3A_33 = tpu.memref_squeeze %dma_start3A_32 : memref<1x79x128xi32, #tpu.memory_space<hbm>> -> memref<79x128xi32, #tpu.memory_space<hbm>>
      %dma_start3A_34 = arith.constant 0 : i32
      %dma_start3A_35 = arith.constant 0 : i32
      %dma_start3A_36 = tpu.memref_slice %arg4[%add3A, %dma_start3A_34, %dma_start3A_35] : memref<32x79x128xi32, #tpu.memory_space<hbm>> -> memref<1x79x128xi32, #tpu.memory_space<hbm>>
      %dma_start3A_37 = tpu.memref_squeeze %dma_start3A_36 : memref<1x79x128xi32, #tpu.memory_space<hbm>> -> memref<79x128xi32, #tpu.memory_space<hbm>>
      tpu.enqueue_dma source(%dma_start3A_37 : memref<79x128xi32, #tpu.memory_space<hbm>>) target(%arg8 : memref<79x128xi32, #tpu.memory_space<vmem>>) target_semaphore(%run_scoped3A : memref<!tpu.dma_semaphore, #tpu.memory_space<semaphore_mem>>)
      %dma_wait3A = arith.constant 0 : i32
      %dma_wait3A_38 = arith.constant 0 : i32
      %dma_wait3A_39 = tpu.memref_slice %arg4[%add3A, %dma_wait3A, %dma_wait3A_38] : memref<32x79x128xi32, #tpu.memory_space<hbm>> -> memref<1x79x128xi32, #tpu.memory_space<hbm>>
      %dma_wait3A_40 = tpu.memref_squeeze %dma_wait3A_39 : memref<1x79x128xi32, #tpu.memory_space<hbm>> -> memref<79x128xi32, #tpu.memory_space<hbm>>
      %dma_wait3A_41 = arith.constant 0 : i32
      %dma_wait3A_42 = arith.constant 0 : i32
      %dma_wait3A_43 = tpu.memref_slice %arg4[%add3A, %dma_wait3A_41, %dma_wait3A_42] : memref<32x79x128xi32, #tpu.memory_space<hbm>> -> memref<1x79x128xi32, #tpu.memory_space<hbm>>
      %dma_wait3A_44 = tpu.memref_squeeze %dma_wait3A_43 : memref<1x79x128xi32, #tpu.memory_space<hbm>> -> memref<79x128xi32, #tpu.memory_space<hbm>>
      tpu.wait_dma2 semaphore(%run_scoped3A : memref<!tpu.dma_semaphore, #tpu.memory_space<semaphore_mem>>) src(%dma_wait3A_44 : memref<79x128xi32, #tpu.memory_space<hbm>>) dst(%arg8 : memref<79x128xi32, #tpu.memory_space<vmem>>)
      tpu.yield
    }) : () -> ()
    %scan3A = arith.constant 0 : i32
    %scan3A_21 = arith.constant 0 : i32
    %scan3A_22 = arith.constant 79 : i32
    %scan3A_23 = arith.addi %scan3A_21, %scan3A_22 : i32
    %scan3A_24 = arith.constant 1 : i32
    scf.for %scan3A_31 = %scan3A_21 to %scan3A_23 step %scan3A_24  : i32 {
      %dma_start3A = arith.constant 0 : i32
      %dma_start3A_32 = tpu.memref_slice %arg7[%scan3A_31, %dma_start3A] : memref<79x128xi32, #tpu.memory_space<vmem>> -> memref<1x128xi32, #tpu.memory_space<vmem>>
      %dma_start3A_33 = tpu.memref_squeeze %dma_start3A_32 : memref<1x128xi32, #tpu.memory_space<vmem>> -> memref<128xi32, #tpu.memory_space<vmem>>
      %dma_start3A_34 = arith.constant 0 : i32
      %dma_start3A_35 = arith.constant 0 : i32
      %dma_start3A_36 = tpu.memref_slice %arg2[%dma_start3A_34, %dma_start3A_35] : memref<40000x128xf32, #tpu.memory_space<hbm>> -> memref<40000x128xf32, #tpu.memory_space<hbm>>
      tpu.enqueue_indirect_dma source(%dma_start3A_36 : memref<40000x128xf32, #tpu.memory_space<hbm>>) target(%arg9 : memref<128x128xf32, #tpu.memory_space<vmem>>) offsets(%dma_start3A_33 : memref<128xi32, #tpu.memory_space<vmem>>) semaphore(%arg11 : memref<!tpu.dma_semaphore, #tpu.memory_space<semaphore_mem>>)
      %dma_wait3A = arith.constant 0 : i32
      %dma_wait3A_37 = tpu.memref_slice %arg7[%scan3A_31, %dma_wait3A] : memref<79x128xi32, #tpu.memory_space<vmem>> -> memref<1x128xi32, #tpu.memory_space<vmem>>
      %dma_wait3A_38 = tpu.memref_squeeze %dma_wait3A_37 : memref<1x128xi32, #tpu.memory_space<vmem>> -> memref<128xi32, #tpu.memory_space<vmem>>
      %dma_wait3A_39 = arith.constant 0 : i32
      %dma_wait3A_40 = arith.constant 0 : i32
      %dma_wait3A_41 = tpu.memref_slice %arg2[%dma_wait3A_39, %dma_wait3A_40] : memref<40000x128xf32, #tpu.memory_space<hbm>> -> memref<40000x128xf32, #tpu.memory_space<hbm>>
      tpu.wait_indirect_dma semaphore(%arg11 : memref<!tpu.dma_semaphore, #tpu.memory_space<semaphore_mem>>) src(%dma_wait3A_41 : memref<40000x128xf32, #tpu.memory_space<hbm>>) dst(%arg9 : memref<128x128xf32, #tpu.memory_space<vmem>>)
      "tpu.region"() ({
        %run_scoped3A = tpu.sem_alloc : memref<!tpu.dma_semaphore, #tpu.memory_space<semaphore_mem>>
        %dma_start3A_42 = arith.constant 0 : i32
        %dma_start3A_43 = tpu.memref_slice %arg8[%scan3A_31, %dma_start3A_42] : memref<79x128xi32, #tpu.memory_space<vmem>> -> memref<1x128xi32, #tpu.memory_space<vmem>>
        %dma_start3A_44 = tpu.memref_squeeze %dma_start3A_43 : memref<1x128xi32, #tpu.memory_space<vmem>> -> memref<128xi32, #tpu.memory_space<vmem>>
        %dma_start3A_45 = arith.constant 0 : i32
        %dma_start3A_46 = arith.constant 0 : i32
        %dma_start3A_47 = tpu.memref_slice %arg10[%dma_start3A_45, %dma_start3A_46] : memref<10240x128xf32, #tpu.memory_space<vmem_shared>> -> memref<10240x128xf32, #tpu.memory_space<vmem_shared>>
        tpu.enqueue_indirect_dma source(%arg9 : memref<128x128xf32, #tpu.memory_space<vmem>>) target(%dma_start3A_47 : memref<10240x128xf32, #tpu.memory_space<vmem_shared>>) offsets(%dma_start3A_44 : memref<128xi32, #tpu.memory_space<vmem>>) semaphore(%run_scoped3A : memref<!tpu.dma_semaphore, #tpu.memory_space<semaphore_mem>>) {add = true}
        %dma_wait3A_48 = arith.constant 0 : i32
        %dma_wait3A_49 = tpu.memref_slice %arg8[%scan3A_31, %dma_wait3A_48] : memref<79x128xi32, #tpu.memory_space<vmem>> -> memref<1x128xi32, #tpu.memory_space<vmem>>
        %dma_wait3A_50 = tpu.memref_squeeze %dma_wait3A_49 : memref<1x128xi32, #tpu.memory_space<vmem>> -> memref<128xi32, #tpu.memory_space<vmem>>
        %dma_wait3A_51 = arith.constant 0 : i32
        %dma_wait3A_52 = arith.constant 0 : i32
        %dma_wait3A_53 = tpu.memref_slice %arg10[%dma_wait3A_51, %dma_wait3A_52] : memref<10240x128xf32, #tpu.memory_space<vmem_shared>> -> memref<10240x128xf32, #tpu.memory_space<vmem_shared>>
        tpu.wait_indirect_dma semaphore(%run_scoped3A : memref<!tpu.dma_semaphore, #tpu.memory_space<semaphore_mem>>) src(%arg9 : memref<128x128xf32, #tpu.memory_space<vmem>>) dst(%dma_wait3A_53 : memref<10240x128xf32, #tpu.memory_space<vmem_shared>>)
        tpu.yield
      }) : () -> ()
    }
    %scan3A_25 = arith.constant 79 : i32
    %barrier3A_26 = arith.constant 0 : index
    tpu.barrier barrier_id(%barrier3A_26)
    %mul3A_27 = arith.constant 640 : i32
    %mul3A_28 = arith.muli %arg1, %mul3A_27 : i32
    %mul3A_29 = arith.constant 640 : i32
    %mul3A_30 = arith.muli %arg1, %mul3A_29 : i32
    "tpu.region"() ({
      %run_scoped3A = tpu.sem_alloc : memref<!tpu.dma_semaphore, #tpu.memory_space<semaphore_mem>>
      %dma_start3A = arith.constant 0 : i32
      %dma_start3A_31 = tpu.memref_slice %arg6[%arg0, %mul3A_30, %dma_start3A] : memref<2x10240x128xf32, #tpu.memory_space<hbm>> -> memref<1x640x128xf32, #tpu.memory_space<hbm>>
      %dma_start3A_32 = tpu.memref_squeeze %dma_start3A_31 : memref<1x640x128xf32, #tpu.memory_space<hbm>> -> memref<640x128xf32, #tpu.memory_space<hbm>>
      %dma_start3A_33 = arith.constant 0 : i32
      %dma_start3A_34 = tpu.memref_slice %arg10[%mul3A_28, %dma_start3A_33] : memref<10240x128xf32, #tpu.memory_space<vmem_shared>> -> memref<640x128xf32, #tpu.memory_space<vmem_shared>>
      tpu.enqueue_dma source(%dma_start3A_34 : memref<640x128xf32, #tpu.memory_space<vmem_shared>>) target(%dma_start3A_32 : memref<640x128xf32, #tpu.memory_space<hbm>>) target_semaphore(%run_scoped3A : memref<!tpu.dma_semaphore, #tpu.memory_space<semaphore_mem>>)
      %dma_wait3A = arith.constant 0 : i32
      %dma_wait3A_35 = tpu.memref_slice %arg6[%arg0, %mul3A_30, %dma_wait3A] : memref<2x10240x128xf32, #tpu.memory_space<hbm>> -> memref<1x640x128xf32, #tpu.memory_space<hbm>>
      %dma_wait3A_36 = tpu.memref_squeeze %dma_wait3A_35 : memref<1x640x128xf32, #tpu.memory_space<hbm>> -> memref<640x128xf32, #tpu.memory_space<hbm>>
      %dma_wait3A_37 = arith.constant 0 : i32
      %dma_wait3A_38 = tpu.memref_slice %arg10[%mul3A_28, %dma_wait3A_37] : memref<10240x128xf32, #tpu.memory_space<vmem_shared>> -> memref<640x128xf32, #tpu.memory_space<vmem_shared>>
      tpu.wait_dma2 semaphore(%run_scoped3A : memref<!tpu.dma_semaphore, #tpu.memory_space<semaphore_mem>>) src(%dma_wait3A_38 : memref<640x128xf32, #tpu.memory_space<vmem_shared>>) dst(%dma_wait3A_36 : memref<640x128xf32, #tpu.memory_space<hbm>>)
      tpu.yield
    }) : () -> ()
    return
  }
}

module attributes {stable_mosaic.version = 14 : i64} {
  func.func @body(%arg0: i32, %arg1: i32, %arg2: memref<2000x128xf32, #tpu.memory_space<vmem>>, %arg3: memref<1x128x128xf32, #tpu.memory_space<vmem>>, %arg4: memref<1x1x128xf32, #tpu.memory_space<vmem>>, %arg5: memref<2000x128xf32, #tpu.memory_space<vmem>>) attributes {dimension_semantics = [#tpu.dimension_semantics<arbitrary>, #tpu.dimension_semantics<arbitrary>], iteration_bounds = array<i64: 5, 4>, scalar_prefetch = 0 : i64, scratch_operands = 0 : i64, tpu.core_type = #tpu.core_type<tc>, window_params = [{transform_indices = @transform_0, window_bounds = array<i64: 2000, 128>}, {transform_indices = @transform_1, window_bounds = array<i64: 1, 128, 128>}, {transform_indices = @transform_2, window_bounds = array<i64: 1, 1, 128>}, {transform_indices = @transform_3, window_bounds = array<i64: 2000, 128>}]} {
    %get3A = arith.constant 0 : index
    %get3A_0 = arith.constant 0 : index
    %get3A_1 = vector.load %arg2[%get3A, %get3A_0] : memref<2000x128xf32, #tpu.memory_space<vmem>>, vector<2000x128xf32>
    %get3A_2 = arith.constant 0 : index
    %get3A_3 = arith.constant 0 : index
    %get3A_4 = arith.constant 0 : index
    %get3A_5 = vector.load %arg3[%get3A_2, %get3A_3, %get3A_4] : memref<1x128x128xf32, #tpu.memory_space<vmem>>, vector<1x128x128xf32>
    %get3A_6 = vector.shape_cast %get3A_5 : vector<1x128x128xf32> to vector<128x128xf32>
    %dot_general3A = arith.constant dense<0.000000e+00> : vector<2000x128xf32>
    %dot_general3A_7 = tpu.matmul %get3A_1, %get3A_6, %dot_general3A {dimension_numbers = #tpu.dot_dimension_numbers<[1], [1], [0], [0], [0, 0, 1, 0], [], []>, transpose_lhs_hint = false} : vector<2000x128xf32>, vector<128x128xf32>, vector<2000x128xf32> -> vector<2000x128xf32>
    %get3A_8 = arith.constant 0 : index
    %get3A_9 = arith.constant 0 : index
    %get3A_10 = arith.constant 0 : index
    %get3A_11 = vector.load %arg4[%get3A_8, %get3A_9, %get3A_10] : memref<1x1x128xf32, #tpu.memory_space<vmem>>, vector<1x1x128xf32>
    %get3A_12 = vector.shape_cast %get3A_11 : vector<1x1x128xf32> to vector<1x128xf32>
    %add3A = vector.broadcast %get3A_12 : vector<1x128xf32> to vector<2000x128xf32>
    %add3A_13 = arith.addf %dot_general3A_7, %add3A : vector<2000x128xf32>
    %swap3A = arith.constant 0 : index
    %swap3A_14 = arith.constant 0 : index
    %swap3A_15 = vector.load %arg5[%swap3A, %swap3A_14] : memref<2000x128xf32, #tpu.memory_space<vmem>>, vector<2000x128xf32>
    tpu.vector_store %arg5[%swap3A, %swap3A_14], %add3A_13 {strides = array<i32>} : memref<2000x128xf32, #tpu.memory_space<vmem>>, vector<2000x128xf32>,
    return
  }
  func.func @transform_0(%arg0: i32, %arg1: i32) -> (i32, i32) {
    %c0_i32 = arith.constant 0 : i32
    %c0_i32_0 = arith.constant 0 : i32
    return %arg0, %c0_i32 : i32, i32
  }
  func.func @transform_1(%arg0: i32, %arg1: i32) -> (i32, i32, i32) {
    %c0_i32 = arith.constant 0 : i32
    %c0_i32_0 = arith.constant 0 : i32
    %c0_i32_1 = arith.constant 0 : i32
    return %arg1, %c0_i32, %c0_i32_0 : i32, i32, i32
  }
  func.func @transform_2(%arg0: i32, %arg1: i32) -> (i32, i32, i32) {
    %c0_i32 = arith.constant 0 : i32
    %c0_i32_0 = arith.constant 0 : i32
    %c0_i32_1 = arith.constant 0 : i32
    return %arg1, %c0_i32, %c0_i32_0 : i32, i32, i32
  }
  func.func @transform_3(%arg0: i32, %arg1: i32) -> (i32, i32) {
    %mul3A = arith.constant 5 : i32
    %mul3A_0 = arith.muli %arg1, %mul3A : i32
    %add3A = arith.addi %mul3A_0, %arg0 : i32
    %c0_i32 = arith.constant 0 : i32
    %c0_i32_1 = arith.constant 0 : i32
    return %add3A, %c0_i32 : i32, i32
  }
}

module attributes {stable_mosaic.version = 14 : i64} {
  func.func @body(%arg0: i32, %arg1: memref<2x2000x128xf32, #tpu.memory_space<vmem>>, %arg2: memref<2000x128xf32, #tpu.memory_space<vmem>>, %arg3: memref<384x128xf32, #tpu.memory_space<vmem>>, %arg4: memref<384x128xf32, #tpu.memory_space<vmem>>, %arg5: memref<1x384xf32, #tpu.memory_space<vmem>>, %arg6: memref<1x384xf32, #tpu.memory_space<vmem>>, %arg7: memref<4x128x128xf32, #tpu.memory_space<vmem>>, %arg8: memref<4x1x128xf32, #tpu.memory_space<vmem>>, %arg9: memref<2000x128xf32, #tpu.memory_space<vmem>>, %arg10: memref<4x2000x128xf32, #tpu.memory_space<vmem>>) attributes {dimension_semantics = [#tpu.dimension_semantics<arbitrary>], iteration_bounds = array<i64: 5>, scalar_prefetch = 0 : i64, scratch_operands = 0 : i64, tpu.core_type = #tpu.core_type<tc>, window_params = [{transform_indices = @transform_0, window_bounds = array<i64: 2, 2000, 128>}, {transform_indices = @transform_1, window_bounds = array<i64: 2000, 128>}, {pipeline_mode = #tpu.pipeline_mode<synchronous>, transform_indices = @transform_2, window_bounds = array<i64: 384, 128>}, {pipeline_mode = #tpu.pipeline_mode<synchronous>, transform_indices = @transform_3, window_bounds = array<i64: 384, 128>}, {pipeline_mode = #tpu.pipeline_mode<synchronous>, transform_indices = @transform_4, window_bounds = array<i64: 1, 384>}, {pipeline_mode = #tpu.pipeline_mode<synchronous>, transform_indices = @transform_5, window_bounds = array<i64: 1, 384>}, {pipeline_mode = #tpu.pipeline_mode<synchronous>, transform_indices = @transform_6, window_bounds = array<i64: 4, 128, 128>}, {pipeline_mode = #tpu.pipeline_mode<synchronous>, transform_indices = @transform_7, window_bounds = array<i64: 4, 1, 128>}, {transform_indices = @transform_8, window_bounds = array<i64: 2000, 128>}, {transform_indices = @transform_9, window_bounds = array<i64: 4, 2000, 128>}]} {
    %get3A = arith.constant 0 : index
    %get3A_0 = arith.constant 0 : index
    %get3A_1 = arith.constant 0 : index
    %get3A_2 = vector.load %arg1[%get3A, %get3A_0, %get3A_1] : memref<2x2000x128xf32, #tpu.memory_space<vmem>>, vector<1x2000x128xf32>
    %get3A_3 = vector.shape_cast %get3A_2 : vector<1x2000x128xf32> to vector<2000x128xf32>
    %get3A_4 = arith.constant 1 : index
    %get3A_5 = arith.constant 0 : index
    %get3A_6 = arith.constant 0 : index
    %get3A_7 = vector.load %arg1[%get3A_4, %get3A_5, %get3A_6] : memref<2x2000x128xf32, #tpu.memory_space<vmem>>, vector<1x2000x128xf32>
    %get3A_8 = vector.shape_cast %get3A_7 : vector<1x2000x128xf32> to vector<2000x128xf32>
    %add3A = arith.addf %get3A_3, %get3A_8 : vector<2000x128xf32>
    %get3A_9 = arith.constant 0 : index
    %get3A_10 = arith.constant 0 : index
    %get3A_11 = vector.load %arg2[%get3A_9, %get3A_10] : memref<2000x128xf32, #tpu.memory_space<vmem>>, vector<2000x128xf32>
    %get3A_12 = arith.constant 0 : index
    %get3A_13 = arith.constant 0 : index
    %get3A_14 = vector.load %arg3[%get3A_12, %get3A_13] : memref<384x128xf32, #tpu.memory_space<vmem>>, vector<384x128xf32>
    %dot_general3A = arith.constant dense<0.000000e+00> : vector<2000x384xf32>
    %dot_general3A_15 = tpu.matmul %add3A, %get3A_14, %dot_general3A {dimension_numbers = #tpu.dot_dimension_numbers<[1], [1], [0], [0], [0, 0, 1, 0], [], []>, transpose_lhs_hint = false} : vector<2000x128xf32>, vector<384x128xf32>, vector<2000x384xf32> -> vector<2000x384xf32>
    %get3A_16 = arith.constant 0 : index
    %get3A_17 = arith.constant 0 : index
    %get3A_18 = vector.load %arg5[%get3A_16, %get3A_17] : memref<1x384xf32, #tpu.memory_space<vmem>>, vector<1x384xf32>
    %add3A_19 = vector.broadcast %get3A_18 : vector<1x384xf32> to vector<2000x384xf32>
    %add3A_20 = arith.addf %dot_general3A_15, %add3A_19 : vector<2000x384xf32>
    %get3A_21 = arith.constant 0 : index
    %get3A_22 = arith.constant 0 : index
    %get3A_23 = vector.load %arg4[%get3A_21, %get3A_22] : memref<384x128xf32, #tpu.memory_space<vmem>>, vector<384x128xf32>
    %dot_general3A_24 = arith.constant dense<0.000000e+00> : vector<2000x384xf32>
    %dot_general3A_25 = tpu.matmul %get3A_11, %get3A_23, %dot_general3A_24 {dimension_numbers = #tpu.dot_dimension_numbers<[1], [1], [0], [0], [0, 0, 1, 0], [], []>, transpose_lhs_hint = false} : vector<2000x128xf32>, vector<384x128xf32>, vector<2000x384xf32> -> vector<2000x384xf32>
    %get3A_26 = arith.constant 0 : index
    %get3A_27 = arith.constant 0 : index
    %get3A_28 = vector.load %arg6[%get3A_26, %get3A_27] : memref<1x384xf32, #tpu.memory_space<vmem>>, vector<1x384xf32>
    %add3A_29 = vector.broadcast %get3A_28 : vector<1x384xf32> to vector<2000x384xf32>
    %add3A_30 = arith.addf %dot_general3A_25, %add3A_29 : vector<2000x384xf32>
    %slice3A = vector.extract_strided_slice %add3A_20 {offsets = [0, 0], sizes = [2000, 128], strides = [1, 1]} : vector<2000x384xf32> to vector<2000x128xf32>
    %slice3A_31 = vector.extract_strided_slice %add3A_30 {offsets = [0, 0], sizes = [2000, 128], strides = [1, 1]} : vector<2000x384xf32> to vector<2000x128xf32>
    %add3A_32 = arith.addf %slice3A, %slice3A_31 : vector<2000x128xf32>
    %logistic3A = arith.negf %add3A_32 : vector<2000x128xf32>
    %logistic3A_33 = math.exp %logistic3A : vector<2000x128xf32>
    %logistic3A_34 = arith.constant 1.000000e+00 : f32
    %logistic3A_35 = vector.broadcast %logistic3A_34 : f32 to vector<2000x128xf32>
    %logistic3A_36 = arith.addf %logistic3A_35, %logistic3A_33 : vector<2000x128xf32>
    %logistic3A_37 = arith.divf %logistic3A_35, %logistic3A_36 : vector<2000x128xf32>
    %slice3A_38 = vector.extract_strided_slice %add3A_20 {offsets = [0, 128], sizes = [2000, 128], strides = [1, 1]} : vector<2000x384xf32> to vector<2000x128xf32>
    %slice3A_39 = vector.extract_strided_slice %add3A_30 {offsets = [0, 128], sizes = [2000, 128], strides = [1, 1]} : vector<2000x384xf32> to vector<2000x128xf32>
    %add3A_40 = arith.addf %slice3A_38, %slice3A_39 : vector<2000x128xf32>
    %logistic3A_41 = arith.negf %add3A_40 : vector<2000x128xf32>
    %logistic3A_42 = math.exp %logistic3A_41 : vector<2000x128xf32>
    %logistic3A_43 = arith.constant 1.000000e+00 : f32
    %logistic3A_44 = vector.broadcast %logistic3A_43 : f32 to vector<2000x128xf32>
    %logistic3A_45 = arith.addf %logistic3A_44, %logistic3A_42 : vector<2000x128xf32>
    %logistic3A_46 = arith.divf %logistic3A_44, %logistic3A_45 : vector<2000x128xf32>
    %slice3A_47 = vector.extract_strided_slice %add3A_20 {offsets = [0, 256], sizes = [2000, 128], strides = [1, 1]} : vector<2000x384xf32> to vector<2000x128xf32>
    %slice3A_48 = vector.extract_strided_slice %add3A_30 {offsets = [0, 256], sizes = [2000, 128], strides = [1, 1]} : vector<2000x384xf32> to vector<2000x128xf32>
    %mul3A = arith.mulf %logistic3A_37, %slice3A_48 : vector<2000x128xf32>
    %add3A_49 = arith.addf %slice3A_47, %mul3A : vector<2000x128xf32>
    %tanh3A = math.tanh %add3A_49 : vector<2000x128xf32>
    %sub3A = arith.constant 1.000000e+00 : f32
    %sub3A_50 = vector.broadcast %sub3A : f32 to vector<2000x128xf32>
    %sub3A_51 = arith.subf %sub3A_50, %logistic3A_46 : vector<2000x128xf32>
    %mul3A_52 = arith.mulf %sub3A_51, %tanh3A : vector<2000x128xf32>
    %mul3A_53 = arith.mulf %logistic3A_46, %get3A_11 : vector<2000x128xf32>
    %add3A_54 = arith.addf %mul3A_52, %mul3A_53 : vector<2000x128xf32>
    %swap3A = arith.constant 0 : index
    %swap3A_55 = arith.constant 0 : index
    %swap3A_56 = vector.load %arg9[%swap3A, %swap3A_55] : memref<2000x128xf32, #tpu.memory_space<vmem>>, vector<2000x128xf32>
    tpu.vector_store %arg9[%swap3A, %swap3A_55], %add3A_54 {strides = array<i32>} : memref<2000x128xf32, #tpu.memory_space<vmem>>, vector<2000x128xf32>,
    %get3A_57 = arith.constant 0 : index
    %get3A_58 = arith.constant 0 : index
    %get3A_59 = arith.constant 0 : index
    %get3A_60 = vector.load %arg7[%get3A_57, %get3A_58, %get3A_59] : memref<4x128x128xf32, #tpu.memory_space<vmem>>, vector<1x128x128xf32>
    %get3A_61 = vector.shape_cast %get3A_60 : vector<1x128x128xf32> to vector<128x128xf32>
    %dot_general3A_62 = arith.constant dense<0.000000e+00> : vector<2000x128xf32>
    %dot_general3A_63 = tpu.matmul %add3A_54, %get3A_61, %dot_general3A_62 {dimension_numbers = #tpu.dot_dimension_numbers<[1], [1], [0], [0], [0, 0, 1, 0], [], []>, transpose_lhs_hint = false} : vector<2000x128xf32>, vector<128x128xf32>, vector<2000x128xf32> -> vector<2000x128xf32>
    %get3A_64 = arith.constant 0 : index
    %get3A_65 = arith.constant 0 : index
    %get3A_66 = arith.constant 0 : index
    %get3A_67 = vector.load %arg8[%get3A_64, %get3A_65, %get3A_66] : memref<4x1x128xf32, #tpu.memory_space<vmem>>, vector<1x1x128xf32>
    %get3A_68 = vector.shape_cast %get3A_67 : vector<1x1x128xf32> to vector<1x128xf32>
    %add3A_69 = vector.broadcast %get3A_68 : vector<1x128xf32> to vector<2000x128xf32>
    %add3A_70 = arith.addf %dot_general3A_63, %add3A_69 : vector<2000x128xf32>
    %swap3A_71 = arith.constant 0 : index
    %swap3A_72 = arith.constant 0 : index
    %swap3A_73 = arith.constant 0 : index
    %swap3A_74 = vector.load %arg10[%swap3A_71, %swap3A_72, %swap3A_73] : memref<4x2000x128xf32, #tpu.memory_space<vmem>>, vector<1x2000x128xf32>
    %swap3A_75 = vector.shape_cast %swap3A_74 : vector<1x2000x128xf32> to vector<2000x128xf32>
    %swap3A_76 = vector.shape_cast %add3A_70 : vector<2000x128xf32> to vector<1x2000x128xf32>
    tpu.vector_store %arg10[%swap3A_71, %swap3A_72, %swap3A_73], %swap3A_76 {strides = array<i32>} : memref<4x2000x128xf32, #tpu.memory_space<vmem>>, vector<1x2000x128xf32>,
    %get3A_77 = arith.constant 1 : index
    %get3A_78 = arith.constant 0 : index
    %get3A_79 = arith.constant 0 : index
    %get3A_80 = vector.load %arg7[%get3A_77, %get3A_78, %get3A_79] : memref<4x128x128xf32, #tpu.memory_space<vmem>>, vector<1x128x128xf32>
    %get3A_81 = vector.shape_cast %get3A_80 : vector<1x128x128xf32> to vector<128x128xf32>
    %dot_general3A_82 = arith.constant dense<0.000000e+00> : vector<2000x128xf32>
    %dot_general3A_83 = tpu.matmul %add3A_54, %get3A_81, %dot_general3A_82 {dimension_numbers = #tpu.dot_dimension_numbers<[1], [1], [0], [0], [0, 0, 1, 0], [], []>, transpose_lhs_hint = false} : vector<2000x128xf32>, vector<128x128xf32>, vector<2000x128xf32> -> vector<2000x128xf32>
    %get3A_84 = arith.constant 1 : index
    %get3A_85 = arith.constant 0 : index
    %get3A_86 = arith.constant 0 : index
    %get3A_87 = vector.load %arg8[%get3A_84, %get3A_85, %get3A_86] : memref<4x1x128xf32, #tpu.memory_space<vmem>>, vector<1x1x128xf32>
    %get3A_88 = vector.shape_cast %get3A_87 : vector<1x1x128xf32> to vector<1x128xf32>
    %add3A_89 = vector.broadcast %get3A_88 : vector<1x128xf32> to vector<2000x128xf32>
    %add3A_90 = arith.addf %dot_general3A_83, %add3A_89 : vector<2000x128xf32>
    %swap3A_91 = arith.constant 1 : index
    %swap3A_92 = arith.constant 0 : index
    %swap3A_93 = arith.constant 0 : index
    %swap3A_94 = vector.load %arg10[%swap3A_91, %swap3A_92, %swap3A_93] : memref<4x2000x128xf32, #tpu.memory_space<vmem>>, vector<1x2000x128xf32>
    %swap3A_95 = vector.shape_cast %swap3A_94 : vector<1x2000x128xf32> to vector<2000x128xf32>
    %swap3A_96 = vector.shape_cast %add3A_90 : vector<2000x128xf32> to vector<1x2000x128xf32>
    tpu.vector_store %arg10[%swap3A_91, %swap3A_92, %swap3A_93], %swap3A_96 {strides = array<i32>} : memref<4x2000x128xf32, #tpu.memory_space<vmem>>, vector<1x2000x128xf32>,
    %get3A_97 = arith.constant 2 : index
    %get3A_98 = arith.constant 0 : index
    %get3A_99 = arith.constant 0 : index
    %get3A_100 = vector.load %arg7[%get3A_97, %get3A_98, %get3A_99] : memref<4x128x128xf32, #tpu.memory_space<vmem>>, vector<1x128x128xf32>
    %get3A_101 = vector.shape_cast %get3A_100 : vector<1x128x128xf32> to vector<128x128xf32>
    %dot_general3A_102 = arith.constant dense<0.000000e+00> : vector<2000x128xf32>
    %dot_general3A_103 = tpu.matmul %add3A_54, %get3A_101, %dot_general3A_102 {dimension_numbers = #tpu.dot_dimension_numbers<[1], [1], [0], [0], [0, 0, 1, 0], [], []>, transpose_lhs_hint = false} : vector<2000x128xf32>, vector<128x128xf32>, vector<2000x128xf32> -> vector<2000x128xf32>
    %get3A_104 = arith.constant 2 : index
    %get3A_105 = arith.constant 0 : index
    %get3A_106 = arith.constant 0 : index
    %get3A_107 = vector.load %arg8[%get3A_104, %get3A_105, %get3A_106] : memref<4x1x128xf32, #tpu.memory_space<vmem>>, vector<1x1x128xf32>
    %get3A_108 = vector.shape_cast %get3A_107 : vector<1x1x128xf32> to vector<1x128xf32>
    %add3A_109 = vector.broadcast %get3A_108 : vector<1x128xf32> to vector<2000x128xf32>
    %add3A_110 = arith.addf %dot_general3A_103, %add3A_109 : vector<2000x128xf32>
    %swap3A_111 = arith.constant 2 : index
    %swap3A_112 = arith.constant 0 : index
    %swap3A_113 = arith.constant 0 : index
    %swap3A_114 = vector.load %arg10[%swap3A_111, %swap3A_112, %swap3A_113] : memref<4x2000x128xf32, #tpu.memory_space<vmem>>, vector<1x2000x128xf32>
    %swap3A_115 = vector.shape_cast %swap3A_114 : vector<1x2000x128xf32> to vector<2000x128xf32>
    %swap3A_116 = vector.shape_cast %add3A_110 : vector<2000x128xf32> to vector<1x2000x128xf32>
    tpu.vector_store %arg10[%swap3A_111, %swap3A_112, %swap3A_113], %swap3A_116 {strides = array<i32>} : memref<4x2000x128xf32, #tpu.memory_space<vmem>>, vector<1x2000x128xf32>,
    %get3A_117 = arith.constant 3 : index
    %get3A_118 = arith.constant 0 : index
    %get3A_119 = arith.constant 0 : index
    %get3A_120 = vector.load %arg7[%get3A_117, %get3A_118, %get3A_119] : memref<4x128x128xf32, #tpu.memory_space<vmem>>, vector<1x128x128xf32>
    %get3A_121 = vector.shape_cast %get3A_120 : vector<1x128x128xf32> to vector<128x128xf32>
    %dot_general3A_122 = arith.constant dense<0.000000e+00> : vector<2000x128xf32>
    %dot_general3A_123 = tpu.matmul %add3A_54, %get3A_121, %dot_general3A_122 {dimension_numbers = #tpu.dot_dimension_numbers<[1], [1], [0], [0], [0, 0, 1, 0], [], []>, transpose_lhs_hint = false} : vector<2000x128xf32>, vector<128x128xf32>, vector<2000x128xf32> -> vector<2000x128xf32>
    %get3A_124 = arith.constant 3 : index
    %get3A_125 = arith.constant 0 : index
    %get3A_126 = arith.constant 0 : index
    %get3A_127 = vector.load %arg8[%get3A_124, %get3A_125, %get3A_126] : memref<4x1x128xf32, #tpu.memory_space<vmem>>, vector<1x1x128xf32>
    %get3A_128 = vector.shape_cast %get3A_127 : vector<1x1x128xf32> to vector<1x128xf32>
    %add3A_129 = vector.broadcast %get3A_128 : vector<1x128xf32> to vector<2000x128xf32>
    %add3A_130 = arith.addf %dot_general3A_123, %add3A_129 : vector<2000x128xf32>
    %swap3A_131 = arith.constant 3 : index
    %swap3A_132 = arith.constant 0 : index
    %swap3A_133 = arith.constant 0 : index
    %swap3A_134 = vector.load %arg10[%swap3A_131, %swap3A_132, %swap3A_133] : memref<4x2000x128xf32, #tpu.memory_space<vmem>>, vector<1x2000x128xf32>
    %swap3A_135 = vector.shape_cast %swap3A_134 : vector<1x2000x128xf32> to vector<2000x128xf32>
    %swap3A_136 = vector.shape_cast %add3A_130 : vector<2000x128xf32> to vector<1x2000x128xf32>
    tpu.vector_store %arg10[%swap3A_131, %swap3A_132, %swap3A_133], %swap3A_136 {strides = array<i32>} : memref<4x2000x128xf32, #tpu.memory_space<vmem>>, vector<1x2000x128xf32>,
    return
  }
  func.func @transform_0(%arg0: i32) -> (i32, i32, i32) {
    %c0_i32 = arith.constant 0 : i32
    %c0_i32_0 = arith.constant 0 : i32
    %c0_i32_1 = arith.constant 0 : i32
    return %c0_i32, %arg0, %c0_i32_0 : i32, i32, i32
  }
  func.func @transform_1(%arg0: i32) -> (i32, i32) {
    %c0_i32 = arith.constant 0 : i32
    %c0_i32_0 = arith.constant 0 : i32
    return %arg0, %c0_i32 : i32, i32
  }
  func.func @transform_2(%arg0: i32) -> (i32, i32) {
    %c0_i32 = arith.constant 0 : i32
    %c0_i32_0 = arith.constant 0 : i32
    %c0_i32_1 = arith.constant 0 : i32
    return %c0_i32, %c0_i32_0 : i32, i32
  }
  func.func @transform_3(%arg0: i32) -> (i32, i32) {
    %c0_i32 = arith.constant 0 : i32
    %c0_i32_0 = arith.constant 0 : i32
    %c0_i32_1 = arith.constant 0 : i32
    return %c0_i32, %c0_i32_0 : i32, i32
  }
  func.func @transform_4(%arg0: i32) -> (i32, i32) {
    %c0_i32 = arith.constant 0 : i32
    %c0_i32_0 = arith.constant 0 : i32
    %c0_i32_1 = arith.constant 0 : i32
    return %c0_i32, %c0_i32_0 : i32, i32
  }
  func.func @transform_5(%arg0: i32) -> (i32, i32) {
    %c0_i32 = arith.constant 0 : i32
    %c0_i32_0 = arith.constant 0 : i32
    %c0_i32_1 = arith.constant 0 : i32
    return %c0_i32, %c0_i32_0 : i32, i32
  }
  func.func @transform_6(%arg0: i32) -> (i32, i32, i32) {
    %c0_i32 = arith.constant 0 : i32
    %c0_i32_0 = arith.constant 0 : i32
    %c0_i32_1 = arith.constant 0 : i32
    %c0_i32_2 = arith.constant 0 : i32
    return %c0_i32, %c0_i32_0, %c0_i32_1 : i32, i32, i32
  }
  func.func @transform_7(%arg0: i32) -> (i32, i32, i32) {
    %c0_i32 = arith.constant 0 : i32
    %c0_i32_0 = arith.constant 0 : i32
    %c0_i32_1 = arith.constant 0 : i32
    %c0_i32_2 = arith.constant 0 : i32
    return %c0_i32, %c0_i32_0, %c0_i32_1 : i32, i32, i32
  }
  func.func @transform_8(%arg0: i32) -> (i32, i32) {
    %c0_i32 = arith.constant 0 : i32
    %c0_i32_0 = arith.constant 0 : i32
    return %arg0, %c0_i32 : i32, i32
  }
  func.func @transform_9(%arg0: i32) -> (i32, i32, i32) {
    %c0_i32 = arith.constant 0 : i32
    %c0_i32_0 = arith.constant 0 : i32
    %c0_i32_1 = arith.constant 0 : i32
    return %c0_i32, %arg0, %c0_i32_0 : i32, i32, i32
  }
}

module attributes {stable_mosaic.version = 14 : i64} {
  func.func @body(%arg0: i32, %arg1: memref<2x2000x128xf32, #tpu.memory_space<vmem>>, %arg2: memref<2000x128xf32, #tpu.memory_space<vmem>>, %arg3: memref<384x128xf32, #tpu.memory_space<vmem>>, %arg4: memref<384x128xf32, #tpu.memory_space<vmem>>, %arg5: memref<1x384xf32, #tpu.memory_space<vmem>>, %arg6: memref<1x384xf32, #tpu.memory_space<vmem>>, %arg7: memref<2000x1xi32, #tpu.memory_space<vmem>>, %arg8: memref<256x128xf32, #tpu.memory_space<vmem>>, %arg9: memref<1x256xf32, #tpu.memory_space<vmem>>, %arg10: memref<128x256xf32, #tpu.memory_space<vmem>>, %arg11: memref<1x128xf32, #tpu.memory_space<vmem>>, %arg12: memref<128x128xf32, #tpu.memory_space<vmem>>, %arg13: memref<128x128xf32, #tpu.memory_space<vmem>>, %arg14: memref<128x128xf32, #tpu.memory_space<vmem>>) attributes {dimension_semantics = [#tpu.dimension_semantics<arbitrary>], iteration_bounds = array<i64: 5>, scalar_prefetch = 0 : i64, scratch_operands = 2 : i64, tpu.core_type = #tpu.core_type<tc>, window_params = [{transform_indices = @transform_0, window_bounds = array<i64: 2, 2000, 128>}, {transform_indices = @transform_1, window_bounds = array<i64: 2000, 128>}, {pipeline_mode = #tpu.pipeline_mode<synchronous>, transform_indices = @transform_2, window_bounds = array<i64: 384, 128>}, {pipeline_mode = #tpu.pipeline_mode<synchronous>, transform_indices = @transform_3, window_bounds = array<i64: 384, 128>}, {pipeline_mode = #tpu.pipeline_mode<synchronous>, transform_indices = @transform_4, window_bounds = array<i64: 1, 384>}, {pipeline_mode = #tpu.pipeline_mode<synchronous>, transform_indices = @transform_5, window_bounds = array<i64: 1, 384>}, {transform_indices = @transform_6, window_bounds = array<i64: 2000, 1>}, {pipeline_mode = #tpu.pipeline_mode<synchronous>, transform_indices = @transform_7, window_bounds = array<i64: 256, 128>}, {pipeline_mode = #tpu.pipeline_mode<synchronous>, transform_indices = @transform_8, window_bounds = array<i64: 1, 256>}, {pipeline_mode = #tpu.pipeline_mode<synchronous>, transform_indices = @transform_9, window_bounds = array<i64: 128, 256>}, {pipeline_mode = #tpu.pipeline_mode<synchronous>, transform_indices = @transform_10, window_bounds = array<i64: 1, 128>}, {pipeline_mode = #tpu.pipeline_mode<synchronous>, transform_indices = @transform_11, window_bounds = array<i64: 128, 128>}]} {
    %get3A = arith.constant 0 : index
    %get3A_0 = arith.constant 0 : index
    %get3A_1 = arith.constant 0 : index
    %get3A_2 = vector.load %arg1[%get3A, %get3A_0, %get3A_1] : memref<2x2000x128xf32, #tpu.memory_space<vmem>>, vector<1x2000x128xf32>
    %get3A_3 = vector.shape_cast %get3A_2 : vector<1x2000x128xf32> to vector<2000x128xf32>
    %get3A_4 = arith.constant 1 : index
    %get3A_5 = arith.constant 0 : index
    %get3A_6 = arith.constant 0 : index
    %get3A_7 = vector.load %arg1[%get3A_4, %get3A_5, %get3A_6] : memref<2x2000x128xf32, #tpu.memory_space<vmem>>, vector<1x2000x128xf32>
    %get3A_8 = vector.shape_cast %get3A_7 : vector<1x2000x128xf32> to vector<2000x128xf32>
    %add3A = arith.addf %get3A_3, %get3A_8 : vector<2000x128xf32>
    %get3A_9 = arith.constant 0 : index
    %get3A_10 = arith.constant 0 : index
    %get3A_11 = vector.load %arg2[%get3A_9, %get3A_10] : memref<2000x128xf32, #tpu.memory_space<vmem>>, vector<2000x128xf32>
    %get3A_12 = arith.constant 0 : index
    %get3A_13 = arith.constant 0 : index
    %get3A_14 = vector.load %arg3[%get3A_12, %get3A_13] : memref<384x128xf32, #tpu.memory_space<vmem>>, vector<384x128xf32>
    %dot_general3A = arith.constant dense<0.000000e+00> : vector<2000x384xf32>
    %dot_general3A_15 = tpu.matmul %add3A, %get3A_14, %dot_general3A {dimension_numbers = #tpu.dot_dimension_numbers<[1], [1], [0], [0], [0, 0, 1, 0], [], []>, transpose_lhs_hint = false} : vector<2000x128xf32>, vector<384x128xf32>, vector<2000x384xf32> -> vector<2000x384xf32>
    %get3A_16 = arith.constant 0 : index
    %get3A_17 = arith.constant 0 : index
    %get3A_18 = vector.load %arg5[%get3A_16, %get3A_17] : memref<1x384xf32, #tpu.memory_space<vmem>>, vector<1x384xf32>
    %add3A_19 = vector.broadcast %get3A_18 : vector<1x384xf32> to vector<2000x384xf32>
    %add3A_20 = arith.addf %dot_general3A_15, %add3A_19 : vector<2000x384xf32>
    %get3A_21 = arith.constant 0 : index
    %get3A_22 = arith.constant 0 : index
    %get3A_23 = vector.load %arg4[%get3A_21, %get3A_22] : memref<384x128xf32, #tpu.memory_space<vmem>>, vector<384x128xf32>
    %dot_general3A_24 = arith.constant dense<0.000000e+00> : vector<2000x384xf32>
    %dot_general3A_25 = tpu.matmul %get3A_11, %get3A_23, %dot_general3A_24 {dimension_numbers = #tpu.dot_dimension_numbers<[1], [1], [0], [0], [0, 0, 1, 0], [], []>, transpose_lhs_hint = false} : vector<2000x128xf32>, vector<384x128xf32>, vector<2000x384xf32> -> vector<2000x384xf32>
    %get3A_26 = arith.constant 0 : index
    %get3A_27 = arith.constant 0 : index
    %get3A_28 = vector.load %arg6[%get3A_26, %get3A_27] : memref<1x384xf32, #tpu.memory_space<vmem>>, vector<1x384xf32>
    %add3A_29 = vector.broadcast %get3A_28 : vector<1x384xf32> to vector<2000x384xf32>
    %add3A_30 = arith.addf %dot_general3A_25, %add3A_29 : vector<2000x384xf32>
    %slice3A = vector.extract_strided_slice %add3A_20 {offsets = [0, 0], sizes = [2000, 128], strides = [1, 1]} : vector<2000x384xf32> to vector<2000x128xf32>
    %slice3A_31 = vector.extract_strided_slice %add3A_30 {offsets = [0, 0], sizes = [2000, 128], strides = [1, 1]} : vector<2000x384xf32> to vector<2000x128xf32>
    %add3A_32 = arith.addf %slice3A, %slice3A_31 : vector<2000x128xf32>
    %logistic3A = arith.negf %add3A_32 : vector<2000x128xf32>
    %logistic3A_33 = math.exp %logistic3A : vector<2000x128xf32>
    %logistic3A_34 = arith.constant 1.000000e+00 : f32
    %logistic3A_35 = vector.broadcast %logistic3A_34 : f32 to vector<2000x128xf32>
    %logistic3A_36 = arith.addf %logistic3A_35, %logistic3A_33 : vector<2000x128xf32>
    %logistic3A_37 = arith.divf %logistic3A_35, %logistic3A_36 : vector<2000x128xf32>
    %slice3A_38 = vector.extract_strided_slice %add3A_20 {offsets = [0, 128], sizes = [2000, 128], strides = [1, 1]} : vector<2000x384xf32> to vector<2000x128xf32>
    %slice3A_39 = vector.extract_strided_slice %add3A_30 {offsets = [0, 128], sizes = [2000, 128], strides = [1, 1]} : vector<2000x384xf32> to vector<2000x128xf32>
    %add3A_40 = arith.addf %slice3A_38, %slice3A_39 : vector<2000x128xf32>
    %logistic3A_41 = arith.negf %add3A_40 : vector<2000x128xf32>
    %logistic3A_42 = math.exp %logistic3A_41 : vector<2000x128xf32>
    %logistic3A_43 = arith.constant 1.000000e+00 : f32
    %logistic3A_44 = vector.broadcast %logistic3A_43 : f32 to vector<2000x128xf32>
    %logistic3A_45 = arith.addf %logistic3A_44, %logistic3A_42 : vector<2000x128xf32>
    %logistic3A_46 = arith.divf %logistic3A_44, %logistic3A_45 : vector<2000x128xf32>
    %slice3A_47 = vector.extract_strided_slice %add3A_20 {offsets = [0, 256], sizes = [2000, 128], strides = [1, 1]} : vector<2000x384xf32> to vector<2000x128xf32>
    %slice3A_48 = vector.extract_strided_slice %add3A_30 {offsets = [0, 256], sizes = [2000, 128], strides = [1, 1]} : vector<2000x384xf32> to vector<2000x128xf32>
    %mul3A = arith.mulf %logistic3A_37, %slice3A_48 : vector<2000x128xf32>
    %add3A_49 = arith.addf %slice3A_47, %mul3A : vector<2000x128xf32>
    %tanh3A = math.tanh %add3A_49 : vector<2000x128xf32>
    %sub3A = arith.constant 1.000000e+00 : f32
    %sub3A_50 = vector.broadcast %sub3A : f32 to vector<2000x128xf32>
    %sub3A_51 = arith.subf %sub3A_50, %logistic3A_46 : vector<2000x128xf32>
    %mul3A_52 = arith.mulf %sub3A_51, %tanh3A : vector<2000x128xf32>
    %mul3A_53 = arith.mulf %logistic3A_46, %get3A_11 : vector<2000x128xf32>
    %add3A_54 = arith.addf %mul3A_52, %mul3A_53 : vector<2000x128xf32>
    %get3A_55 = arith.constant 0 : index
    %get3A_56 = arith.constant 0 : index
    %get3A_57 = vector.load %arg7[%get3A_55, %get3A_56] : memref<2000x1xi32, #tpu.memory_space<vmem>>, vector<2000x1xi32>
    %iota3A = tpu.iota {dimensions = array<i32: 1>} : vector<2000x128xi32>
    %eq3A = vector.broadcast %get3A_57 : vector<2000x1xi32> to vector<2000x128xi32>
    %eq3A_58 = arith.cmpi eq, %eq3A, %iota3A : vector<2000x128xi32>
    %convert_element_type3A = arith.extui %eq3A_58 : vector<2000x128xi1> to vector<2000x128xi32>
    %convert_element_type3A_59 = arith.sitofp %convert_element_type3A : vector<2000x128xi32> to vector<2000x128xf32>
    %dot_general3A_60 = arith.constant dense<0.000000e+00> : vector<128x128xf32>
    %dot_general3A_61 = tpu.matmul %convert_element_type3A_59, %add3A_54, %dot_general3A_60 {dimension_numbers = #tpu.dot_dimension_numbers<[0], [0], [1], [1], [0, 1, 1, 1], [], []>, transpose_lhs_hint = false} : vector<2000x128xf32>, vector<2000x128xf32>, vector<128x128xf32> -> vector<128x128xf32>
    %broadcast_in_dim3A = arith.constant 1.000000e+00 : f32
    %broadcast_in_dim3A_62 = vector.broadcast %broadcast_in_dim3A : f32 to vector<2000x128xf32>
    %dot_general3A_63 = arith.constant dense<0.000000e+00> : vector<128x128xf32>
    %dot_general3A_64 = tpu.matmul %convert_element_type3A_59, %broadcast_in_dim3A_62, %dot_general3A_63 {dimension_numbers = #tpu.dot_dimension_numbers<[0], [0], [1], [1], [0, 1, 1, 1], [], []>, transpose_lhs_hint = false} : vector<2000x128xf32>, vector<2000x128xf32>, vector<128x128xf32> -> vector<128x128xf32>
    %eq3A_65 = arith.constant 0 : i32
    %eq3A_66 = arith.cmpi eq, %arg0, %eq3A_65 : i32
    %convert_element_type3A_67 = arith.extui %eq3A_66 : i1 to i32
    %cond3A = arith.constant 0 : i32
    %cond3A_68 = arith.cmpi ne, %convert_element_type3A_67, %cond3A : i32
    scf.if %cond3A_68 {
      %swap3A = arith.constant 0 : index
      %swap3A_78 = arith.constant 0 : index
      %swap3A_79 = vector.load %arg13[%swap3A, %swap3A_78] : memref<128x128xf32, #tpu.memory_space<vmem>>, vector<128x128xf32>
      tpu.vector_store %arg13[%swap3A, %swap3A_78], %dot_general3A_61 {strides = array<i32>} : memref<128x128xf32, #tpu.memory_space<vmem>>, vector<128x128xf32>,
      %swap3A_80 = arith.constant 0 : index
      %swap3A_81 = arith.constant 0 : index
      %swap3A_82 = vector.load %arg14[%swap3A_80, %swap3A_81] : memref<128x128xf32, #tpu.memory_space<vmem>>, vector<128x128xf32>
      tpu.vector_store %arg14[%swap3A_80, %swap3A_81], %dot_general3A_64 {strides = array<i32>} : memref<128x128xf32, #tpu.memory_space<vmem>>, vector<128x128xf32>,
    } else {
    }
    %gt3A = arith.constant 0 : i32
    %gt3A_69 = arith.cmpi sgt, %arg0, %gt3A : i32
    %convert_element_type3A_70 = arith.extui %gt3A_69 : i1 to i32
    %cond3A_71 = arith.constant 0 : i32
    %cond3A_72 = arith.cmpi ne, %convert_element_type3A_70, %cond3A_71 : i32
    scf.if %cond3A_72 {
      %get3A_78 = arith.constant 0 : index
      %get3A_79 = arith.constant 0 : index
      %get3A_80 = vector.load %arg13[%get3A_78, %get3A_79] : memref<128x128xf32, #tpu.memory_space<vmem>>, vector<128x128xf32>
      %add3A_81 = arith.addf %get3A_80, %dot_general3A_61 : vector<128x128xf32>
      %swap3A = arith.constant 0 : index
      %swap3A_82 = arith.constant 0 : index
      %swap3A_83 = vector.load %arg13[%swap3A, %swap3A_82] : memref<128x128xf32, #tpu.memory_space<vmem>>, vector<128x128xf32>
      tpu.vector_store %arg13[%swap3A, %swap3A_82], %add3A_81 {strides = array<i32>} : memref<128x128xf32, #tpu.memory_space<vmem>>, vector<128x128xf32>,
      %get3A_84 = arith.constant 0 : index
      %get3A_85 = arith.constant 0 : index
      %get3A_86 = vector.load %arg14[%get3A_84, %get3A_85] : memref<128x128xf32, #tpu.memory_space<vmem>>, vector<128x128xf32>
      %add3A_87 = arith.addf %get3A_86, %dot_general3A_64 : vector<128x128xf32>
      %swap3A_88 = arith.constant 0 : index
      %swap3A_89 = arith.constant 0 : index
      %swap3A_90 = vector.load %arg14[%swap3A_88, %swap3A_89] : memref<128x128xf32, #tpu.memory_space<vmem>>, vector<128x128xf32>
      tpu.vector_store %arg14[%swap3A_88, %swap3A_89], %add3A_87 {strides = array<i32>} : memref<128x128xf32, #tpu.memory_space<vmem>>, vector<128x128xf32>,
    } else {
    }
    %eq3A_73 = arith.constant 4 : i32
    %eq3A_74 = arith.cmpi eq, %arg0, %eq3A_73 : i32
    %convert_element_type3A_75 = arith.extui %eq3A_74 : i1 to i32
    %cond3A_76 = arith.constant 0 : i32
    %cond3A_77 = arith.cmpi ne, %convert_element_type3A_75, %cond3A_76 : i32
    scf.if %cond3A_77 {
      %get3A_78 = arith.constant 0 : index
      %get3A_79 = arith.constant 0 : index
      %get3A_80 = vector.load %arg13[%get3A_78, %get3A_79] : memref<128x128xf32, #tpu.memory_space<vmem>>, vector<128x128xf32>
      %get3A_81 = arith.constant 0 : index
      %get3A_82 = arith.constant 0 : index
      %get3A_83 = vector.load %arg14[%get3A_81, %get3A_82] : memref<128x128xf32, #tpu.memory_space<vmem>>, vector<128x128xf32>
      %max3A = arith.constant 1.000000e+00 : f32
      %max3A_84 = vector.broadcast %max3A : f32 to vector<128x128xf32>
      %max3A_85 = arith.maximumf %get3A_83, %max3A_84 : vector<128x128xf32>
      %div3A = arith.divf %get3A_80, %max3A_85 : vector<128x128xf32>
      %get3A_86 = arith.constant 0 : index
      %get3A_87 = arith.constant 0 : index
      %get3A_88 = vector.load %arg8[%get3A_86, %get3A_87] : memref<256x128xf32, #tpu.memory_space<vmem>>, vector<256x128xf32>
      %dot_general3A_89 = arith.constant dense<0.000000e+00> : vector<128x256xf32>
      %dot_general3A_90 = tpu.matmul %div3A, %get3A_88, %dot_general3A_89 {dimension_numbers = #tpu.dot_dimension_numbers<[1], [1], [0], [0], [0, 0, 1, 0], [], []>, transpose_lhs_hint = false} : vector<128x128xf32>, vector<256x128xf32>, vector<128x256xf32> -> vector<128x256xf32>
      %get3A_91 = arith.constant 0 : index
      %get3A_92 = arith.constant 0 : index
      %get3A_93 = vector.load %arg9[%get3A_91, %get3A_92] : memref<1x256xf32, #tpu.memory_space<vmem>>, vector<1x256xf32>
      %add3A_94 = vector.broadcast %get3A_93 : vector<1x256xf32> to vector<128x256xf32>
      %add3A_95 = arith.addf %dot_general3A_90, %add3A_94 : vector<128x256xf32>
      %max3A_96 = arith.constant 0.000000e+00 : f32
      %max3A_97 = vector.broadcast %max3A_96 : f32 to vector<128x256xf32>
      %max3A_98 = arith.maximumf %add3A_95, %max3A_97 : vector<128x256xf32>
      %get3A_99 = arith.constant 0 : index
      %get3A_100 = arith.constant 0 : index
      %get3A_101 = vector.load %arg10[%get3A_99, %get3A_100] : memref<128x256xf32, #tpu.memory_space<vmem>>, vector<128x256xf32>
      %dot_general3A_102 = arith.constant dense<0.000000e+00> : vector<128x128xf32>
      %dot_general3A_103 = tpu.matmul %max3A_98, %get3A_101, %dot_general3A_102 {dimension_numbers = #tpu.dot_dimension_numbers<[1], [1], [0], [0], [0, 0, 1, 0], [], []>, transpose_lhs_hint = false} : vector<128x256xf32>, vector<128x256xf32>, vector<128x128xf32> -> vector<128x128xf32>
      %get3A_104 = arith.constant 0 : index
      %get3A_105 = arith.constant 0 : index
      %get3A_106 = vector.load %arg11[%get3A_104, %get3A_105] : memref<1x128xf32, #tpu.memory_space<vmem>>, vector<1x128xf32>
      %add3A_107 = vector.broadcast %get3A_106 : vector<1x128xf32> to vector<128x128xf32>
      %add3A_108 = arith.addf %dot_general3A_103, %add3A_107 : vector<128x128xf32>
      %logistic3A_109 = arith.negf %add3A_108 : vector<128x128xf32>
      %logistic3A_110 = math.exp %logistic3A_109 : vector<128x128xf32>
      %logistic3A_111 = arith.constant 1.000000e+00 : f32
      %logistic3A_112 = vector.broadcast %logistic3A_111 : f32 to vector<128x128xf32>
      %logistic3A_113 = arith.addf %logistic3A_112, %logistic3A_110 : vector<128x128xf32>
      %logistic3A_114 = arith.divf %logistic3A_112, %logistic3A_113 : vector<128x128xf32>
      %swap3A = arith.constant 0 : index
      %swap3A_115 = arith.constant 0 : index
      %swap3A_116 = vector.load %arg12[%swap3A, %swap3A_115] : memref<128x128xf32, #tpu.memory_space<vmem>>, vector<128x128xf32>
      tpu.vector_store %arg12[%swap3A, %swap3A_115], %logistic3A_114 {strides = array<i32>} : memref<128x128xf32, #tpu.memory_space<vmem>>, vector<128x128xf32>,
    } else {
    }
    return
  }
  func.func @transform_0(%arg0: i32) -> (i32, i32, i32) {
    %c0_i32 = arith.constant 0 : i32
    %c0_i32_0 = arith.constant 0 : i32
    %c0_i32_1 = arith.constant 0 : i32
    return %c0_i32, %arg0, %c0_i32_0 : i32, i32, i32
  }
  func.func @transform_1(%arg0: i32) -> (i32, i32) {
    %c0_i32 = arith.constant 0 : i32
    %c0_i32_0 = arith.constant 0 : i32
    return %arg0, %c0_i32 : i32, i32
  }
  func.func @transform_2(%arg0: i32) -> (i32, i32) {
    %c0_i32 = arith.constant 0 : i32
    %c0_i32_0 = arith.constant 0 : i32
    %c0_i32_1 = arith.constant 0 : i32
    return %c0_i32, %c0_i32_0 : i32, i32
  }
  func.func @transform_3(%arg0: i32) -> (i32, i32) {
    %c0_i32 = arith.constant 0 : i32
    %c0_i32_0 = arith.constant 0 : i32
    %c0_i32_1 = arith.constant 0 : i32
    return %c0_i32, %c0_i32_0 : i32, i32
  }
  func.func @transform_4(%arg0: i32) -> (i32, i32) {
    %c0_i32 = arith.constant 0 : i32
    %c0_i32_0 = arith.constant 0 : i32
    %c0_i32_1 = arith.constant 0 : i32
    return %c0_i32, %c0_i32_0 : i32, i32
  }
  func.func @transform_5(%arg0: i32) -> (i32, i32) {
    %c0_i32 = arith.constant 0 : i32
    %c0_i32_0 = arith.constant 0 : i32
    %c0_i32_1 = arith.constant 0 : i32
    return %c0_i32, %c0_i32_0 : i32, i32
  }
  func.func @transform_6(%arg0: i32) -> (i32, i32) {
    %c0_i32 = arith.constant 0 : i32
    %c0_i32_0 = arith.constant 0 : i32
    return %arg0, %c0_i32 : i32, i32
  }
  func.func @transform_7(%arg0: i32) -> (i32, i32) {
    %c0_i32 = arith.constant 0 : i32
    %c0_i32_0 = arith.constant 0 : i32
    %c0_i32_1 = arith.constant 0 : i32
    return %c0_i32, %c0_i32_0 : i32, i32
  }
  func.func @transform_8(%arg0: i32) -> (i32, i32) {
    %c0_i32 = arith.constant 0 : i32
    %c0_i32_0 = arith.constant 0 : i32
    %c0_i32_1 = arith.constant 0 : i32
    return %c0_i32, %c0_i32_0 : i32, i32
  }
  func.func @transform_9(%arg0: i32) -> (i32, i32) {
    %c0_i32 = arith.constant 0 : i32
    %c0_i32_0 = arith.constant 0 : i32
    %c0_i32_1 = arith.constant 0 : i32
    return %c0_i32, %c0_i32_0 : i32, i32
  }
  func.func @transform_10(%arg0: i32) -> (i32, i32) {
    %c0_i32 = arith.constant 0 : i32
    %c0_i32_0 = arith.constant 0 : i32
    %c0_i32_1 = arith.constant 0 : i32
    return %c0_i32, %c0_i32_0 : i32, i32
  }
  func.func @transform_11(%arg0: i32) -> (i32, i32) {
    %c0_i32 = arith.constant 0 : i32
    %c0_i32_0 = arith.constant 0 : i32
    %c0_i32_1 = arith.constant 0 : i32
    return %c0_i32, %c0_i32_0 : i32, i32
  }
}

</mosaic_0001>

<sc_bundles>
// kernel: kernel.19.cloned.1.call-start
scs
__scs_entry_jumppad:
0x0: {  	(pc) =	sbr.rel $0x88, $3  }
0x1: {  	(tag) =	ssettag $0x0;
	lr =	simm.s32 $0x1  }
0x2: {  	[smem:$0x3F93] =	sst lr;
	_ =	strace $0xD0000000  }
0x3: {  	_ = 	snop  }
0x4: {  	_ = 	snop  }
0x5: {  	_ = 	snop  }
0x6: {  	_ = 	snop  }
0x7: {  	_ = 	snop  }
__scs_overlays_trampoline_lowered:
0x8: {  	[smem:$0x3FA2] =	sst s0  }
0x9: {  	[smem:$0x3FA3] =	sst s1  }
0xa: {  	[smem:$0x3FA4] =	sst s2  }
0xb: {  	[smem:$0x3FA5] =	sst s3  }
0xc: {  	[smem:$0x3FA6] =	sst s4  }
0xd: {  	[smem:$0x3FA7] =	sst s5  }
0xe: {  	[smem:$0x3FA8] =	sst s6  }
0xf: {  	[smem:$0x3FA9] =	sst s7  }
0x10: {  	[smem:$0x3FAA] =	sst s8  }
0x11: {  	[smem:$0x3FAB] =	sst s9;
	s0 =	simm.s32 @!p0 $0x0  }
0x12: {  	s1 =	sld [smem:$0x3F91];
	s0 =	simm.s32 @p0 $0x1  }
0x13: {  	[smem:$0x3FAC] =	sst s0;
	s0 =	simm.s32 @!p1 $0x0  }
0x14: {  	s2 =	sld [smem:$0x3F90];
	s0 =	simm.s32 @p1 $0x1  }
0x15: {  	[smem:$0x3FAD] =	sst s0;
	s0 =	simm.s32 @!p2 $0x0  }
0x16: {  	s3 =	sld [smem:$0x3FDB];
	s0 =	simm.s32 @p2 $0x1  }
0x17: {  	s4 =	simm.s32 $0x1BF5;
	[smem:$0x3FAF] =	sst s0  }
0x18: {  	s0 =	sld [smem:$0x3F92];
	_ =	swait.ge [sflag:s4], $0x0  }
0x19: {  	s7 =	sld [smem:$0x3F93]  }
0x1a: {  	s8 =	sadd.s32 $0xFFFFE003, lr  }
0x1b: {  	s9 =	sadd.s32 $0xFFFFFEF7, lr;
	s5 =	simm.s32 $0xFFFFFFFF;
	p2 =	slt.u32 s8, $0xFFFFF086  }
0x1c: {  	p1 =	slt.u32 s9, $0xF7A;
	s5 =	simm.s32 @!p2 $0x0  }
0x1d: {  	s5 =	simm.s32 @p1 $0x1;
	p0 =	seq.s32 s7, s2  }
0x1e: {  	s7 =	smul.u32 @!p0 $0xF7A, s2;
	p2 =	seq.s32 @!p0 s5, $0x0  }
0x1f: {  	s9 =	smul.u32 $0xF7A, s1;
	s8 =	simm.s32 @!p0 $0x1BF5;
	p2 =	por !p2, p0  }
0x20: {  	[sflag:s8] =	ssyncset.s32 @!p0 $0xFFFFF086;
	s6 =	sadd.s32 @!p0 s3, s7;
	s7 =	simm.s32 @!p0 $0x108  }
0x21: {  	s3 =	sadd.s32 s3, s9;
	s6 =	sadd.s32 @!p0 $0x88, s6;
	s7 =	simm.s32 @p2 $0x1082  }
0x22: {  	[simem:s7], [sflag:s8] =	dma.local @!p0 [hbm:s6], $0xF7A  }
0x23: {  	s9 =	sor.u32 $0xD0000000, s2;
	s6 =	simm.s32 $0x108;
	_ =	swait.ge @!p0 [sflag:s8], $0x0  }
0x24: {  	s3 =	sadd.s32 $0x88, s3;
	s6 =	simm.s32 @!p1 $0x1082;
	[sflag:s4] =	ssyncset.s32 $0xFFFFF086  }
0x25: {  	[simem:s6], [sflag:s4] =	dma.local [hbm:s3], $0xF7A  }
0x26: {  	[smem:$0x3F93] =	sst s1;
	(tag) =	ssettag s2;
	_ =	strace s9  }
0x27: {  	s1 =	sld [smem:$0x3FA3]  }
0x28: {  	s2 =	sld [smem:$0x3FA4]  }
0x29: {  	s4 =	sld [smem:$0x3FA6]  }
0x2a: {  	p0 =	seq.s32 s5, $0x0;
	s5 =	sld [smem:$0x3FA7]  }
0x2b: {  	s6 =	sld [smem:$0x3FA8]  }
0x2c: {  	s7 =	sld [smem:$0x3FA9]  }
0x2d: {  	s3 =	simm.s32 $0x108;
	s8 =	sld [smem:$0x3FAA]  }
0x2e: {  	s3 =	simm.s32 @!p0 $0x1082;
	s9 =	sld [smem:$0x3FAB]  }
0x2f: {  	lr =	sadd.s32 s0, s3;
	s0 =	sld [smem:$0x3FA2]  }
0x30: {  	s3 =	sld [smem:$0x3FA5]  }
0x31: {  	[smem:$0x3FAE] =	sst s10  }
0x32: {  	s10 =	sld [smem:$0x3FAC];
	_ =	sdelay $0x3  }
0x33: {  	p0 =	seq.s32 s10, $0x1;
	s10 =	sld [smem:$0x3FAE];
	_ =	sdelay $0x3  }
0x34: {  	[smem:$0x3FAE] =	sst s10  }
0x35: {  	s10 =	sld [smem:$0x3FAD];
	_ =	sdelay $0x3  }
0x36: {  	p1 =	seq.s32 s10, $0x1;
	s10 =	sld [smem:$0x3FAE];
	_ =	sdelay $0x3  }
0x37: {  	[smem:$0x3FAE] =	sst s10  }
0x38: {  	s10 =	sld [smem:$0x3FAF]  }
0x39: {  	_ = 	snop;
	(pc) =	sbr.ind lr, $3  }
0x3a: {  	_ = 	snop  }
0x3b: {  	_ = 	snop  }
0x3c: {  	p2 =	seq.s32 s10, $0x1;
	s10 =	sld [smem:$0x3FAE]  }
0x3d: {  	_ =	shalt  }
0x3e: {  	_ =	shalt  }
0x3f: {  	_ =	shalt  }
0x40: {  	_ =	shalt  }
0x41: {  	_ =	shalt  }
0x42: {  	_ =	shalt  }
0x43: {  	_ =	shalt  }
0x44: {  	_ =	shalt  }
0x45: {  	_ =	shalt  }
0x46: {  	_ =	shalt  }
0x47: {  	_ =	shalt  }
0x48: {  	_ =	shalt  }
0x49: {  	_ =	shalt  }
0x4a: {  	_ =	shalt  }
0x4b: {  	_ =	shalt  }
0x4c: {  	_ =	shalt  }
0x4d: {  	_ =	shalt  }
0x4e: {  	_ =	shalt  }
0x4f: {  	_ =	shalt  }
0x50: {  	_ =	shalt  }
0x51: {  	_ =	shalt  }
0x52: {  	_ =	shalt  }
0x53: {  	_ =	shalt  }
0x54: {  	_ =	shalt  }
0x55: {  	_ =	shalt  }
0x56: {  	_ =	shalt  }
0x57: {  	_ =	shalt  }
0x58: {  	_ =	shalt  }
0x59: {  	_ =	shalt  }
0x5a: {  	_ =	shalt  }
0x5b: {  	_ =	shalt  }
0x5c: {  	_ =	shalt  }
0x5d: {  	_ =	shalt  }
0x5e: {  	_ =	shalt  }
0x5f: {  	_ =	shalt  }
0x60: {  	_ =	shalt  }
0x61: {  	_ =	shalt  }
0x62: {  	_ =	shalt  }
0x63: {  	_ =	shalt  }
0x64: {  	_ =	shalt  }
0x65: {  	_ =	shalt  }
0x66: {  	_ =	shalt  }
0x67: {  	_ =	shalt  }
0x68: {  	_ =	shalt  }
0x69: {  	_ =	shalt  }
0x6a: {  	_ =	shalt  }
0x6b: {  	_ =	shalt  }
0x6c: {  	_ =	shalt  }
0x6d: {  	_ =	shalt  }
0x6e: {  	_ =	shalt  }
0x6f: {  	_ =	shalt  }
0x70: {  	_ =	shalt  }
0x71: {  	_ =	shalt  }
0x72: {  	_ =	shalt  }
0x73: {  	_ =	shalt  }
0x74: {  	_ =	shalt  }
0x75: {  	_ =	shalt  }
0x76: {  	_ =	shalt  }
0x77: {  	_ =	shalt  }
0x78: {  	_ =	shalt  }
0x79: {  	_ =	shalt  }
0x7a: {  	_ =	shalt  }
0x7b: {  	_ =	shalt  }
0x7c: {  	_ =	shalt  }
0x7d: {  	_ =	shalt  }
0x7e: {  	_ =	shalt  }
0x7f: {  	_ =	shalt  }
0x80: {  	_ =	shalt  }
0x81: {  	_ =	shalt  }
0x82: {  	_ =	shalt  }
0x83: {  	_ =	shalt  }
0x84: {  	_ =	shalt  }
0x85: {  	_ =	shalt  }
0x86: {  	_ =	shalt  }
0x87: {  	_ =	shalt  }
.Lfunc_end0:
.L_simem_size_0:
called_computation_lowered:
.L_overlay_start_0:
0x88: {  	s2 =	sld [smem:$0x3FD9]  }
0x89: {  	s3 =	sld [smem:$0x3FFE];
	_ =	sdelay $0x1  }
0x8a: {  	s1 =	srdreg.scid  }
0x8b: {  	s0 =	sand.u32 $0x1, s1  }
0x8c: {  	s16 =	sshll.u32 s0, $0xA;
	s2 =	sadd.s32 s3, s2  }
0x8d: {  	s2 =	sadd.s32 s2, s16  }
0x8e: {  	[smem:$0x3FBA] =	sst s2  }
0x8f: {  	_ = 	snop  }
0x90: {  	(tm) =	ssettm $0x1  }
0x91: {  	s17 =	sld [smem:$0x3FFB];
	_ =	sdelay $0x3  }
0x92: {  	_ =	strace s17  }
0x93: {  	s2 =	sld [smem:$0x3FFC];
	_ =	sdelay $0x3  }
0x94: {  	_ =	strace s2  }
0x95: {  	s2 =	sld [smem:$0x3FFD];
	_ =	sdelay $0x3  }
0x96: {  	_ =	strace s2  }
0x97: {  	_ =	strace $0x8FFFFFFF  }
0x98: {  	s18 =	sld [smem:$0x3FDB];
	_ =	sdelay $0x1  }
0x99: {  	s19 =	simm.s32 $_scs_section_size  }
0x9a: {  	s4 =	simm.s32 $_size__tile_overlayer_lowered;
	s5 =	simm.s32 $_tile_overlayer_lowered  }
0x9b: {  	s22 =	simm.s32 $0x1BFF;
	s21 =	sshll.u32 s5, $0x1;
	s2 =	sadd.s32 s19, s18  }
0x9c: {  	s6 =	simm.s32 $0x0;
	s20 =	sshll.u32 s4, $0x1;
	s4 =	sadd.s32 s21, s2  }
0x9d: {  	[timem:s6], [sflag:s22] =	dma.local [hbm:s4], s20  }
0x9e: {  	_ =	swait.ge [sflag:s22], s20  }
0x9f: {  	s3 =	ssub.s32 $0x0, s20;
	[sflag:s22] =	ssyncset.done $0x0  }
0xa0: {  	[sflag:s22] =	ssyncadd.s32 s3;
	_ =	sdelay $0x1  }
0xa1: {  	s23 =	simm.s32 $0x1B8B  }
0xa2: {  	_ =	swait.ge [sflag:s23], $0x1  }
0xa3: {  	[sflag:s23] =	ssyncset.done $0x0  }
0xa4: {  	s25 =	simm.s32 $0x1B8E;
	s24 =	sld [smem:$0x3FFE];
	[sflag:s23] =	ssyncadd.s32 $0xFFFFFFFF  }
0xa5: {  	s26 =	simm.s32 $execute0_lowered;
	[smem:$0x3FD2] =	sst s25  }
0xa6: {  	s4 =	sshll.u32 s26, $0x1;
	_ =	strace $0x80000046;
	[dreg:$0x1] =	wrdreg $0xFFFFFFFF  }
0xa7: {  	s28 =	simm.s32 $_size_execute0_lowered;
	s2 =	sadd.s32 s2, s4;
	[dreg:$0x0] =	wrdreg $0x0  }
0xa8: {  	s4 =	sshll.u32 s28, $0x1;
	[dreg:$0x2] =	wrdreg s2  }
0xa9: {  	[dreg:$0x3] =	wrdreg s4  }
0xaa: {  	[dreg:$0x4] =	wrdreg $0xC0  }
0xab: {  	_ =	task [dreg:s6], $0x5FFFF  }
0xac: {  	[dreg:$0x1] =	wrdreg $0xFFFFFFFF  }
0xad: {  	[dreg:$0x0] =	wrdreg $0x60  }
0xae: {  	[dreg:$0x2] =	wrdreg s24  }
0xaf: {  	[dreg:$0x3] =	wrdreg $0x90000  }
0xb0: {  	[dreg:$0x4] =	wrdreg $0x9  }
0xb1: {  	_ =	task.clear_ibuf [dreg:s6], $0x5FFFF;
	_ =	strace $0x90000046  }
0xb2: {  	s29 =	simm.s32 $0x9;
	_ =	strace $0x80000048  }
0xb3: {  	_ =	swait.ge [sflag:s29], $0x1  }
0xb4: {  	[sflag:s29] =	ssyncadd.s32 $0xFFFFFFFF  }
0xb5: {  	_ =	strace $0x90000048  }
0xb6: {  	_ =	sfence  }
0xb7: {  	s30 =	sld [smem:$0x0];
	_ =	sdelay $0x2  }
0xb8: {  	s31 =	sshll.u32 s1, $0xD;
	s1 =	sshrl.u32 s1, $0x2  }
0xb9: {  	s3 =	sand.u32 $0x4000, s31;
	s1 =	sadd.s32 s1, s30  }
0xba: {  	s0 =	sor.u32 s3, s0;
	s1 =	sshll.u32 s1, $0x11  }
0xbb: {  	s0 =	sor.u32 s1, s0  }
0xbc: {  	s0 =	sadd.s32 $0x8F2B, s0  }
0xbd: {  	[sflag:s0] =	ssyncadd.remote.s32 $0x1  }
0xbe: {  	_ =	sfence.sel $0xFFFF  }
0xbf: {  	[dreg:$0x0] =	wrdreg $0xFFFFFFFF;
	(pc) =	sbr.abs _section_cstart, $3  }
0xc0: {  	[dreg:$0x1] =	wrdreg $0xFFFFFFFF  }
0xc1: {  	_ =	task.clear_ibuf [dreg:s6], $0x2FFFF;
	_ =	strace $0x9FFFFFFF  }
0xc2: {  	(tm) =	ssettm $0x7FFFFFFF  }
0xc3: {  	_ =	shalt  }
tec
execute0_lowered:
.L_overlay_start_1:
0x0: {  	(tag) =	ssettag $0x1  }
0x1: {  	s1 =	srdreg.scid;
	s7 =	rddreg [dreg:$0x0]  }
0x2: {  	s0 =	stileid.u32;
	s2 =	rddreg [dreg:$0x1]  }
0x3: {  	s3 =	simm.s32 $0x0;
	s15 =	simm.s32 $0x5000;
	s16 =	simm.s32 $0x2  }
0x4: {  	s17 =	simm.s32 $0x2800;
	s18 =	simm.s32 $0x80;
	s19 =	simm.s32 $0x1  }
0x5: {  	s22 =	simm.s32 $0x0;
	s6 =	sand.u32 $0x1, s1;
	s28 =	sshll.u32 s0, $0x1  }
0x6: {  	[smem:$0x7FF] =	sst s3;
	s9 =	smul.u32 $0x14000, s0;
	s4 =	sadd.s32 $0x19400, s7  }
0x7: {  	s10 =	smul.u32 $0x50000, s0;
	s20 =	sshll.u32 s0, $0x6;
	s1 =	sor.u32 s6, s28  }
0x8: {  	s8 =	smul.u32 $0x140000, s6;
	s29 =	ssub.s32 $0x2, s6;
	s20 =	sor.u32 $0x1C02, s20  }
0x9: {  	s5 =	smul.u32 $0x500, s1;
	s1 =	rddreg [dreg:$0x2];
	_ =	strace $0x80000047  }
0xa: {  	s30 =	sshrl.u32 s10, $0x2;
	s31 =	sshrl.u32 s29, $0x1;
	s8 =	sadd.s32 s9, s8  }
0xb: {  	s6 =	sadd.s32 s30, s2;
	s14 =	ssub.s32 s29, s31;
	s12 =	sadd.s32 s5, s7  }
0xc: {  	s5 =	sadd.s32 $0xB5800, s7;
	s8 =	sshrl.u32 s8, $0x3;
	s9 =	sadd.s32 $0xC000, s6  }
0xd: {  	s10 =	sadd.s32 $0x10000, s6;
	s14 =	smax.u32 s14, $0x1;
	s21 =	sshrl.u32 s6, $0x3  }
0xe: {  	s13 =	sadd.s32 s8, s7;
	s7 =	sadd.s32 $0x4000, s6;
	s8 =	sadd.s32 $0x8000, s6  }
0xf: {  	s11 =	sadd.s32 $0x5400, s12;
	s12 =	sadd.s32 $0xF400, s12;
	s13 =	sadd.s32 $0xB6000, s13  }
.LBB2_1:
0x10: {  	[tilespmem:s15], [sflag:$0x2] =	stream.linear.gather [hbm4b:s5+s3], $0x4000, $0x38;
	[tilespmem:$0x1D000] =	vst v63  }
0x11: {  	_ =	swait.ge [sflag:s16], $0x4000  }
0x12: {  	[sflag:s16] =	ssyncset.done $0x0  }
0x13: {  	[sflag:s16] =	ssyncadd.s32 $0xFFFFC000  }
0x14: {  	[spmem:s6] =	stream.linear.scatter [tilespmem:s15], [sflag:$0x2], $0x4000, $0x38;
	[tilespmem:$0x1D000] =	vst v63  }
0x15: {  	_ =	swait.ge [sflag:s16], $0x4000  }
0x16: {  	[sflag:s16] =	ssyncset.done $0x0  }
0x17: {  	[sflag:s16] =	ssyncadd.s32 $0xFFFFC000  }
0x18: {  	[spmem:s7] =	stream.linear.scatter [tilespmem:s15], [sflag:$0x2], $0x4000, $0x38;
	[tilespmem:$0x1D000] =	vst v63  }
0x19: {  	_ =	swait.ge [sflag:s16], $0x4000  }
0x1a: {  	[sflag:s16] =	ssyncset.done $0x0  }
0x1b: {  	[sflag:s16] =	ssyncadd.s32 $0xFFFFC000  }
0x1c: {  	[spmem:s8] =	stream.linear.scatter [tilespmem:s15], [sflag:$0x2], $0x4000, $0x38;
	[tilespmem:$0x1D000] =	vst v63  }
0x1d: {  	_ =	swait.ge [sflag:s16], $0x4000  }
0x1e: {  	[sflag:s16] =	ssyncset.done $0x0  }
0x1f: {  	[sflag:s16] =	ssyncadd.s32 $0xFFFFC000  }
0x20: {  	[spmem:s9] =	stream.linear.scatter [tilespmem:s15], [sflag:$0x2], $0x4000, $0x38;
	[tilespmem:$0x1D000] =	vst v63  }
0x21: {  	_ =	swait.ge [sflag:s16], $0x4000  }
0x22: {  	[sflag:s16] =	ssyncset.done $0x0  }
0x23: {  	[sflag:s16] =	ssyncadd.s32 $0xFFFFC000  }
0x24: {  	[spmem:s10] =	stream.linear.scatter [tilespmem:s15], [sflag:$0x2], $0x4000, $0x38;
	[tilespmem:$0x1D000] =	vst v63  }
0x25: {  	_ =	swait.ge [sflag:s16], $0x4000  }
0x26: {  	[sflag:s16] =	ssyncset.done $0x0  }
0x27: {  	[sflag:s16] =	ssyncadd.s32 $0xFFFFC000  }
0x28: {  	[bflag:$0x0] =	sbarrier.arrive $0xFFFF  }
0x29: {  	[tilespmem:s3], [sflag:$0x2] =	stream.linear.gather [hbm4b:s11+s3], $0x2780, $0x38;
	[tilespmem:$0x1D000] =	vst v63  }
0x2a: {  	_ =	swait.ge [sflag:s16], $0x2780  }
0x2b: {  	[sflag:s16] =	ssyncset.done $0x0  }
0x2c: {  	[sflag:s16] =	ssyncadd.s32 $0xFFFFD880  }
0x2d: {  	[tilespmem:s17], [sflag:$0x2] =	stream.linear.gather [hbm4b:s12+s3], $0x2780, $0x38;
	[tilespmem:$0x1D000] =	vst v63  }
0x2e: {  	_ =	swait.ge [sflag:s16], $0x2780  }
0x2f: {  	[sflag:s16] =	ssyncset.done $0x0  }
0x30: {  	s23 =	simm.s32 $0x0;
	[sflag:s16] =	ssyncadd.s32 $0xFFFFD880  }
0x31: {  	[tilespmem:s15], [sflag:$0x1] =	stream.indirect.gather [hbm4b:s4+s18], $0x80, s23, s18, $0xb8;
	[tilespmem:$0x1D000] =	vst v63  }
0x32: {  	_ =	swait.ge [sflag:s19], $0x4000  }
0x33: {  	[sflag:s19] =	ssyncset.done $0x0  }
0x34: {  	s31 =	simm.s32 $0x2800;
	[sflag:s19] =	ssyncadd.s32 $0xFFFFC000  }
0x35: {  	[spmem:s2] =	stream.indirect.scatter.add.f32 [tilespmem:s15], [sflag:$0x2], $0x80, s31, s18, $0xb8;
	[tilespmem:$0x1D000] =	vst v63  }
0x36: {  	_ =	swait.ge [sflag:s16], $0x4000  }
0x37: {  	s24 =	simm.s32 $0x400;
	s23 =	simm.s32 $0x200;
	[sflag:s16] =	ssyncset.done $0x0  }
.LBB2_2:
0x38: {  	s25 =	sshra.s32 s23, $0x2  }
0x39: {  	[sflag:s16] =	ssyncadd.s32 $0xFFFFC000;
	s23 =	smov.u32 s24;
	s26 =	sadd.s32 $0x200, s24  }
0x3a: {  	[tilespmem:s15], [sflag:$0x1] =	stream.indirect.gather [hbm4b:s4+s18], $0x80, s25, s18, $0xb8;
	[tilespmem:$0x1D000] =	vst v63  }
0x3b: {  	p0 =	sne.s32 s24, $0x9C00;
	_ =	swait.ge [sflag:s19], $0x4000  }
.Ltmp0:
0x3c: {  	[sflag:s19] =	ssyncset.done $0x0;
	(pc) =	sbr.rel @p0 .LBB2_2-.Ltmp0, $4  }
0x3d: {  	s24 =	sadd.s32 $0x2800, s25;
	[sflag:s19] =	ssyncadd.s32 $0xFFFFC000  }
0x3e: {  	[spmem:s2] =	stream.indirect.scatter.add.f32 [tilespmem:s15], [sflag:$0x2], $0x80, s24, s18, $0xb8;
	[tilespmem:$0x1D000] =	vst v63  }
0x3f: {  	_ =	swait.ge [sflag:s16], $0x4000  }
0x40: {  	s24 =	smov.u32 s26;
	[sflag:s16] =	ssyncset.done $0x0  }
0x41: {  	s23 =	sshra.s32 s23, $0x2;
	[sflag:s16] =	ssyncadd.s32 $0xFFFFC000  }
0x42: {  	[tilespmem:s15], [sflag:$0x1] =	stream.indirect.gather [hbm4b:s4+s18], $0x80, s23, s18, $0xb8;
	[tilespmem:$0x1D000] =	vst v63  }
0x43: {  	_ =	swait.ge [sflag:s19], $0x4000  }
0x44: {  	[sflag:s19] =	ssyncset.done $0x0  }
0x45: {  	s23 =	sadd.s32 $0x2800, s23;
	[sflag:s19] =	ssyncadd.s32 $0xFFFFC000  }
0x46: {  	[spmem:s2] =	stream.indirect.scatter.add.f32 [tilespmem:s15], [sflag:$0x2], $0x80, s23, s18, $0xb8;
	[tilespmem:$0x1D000] =	vst v63  }
0x47: {  	_ =	swait.ge [sflag:s16], $0x4000  }
0x48: {  	s22 =	sadd.s32 $0x1, s22;
	[sflag:s16] =	ssyncset.done $0x0  }
0x49: {  	p0 =	sne.s32 s22, s14;
	[sflag:s16] =	ssyncadd.s32 $0xFFFFC000  }
.Ltmp1:
0x4a: {  	[bflag:$0x0] =	sbarrier.arrive $0xFFFF;
	(pc) =	sbr.rel @p0 .LBB2_1-.Ltmp1, $4  }
0x4b: {  	[hbm:s13], [sflag:s20] =	dma.local [spmem:s21], $0x2800  }
0x4c: {  	_ =	swait.ge [sflag:s16], $0x2800  }
0x4d: {  	[sflag:s16] =	ssyncset.done $0x0  }
0x4e: {  	[sflag:s16] =	ssyncadd.s32 $0xFFFFD800  }
0x4f: {  	_ =	sfence.sel $0x180000  }
0x50: {  	[bflag:$0x0] =	sbarrier.arrive $0xFFFF  }
0x51: {  	p0 =	sne.s32 s0, $0x0;
	_ =	strace $0x90000047  }
0x52: {  	s0 =	sadd.s32 @!p0 $0x100000, s1;
	[bflag:$0x2] =	sbarrier.arrive $0xFFFF  }
0x53: {  	[sflag:s0] =	ssyncadd.tile.s32 @!p0 $0x1;
	_ =	shalt  }
.Lfunc_end2:
_tile_overlayer_lowered:
.L_overlay_start_2:
0x54: {  	(tag) =	ssettag $0x2  }
0x55: {  	s0 =	rddreg [dreg:$0x0];
	s2 =	stileid.u32  }
0x56: {  	s1 =	rddreg [dreg:$0x1];
	p0 =	sne.s32 s2, $0x0  }
0x57: {  	s3 =	rddreg [dreg:$0x2];
	[bflag:$0x3] =	sbarrier.arrive $0xFFFF;
	s2 =	simm.s32 @!p0 $0x1C02  }
0x58: {  	[timem:s3], [sflag:s2] =	dma.local @!p0 [hbm:s0], s1  }
0x59: {  	s0 =	simm.s32 @!p0 $0x2  }
0x5a: {  	_ =	swait.ge @!p0 [sflag:s0], s1  }
0x5b: {  	s1 =	ssub.s32 @!p0 $0x0, s1;
	[sflag:s0] =	ssyncset.done @!p0 $0x0  }
0x5c: {  	[sflag:s0] =	ssyncadd.s32 @!p0 s1  }
0x5d: {  	[bflag:$0x3] =	sbarrier.arrive $0xFFFF  }
0x5e: {  	_ =	shalt  }

// kernel: kernel.22.cloned.1.call-start
scs
__scs_entry_jumppad:
0x0: {  	(pc) =	sbr.rel $0x88, $3  }
0x1: {  	(tag) =	ssettag $0x0;
	lr =	simm.s32 $0x1  }
0x2: {  	[smem:$0x3F93] =	sst lr;
	_ =	strace $0xD0000000  }
0x3: {  	_ = 	snop  }
0x4: {  	_ = 	snop  }
0x5: {  	_ = 	snop  }
0x6: {  	_ = 	snop  }
0x7: {  	_ = 	snop  }
__scs_overlays_trampoline_lowered:
0x8: {  	[smem:$0x3FA2] =	sst s0  }
0x9: {  	[smem:$0x3FA3] =	sst s1  }
0xa: {  	[smem:$0x3FA4] =	sst s2  }
0xb: {  	[smem:$0x3FA5] =	sst s3  }
0xc: {  	[smem:$0x3FA6] =	sst s4  }
0xd: {  	[smem:$0x3FA7] =	sst s5  }
0xe: {  	[smem:$0x3FA8] =	sst s6  }
0xf: {  	[smem:$0x3FA9] =	sst s7  }
0x10: {  	[smem:$0x3FAA] =	sst s8  }
0x11: {  	[smem:$0x3FAB] =	sst s9;
	s0 =	simm.s32 @!p0 $0x0  }
0x12: {  	s1 =	sld [smem:$0x3F91];
	s0 =	simm.s32 @p0 $0x1  }
0x13: {  	[smem:$0x3FAC] =	sst s0;
	s0 =	simm.s32 @!p1 $0x0  }
0x14: {  	s2 =	sld [smem:$0x3F90];
	s0 =	simm.s32 @p1 $0x1  }
0x15: {  	[smem:$0x3FAD] =	sst s0;
	s0 =	simm.s32 @!p2 $0x0  }
0x16: {  	s3 =	sld [smem:$0x3FDB];
	s0 =	simm.s32 @p2 $0x1  }
0x17: {  	s4 =	simm.s32 $0x1BF5;
	[smem:$0x3FAF] =	sst s0  }
0x18: {  	s0 =	sld [smem:$0x3F92];
	_ =	swait.ge [sflag:s4], $0x0  }
0x19: {  	s7 =	sld [smem:$0x3F93]  }
0x1a: {  	s8 =	sadd.s32 $0xFFFFE003, lr  }
0x1b: {  	s9 =	sadd.s32 $0xFFFFFEF7, lr;
	s5 =	simm.s32 $0xFFFFFFFF;
	p2 =	slt.u32 s8, $0xFFFFF086  }
0x1c: {  	p1 =	slt.u32 s9, $0xF7A;
	s5 =	simm.s32 @!p2 $0x0  }
0x1d: {  	s5 =	simm.s32 @p1 $0x1;
	p0 =	seq.s32 s7, s2  }
0x1e: {  	s7 =	smul.u32 @!p0 $0xF7A, s2;
	p2 =	seq.s32 @!p0 s5, $0x0  }
0x1f: {  	s9 =	smul.u32 $0xF7A, s1;
	s8 =	simm.s32 @!p0 $0x1BF5;
	p2 =	por !p2, p0  }
0x20: {  	[sflag:s8] =	ssyncset.s32 @!p0 $0xFFFFF086;
	s6 =	sadd.s32 @!p0 s3, s7;
	s7 =	simm.s32 @!p0 $0x108  }
0x21: {  	s3 =	sadd.s32 s3, s9;
	s6 =	sadd.s32 @!p0 $0x88, s6;
	s7 =	simm.s32 @p2 $0x1082  }
0x22: {  	[simem:s7], [sflag:s8] =	dma.local @!p0 [hbm:s6], $0xF7A  }
0x23: {  	s9 =	sor.u32 $0xD0000000, s2;
	s6 =	simm.s32 $0x108;
	_ =	swait.ge @!p0 [sflag:s8], $0x0  }
0x24: {  	s3 =	sadd.s32 $0x88, s3;
	s6 =	simm.s32 @!p1 $0x1082;
	[sflag:s4] =	ssyncset.s32 $0xFFFFF086  }
0x25: {  	[simem:s6], [sflag:s4] =	dma.local [hbm:s3], $0xF7A  }
0x26: {  	[smem:$0x3F93] =	sst s1;
	(tag) =	ssettag s2;
	_ =	strace s9  }
0x27: {  	s1 =	sld [smem:$0x3FA3]  }
0x28: {  	s2 =	sld [smem:$0x3FA4]  }
0x29: {  	s4 =	sld [smem:$0x3FA6]  }
0x2a: {  	p0 =	seq.s32 s5, $0x0;
	s5 =	sld [smem:$0x3FA7]  }
0x2b: {  	s6 =	sld [smem:$0x3FA8]  }
0x2c: {  	s7 =	sld [smem:$0x3FA9]  }
0x2d: {  	s3 =	simm.s32 $0x108;
	s8 =	sld [smem:$0x3FAA]  }
0x2e: {  	s3 =	simm.s32 @!p0 $0x1082;
	s9 =	sld [smem:$0x3FAB]  }
0x2f: {  	lr =	sadd.s32 s0, s3;
	s0 =	sld [smem:$0x3FA2]  }
0x30: {  	s3 =	sld [smem:$0x3FA5]  }
0x31: {  	[smem:$0x3FAE] =	sst s10  }
0x32: {  	s10 =	sld [smem:$0x3FAC];
	_ =	sdelay $0x3  }
0x33: {  	p0 =	seq.s32 s10, $0x1;
	s10 =	sld [smem:$0x3FAE];
	_ =	sdelay $0x3  }
0x34: {  	[smem:$0x3FAE] =	sst s10  }
0x35: {  	s10 =	sld [smem:$0x3FAD];
	_ =	sdelay $0x3  }
0x36: {  	p1 =	seq.s32 s10, $0x1;
	s10 =	sld [smem:$0x3FAE];
	_ =	sdelay $0x3  }
0x37: {  	[smem:$0x3FAE] =	sst s10  }
0x38: {  	s10 =	sld [smem:$0x3FAF]  }
0x39: {  	_ = 	snop;
	(pc) =	sbr.ind lr, $3  }
0x3a: {  	_ = 	snop  }
0x3b: {  	_ = 	snop  }
0x3c: {  	p2 =	seq.s32 s10, $0x1;
	s10 =	sld [smem:$0x3FAE]  }
0x3d: {  	_ =	shalt  }
0x3e: {  	_ =	shalt  }
0x3f: {  	_ =	shalt  }
0x40: {  	_ =	shalt  }
0x41: {  	_ =	shalt  }
0x42: {  	_ =	shalt  }
0x43: {  	_ =	shalt  }
0x44: {  	_ =	shalt  }
0x45: {  	_ =	shalt  }
0x46: {  	_ =	shalt  }
0x47: {  	_ =	shalt  }
0x48: {  	_ =	shalt  }
0x49: {  	_ =	shalt  }
0x4a: {  	_ =	shalt  }
0x4b: {  	_ =	shalt  }
0x4c: {  	_ =	shalt  }
0x4d: {  	_ =	shalt  }
0x4e: {  	_ =	shalt  }
0x4f: {  	_ =	shalt  }
0x50: {  	_ =	shalt  }
0x51: {  	_ =	shalt  }
0x52: {  	_ =	shalt  }
0x53: {  	_ =	shalt  }
0x54: {  	_ =	shalt  }
0x55: {  	_ =	shalt  }
0x56: {  	_ =	shalt  }
0x57: {  	_ =	shalt  }
0x58: {  	_ =	shalt  }
0x59: {  	_ =	shalt  }
0x5a: {  	_ =	shalt  }
0x5b: {  	_ =	shalt  }
0x5c: {  	_ =	shalt  }
0x5d: {  	_ =	shalt  }
0x5e: {  	_ =	shalt  }
0x5f: {  	_ =	shalt  }
0x60: {  	_ =	shalt  }
0x61: {  	_ =	shalt  }
0x62: {  	_ =	shalt  }
0x63: {  	_ =	shalt  }
0x64: {  	_ =	shalt  }
0x65: {  	_ =	shalt  }
0x66: {  	_ =	shalt  }
0x67: {  	_ =	shalt  }
0x68: {  	_ =	shalt  }
0x69: {  	_ =	shalt  }
0x6a: {  	_ =	shalt  }
0x6b: {  	_ =	shalt  }
0x6c: {  	_ =	shalt  }
0x6d: {  	_ =	shalt  }
0x6e: {  	_ =	shalt  }
0x6f: {  	_ =	shalt  }
0x70: {  	_ =	shalt  }
0x71: {  	_ =	shalt  }
0x72: {  	_ =	shalt  }
0x73: {  	_ =	shalt  }
0x74: {  	_ =	shalt  }
0x75: {  	_ =	shalt  }
0x76: {  	_ =	shalt  }
0x77: {  	_ =	shalt  }
0x78: {  	_ =	shalt  }
0x79: {  	_ =	shalt  }
0x7a: {  	_ =	shalt  }
0x7b: {  	_ =	shalt  }
0x7c: {  	_ =	shalt  }
0x7d: {  	_ =	shalt  }
0x7e: {  	_ =	shalt  }
0x7f: {  	_ =	shalt  }
0x80: {  	_ =	shalt  }
0x81: {  	_ =	shalt  }
0x82: {  	_ =	shalt  }
0x83: {  	_ =	shalt  }
0x84: {  	_ =	shalt  }
0x85: {  	_ =	shalt  }
0x86: {  	_ =	shalt  }
0x87: {  	_ =	shalt  }
.Lfunc_end0:
.L_simem_size_0:
called_computation.1_lowered:
.L_overlay_start_0:
0x88: {  	s2 =	sld [smem:$0x3FD9]  }
0x89: {  	s3 =	sld [smem:$0x3FFE];
	_ =	sdelay $0x1  }
0x8a: {  	s1 =	srdreg.scid  }
0x8b: {  	s0 =	sand.u32 $0x1, s1  }
0x8c: {  	s16 =	sshll.u32 s0, $0xA;
	s2 =	sadd.s32 s3, s2  }
0x8d: {  	s2 =	sadd.s32 s2, s16  }
0x8e: {  	[smem:$0x3FBA] =	sst s2  }
0x8f: {  	_ = 	snop  }
0x90: {  	(tm) =	ssettm $0x1  }
0x91: {  	s17 =	sld [smem:$0x3FFB];
	_ =	sdelay $0x3  }
0x92: {  	_ =	strace s17  }
0x93: {  	s2 =	sld [smem:$0x3FFC];
	_ =	sdelay $0x3  }
0x94: {  	_ =	strace s2  }
0x95: {  	s2 =	sld [smem:$0x3FFD];
	_ =	sdelay $0x3  }
0x96: {  	_ =	strace s2  }
0x97: {  	_ =	strace $0x8FFFFFFF  }
0x98: {  	s18 =	sld [smem:$0x3FDB];
	_ =	sdelay $0x1  }
0x99: {  	s19 =	simm.s32 $_scs_section_size  }
0x9a: {  	s4 =	simm.s32 $_size__tile_overlayer_lowered;
	s5 =	simm.s32 $_tile_overlayer_lowered  }
0x9b: {  	s22 =	simm.s32 $0x1BFF;
	s21 =	sshll.u32 s5, $0x1;
	s2 =	sadd.s32 s19, s18  }
0x9c: {  	s6 =	simm.s32 $0x0;
	s20 =	sshll.u32 s4, $0x1;
	s4 =	sadd.s32 s21, s2  }
0x9d: {  	[timem:s6], [sflag:s22] =	dma.local [hbm:s4], s20  }
0x9e: {  	_ =	swait.ge [sflag:s22], s20  }
0x9f: {  	s3 =	ssub.s32 $0x0, s20;
	[sflag:s22] =	ssyncset.done $0x0  }
0xa0: {  	[sflag:s22] =	ssyncadd.s32 s3;
	_ =	sdelay $0x1  }
0xa1: {  	s23 =	simm.s32 $0x1B8B  }
0xa2: {  	_ =	swait.ge [sflag:s23], $0x1  }
0xa3: {  	[sflag:s23] =	ssyncset.done $0x0  }
0xa4: {  	s25 =	simm.s32 $0x1B8E;
	s24 =	sld [smem:$0x3FFE];
	[sflag:s23] =	ssyncadd.s32 $0xFFFFFFFF  }
0xa5: {  	s26 =	simm.s32 $execute0_lowered;
	[smem:$0x3FD2] =	sst s25  }
0xa6: {  	s4 =	sshll.u32 s26, $0x1;
	_ =	strace $0x80000049;
	[dreg:$0x1] =	wrdreg $0xFFFFFFFF  }
0xa7: {  	s28 =	simm.s32 $_size_execute0_lowered;
	s2 =	sadd.s32 s2, s4;
	[dreg:$0x0] =	wrdreg $0x0  }
0xa8: {  	s4 =	sshll.u32 s28, $0x1;
	[dreg:$0x2] =	wrdreg s2  }
0xa9: {  	[dreg:$0x3] =	wrdreg s4  }
0xaa: {  	[dreg:$0x4] =	wrdreg $0xC0  }
0xab: {  	_ =	task [dreg:s6], $0x5FFFF  }
0xac: {  	[dreg:$0x1] =	wrdreg $0xFFFFFFFF  }
0xad: {  	[dreg:$0x0] =	wrdreg $0x60  }
0xae: {  	[dreg:$0x2] =	wrdreg s24  }
0xaf: {  	[dreg:$0x3] =	wrdreg $0x90000  }
0xb0: {  	[dreg:$0x4] =	wrdreg $0x9  }
0xb1: {  	_ =	task.clear_ibuf [dreg:s6], $0x5FFFF;
	_ =	strace $0x90000049  }
0xb2: {  	s29 =	simm.s32 $0x9;
	_ =	strace $0x8000004B  }
0xb3: {  	_ =	swait.ge [sflag:s29], $0x1  }
0xb4: {  	[sflag:s29] =	ssyncadd.s32 $0xFFFFFFFF  }
0xb5: {  	_ =	strace $0x9000004B  }
0xb6: {  	_ =	sfence  }
0xb7: {  	s30 =	sld [smem:$0x0];
	_ =	sdelay $0x2  }
0xb8: {  	s31 =	sshll.u32 s1, $0xD;
	s1 =	sshrl.u32 s1, $0x2  }
0xb9: {  	s3 =	sand.u32 $0x4000, s31;
	s1 =	sadd.s32 s1, s30  }
0xba: {  	s0 =	sor.u32 s3, s0;
	s1 =	sshll.u32 s1, $0x11  }
0xbb: {  	s0 =	sor.u32 s1, s0  }
0xbc: {  	s0 =	sadd.s32 $0x8F2B, s0  }
0xbd: {  	[sflag:s0] =	ssyncadd.remote.s32 $0x1  }
0xbe: {  	_ =	sfence.sel $0xFFFF  }
0xbf: {  	[dreg:$0x0] =	wrdreg $0xFFFFFFFF;
	(pc) =	sbr.abs _section_cstart, $3  }
0xc0: {  	[dreg:$0x1] =	wrdreg $0xFFFFFFFF  }
0xc1: {  	_ =	task.clear_ibuf [dreg:s6], $0x2FFFF;
	_ =	strace $0x9FFFFFFF  }
0xc2: {  	(tm) =	ssettm $0x7FFFFFFF  }
0xc3: {  	_ =	shalt  }
tec
execute0_lowered:
.L_overlay_start_1:
0x0: {  	(tag) =	ssettag $0x1  }
0x1: {  	s1 =	srdreg.scid;
	s7 =	rddreg [dreg:$0x0]  }
0x2: {  	s0 =	stileid.u32;
	s2 =	rddreg [dreg:$0x1]  }
0x3: {  	s3 =	simm.s32 $0x0;
	s15 =	simm.s32 $0x5000;
	s16 =	simm.s32 $0x2  }
0x4: {  	s17 =	simm.s32 $0x2800;
	s18 =	simm.s32 $0x80;
	s19 =	simm.s32 $0x1  }
0x5: {  	s22 =	simm.s32 $0x0;
	s6 =	sand.u32 $0x1, s1;
	s28 =	sshll.u32 s0, $0x1  }
0x6: {  	[smem:$0x7FF] =	sst s3;
	s9 =	smul.u32 $0x14000, s0;
	s4 =	sadd.s32 $0x19400, s7  }
0x7: {  	s10 =	smul.u32 $0x50000, s0;
	s20 =	sshll.u32 s0, $0x6;
	s1 =	sor.u32 s6, s28  }
0x8: {  	s8 =	smul.u32 $0x140000, s6;
	s29 =	ssub.s32 $0x2, s6;
	s20 =	sor.u32 $0x1C02, s20  }
0x9: {  	s5 =	smul.u32 $0x500, s1;
	s1 =	rddreg [dreg:$0x2];
	_ =	strace $0x8000004A  }
0xa: {  	s30 =	sshrl.u32 s10, $0x2;
	s31 =	sshrl.u32 s29, $0x1;
	s8 =	sadd.s32 s9, s8  }
0xb: {  	s6 =	sadd.s32 s30, s2;
	s14 =	ssub.s32 s29, s31;
	s12 =	sadd.s32 s5, s7  }
0xc: {  	s5 =	sadd.s32 $0xB5800, s7;
	s8 =	sshrl.u32 s8, $0x3;
	s9 =	sadd.s32 $0xC000, s6  }
0xd: {  	s10 =	sadd.s32 $0x10000, s6;
	s14 =	smax.u32 s14, $0x1;
	s21 =	sshrl.u32 s6, $0x3  }
0xe: {  	s13 =	sadd.s32 s8, s7;
	s7 =	sadd.s32 $0x4000, s6;
	s8 =	sadd.s32 $0x8000, s6  }
0xf: {  	s11 =	sadd.s32 $0x5400, s12;
	s12 =	sadd.s32 $0xF400, s12;
	s13 =	sadd.s32 $0xB6000, s13  }
.LBB2_1:
0x10: {  	[tilespmem:s15], [sflag:$0x2] =	stream.linear.gather [hbm4b:s5+s3], $0x4000, $0x38;
	[tilespmem:$0x1D000] =	vst v63  }
0x11: {  	_ =	swait.ge [sflag:s16], $0x4000  }
0x12: {  	[sflag:s16] =	ssyncset.done $0x0  }
0x13: {  	[sflag:s16] =	ssyncadd.s32 $0xFFFFC000  }
0x14: {  	[spmem:s6] =	stream.linear.scatter [tilespmem:s15], [sflag:$0x2], $0x4000, $0x38;
	[tilespmem:$0x1D000] =	vst v63  }
0x15: {  	_ =	swait.ge [sflag:s16], $0x4000  }
0x16: {  	[sflag:s16] =	ssyncset.done $0x0  }
0x17: {  	[sflag:s16] =	ssyncadd.s32 $0xFFFFC000  }
0x18: {  	[spmem:s7] =	stream.linear.scatter [tilespmem:s15], [sflag:$0x2], $0x4000, $0x38;
	[tilespmem:$0x1D000] =	vst v63  }
0x19: {  	_ =	swait.ge [sflag:s16], $0x4000  }
0x1a: {  	[sflag:s16] =	ssyncset.done $0x0  }
0x1b: {  	[sflag:s16] =	ssyncadd.s32 $0xFFFFC000  }
0x1c: {  	[spmem:s8] =	stream.linear.scatter [tilespmem:s15], [sflag:$0x2], $0x4000, $0x38;
	[tilespmem:$0x1D000] =	vst v63  }
0x1d: {  	_ =	swait.ge [sflag:s16], $0x4000  }
0x1e: {  	[sflag:s16] =	ssyncset.done $0x0  }
0x1f: {  	[sflag:s16] =	ssyncadd.s32 $0xFFFFC000  }
0x20: {  	[spmem:s9] =	stream.linear.scatter [tilespmem:s15], [sflag:$0x2], $0x4000, $0x38;
	[tilespmem:$0x1D000] =	vst v63  }
0x21: {  	_ =	swait.ge [sflag:s16], $0x4000  }
0x22: {  	[sflag:s16] =	ssyncset.done $0x0  }
0x23: {  	[sflag:s16] =	ssyncadd.s32 $0xFFFFC000  }
0x24: {  	[spmem:s10] =	stream.linear.scatter [tilespmem:s15], [sflag:$0x2], $0x4000, $0x38;
	[tilespmem:$0x1D000] =	vst v63  }
0x25: {  	_ =	swait.ge [sflag:s16], $0x4000  }
0x26: {  	[sflag:s16] =	ssyncset.done $0x0  }
0x27: {  	[sflag:s16] =	ssyncadd.s32 $0xFFFFC000  }
0x28: {  	[bflag:$0x0] =	sbarrier.arrive $0xFFFF  }
0x29: {  	[tilespmem:s3], [sflag:$0x2] =	stream.linear.gather [hbm4b:s11+s3], $0x2780, $0x38;
	[tilespmem:$0x1D000] =	vst v63  }
0x2a: {  	_ =	swait.ge [sflag:s16], $0x2780  }
0x2b: {  	[sflag:s16] =	ssyncset.done $0x0  }
0x2c: {  	[sflag:s16] =	ssyncadd.s32 $0xFFFFD880  }
0x2d: {  	[tilespmem:s17], [sflag:$0x2] =	stream.linear.gather [hbm4b:s12+s3], $0x2780, $0x38;
	[tilespmem:$0x1D000] =	vst v63  }
0x2e: {  	_ =	swait.ge [sflag:s16], $0x2780  }
0x2f: {  	[sflag:s16] =	ssyncset.done $0x0  }
0x30: {  	s23 =	simm.s32 $0x0;
	[sflag:s16] =	ssyncadd.s32 $0xFFFFD880  }
0x31: {  	[tilespmem:s15], [sflag:$0x1] =	stream.indirect.gather [hbm4b:s4+s18], $0x80, s23, s18, $0xb8;
	[tilespmem:$0x1D000] =	vst v63  }
0x32: {  	_ =	swait.ge [sflag:s19], $0x4000  }
0x33: {  	[sflag:s19] =	ssyncset.done $0x0  }
0x34: {  	s31 =	simm.s32 $0x2800;
	[sflag:s19] =	ssyncadd.s32 $0xFFFFC000  }
0x35: {  	[spmem:s2] =	stream.indirect.scatter.add.f32 [tilespmem:s15], [sflag:$0x2], $0x80, s31, s18, $0xb8;
	[tilespmem:$0x1D000] =	vst v63  }
0x36: {  	_ =	swait.ge [sflag:s16], $0x4000  }
0x37: {  	s24 =	simm.s32 $0x400;
	s23 =	simm.s32 $0x200;
	[sflag:s16] =	ssyncset.done $0x0  }
.LBB2_2:
0x38: {  	s25 =	sshra.s32 s23, $0x2  }
0x39: {  	[sflag:s16] =	ssyncadd.s32 $0xFFFFC000;
	s23 =	smov.u32 s24;
	s26 =	sadd.s32 $0x200, s24  }
0x3a: {  	[tilespmem:s15], [sflag:$0x1] =	stream.indirect.gather [hbm4b:s4+s18], $0x80, s25, s18, $0xb8;
	[tilespmem:$0x1D000] =	vst v63  }
0x3b: {  	p0 =	sne.s32 s24, $0x9C00;
	_ =	swait.ge [sflag:s19], $0x4000  }
.Ltmp0:
0x3c: {  	[sflag:s19] =	ssyncset.done $0x0;
	(pc) =	sbr.rel @p0 .LBB2_2-.Ltmp0, $4  }
0x3d: {  	s24 =	sadd.s32 $0x2800, s25;
	[sflag:s19] =	ssyncadd.s32 $0xFFFFC000  }
0x3e: {  	[spmem:s2] =	stream.indirect.scatter.add.f32 [tilespmem:s15], [sflag:$0x2], $0x80, s24, s18, $0xb8;
	[tilespmem:$0x1D000] =	vst v63  }
0x3f: {  	_ =	swait.ge [sflag:s16], $0x4000  }
0x40: {  	s24 =	smov.u32 s26;
	[sflag:s16] =	ssyncset.done $0x0  }
0x41: {  	s23 =	sshra.s32 s23, $0x2;
	[sflag:s16] =	ssyncadd.s32 $0xFFFFC000  }
0x42: {  	[tilespmem:s15], [sflag:$0x1] =	stream.indirect.gather [hbm4b:s4+s18], $0x80, s23, s18, $0xb8;
	[tilespmem:$0x1D000] =	vst v63  }
0x43: {  	_ =	swait.ge [sflag:s19], $0x4000  }
0x44: {  	[sflag:s19] =	ssyncset.done $0x0  }
0x45: {  	s23 =	sadd.s32 $0x2800, s23;
	[sflag:s19] =	ssyncadd.s32 $0xFFFFC000  }
0x46: {  	[spmem:s2] =	stream.indirect.scatter.add.f32 [tilespmem:s15], [sflag:$0x2], $0x80, s23, s18, $0xb8;
	[tilespmem:$0x1D000] =	vst v63  }
0x47: {  	_ =	swait.ge [sflag:s16], $0x4000  }
0x48: {  	s22 =	sadd.s32 $0x1, s22;
	[sflag:s16] =	ssyncset.done $0x0  }
0x49: {  	p0 =	sne.s32 s22, s14;
	[sflag:s16] =	ssyncadd.s32 $0xFFFFC000  }
.Ltmp1:
0x4a: {  	[bflag:$0x0] =	sbarrier.arrive $0xFFFF;
	(pc) =	sbr.rel @p0 .LBB2_1-.Ltmp1, $4  }
0x4b: {  	[hbm:s13], [sflag:s20] =	dma.local [spmem:s21], $0x2800  }
0x4c: {  	_ =	swait.ge [sflag:s16], $0x2800  }
0x4d: {  	[sflag:s16] =	ssyncset.done $0x0  }
0x4e: {  	[sflag:s16] =	ssyncadd.s32 $0xFFFFD800  }
0x4f: {  	_ =	sfence.sel $0x180000  }
0x50: {  	[bflag:$0x0] =	sbarrier.arrive $0xFFFF  }
0x51: {  	p0 =	sne.s32 s0, $0x0;
	_ =	strace $0x9000004A  }
0x52: {  	s0 =	sadd.s32 @!p0 $0x100000, s1;
	[bflag:$0x2] =	sbarrier.arrive $0xFFFF  }
0x53: {  	[sflag:s0] =	ssyncadd.tile.s32 @!p0 $0x1;
	_ =	shalt  }
.Lfunc_end2:
_tile_overlayer_lowered:
.L_overlay_start_2:
0x54: {  	(tag) =	ssettag $0x2  }
0x55: {  	s0 =	rddreg [dreg:$0x0];
	s2 =	stileid.u32  }
0x56: {  	s1 =	rddreg [dreg:$0x1];
	p0 =	sne.s32 s2, $0x0  }
0x57: {  	s3 =	rddreg [dreg:$0x2];
	[bflag:$0x3] =	sbarrier.arrive $0xFFFF;
	s2 =	simm.s32 @!p0 $0x1C02  }
0x58: {  	[timem:s3], [sflag:s2] =	dma.local @!p0 [hbm:s0], s1  }
0x59: {  	s0 =	simm.s32 @!p0 $0x2  }
0x5a: {  	_ =	swait.ge @!p0 [sflag:s0], s1  }
0x5b: {  	s1 =	ssub.s32 @!p0 $0x0, s1;
	[sflag:s0] =	ssyncset.done @!p0 $0x0  }
0x5c: {  	[sflag:s0] =	ssyncadd.s32 @!p0 s1  }
0x5d: {  	[bflag:$0x3] =	sbarrier.arrive $0xFFFF  }
0x5e: {  	_ =	shalt  }

// kernel: kernel.25.cloned.1.call-start
scs
__scs_entry_jumppad:
0x0: {  	(pc) =	sbr.rel $0x88, $3  }
0x1: {  	(tag) =	ssettag $0x0;
	lr =	simm.s32 $0x1  }
0x2: {  	[smem:$0x3F93] =	sst lr;
	_ =	strace $0xD0000000  }
0x3: {  	_ = 	snop  }
0x4: {  	_ = 	snop  }
0x5: {  	_ = 	snop  }
0x6: {  	_ = 	snop  }
0x7: {  	_ = 	snop  }
__scs_overlays_trampoline_lowered:
0x8: {  	[smem:$0x3FA2] =	sst s0  }
0x9: {  	[smem:$0x3FA3] =	sst s1  }
0xa: {  	[smem:$0x3FA4] =	sst s2  }
0xb: {  	[smem:$0x3FA5] =	sst s3  }
0xc: {  	[smem:$0x3FA6] =	sst s4  }
0xd: {  	[smem:$0x3FA7] =	sst s5  }
0xe: {  	[smem:$0x3FA8] =	sst s6  }
0xf: {  	[smem:$0x3FA9] =	sst s7  }
0x10: {  	[smem:$0x3FAA] =	sst s8  }
0x11: {  	[smem:$0x3FAB] =	sst s9;
	s0 =	simm.s32 @!p0 $0x0  }
0x12: {  	s1 =	sld [smem:$0x3F91];
	s0 =	simm.s32 @p0 $0x1  }
0x13: {  	[smem:$0x3FAC] =	sst s0;
	s0 =	simm.s32 @!p1 $0x0  }
0x14: {  	s2 =	sld [smem:$0x3F90];
	s0 =	simm.s32 @p1 $0x1  }
0x15: {  	[smem:$0x3FAD] =	sst s0;
	s0 =	simm.s32 @!p2 $0x0  }
0x16: {  	s3 =	sld [smem:$0x3FDB];
	s0 =	simm.s32 @p2 $0x1  }
0x17: {  	s4 =	simm.s32 $0x1BF5;
	[smem:$0x3FAF] =	sst s0  }
0x18: {  	s0 =	sld [smem:$0x3F92];
	_ =	swait.ge [sflag:s4], $0x0  }
0x19: {  	s7 =	sld [smem:$0x3F93]  }
0x1a: {  	s8 =	sadd.s32 $0xFFFFE003, lr  }
0x1b: {  	s9 =	sadd.s32 $0xFFFFFEF7, lr;
	s5 =	simm.s32 $0xFFFFFFFF;
	p2 =	slt.u32 s8, $0xFFFFF086  }
0x1c: {  	p1 =	slt.u32 s9, $0xF7A;
	s5 =	simm.s32 @!p2 $0x0  }
0x1d: {  	s5 =	simm.s32 @p1 $0x1;
	p0 =	seq.s32 s7, s2  }
0x1e: {  	s7 =	smul.u32 @!p0 $0xF7A, s2;
	p2 =	seq.s32 @!p0 s5, $0x0  }
0x1f: {  	s9 =	smul.u32 $0xF7A, s1;
	s8 =	simm.s32 @!p0 $0x1BF5;
	p2 =	por !p2, p0  }
0x20: {  	[sflag:s8] =	ssyncset.s32 @!p0 $0xFFFFF086;
	s6 =	sadd.s32 @!p0 s3, s7;
	s7 =	simm.s32 @!p0 $0x108  }
0x21: {  	s3 =	sadd.s32 s3, s9;
	s6 =	sadd.s32 @!p0 $0x88, s6;
	s7 =	simm.s32 @p2 $0x1082  }
0x22: {  	[simem:s7], [sflag:s8] =	dma.local @!p0 [hbm:s6], $0xF7A  }
0x23: {  	s9 =	sor.u32 $0xD0000000, s2;
	s6 =	simm.s32 $0x108;
	_ =	swait.ge @!p0 [sflag:s8], $0x0  }
0x24: {  	s3 =	sadd.s32 $0x88, s3;
	s6 =	simm.s32 @!p1 $0x1082;
	[sflag:s4] =	ssyncset.s32 $0xFFFFF086  }
0x25: {  	[simem:s6], [sflag:s4] =	dma.local [hbm:s3], $0xF7A  }
0x26: {  	[smem:$0x3F93] =	sst s1;
	(tag) =	ssettag s2;
	_ =	strace s9  }
0x27: {  	s1 =	sld [smem:$0x3FA3]  }
0x28: {  	s2 =	sld [smem:$0x3FA4]  }
0x29: {  	s4 =	sld [smem:$0x3FA6]  }
0x2a: {  	p0 =	seq.s32 s5, $0x0;
	s5 =	sld [smem:$0x3FA7]  }
0x2b: {  	s6 =	sld [smem:$0x3FA8]  }
0x2c: {  	s7 =	sld [smem:$0x3FA9]  }
0x2d: {  	s3 =	simm.s32 $0x108;
	s8 =	sld [smem:$0x3FAA]  }
0x2e: {  	s3 =	simm.s32 @!p0 $0x1082;
	s9 =	sld [smem:$0x3FAB]  }
0x2f: {  	lr =	sadd.s32 s0, s3;
	s0 =	sld [smem:$0x3FA2]  }
0x30: {  	s3 =	sld [smem:$0x3FA5]  }
0x31: {  	[smem:$0x3FAE] =	sst s10  }
0x32: {  	s10 =	sld [smem:$0x3FAC];
	_ =	sdelay $0x3  }
0x33: {  	p0 =	seq.s32 s10, $0x1;
	s10 =	sld [smem:$0x3FAE];
	_ =	sdelay $0x3  }
0x34: {  	[smem:$0x3FAE] =	sst s10  }
0x35: {  	s10 =	sld [smem:$0x3FAD];
	_ =	sdelay $0x3  }
0x36: {  	p1 =	seq.s32 s10, $0x1;
	s10 =	sld [smem:$0x3FAE];
	_ =	sdelay $0x3  }
0x37: {  	[smem:$0x3FAE] =	sst s10  }
0x38: {  	s10 =	sld [smem:$0x3FAF]  }
0x39: {  	_ = 	snop;
	(pc) =	sbr.ind lr, $3  }
0x3a: {  	_ = 	snop  }
0x3b: {  	_ = 	snop  }
0x3c: {  	p2 =	seq.s32 s10, $0x1;
	s10 =	sld [smem:$0x3FAE]  }
0x3d: {  	_ =	shalt  }
0x3e: {  	_ =	shalt  }
0x3f: {  	_ =	shalt  }
0x40: {  	_ =	shalt  }
0x41: {  	_ =	shalt  }
0x42: {  	_ =	shalt  }
0x43: {  	_ =	shalt  }
0x44: {  	_ =	shalt  }
0x45: {  	_ =	shalt  }
0x46: {  	_ =	shalt  }
0x47: {  	_ =	shalt  }
0x48: {  	_ =	shalt  }
0x49: {  	_ =	shalt  }
0x4a: {  	_ =	shalt  }
0x4b: {  	_ =	shalt  }
0x4c: {  	_ =	shalt  }
0x4d: {  	_ =	shalt  }
0x4e: {  	_ =	shalt  }
0x4f: {  	_ =	shalt  }
0x50: {  	_ =	shalt  }
0x51: {  	_ =	shalt  }
0x52: {  	_ =	shalt  }
0x53: {  	_ =	shalt  }
0x54: {  	_ =	shalt  }
0x55: {  	_ =	shalt  }
0x56: {  	_ =	shalt  }
0x57: {  	_ =	shalt  }
0x58: {  	_ =	shalt  }
0x59: {  	_ =	shalt  }
0x5a: {  	_ =	shalt  }
0x5b: {  	_ =	shalt  }
0x5c: {  	_ =	shalt  }
0x5d: {  	_ =	shalt  }
0x5e: {  	_ =	shalt  }
0x5f: {  	_ =	shalt  }
0x60: {  	_ =	shalt  }
0x61: {  	_ =	shalt  }
0x62: {  	_ =	shalt  }
0x63: {  	_ =	shalt  }
0x64: {  	_ =	shalt  }
0x65: {  	_ =	shalt  }
0x66: {  	_ =	shalt  }
0x67: {  	_ =	shalt  }
0x68: {  	_ =	shalt  }
0x69: {  	_ =	shalt  }
0x6a: {  	_ =	shalt  }
0x6b: {  	_ =	shalt  }
0x6c: {  	_ =	shalt  }
0x6d: {  	_ =	shalt  }
0x6e: {  	_ =	shalt  }
0x6f: {  	_ =	shalt  }
0x70: {  	_ =	shalt  }
0x71: {  	_ =	shalt  }
0x72: {  	_ =	shalt  }
0x73: {  	_ =	shalt  }
0x74: {  	_ =	shalt  }
0x75: {  	_ =	shalt  }
0x76: {  	_ =	shalt  }
0x77: {  	_ =	shalt  }
0x78: {  	_ =	shalt  }
0x79: {  	_ =	shalt  }
0x7a: {  	_ =	shalt  }
0x7b: {  	_ =	shalt  }
0x7c: {  	_ =	shalt  }
0x7d: {  	_ =	shalt  }
0x7e: {  	_ =	shalt  }
0x7f: {  	_ =	shalt  }
0x80: {  	_ =	shalt  }
0x81: {  	_ =	shalt  }
0x82: {  	_ =	shalt  }
0x83: {  	_ =	shalt  }
0x84: {  	_ =	shalt  }
0x85: {  	_ =	shalt  }
0x86: {  	_ =	shalt  }
0x87: {  	_ =	shalt  }
.Lfunc_end0:
.L_simem_size_0:
called_computation.2_lowered:
.L_overlay_start_0:
0x88: {  	s2 =	sld [smem:$0x3FD9]  }
0x89: {  	s3 =	sld [smem:$0x3FFE];
	_ =	sdelay $0x1  }
0x8a: {  	s1 =	srdreg.scid  }
0x8b: {  	s0 =	sand.u32 $0x1, s1  }
0x8c: {  	s16 =	sshll.u32 s0, $0xA;
	s2 =	sadd.s32 s3, s2  }
0x8d: {  	s2 =	sadd.s32 s2, s16  }
0x8e: {  	[smem:$0x3FBA] =	sst s2  }
0x8f: {  	_ = 	snop  }
0x90: {  	(tm) =	ssettm $0x1  }
0x91: {  	s17 =	sld [smem:$0x3FFB];
	_ =	sdelay $0x3  }
0x92: {  	_ =	strace s17  }
0x93: {  	s2 =	sld [smem:$0x3FFC];
	_ =	sdelay $0x3  }
0x94: {  	_ =	strace s2  }
0x95: {  	s2 =	sld [smem:$0x3FFD];
	_ =	sdelay $0x3  }
0x96: {  	_ =	strace s2  }
0x97: {  	_ =	strace $0x8FFFFFFF  }
0x98: {  	s18 =	sld [smem:$0x3FDB];
	_ =	sdelay $0x1  }
0x99: {  	s19 =	simm.s32 $_scs_section_size  }
0x9a: {  	s4 =	simm.s32 $_size__tile_overlayer_lowered;
	s5 =	simm.s32 $_tile_overlayer_lowered  }
0x9b: {  	s22 =	simm.s32 $0x1BFF;
	s21 =	sshll.u32 s5, $0x1;
	s2 =	sadd.s32 s19, s18  }
0x9c: {  	s6 =	simm.s32 $0x0;
	s20 =	sshll.u32 s4, $0x1;
	s4 =	sadd.s32 s21, s2  }
0x9d: {  	[timem:s6], [sflag:s22] =	dma.local [hbm:s4], s20  }
0x9e: {  	_ =	swait.ge [sflag:s22], s20  }
0x9f: {  	s3 =	ssub.s32 $0x0, s20;
	[sflag:s22] =	ssyncset.done $0x0  }
0xa0: {  	[sflag:s22] =	ssyncadd.s32 s3;
	_ =	sdelay $0x1  }
0xa1: {  	s23 =	simm.s32 $0x1B8B  }
0xa2: {  	_ =	swait.ge [sflag:s23], $0x1  }
0xa3: {  	[sflag:s23] =	ssyncset.done $0x0  }
0xa4: {  	s25 =	simm.s32 $0x1B8E;
	s24 =	sld [smem:$0x3FFE];
	[sflag:s23] =	ssyncadd.s32 $0xFFFFFFFF  }
0xa5: {  	s26 =	simm.s32 $execute0_lowered;
	[smem:$0x3FD2] =	sst s25  }
0xa6: {  	s4 =	sshll.u32 s26, $0x1;
	_ =	strace $0x8000004C;
	[dreg:$0x1] =	wrdreg $0xFFFFFFFF  }
0xa7: {  	s28 =	simm.s32 $_size_execute0_lowered;
	s2 =	sadd.s32 s2, s4;
	[dreg:$0x0] =	wrdreg $0x0  }
0xa8: {  	s4 =	sshll.u32 s28, $0x1;
	[dreg:$0x2] =	wrdreg s2  }
0xa9: {  	[dreg:$0x3] =	wrdreg s4  }
0xaa: {  	[dreg:$0x4] =	wrdreg $0xC0  }
0xab: {  	_ =	task [dreg:s6], $0x5FFFF  }
0xac: {  	[dreg:$0x1] =	wrdreg $0xFFFFFFFF  }
0xad: {  	[dreg:$0x0] =	wrdreg $0x60  }
0xae: {  	[dreg:$0x2] =	wrdreg s24  }
0xaf: {  	[dreg:$0x3] =	wrdreg $0x90000  }
0xb0: {  	[dreg:$0x4] =	wrdreg $0x9  }
0xb1: {  	_ =	task.clear_ibuf [dreg:s6], $0x5FFFF;
	_ =	strace $0x9000004C  }
0xb2: {  	s29 =	simm.s32 $0x9;
	_ =	strace $0x8000004E  }
0xb3: {  	_ =	swait.ge [sflag:s29], $0x1  }
0xb4: {  	[sflag:s29] =	ssyncadd.s32 $0xFFFFFFFF  }
0xb5: {  	_ =	strace $0x9000004E  }
0xb6: {  	_ =	sfence  }
0xb7: {  	s30 =	sld [smem:$0x0];
	_ =	sdelay $0x2  }
0xb8: {  	s31 =	sshll.u32 s1, $0xD;
	s1 =	sshrl.u32 s1, $0x2  }
0xb9: {  	s3 =	sand.u32 $0x4000, s31;
	s1 =	sadd.s32 s1, s30  }
0xba: {  	s0 =	sor.u32 s3, s0;
	s1 =	sshll.u32 s1, $0x11  }
0xbb: {  	s0 =	sor.u32 s1, s0  }
0xbc: {  	s0 =	sadd.s32 $0x8F2B, s0  }
0xbd: {  	[sflag:s0] =	ssyncadd.remote.s32 $0x1  }
0xbe: {  	_ =	sfence.sel $0xFFFF  }
0xbf: {  	[dreg:$0x0] =	wrdreg $0xFFFFFFFF;
	(pc) =	sbr.abs _section_cstart, $3  }
0xc0: {  	[dreg:$0x1] =	wrdreg $0xFFFFFFFF  }
0xc1: {  	_ =	task.clear_ibuf [dreg:s6], $0x2FFFF;
	_ =	strace $0x9FFFFFFF  }
0xc2: {  	(tm) =	ssettm $0x7FFFFFFF  }
0xc3: {  	_ =	shalt  }
tec
execute0_lowered:
.L_overlay_start_1:
0x0: {  	(tag) =	ssettag $0x1  }
0x1: {  	s1 =	srdreg.scid;
	s7 =	rddreg [dreg:$0x0]  }
0x2: {  	s0 =	stileid.u32;
	s2 =	rddreg [dreg:$0x1]  }
0x3: {  	s3 =	simm.s32 $0x0;
	s15 =	simm.s32 $0x5000;
	s16 =	simm.s32 $0x2  }
0x4: {  	s17 =	simm.s32 $0x2800;
	s18 =	simm.s32 $0x80;
	s19 =	simm.s32 $0x1  }
0x5: {  	s22 =	simm.s32 $0x0;
	s6 =	sand.u32 $0x1, s1;
	s28 =	sshll.u32 s0, $0x1  }
0x6: {  	[smem:$0x7FF] =	sst s3;
	s9 =	smul.u32 $0x14000, s0;
	s4 =	sadd.s32 $0x19400, s7  }
0x7: {  	s10 =	smul.u32 $0x50000, s0;
	s20 =	sshll.u32 s0, $0x6;
	s1 =	sor.u32 s6, s28  }
0x8: {  	s8 =	smul.u32 $0x140000, s6;
	s29 =	ssub.s32 $0x2, s6;
	s20 =	sor.u32 $0x1C02, s20  }
0x9: {  	s5 =	smul.u32 $0x500, s1;
	s1 =	rddreg [dreg:$0x2];
	_ =	strace $0x8000004D  }
0xa: {  	s30 =	sshrl.u32 s10, $0x2;
	s31 =	sshrl.u32 s29, $0x1;
	s8 =	sadd.s32 s9, s8  }
0xb: {  	s6 =	sadd.s32 s30, s2;
	s14 =	ssub.s32 s29, s31;
	s12 =	sadd.s32 s5, s7  }
0xc: {  	s5 =	sadd.s32 $0xB5800, s7;
	s8 =	sshrl.u32 s8, $0x3;
	s9 =	sadd.s32 $0xC000, s6  }
0xd: {  	s10 =	sadd.s32 $0x10000, s6;
	s14 =	smax.u32 s14, $0x1;
	s21 =	sshrl.u32 s6, $0x3  }
0xe: {  	s13 =	sadd.s32 s8, s7;
	s7 =	sadd.s32 $0x4000, s6;
	s8 =	sadd.s32 $0x8000, s6  }
0xf: {  	s11 =	sadd.s32 $0x5400, s12;
	s12 =	sadd.s32 $0xF400, s12;
	s13 =	sadd.s32 $0xB6000, s13  }
.LBB2_1:
0x10: {  	[tilespmem:s15], [sflag:$0x2] =	stream.linear.gather [hbm4b:s5+s3], $0x4000, $0x38;
	[tilespmem:$0x1D000] =	vst v63  }
0x11: {  	_ =	swait.ge [sflag:s16], $0x4000  }
0x12: {  	[sflag:s16] =	ssyncset.done $0x0  }
0x13: {  	[sflag:s16] =	ssyncadd.s32 $0xFFFFC000  }
0x14: {  	[spmem:s6] =	stream.linear.scatter [tilespmem:s15], [sflag:$0x2], $0x4000, $0x38;
	[tilespmem:$0x1D000] =	vst v63  }
0x15: {  	_ =	swait.ge [sflag:s16], $0x4000  }
0x16: {  	[sflag:s16] =	ssyncset.done $0x0  }
0x17: {  	[sflag:s16] =	ssyncadd.s32 $0xFFFFC000  }
0x18: {  	[spmem:s7] =	stream.linear.scatter [tilespmem:s15], [sflag:$0x2], $0x4000, $0x38;
	[tilespmem:$0x1D000] =	vst v63  }
0x19: {  	_ =	swait.ge [sflag:s16], $0x4000  }
0x1a: {  	[sflag:s16] =	ssyncset.done $0x0  }
0x1b: {  	[sflag:s16] =	ssyncadd.s32 $0xFFFFC000  }
0x1c: {  	[spmem:s8] =	stream.linear.scatter [tilespmem:s15], [sflag:$0x2], $0x4000, $0x38;
	[tilespmem:$0x1D000] =	vst v63  }
0x1d: {  	_ =	swait.ge [sflag:s16], $0x4000  }
0x1e: {  	[sflag:s16] =	ssyncset.done $0x0  }
0x1f: {  	[sflag:s16] =	ssyncadd.s32 $0xFFFFC000  }
0x20: {  	[spmem:s9] =	stream.linear.scatter [tilespmem:s15], [sflag:$0x2], $0x4000, $0x38;
	[tilespmem:$0x1D000] =	vst v63  }
0x21: {  	_ =	swait.ge [sflag:s16], $0x4000  }
0x22: {  	[sflag:s16] =	ssyncset.done $0x0  }
0x23: {  	[sflag:s16] =	ssyncadd.s32 $0xFFFFC000  }
0x24: {  	[spmem:s10] =	stream.linear.scatter [tilespmem:s15], [sflag:$0x2], $0x4000, $0x38;
	[tilespmem:$0x1D000] =	vst v63  }
0x25: {  	_ =	swait.ge [sflag:s16], $0x4000  }
0x26: {  	[sflag:s16] =	ssyncset.done $0x0  }
0x27: {  	[sflag:s16] =	ssyncadd.s32 $0xFFFFC000  }
0x28: {  	[bflag:$0x0] =	sbarrier.arrive $0xFFFF  }
0x29: {  	[tilespmem:s3], [sflag:$0x2] =	stream.linear.gather [hbm4b:s11+s3], $0x2780, $0x38;
	[tilespmem:$0x1D000] =	vst v63  }
0x2a: {  	_ =	swait.ge [sflag:s16], $0x2780  }
0x2b: {  	[sflag:s16] =	ssyncset.done $0x0  }
0x2c: {  	[sflag:s16] =	ssyncadd.s32 $0xFFFFD880  }
0x2d: {  	[tilespmem:s17], [sflag:$0x2] =	stream.linear.gather [hbm4b:s12+s3], $0x2780, $0x38;
	[tilespmem:$0x1D000] =	vst v63  }
0x2e: {  	_ =	swait.ge [sflag:s16], $0x2780  }
0x2f: {  	[sflag:s16] =	ssyncset.done $0x0  }
0x30: {  	s23 =	simm.s32 $0x0;
	[sflag:s16] =	ssyncadd.s32 $0xFFFFD880  }
0x31: {  	[tilespmem:s15], [sflag:$0x1] =	stream.indirect.gather [hbm4b:s4+s18], $0x80, s23, s18, $0xb8;
	[tilespmem:$0x1D000] =	vst v63  }
0x32: {  	_ =	swait.ge [sflag:s19], $0x4000  }
0x33: {  	[sflag:s19] =	ssyncset.done $0x0  }
0x34: {  	s31 =	simm.s32 $0x2800;
	[sflag:s19] =	ssyncadd.s32 $0xFFFFC000  }
0x35: {  	[spmem:s2] =	stream.indirect.scatter.add.f32 [tilespmem:s15], [sflag:$0x2], $0x80, s31, s18, $0xb8;
	[tilespmem:$0x1D000] =	vst v63  }
0x36: {  	_ =	swait.ge [sflag:s16], $0x4000  }
0x37: {  	s24 =	simm.s32 $0x400;
	s23 =	simm.s32 $0x200;
	[sflag:s16] =	ssyncset.done $0x0  }
.LBB2_2:
0x38: {  	s25 =	sshra.s32 s23, $0x2  }
0x39: {  	[sflag:s16] =	ssyncadd.s32 $0xFFFFC000;
	s23 =	smov.u32 s24;
	s26 =	sadd.s32 $0x200, s24  }
0x3a: {  	[tilespmem:s15], [sflag:$0x1] =	stream.indirect.gather [hbm4b:s4+s18], $0x80, s25, s18, $0xb8;
	[tilespmem:$0x1D000] =	vst v63  }
0x3b: {  	p0 =	sne.s32 s24, $0x9C00;
	_ =	swait.ge [sflag:s19], $0x4000  }
.Ltmp0:
0x3c: {  	[sflag:s19] =	ssyncset.done $0x0;
	(pc) =	sbr.rel @p0 .LBB2_2-.Ltmp0, $4  }
0x3d: {  	s24 =	sadd.s32 $0x2800, s25;
	[sflag:s19] =	ssyncadd.s32 $0xFFFFC000  }
0x3e: {  	[spmem:s2] =	stream.indirect.scatter.add.f32 [tilespmem:s15], [sflag:$0x2], $0x80, s24, s18, $0xb8;
	[tilespmem:$0x1D000] =	vst v63  }
0x3f: {  	_ =	swait.ge [sflag:s16], $0x4000  }
0x40: {  	s24 =	smov.u32 s26;
	[sflag:s16] =	ssyncset.done $0x0  }
0x41: {  	s23 =	sshra.s32 s23, $0x2;
	[sflag:s16] =	ssyncadd.s32 $0xFFFFC000  }
0x42: {  	[tilespmem:s15], [sflag:$0x1] =	stream.indirect.gather [hbm4b:s4+s18], $0x80, s23, s18, $0xb8;
	[tilespmem:$0x1D000] =	vst v63  }
0x43: {  	_ =	swait.ge [sflag:s19], $0x4000  }
0x44: {  	[sflag:s19] =	ssyncset.done $0x0  }
0x45: {  	s23 =	sadd.s32 $0x2800, s23;
	[sflag:s19] =	ssyncadd.s32 $0xFFFFC000  }
0x46: {  	[spmem:s2] =	stream.indirect.scatter.add.f32 [tilespmem:s15], [sflag:$0x2], $0x80, s23, s18, $0xb8;
	[tilespmem:$0x1D000] =	vst v63  }
0x47: {  	_ =	swait.ge [sflag:s16], $0x4000  }
0x48: {  	s22 =	sadd.s32 $0x1, s22;
	[sflag:s16] =	ssyncset.done $0x0  }
0x49: {  	p0 =	sne.s32 s22, s14;
	[sflag:s16] =	ssyncadd.s32 $0xFFFFC000  }
.Ltmp1:
0x4a: {  	[bflag:$0x0] =	sbarrier.arrive $0xFFFF;
	(pc) =	sbr.rel @p0 .LBB2_1-.Ltmp1, $4  }
0x4b: {  	[hbm:s13], [sflag:s20] =	dma.local [spmem:s21], $0x2800  }
0x4c: {  	_ =	swait.ge [sflag:s16], $0x2800  }
0x4d: {  	[sflag:s16] =	ssyncset.done $0x0  }
0x4e: {  	[sflag:s16] =	ssyncadd.s32 $0xFFFFD800  }
0x4f: {  	_ =	sfence.sel $0x180000  }
0x50: {  	[bflag:$0x0] =	sbarrier.arrive $0xFFFF  }
0x51: {  	p0 =	sne.s32 s0, $0x0;
	_ =	strace $0x9000004D  }
0x52: {  	s0 =	sadd.s32 @!p0 $0x100000, s1;
	[bflag:$0x2] =	sbarrier.arrive $0xFFFF  }
0x53: {  	[sflag:s0] =	ssyncadd.tile.s32 @!p0 $0x1;
	_ =	shalt  }
.Lfunc_end2:
_tile_overlayer_lowered:
.L_overlay_start_2:
0x54: {  	(tag) =	ssettag $0x2  }
0x55: {  	s0 =	rddreg [dreg:$0x0];
	s2 =	stileid.u32  }
0x56: {  	s1 =	rddreg [dreg:$0x1];
	p0 =	sne.s32 s2, $0x0  }
0x57: {  	s3 =	rddreg [dreg:$0x2];
	[bflag:$0x3] =	sbarrier.arrive $0xFFFF;
	s2 =	simm.s32 @!p0 $0x1C02  }
0x58: {  	[timem:s3], [sflag:s2] =	dma.local @!p0 [hbm:s0], s1  }
0x59: {  	s0 =	simm.s32 @!p0 $0x2  }
0x5a: {  	_ =	swait.ge @!p0 [sflag:s0], s1  }
0x5b: {  	s1 =	ssub.s32 @!p0 $0x0, s1;
	[sflag:s0] =	ssyncset.done @!p0 $0x0  }
0x5c: {  	[sflag:s0] =	ssyncadd.s32 @!p0 s1  }
0x5d: {  	[bflag:$0x3] =	sbarrier.arrive $0xFFFF  }
0x5e: {  	_ =	shalt  }

// kernel: kernel.28.cloned.1.call-start
scs
__scs_entry_jumppad:
0x0: {  	(pc) =	sbr.rel $0x88, $3  }
0x1: {  	(tag) =	ssettag $0x0;
	lr =	simm.s32 $0x1  }
0x2: {  	[smem:$0x3F93] =	sst lr;
	_ =	strace $0xD0000000  }
0x3: {  	_ = 	snop  }
0x4: {  	_ = 	snop  }
0x5: {  	_ = 	snop  }
0x6: {  	_ = 	snop  }
0x7: {  	_ = 	snop  }
__scs_overlays_trampoline_lowered:
0x8: {  	[smem:$0x3FA2] =	sst s0  }
0x9: {  	[smem:$0x3FA3] =	sst s1  }
0xa: {  	[smem:$0x3FA4] =	sst s2  }
0xb: {  	[smem:$0x3FA5] =	sst s3  }
0xc: {  	[smem:$0x3FA6] =	sst s4  }
0xd: {  	[smem:$0x3FA7] =	sst s5  }
0xe: {  	[smem:$0x3FA8] =	sst s6  }
0xf: {  	[smem:$0x3FA9] =	sst s7  }
0x10: {  	[smem:$0x3FAA] =	sst s8  }
0x11: {  	[smem:$0x3FAB] =	sst s9;
	s0 =	simm.s32 @!p0 $0x0  }
0x12: {  	s1 =	sld [smem:$0x3F91];
	s0 =	simm.s32 @p0 $0x1  }
0x13: {  	[smem:$0x3FAC] =	sst s0;
	s0 =	simm.s32 @!p1 $0x0  }
0x14: {  	s2 =	sld [smem:$0x3F90];
	s0 =	simm.s32 @p1 $0x1  }
0x15: {  	[smem:$0x3FAD] =	sst s0;
	s0 =	simm.s32 @!p2 $0x0  }
0x16: {  	s3 =	sld [smem:$0x3FDB];
	s0 =	simm.s32 @p2 $0x1  }
0x17: {  	s4 =	simm.s32 $0x1BF5;
	[smem:$0x3FAF] =	sst s0  }
0x18: {  	s0 =	sld [smem:$0x3F92];
	_ =	swait.ge [sflag:s4], $0x0  }
0x19: {  	s7 =	sld [smem:$0x3F93]  }
0x1a: {  	s8 =	sadd.s32 $0xFFFFE003, lr  }
0x1b: {  	s9 =	sadd.s32 $0xFFFFFEF7, lr;
	s5 =	simm.s32 $0xFFFFFFFF;
	p2 =	slt.u32 s8, $0xFFFFF086  }
0x1c: {  	p1 =	slt.u32 s9, $0xF7A;
	s5 =	simm.s32 @!p2 $0x0  }
0x1d: {  	s5 =	simm.s32 @p1 $0x1;
	p0 =	seq.s32 s7, s2  }
0x1e: {  	s7 =	smul.u32 @!p0 $0xF7A, s2;
	p2 =	seq.s32 @!p0 s5, $0x0  }
0x1f: {  	s9 =	smul.u32 $0xF7A, s1;
	s8 =	simm.s32 @!p0 $0x1BF5;
	p2 =	por !p2, p0  }
0x20: {  	[sflag:s8] =	ssyncset.s32 @!p0 $0xFFFFF086;
	s6 =	sadd.s32 @!p0 s3, s7;
	s7 =	simm.s32 @!p0 $0x108  }
0x21: {  	s3 =	sadd.s32 s3, s9;
	s6 =	sadd.s32 @!p0 $0x88, s6;
	s7 =	simm.s32 @p2 $0x1082  }
0x22: {  	[simem:s7], [sflag:s8] =	dma.local @!p0 [hbm:s6], $0xF7A  }
0x23: {  	s9 =	sor.u32 $0xD0000000, s2;
	s6 =	simm.s32 $0x108;
	_ =	swait.ge @!p0 [sflag:s8], $0x0  }
0x24: {  	s3 =	sadd.s32 $0x88, s3;
	s6 =	simm.s32 @!p1 $0x1082;
	[sflag:s4] =	ssyncset.s32 $0xFFFFF086  }
0x25: {  	[simem:s6], [sflag:s4] =	dma.local [hbm:s3], $0xF7A  }
0x26: {  	[smem:$0x3F93] =	sst s1;
	(tag) =	ssettag s2;
	_ =	strace s9  }
0x27: {  	s1 =	sld [smem:$0x3FA3]  }
0x28: {  	s2 =	sld [smem:$0x3FA4]  }
0x29: {  	s4 =	sld [smem:$0x3FA6]  }
0x2a: {  	p0 =	seq.s32 s5, $0x0;
	s5 =	sld [smem:$0x3FA7]  }
0x2b: {  	s6 =	sld [smem:$0x3FA8]  }
0x2c: {  	s7 =	sld [smem:$0x3FA9]  }
0x2d: {  	s3 =	simm.s32 $0x108;
	s8 =	sld [smem:$0x3FAA]  }
0x2e: {  	s3 =	simm.s32 @!p0 $0x1082;
	s9 =	sld [smem:$0x3FAB]  }
0x2f: {  	lr =	sadd.s32 s0, s3;
	s0 =	sld [smem:$0x3FA2]  }
0x30: {  	s3 =	sld [smem:$0x3FA5]  }
0x31: {  	[smem:$0x3FAE] =	sst s10  }
0x32: {  	s10 =	sld [smem:$0x3FAC];
	_ =	sdelay $0x3  }
0x33: {  	p0 =	seq.s32 s10, $0x1;
	s10 =	sld [smem:$0x3FAE];
	_ =	sdelay $0x3  }
0x34: {  	[smem:$0x3FAE] =	sst s10  }
0x35: {  	s10 =	sld [smem:$0x3FAD];
	_ =	sdelay $0x3  }
0x36: {  	p1 =	seq.s32 s10, $0x1;
	s10 =	sld [smem:$0x3FAE];
	_ =	sdelay $0x3  }
0x37: {  	[smem:$0x3FAE] =	sst s10  }
0x38: {  	s10 =	sld [smem:$0x3FAF]  }
0x39: {  	_ = 	snop;
	(pc) =	sbr.ind lr, $3  }
0x3a: {  	_ = 	snop  }
0x3b: {  	_ = 	snop  }
0x3c: {  	p2 =	seq.s32 s10, $0x1;
	s10 =	sld [smem:$0x3FAE]  }
0x3d: {  	_ =	shalt  }
0x3e: {  	_ =	shalt  }
0x3f: {  	_ =	shalt  }
0x40: {  	_ =	shalt  }
0x41: {  	_ =	shalt  }
0x42: {  	_ =	shalt  }
0x43: {  	_ =	shalt  }
0x44: {  	_ =	shalt  }
0x45: {  	_ =	shalt  }
0x46: {  	_ =	shalt  }
0x47: {  	_ =	shalt  }
0x48: {  	_ =	shalt  }
0x49: {  	_ =	shalt  }
0x4a: {  	_ =	shalt  }
0x4b: {  	_ =	shalt  }
0x4c: {  	_ =	shalt  }
0x4d: {  	_ =	shalt  }
0x4e: {  	_ =	shalt  }
0x4f: {  	_ =	shalt  }
0x50: {  	_ =	shalt  }
0x51: {  	_ =	shalt  }
0x52: {  	_ =	shalt  }
0x53: {  	_ =	shalt  }
0x54: {  	_ =	shalt  }
0x55: {  	_ =	shalt  }
0x56: {  	_ =	shalt  }
0x57: {  	_ =	shalt  }
0x58: {  	_ =	shalt  }
0x59: {  	_ =	shalt  }
0x5a: {  	_ =	shalt  }
0x5b: {  	_ =	shalt  }
0x5c: {  	_ =	shalt  }
0x5d: {  	_ =	shalt  }
0x5e: {  	_ =	shalt  }
0x5f: {  	_ =	shalt  }
0x60: {  	_ =	shalt  }
0x61: {  	_ =	shalt  }
0x62: {  	_ =	shalt  }
0x63: {  	_ =	shalt  }
0x64: {  	_ =	shalt  }
0x65: {  	_ =	shalt  }
0x66: {  	_ =	shalt  }
0x67: {  	_ =	shalt  }
0x68: {  	_ =	shalt  }
0x69: {  	_ =	shalt  }
0x6a: {  	_ =	shalt  }
0x6b: {  	_ =	shalt  }
0x6c: {  	_ =	shalt  }
0x6d: {  	_ =	shalt  }
0x6e: {  	_ =	shalt  }
0x6f: {  	_ =	shalt  }
0x70: {  	_ =	shalt  }
0x71: {  	_ =	shalt  }
0x72: {  	_ =	shalt  }
0x73: {  	_ =	shalt  }
0x74: {  	_ =	shalt  }
0x75: {  	_ =	shalt  }
0x76: {  	_ =	shalt  }
0x77: {  	_ =	shalt  }
0x78: {  	_ =	shalt  }
0x79: {  	_ =	shalt  }
0x7a: {  	_ =	shalt  }
0x7b: {  	_ =	shalt  }
0x7c: {  	_ =	shalt  }
0x7d: {  	_ =	shalt  }
0x7e: {  	_ =	shalt  }
0x7f: {  	_ =	shalt  }
0x80: {  	_ =	shalt  }
0x81: {  	_ =	shalt  }
0x82: {  	_ =	shalt  }
0x83: {  	_ =	shalt  }
0x84: {  	_ =	shalt  }
0x85: {  	_ =	shalt  }
0x86: {  	_ =	shalt  }
0x87: {  	_ =	shalt  }
.Lfunc_end0:
.L_simem_size_0:
called_computation.3_lowered:
.L_overlay_start_0:
0x88: {  	s2 =	sld [smem:$0x3FD9]  }
0x89: {  	s3 =	sld [smem:$0x3FFE];
	_ =	sdelay $0x1  }
0x8a: {  	s1 =	srdreg.scid  }
0x8b: {  	s0 =	sand.u32 $0x1, s1  }
0x8c: {  	s16 =	sshll.u32 s0, $0xA;
	s2 =	sadd.s32 s3, s2  }
0x8d: {  	s2 =	sadd.s32 s2, s16  }
0x8e: {  	[smem:$0x3FBA] =	sst s2  }
0x8f: {  	_ = 	snop  }
0x90: {  	(tm) =	ssettm $0x1  }
0x91: {  	s17 =	sld [smem:$0x3FFB];
	_ =	sdelay $0x3  }
0x92: {  	_ =	strace s17  }
0x93: {  	s2 =	sld [smem:$0x3FFC];
	_ =	sdelay $0x3  }
0x94: {  	_ =	strace s2  }
0x95: {  	s2 =	sld [smem:$0x3FFD];
	_ =	sdelay $0x3  }
0x96: {  	_ =	strace s2  }
0x97: {  	_ =	strace $0x8FFFFFFF  }
0x98: {  	s18 =	sld [smem:$0x3FDB];
	_ =	sdelay $0x1  }
0x99: {  	s19 =	simm.s32 $_scs_section_size  }
0x9a: {  	s4 =	simm.s32 $_size__tile_overlayer_lowered;
	s5 =	simm.s32 $_tile_overlayer_lowered  }
0x9b: {  	s22 =	simm.s32 $0x1BFF;
	s21 =	sshll.u32 s5, $0x1;
	s2 =	sadd.s32 s19, s18  }
0x9c: {  	s6 =	simm.s32 $0x0;
	s20 =	sshll.u32 s4, $0x1;
	s4 =	sadd.s32 s21, s2  }
0x9d: {  	[timem:s6], [sflag:s22] =	dma.local [hbm:s4], s20  }
0x9e: {  	_ =	swait.ge [sflag:s22], s20  }
0x9f: {  	s3 =	ssub.s32 $0x0, s20;
	[sflag:s22] =	ssyncset.done $0x0  }
0xa0: {  	[sflag:s22] =	ssyncadd.s32 s3;
	_ =	sdelay $0x1  }
0xa1: {  	s23 =	simm.s32 $0x1B8B  }
0xa2: {  	_ =	swait.ge [sflag:s23], $0x1  }
0xa3: {  	[sflag:s23] =	ssyncset.done $0x0  }
0xa4: {  	s25 =	simm.s32 $0x1B8E;
	s24 =	sld [smem:$0x3FFE];
	[sflag:s23] =	ssyncadd.s32 $0xFFFFFFFF  }
0xa5: {  	s26 =	simm.s32 $execute0_lowered;
	[smem:$0x3FD2] =	sst s25  }
0xa6: {  	s4 =	sshll.u32 s26, $0x1;
	_ =	strace $0x8000004F;
	[dreg:$0x1] =	wrdreg $0xFFFFFFFF  }
0xa7: {  	s28 =	simm.s32 $_size_execute0_lowered;
	s2 =	sadd.s32 s2, s4;
	[dreg:$0x0] =	wrdreg $0x0  }
0xa8: {  	s4 =	sshll.u32 s28, $0x1;
	[dreg:$0x2] =	wrdreg s2  }
0xa9: {  	[dreg:$0x3] =	wrdreg s4  }
0xaa: {  	[dreg:$0x4] =	wrdreg $0xC0  }
0xab: {  	_ =	task [dreg:s6], $0x5FFFF  }
0xac: {  	[dreg:$0x1] =	wrdreg $0xFFFFFFFF  }
0xad: {  	[dreg:$0x0] =	wrdreg $0x60  }
0xae: {  	[dreg:$0x2] =	wrdreg s24  }
0xaf: {  	[dreg:$0x3] =	wrdreg $0x90000  }
0xb0: {  	[dreg:$0x4] =	wrdreg $0x9  }
0xb1: {  	_ =	task.clear_ibuf [dreg:s6], $0x5FFFF;
	_ =	strace $0x9000004F  }
0xb2: {  	s29 =	simm.s32 $0x9;
	_ =	strace $0x80000051  }
0xb3: {  	_ =	swait.ge [sflag:s29], $0x1  }
0xb4: {  	[sflag:s29] =	ssyncadd.s32 $0xFFFFFFFF  }
0xb5: {  	_ =	strace $0x90000051  }
0xb6: {  	_ =	sfence  }
0xb7: {  	s30 =	sld [smem:$0x0];
	_ =	sdelay $0x2  }
0xb8: {  	s31 =	sshll.u32 s1, $0xD;
	s1 =	sshrl.u32 s1, $0x2  }
0xb9: {  	s3 =	sand.u32 $0x4000, s31;
	s1 =	sadd.s32 s1, s30  }
0xba: {  	s0 =	sor.u32 s3, s0;
	s1 =	sshll.u32 s1, $0x11  }
0xbb: {  	s0 =	sor.u32 s1, s0  }
0xbc: {  	s0 =	sadd.s32 $0x8F2B, s0  }
0xbd: {  	[sflag:s0] =	ssyncadd.remote.s32 $0x1  }
0xbe: {  	_ =	sfence.sel $0xFFFF  }
0xbf: {  	[dreg:$0x0] =	wrdreg $0xFFFFFFFF;
	(pc) =	sbr.abs _section_cstart, $3  }
0xc0: {  	[dreg:$0x1] =	wrdreg $0xFFFFFFFF  }
0xc1: {  	_ =	task.clear_ibuf [dreg:s6], $0x2FFFF;
	_ =	strace $0x9FFFFFFF  }
0xc2: {  	(tm) =	ssettm $0x7FFFFFFF  }
0xc3: {  	_ =	shalt  }
tec
execute0_lowered:
.L_overlay_start_1:
0x0: {  	(tag) =	ssettag $0x1  }
0x1: {  	s1 =	srdreg.scid;
	s7 =	rddreg [dreg:$0x0]  }
0x2: {  	s0 =	stileid.u32;
	s2 =	rddreg [dreg:$0x1]  }
0x3: {  	s3 =	simm.s32 $0x0;
	s15 =	simm.s32 $0x5000;
	s16 =	simm.s32 $0x2  }
0x4: {  	s17 =	simm.s32 $0x2800;
	s18 =	simm.s32 $0x80;
	s19 =	simm.s32 $0x1  }
0x5: {  	s22 =	simm.s32 $0x0;
	s6 =	sand.u32 $0x1, s1;
	s28 =	sshll.u32 s0, $0x1  }
0x6: {  	[smem:$0x7FF] =	sst s3;
	s9 =	smul.u32 $0x14000, s0;
	s4 =	sadd.s32 $0x19400, s7  }
0x7: {  	s10 =	smul.u32 $0x50000, s0;
	s20 =	sshll.u32 s0, $0x6;
	s1 =	sor.u32 s6, s28  }
0x8: {  	s8 =	smul.u32 $0x140000, s6;
	s29 =	ssub.s32 $0x2, s6;
	s20 =	sor.u32 $0x1C02, s20  }
0x9: {  	s5 =	smul.u32 $0x500, s1;
	s1 =	rddreg [dreg:$0x2];
	_ =	strace $0x80000050  }
0xa: {  	s30 =	sshrl.u32 s10, $0x2;
	s31 =	sshrl.u32 s29, $0x1;
	s8 =	sadd.s32 s9, s8  }
0xb: {  	s6 =	sadd.s32 s30, s2;
	s14 =	ssub.s32 s29, s31;
	s12 =	sadd.s32 s5, s7  }
0xc: {  	s5 =	sadd.s32 $0xB5800, s7;
	s8 =	sshrl.u32 s8, $0x3;
	s9 =	sadd.s32 $0xC000, s6  }
0xd: {  	s10 =	sadd.s32 $0x10000, s6;
	s14 =	smax.u32 s14, $0x1;
	s21 =	sshrl.u32 s6, $0x3  }
0xe: {  	s13 =	sadd.s32 s8, s7;
	s7 =	sadd.s32 $0x4000, s6;
	s8 =	sadd.s32 $0x8000, s6  }
0xf: {  	s11 =	sadd.s32 $0x5400, s12;
	s12 =	sadd.s32 $0xF400, s12;
	s13 =	sadd.s32 $0xB6000, s13  }
.LBB2_1:
0x10: {  	[tilespmem:s15], [sflag:$0x2] =	stream.linear.gather [hbm4b:s5+s3], $0x4000, $0x38;
	[tilespmem:$0x1D000] =	vst v63  }
0x11: {  	_ =	swait.ge [sflag:s16], $0x4000  }
0x12: {  	[sflag:s16] =	ssyncset.done $0x0  }
0x13: {  	[sflag:s16] =	ssyncadd.s32 $0xFFFFC000  }
0x14: {  	[spmem:s6] =	stream.linear.scatter [tilespmem:s15], [sflag:$0x2], $0x4000, $0x38;
	[tilespmem:$0x1D000] =	vst v63  }
0x15: {  	_ =	swait.ge [sflag:s16], $0x4000  }
0x16: {  	[sflag:s16] =	ssyncset.done $0x0  }
0x17: {  	[sflag:s16] =	ssyncadd.s32 $0xFFFFC000  }
0x18: {  	[spmem:s7] =	stream.linear.scatter [tilespmem:s15], [sflag:$0x2], $0x4000, $0x38;
	[tilespmem:$0x1D000] =	vst v63  }
0x19: {  	_ =	swait.ge [sflag:s16], $0x4000  }
0x1a: {  	[sflag:s16] =	ssyncset.done $0x0  }
0x1b: {  	[sflag:s16] =	ssyncadd.s32 $0xFFFFC000  }
0x1c: {  	[spmem:s8] =	stream.linear.scatter [tilespmem:s15], [sflag:$0x2], $0x4000, $0x38;
	[tilespmem:$0x1D000] =	vst v63  }
0x1d: {  	_ =	swait.ge [sflag:s16], $0x4000  }
0x1e: {  	[sflag:s16] =	ssyncset.done $0x0  }
0x1f: {  	[sflag:s16] =	ssyncadd.s32 $0xFFFFC000  }
0x20: {  	[spmem:s9] =	stream.linear.scatter [tilespmem:s15], [sflag:$0x2], $0x4000, $0x38;
	[tilespmem:$0x1D000] =	vst v63  }
0x21: {  	_ =	swait.ge [sflag:s16], $0x4000  }
0x22: {  	[sflag:s16] =	ssyncset.done $0x0  }
0x23: {  	[sflag:s16] =	ssyncadd.s32 $0xFFFFC000  }
0x24: {  	[spmem:s10] =	stream.linear.scatter [tilespmem:s15], [sflag:$0x2], $0x4000, $0x38;
	[tilespmem:$0x1D000] =	vst v63  }
0x25: {  	_ =	swait.ge [sflag:s16], $0x4000  }
0x26: {  	[sflag:s16] =	ssyncset.done $0x0  }
0x27: {  	[sflag:s16] =	ssyncadd.s32 $0xFFFFC000  }
0x28: {  	[bflag:$0x0] =	sbarrier.arrive $0xFFFF  }
0x29: {  	[tilespmem:s3], [sflag:$0x2] =	stream.linear.gather [hbm4b:s11+s3], $0x2780, $0x38;
	[tilespmem:$0x1D000] =	vst v63  }
0x2a: {  	_ =	swait.ge [sflag:s16], $0x2780  }
0x2b: {  	[sflag:s16] =	ssyncset.done $0x0  }
0x2c: {  	[sflag:s16] =	ssyncadd.s32 $0xFFFFD880  }
0x2d: {  	[tilespmem:s17], [sflag:$0x2] =	stream.linear.gather [hbm4b:s12+s3], $0x2780, $0x38;
	[tilespmem:$0x1D000] =	vst v63  }
0x2e: {  	_ =	swait.ge [sflag:s16], $0x2780  }
0x2f: {  	[sflag:s16] =	ssyncset.done $0x0  }
0x30: {  	s23 =	simm.s32 $0x0;
	[sflag:s16] =	ssyncadd.s32 $0xFFFFD880  }
0x31: {  	[tilespmem:s15], [sflag:$0x1] =	stream.indirect.gather [hbm4b:s4+s18], $0x80, s23, s18, $0xb8;
	[tilespmem:$0x1D000] =	vst v63  }
0x32: {  	_ =	swait.ge [sflag:s19], $0x4000  }
0x33: {  	[sflag:s19] =	ssyncset.done $0x0  }
0x34: {  	s31 =	simm.s32 $0x2800;
	[sflag:s19] =	ssyncadd.s32 $0xFFFFC000  }
0x35: {  	[spmem:s2] =	stream.indirect.scatter.add.f32 [tilespmem:s15], [sflag:$0x2], $0x80, s31, s18, $0xb8;
	[tilespmem:$0x1D000] =	vst v63  }
0x36: {  	_ =	swait.ge [sflag:s16], $0x4000  }
0x37: {  	s24 =	simm.s32 $0x400;
	s23 =	simm.s32 $0x200;
	[sflag:s16] =	ssyncset.done $0x0  }
.LBB2_2:
0x38: {  	s25 =	sshra.s32 s23, $0x2  }
0x39: {  	[sflag:s16] =	ssyncadd.s32 $0xFFFFC000;
	s23 =	smov.u32 s24;
	s26 =	sadd.s32 $0x200, s24  }
0x3a: {  	[tilespmem:s15], [sflag:$0x1] =	stream.indirect.gather [hbm4b:s4+s18], $0x80, s25, s18, $0xb8;
	[tilespmem:$0x1D000] =	vst v63  }
0x3b: {  	p0 =	sne.s32 s24, $0x9C00;
	_ =	swait.ge [sflag:s19], $0x4000  }
.Ltmp0:
0x3c: {  	[sflag:s19] =	ssyncset.done $0x0;
	(pc) =	sbr.rel @p0 .LBB2_2-.Ltmp0, $4  }
0x3d: {  	s24 =	sadd.s32 $0x2800, s25;
	[sflag:s19] =	ssyncadd.s32 $0xFFFFC000  }
0x3e: {  	[spmem:s2] =	stream.indirect.scatter.add.f32 [tilespmem:s15], [sflag:$0x2], $0x80, s24, s18, $0xb8;
	[tilespmem:$0x1D000] =	vst v63  }
0x3f: {  	_ =	swait.ge [sflag:s16], $0x4000  }
0x40: {  	s24 =	smov.u32 s26;
	[sflag:s16] =	ssyncset.done $0x0  }
0x41: {  	s23 =	sshra.s32 s23, $0x2;
	[sflag:s16] =	ssyncadd.s32 $0xFFFFC000  }
0x42: {  	[tilespmem:s15], [sflag:$0x1] =	stream.indirect.gather [hbm4b:s4+s18], $0x80, s23, s18, $0xb8;
	[tilespmem:$0x1D000] =	vst v63  }
0x43: {  	_ =	swait.ge [sflag:s19], $0x4000  }
0x44: {  	[sflag:s19] =	ssyncset.done $0x0  }
0x45: {  	s23 =	sadd.s32 $0x2800, s23;
	[sflag:s19] =	ssyncadd.s32 $0xFFFFC000  }
0x46: {  	[spmem:s2] =	stream.indirect.scatter.add.f32 [tilespmem:s15], [sflag:$0x2], $0x80, s23, s18, $0xb8;
	[tilespmem:$0x1D000] =	vst v63  }
0x47: {  	_ =	swait.ge [sflag:s16], $0x4000  }
0x48: {  	s22 =	sadd.s32 $0x1, s22;
	[sflag:s16] =	ssyncset.done $0x0  }
0x49: {  	p0 =	sne.s32 s22, s14;
	[sflag:s16] =	ssyncadd.s32 $0xFFFFC000  }
.Ltmp1:
0x4a: {  	[bflag:$0x0] =	sbarrier.arrive $0xFFFF;
	(pc) =	sbr.rel @p0 .LBB2_1-.Ltmp1, $4  }
0x4b: {  	[hbm:s13], [sflag:s20] =	dma.local [spmem:s21], $0x2800  }
0x4c: {  	_ =	swait.ge [sflag:s16], $0x2800  }
0x4d: {  	[sflag:s16] =	ssyncset.done $0x0  }
0x4e: {  	[sflag:s16] =	ssyncadd.s32 $0xFFFFD800  }
0x4f: {  	_ =	sfence.sel $0x180000  }
0x50: {  	[bflag:$0x0] =	sbarrier.arrive $0xFFFF  }
0x51: {  	p0 =	sne.s32 s0, $0x0;
	_ =	strace $0x90000050  }
0x52: {  	s0 =	sadd.s32 @!p0 $0x100000, s1;
	[bflag:$0x2] =	sbarrier.arrive $0xFFFF  }
0x53: {  	[sflag:s0] =	ssyncadd.tile.s32 @!p0 $0x1;
	_ =	shalt  }
.Lfunc_end2:
_tile_overlayer_lowered:
.L_overlay_start_2:
0x54: {  	(tag) =	ssettag $0x2  }
0x55: {  	s0 =	rddreg [dreg:$0x0];
	s2 =	stileid.u32  }
0x56: {  	s1 =	rddreg [dreg:$0x1];
	p0 =	sne.s32 s2, $0x0  }
0x57: {  	s3 =	rddreg [dreg:$0x2];
	[bflag:$0x3] =	sbarrier.arrive $0xFFFF;
	s2 =	simm.s32 @!p0 $0x1C02  }
0x58: {  	[timem:s3], [sflag:s2] =	dma.local @!p0 [hbm:s0], s1  }
0x59: {  	s0 =	simm.s32 @!p0 $0x2  }
0x5a: {  	_ =	swait.ge @!p0 [sflag:s0], s1  }
0x5b: {  	s1 =	ssub.s32 @!p0 $0x0, s1;
	[sflag:s0] =	ssyncset.done @!p0 $0x0  }
0x5c: {  	[sflag:s0] =	ssyncadd.s32 @!p0 s1  }
0x5d: {  	[bflag:$0x3] =	sbarrier.arrive $0xFFFF  }
0x5e: {  	_ =	shalt  }

// kernel: kernel.31.cloned.1.call-start
scs
__scs_entry_jumppad:
0x0: {  	(pc) =	sbr.rel $0x88, $3  }
0x1: {  	(tag) =	ssettag $0x0;
	lr =	simm.s32 $0x1  }
0x2: {  	[smem:$0x3F93] =	sst lr;
	_ =	strace $0xD0000000  }
0x3: {  	_ = 	snop  }
0x4: {  	_ = 	snop  }
0x5: {  	_ = 	snop  }
0x6: {  	_ = 	snop  }
0x7: {  	_ = 	snop  }
__scs_overlays_trampoline_lowered:
0x8: {  	[smem:$0x3FA2] =	sst s0  }
0x9: {  	[smem:$0x3FA3] =	sst s1  }
0xa: {  	[smem:$0x3FA4] =	sst s2  }
0xb: {  	[smem:$0x3FA5] =	sst s3  }
0xc: {  	[smem:$0x3FA6] =	sst s4  }
0xd: {  	[smem:$0x3FA7] =	sst s5  }
0xe: {  	[smem:$0x3FA8] =	sst s6  }
0xf: {  	[smem:$0x3FA9] =	sst s7  }
0x10: {  	[smem:$0x3FAA] =	sst s8  }
0x11: {  	[smem:$0x3FAB] =	sst s9;
	s0 =	simm.s32 @!p0 $0x0  }
0x12: {  	s1 =	sld [smem:$0x3F91];
	s0 =	simm.s32 @p0 $0x1  }
0x13: {  	[smem:$0x3FAC] =	sst s0;
	s0 =	simm.s32 @!p1 $0x0  }
0x14: {  	s2 =	sld [smem:$0x3F90];
	s0 =	simm.s32 @p1 $0x1  }
0x15: {  	[smem:$0x3FAD] =	sst s0;
	s0 =	simm.s32 @!p2 $0x0  }
0x16: {  	s3 =	sld [smem:$0x3FDB];
	s0 =	simm.s32 @p2 $0x1  }
0x17: {  	s4 =	simm.s32 $0x1BF5;
	[smem:$0x3FAF] =	sst s0  }
0x18: {  	s0 =	sld [smem:$0x3F92];
	_ =	swait.ge [sflag:s4], $0x0  }
0x19: {  	s7 =	sld [smem:$0x3F93]  }
0x1a: {  	s8 =	sadd.s32 $0xFFFFE003, lr  }
0x1b: {  	s9 =	sadd.s32 $0xFFFFFEF7, lr;
	s5 =	simm.s32 $0xFFFFFFFF;
	p2 =	slt.u32 s8, $0xFFFFF086  }
0x1c: {  	p1 =	slt.u32 s9, $0xF7A;
	s5 =	simm.s32 @!p2 $0x0  }
0x1d: {  	s5 =	simm.s32 @p1 $0x1;
	p0 =	seq.s32 s7, s2  }
0x1e: {  	s7 =	smul.u32 @!p0 $0xF7A, s2;
	p2 =	seq.s32 @!p0 s5, $0x0  }
0x1f: {  	s9 =	smul.u32 $0xF7A, s1;
	s8 =	simm.s32 @!p0 $0x1BF5;
	p2 =	por !p2, p0  }
0x20: {  	[sflag:s8] =	ssyncset.s32 @!p0 $0xFFFFF086;
	s6 =	sadd.s32 @!p0 s3, s7;
	s7 =	simm.s32 @!p0 $0x108  }
0x21: {  	s3 =	sadd.s32 s3, s9;
	s6 =	sadd.s32 @!p0 $0x88, s6;
	s7 =	simm.s32 @p2 $0x1082  }
0x22: {  	[simem:s7], [sflag:s8] =	dma.local @!p0 [hbm:s6], $0xF7A  }
0x23: {  	s9 =	sor.u32 $0xD0000000, s2;
	s6 =	simm.s32 $0x108;
	_ =	swait.ge @!p0 [sflag:s8], $0x0  }
0x24: {  	s3 =	sadd.s32 $0x88, s3;
	s6 =	simm.s32 @!p1 $0x1082;
	[sflag:s4] =	ssyncset.s32 $0xFFFFF086  }
0x25: {  	[simem:s6], [sflag:s4] =	dma.local [hbm:s3], $0xF7A  }
0x26: {  	[smem:$0x3F93] =	sst s1;
	(tag) =	ssettag s2;
	_ =	strace s9  }
0x27: {  	s1 =	sld [smem:$0x3FA3]  }
0x28: {  	s2 =	sld [smem:$0x3FA4]  }
0x29: {  	s4 =	sld [smem:$0x3FA6]  }
0x2a: {  	p0 =	seq.s32 s5, $0x0;
	s5 =	sld [smem:$0x3FA7]  }
0x2b: {  	s6 =	sld [smem:$0x3FA8]  }
0x2c: {  	s7 =	sld [smem:$0x3FA9]  }
0x2d: {  	s3 =	simm.s32 $0x108;
	s8 =	sld [smem:$0x3FAA]  }
0x2e: {  	s3 =	simm.s32 @!p0 $0x1082;
	s9 =	sld [smem:$0x3FAB]  }
0x2f: {  	lr =	sadd.s32 s0, s3;
	s0 =	sld [smem:$0x3FA2]  }
0x30: {  	s3 =	sld [smem:$0x3FA5]  }
0x31: {  	[smem:$0x3FAE] =	sst s10  }
0x32: {  	s10 =	sld [smem:$0x3FAC];
	_ =	sdelay $0x3  }
0x33: {  	p0 =	seq.s32 s10, $0x1;
	s10 =	sld [smem:$0x3FAE];
	_ =	sdelay $0x3  }
0x34: {  	[smem:$0x3FAE] =	sst s10  }
0x35: {  	s10 =	sld [smem:$0x3FAD];
	_ =	sdelay $0x3  }
0x36: {  	p1 =	seq.s32 s10, $0x1;
	s10 =	sld [smem:$0x3FAE];
	_ =	sdelay $0x3  }
0x37: {  	[smem:$0x3FAE] =	sst s10  }
0x38: {  	s10 =	sld [smem:$0x3FAF]  }
0x39: {  	_ = 	snop;
	(pc) =	sbr.ind lr, $3  }
0x3a: {  	_ = 	snop  }
0x3b: {  	_ = 	snop  }
0x3c: {  	p2 =	seq.s32 s10, $0x1;
	s10 =	sld [smem:$0x3FAE]  }
0x3d: {  	_ =	shalt  }
0x3e: {  	_ =	shalt  }
0x3f: {  	_ =	shalt  }
0x40: {  	_ =	shalt  }
0x41: {  	_ =	shalt  }
0x42: {  	_ =	shalt  }
0x43: {  	_ =	shalt  }
0x44: {  	_ =	shalt  }
0x45: {  	_ =	shalt  }
0x46: {  	_ =	shalt  }
0x47: {  	_ =	shalt  }
0x48: {  	_ =	shalt  }
0x49: {  	_ =	shalt  }
0x4a: {  	_ =	shalt  }
0x4b: {  	_ =	shalt  }
0x4c: {  	_ =	shalt  }
0x4d: {  	_ =	shalt  }
0x4e: {  	_ =	shalt  }
0x4f: {  	_ =	shalt  }
0x50: {  	_ =	shalt  }
0x51: {  	_ =	shalt  }
0x52: {  	_ =	shalt  }
0x53: {  	_ =	shalt  }
0x54: {  	_ =	shalt  }
0x55: {  	_ =	shalt  }
0x56: {  	_ =	shalt  }
0x57: {  	_ =	shalt  }
0x58: {  	_ =	shalt  }
0x59: {  	_ =	shalt  }
0x5a: {  	_ =	shalt  }
0x5b: {  	_ =	shalt  }
0x5c: {  	_ =	shalt  }
0x5d: {  	_ =	shalt  }
0x5e: {  	_ =	shalt  }
0x5f: {  	_ =	shalt  }
0x60: {  	_ =	shalt  }
0x61: {  	_ =	shalt  }
0x62: {  	_ =	shalt  }
0x63: {  	_ =	shalt  }
0x64: {  	_ =	shalt  }
0x65: {  	_ =	shalt  }
0x66: {  	_ =	shalt  }
0x67: {  	_ =	shalt  }
0x68: {  	_ =	shalt  }
0x69: {  	_ =	shalt  }
0x6a: {  	_ =	shalt  }
0x6b: {  	_ =	shalt  }
0x6c: {  	_ =	shalt  }
0x6d: {  	_ =	shalt  }
0x6e: {  	_ =	shalt  }
0x6f: {  	_ =	shalt  }
0x70: {  	_ =	shalt  }
0x71: {  	_ =	shalt  }
0x72: {  	_ =	shalt  }
0x73: {  	_ =	shalt  }
0x74: {  	_ =	shalt  }
0x75: {  	_ =	shalt  }
0x76: {  	_ =	shalt  }
0x77: {  	_ =	shalt  }
0x78: {  	_ =	shalt  }
0x79: {  	_ =	shalt  }
0x7a: {  	_ =	shalt  }
0x7b: {  	_ =	shalt  }
0x7c: {  	_ =	shalt  }
0x7d: {  	_ =	shalt  }
0x7e: {  	_ =	shalt  }
0x7f: {  	_ =	shalt  }
0x80: {  	_ =	shalt  }
0x81: {  	_ =	shalt  }
0x82: {  	_ =	shalt  }
0x83: {  	_ =	shalt  }
0x84: {  	_ =	shalt  }
0x85: {  	_ =	shalt  }
0x86: {  	_ =	shalt  }
0x87: {  	_ =	shalt  }
.Lfunc_end0:
.L_simem_size_0:
called_computation.4_lowered:
.L_overlay_start_0:
0x88: {  	s2 =	sld [smem:$0x3FD9]  }
0x89: {  	s3 =	sld [smem:$0x3FFE];
	_ =	sdelay $0x1  }
0x8a: {  	s1 =	srdreg.scid  }
0x8b: {  	s0 =	sand.u32 $0x1, s1  }
0x8c: {  	s16 =	sshll.u32 s0, $0xA;
	s2 =	sadd.s32 s3, s2  }
0x8d: {  	s2 =	sadd.s32 s2, s16  }
0x8e: {  	[smem:$0x3FBA] =	sst s2  }
0x8f: {  	_ = 	snop  }
0x90: {  	(tm) =	ssettm $0x1  }
0x91: {  	s17 =	sld [smem:$0x3FFB];
	_ =	sdelay $0x3  }
0x92: {  	_ =	strace s17  }
0x93: {  	s2 =	sld [smem:$0x3FFC];
	_ =	sdelay $0x3  }
0x94: {  	_ =	strace s2  }
0x95: {  	s2 =	sld [smem:$0x3FFD];
	_ =	sdelay $0x3  }
0x96: {  	_ =	strace s2  }
0x97: {  	_ =	strace $0x8FFFFFFF  }
0x98: {  	s18 =	sld [smem:$0x3FDB];
	_ =	sdelay $0x1  }
0x99: {  	s19 =	simm.s32 $_scs_section_size  }
0x9a: {  	s4 =	simm.s32 $_size__tile_overlayer_lowered;
	s5 =	simm.s32 $_tile_overlayer_lowered  }
0x9b: {  	s22 =	simm.s32 $0x1BFF;
	s21 =	sshll.u32 s5, $0x1;
	s2 =	sadd.s32 s19, s18  }
0x9c: {  	s6 =	simm.s32 $0x0;
	s20 =	sshll.u32 s4, $0x1;
	s4 =	sadd.s32 s21, s2  }
0x9d: {  	[timem:s6], [sflag:s22] =	dma.local [hbm:s4], s20  }
0x9e: {  	_ =	swait.ge [sflag:s22], s20  }
0x9f: {  	s3 =	ssub.s32 $0x0, s20;
	[sflag:s22] =	ssyncset.done $0x0  }
0xa0: {  	[sflag:s22] =	ssyncadd.s32 s3;
	_ =	sdelay $0x1  }
0xa1: {  	s23 =	simm.s32 $0x1B8B  }
0xa2: {  	_ =	swait.ge [sflag:s23], $0x1  }
0xa3: {  	[sflag:s23] =	ssyncset.done $0x0  }
0xa4: {  	s25 =	simm.s32 $0x1B8E;
	s24 =	sld [smem:$0x3FFE];
	[sflag:s23] =	ssyncadd.s32 $0xFFFFFFFF  }
0xa5: {  	s26 =	simm.s32 $execute0_lowered;
	[smem:$0x3FD2] =	sst s25  }
0xa6: {  	s4 =	sshll.u32 s26, $0x1;
	_ =	strace $0x80000052;
	[dreg:$0x1] =	wrdreg $0xFFFFFFFF  }
0xa7: {  	s28 =	simm.s32 $_size_execute0_lowered;
	s2 =	sadd.s32 s2, s4;
	[dreg:$0x0] =	wrdreg $0x0  }
0xa8: {  	s4 =	sshll.u32 s28, $0x1;
	[dreg:$0x2] =	wrdreg s2  }
0xa9: {  	[dreg:$0x3] =	wrdreg s4  }
0xaa: {  	[dreg:$0x4] =	wrdreg $0xC0  }
0xab: {  	_ =	task [dreg:s6], $0x5FFFF  }
0xac: {  	[dreg:$0x1] =	wrdreg $0xFFFFFFFF  }
0xad: {  	[dreg:$0x0] =	wrdreg $0x60  }
0xae: {  	[dreg:$0x2] =	wrdreg s24  }
0xaf: {  	[dreg:$0x3] =	wrdreg $0x90000  }
0xb0: {  	[dreg:$0x4] =	wrdreg $0x9  }
0xb1: {  	_ =	task.clear_ibuf [dreg:s6], $0x5FFFF;
	_ =	strace $0x90000052  }
0xb2: {  	s29 =	simm.s32 $0x9;
	_ =	strace $0x80000054  }
0xb3: {  	_ =	swait.ge [sflag:s29], $0x1  }
0xb4: {  	[sflag:s29] =	ssyncadd.s32 $0xFFFFFFFF  }
0xb5: {  	_ =	strace $0x90000054  }
0xb6: {  	_ =	sfence  }
0xb7: {  	s30 =	sld [smem:$0x0];
	_ =	sdelay $0x2  }
0xb8: {  	s31 =	sshll.u32 s1, $0xD;
	s1 =	sshrl.u32 s1, $0x2  }
0xb9: {  	s3 =	sand.u32 $0x4000, s31;
	s1 =	sadd.s32 s1, s30  }
0xba: {  	s0 =	sor.u32 s3, s0;
	s1 =	sshll.u32 s1, $0x11  }
0xbb: {  	s0 =	sor.u32 s1, s0  }
0xbc: {  	s0 =	sadd.s32 $0x8F2B, s0  }
0xbd: {  	[sflag:s0] =	ssyncadd.remote.s32 $0x1  }
0xbe: {  	_ =	sfence.sel $0xFFFF  }
0xbf: {  	[dreg:$0x0] =	wrdreg $0xFFFFFFFF;
	(pc) =	sbr.abs _section_cstart, $3  }
0xc0: {  	[dreg:$0x1] =	wrdreg $0xFFFFFFFF  }
0xc1: {  	_ =	task.clear_ibuf [dreg:s6], $0x2FFFF;
	_ =	strace $0x9FFFFFFF  }
0xc2: {  	(tm) =	ssettm $0x7FFFFFFF  }
0xc3: {  	_ =	shalt  }
tec
execute0_lowered:
.L_overlay_start_1:
0x0: {  	(tag) =	ssettag $0x1  }
0x1: {  	s1 =	srdreg.scid;
	s7 =	rddreg [dreg:$0x0]  }
0x2: {  	s0 =	stileid.u32;
	s2 =	rddreg [dreg:$0x1]  }
0x3: {  	s3 =	simm.s32 $0x0;
	s15 =	simm.s32 $0x5000;
	s16 =	simm.s32 $0x2  }
0x4: {  	s17 =	simm.s32 $0x2800;
	s18 =	simm.s32 $0x80;
	s19 =	simm.s32 $0x1  }
0x5: {  	s22 =	simm.s32 $0x0;
	s6 =	sand.u32 $0x1, s1;
	s28 =	sshll.u32 s0, $0x1  }
0x6: {  	[smem:$0x7FF] =	sst s3;
	s9 =	smul.u32 $0x14000, s0;
	s4 =	sadd.s32 $0x19400, s7  }
0x7: {  	s10 =	smul.u32 $0x50000, s0;
	s20 =	sshll.u32 s0, $0x6;
	s1 =	sor.u32 s6, s28  }
0x8: {  	s8 =	smul.u32 $0x140000, s6;
	s29 =	ssub.s32 $0x2, s6;
	s20 =	sor.u32 $0x1C02, s20  }
0x9: {  	s5 =	smul.u32 $0x500, s1;
	s1 =	rddreg [dreg:$0x2];
	_ =	strace $0x80000053  }
0xa: {  	s30 =	sshrl.u32 s10, $0x2;
	s31 =	sshrl.u32 s29, $0x1;
	s8 =	sadd.s32 s9, s8  }
0xb: {  	s6 =	sadd.s32 s30, s2;
	s14 =	ssub.s32 s29, s31;
	s12 =	sadd.s32 s5, s7  }
0xc: {  	s5 =	sadd.s32 $0xB5800, s7;
	s8 =	sshrl.u32 s8, $0x3;
	s9 =	sadd.s32 $0xC000, s6  }
0xd: {  	s10 =	sadd.s32 $0x10000, s6;
	s14 =	smax.u32 s14, $0x1;
	s21 =	sshrl.u32 s6, $0x3  }
0xe: {  	s13 =	sadd.s32 s8, s7;
	s7 =	sadd.s32 $0x4000, s6;
	s8 =	sadd.s32 $0x8000, s6  }
0xf: {  	s11 =	sadd.s32 $0x5400, s12;
	s12 =	sadd.s32 $0xF400, s12;
	s13 =	sadd.s32 $0xB6000, s13  }
.LBB2_1:
0x10: {  	[tilespmem:s15], [sflag:$0x2] =	stream.linear.gather [hbm4b:s5+s3], $0x4000, $0x38;
	[tilespmem:$0x1D000] =	vst v63  }
0x11: {  	_ =	swait.ge [sflag:s16], $0x4000  }
0x12: {  	[sflag:s16] =	ssyncset.done $0x0  }
0x13: {  	[sflag:s16] =	ssyncadd.s32 $0xFFFFC000  }
0x14: {  	[spmem:s6] =	stream.linear.scatter [tilespmem:s15], [sflag:$0x2], $0x4000, $0x38;
	[tilespmem:$0x1D000] =	vst v63  }
0x15: {  	_ =	swait.ge [sflag:s16], $0x4000  }
0x16: {  	[sflag:s16] =	ssyncset.done $0x0  }
0x17: {  	[sflag:s16] =	ssyncadd.s32 $0xFFFFC000  }
0x18: {  	[spmem:s7] =	stream.linear.scatter [tilespmem:s15], [sflag:$0x2], $0x4000, $0x38;
	[tilespmem:$0x1D000] =	vst v63  }
0x19: {  	_ =	swait.ge [sflag:s16], $0x4000  }
0x1a: {  	[sflag:s16] =	ssyncset.done $0x0  }
0x1b: {  	[sflag:s16] =	ssyncadd.s32 $0xFFFFC000  }
0x1c: {  	[spmem:s8] =	stream.linear.scatter [tilespmem:s15], [sflag:$0x2], $0x4000, $0x38;
	[tilespmem:$0x1D000] =	vst v63  }
0x1d: {  	_ =	swait.ge [sflag:s16], $0x4000  }
0x1e: {  	[sflag:s16] =	ssyncset.done $0x0  }
0x1f: {  	[sflag:s16] =	ssyncadd.s32 $0xFFFFC000  }
0x20: {  	[spmem:s9] =	stream.linear.scatter [tilespmem:s15], [sflag:$0x2], $0x4000, $0x38;
	[tilespmem:$0x1D000] =	vst v63  }
0x21: {  	_ =	swait.ge [sflag:s16], $0x4000  }
0x22: {  	[sflag:s16] =	ssyncset.done $0x0  }
0x23: {  	[sflag:s16] =	ssyncadd.s32 $0xFFFFC000  }
0x24: {  	[spmem:s10] =	stream.linear.scatter [tilespmem:s15], [sflag:$0x2], $0x4000, $0x38;
	[tilespmem:$0x1D000] =	vst v63  }
0x25: {  	_ =	swait.ge [sflag:s16], $0x4000  }
0x26: {  	[sflag:s16] =	ssyncset.done $0x0  }
0x27: {  	[sflag:s16] =	ssyncadd.s32 $0xFFFFC000  }
0x28: {  	[bflag:$0x0] =	sbarrier.arrive $0xFFFF  }
0x29: {  	[tilespmem:s3], [sflag:$0x2] =	stream.linear.gather [hbm4b:s11+s3], $0x2780, $0x38;
	[tilespmem:$0x1D000] =	vst v63  }
0x2a: {  	_ =	swait.ge [sflag:s16], $0x2780  }
0x2b: {  	[sflag:s16] =	ssyncset.done $0x0  }
0x2c: {  	[sflag:s16] =	ssyncadd.s32 $0xFFFFD880  }
0x2d: {  	[tilespmem:s17], [sflag:$0x2] =	stream.linear.gather [hbm4b:s12+s3], $0x2780, $0x38;
	[tilespmem:$0x1D000] =	vst v63  }
0x2e: {  	_ =	swait.ge [sflag:s16], $0x2780  }
0x2f: {  	[sflag:s16] =	ssyncset.done $0x0  }
0x30: {  	s23 =	simm.s32 $0x0;
	[sflag:s16] =	ssyncadd.s32 $0xFFFFD880  }
0x31: {  	[tilespmem:s15], [sflag:$0x1] =	stream.indirect.gather [hbm4b:s4+s18], $0x80, s23, s18, $0xb8;
	[tilespmem:$0x1D000] =	vst v63  }
0x32: {  	_ =	swait.ge [sflag:s19], $0x4000  }
0x33: {  	[sflag:s19] =	ssyncset.done $0x0  }
0x34: {  	s31 =	simm.s32 $0x2800;
	[sflag:s19] =	ssyncadd.s32 $0xFFFFC000  }
0x35: {  	[spmem:s2] =	stream.indirect.scatter.add.f32 [tilespmem:s15], [sflag:$0x2], $0x80, s31, s18, $0xb8;
	[tilespmem:$0x1D000] =	vst v63  }
0x36: {  	_ =	swait.ge [sflag:s16], $0x4000  }
0x37: {  	s24 =	simm.s32 $0x400;
	s23 =	simm.s32 $0x200;
	[sflag:s16] =	ssyncset.done $0x0  }
.LBB2_2:
0x38: {  	s25 =	sshra.s32 s23, $0x2  }
0x39: {  	[sflag:s16] =	ssyncadd.s32 $0xFFFFC000;
	s23 =	smov.u32 s24;
	s26 =	sadd.s32 $0x200, s24  }
0x3a: {  	[tilespmem:s15], [sflag:$0x1] =	stream.indirect.gather [hbm4b:s4+s18], $0x80, s25, s18, $0xb8;
	[tilespmem:$0x1D000] =	vst v63  }
0x3b: {  	p0 =	sne.s32 s24, $0x9C00;
	_ =	swait.ge [sflag:s19], $0x4000  }
.Ltmp0:
0x3c: {  	[sflag:s19] =	ssyncset.done $0x0;
	(pc) =	sbr.rel @p0 .LBB2_2-.Ltmp0, $4  }
0x3d: {  	s24 =	sadd.s32 $0x2800, s25;
	[sflag:s19] =	ssyncadd.s32 $0xFFFFC000  }
0x3e: {  	[spmem:s2] =	stream.indirect.scatter.add.f32 [tilespmem:s15], [sflag:$0x2], $0x80, s24, s18, $0xb8;
	[tilespmem:$0x1D000] =	vst v63  }
0x3f: {  	_ =	swait.ge [sflag:s16], $0x4000  }
0x40: {  	s24 =	smov.u32 s26;
	[sflag:s16] =	ssyncset.done $0x0  }
0x41: {  	s23 =	sshra.s32 s23, $0x2;
	[sflag:s16] =	ssyncadd.s32 $0xFFFFC000  }
0x42: {  	[tilespmem:s15], [sflag:$0x1] =	stream.indirect.gather [hbm4b:s4+s18], $0x80, s23, s18, $0xb8;
	[tilespmem:$0x1D000] =	vst v63  }
0x43: {  	_ =	swait.ge [sflag:s19], $0x4000  }
0x44: {  	[sflag:s19] =	ssyncset.done $0x0  }
0x45: {  	s23 =	sadd.s32 $0x2800, s23;
	[sflag:s19] =	ssyncadd.s32 $0xFFFFC000  }
0x46: {  	[spmem:s2] =	stream.indirect.scatter.add.f32 [tilespmem:s15], [sflag:$0x2], $0x80, s23, s18, $0xb8;
	[tilespmem:$0x1D000] =	vst v63  }
0x47: {  	_ =	swait.ge [sflag:s16], $0x4000  }
0x48: {  	s22 =	sadd.s32 $0x1, s22;
	[sflag:s16] =	ssyncset.done $0x0  }
0x49: {  	p0 =	sne.s32 s22, s14;
	[sflag:s16] =	ssyncadd.s32 $0xFFFFC000  }
.Ltmp1:
0x4a: {  	[bflag:$0x0] =	sbarrier.arrive $0xFFFF;
	(pc) =	sbr.rel @p0 .LBB2_1-.Ltmp1, $4  }
0x4b: {  	[hbm:s13], [sflag:s20] =	dma.local [spmem:s21], $0x2800  }
0x4c: {  	_ =	swait.ge [sflag:s16], $0x2800  }
0x4d: {  	[sflag:s16] =	ssyncset.done $0x0  }
0x4e: {  	[sflag:s16] =	ssyncadd.s32 $0xFFFFD800  }
0x4f: {  	_ =	sfence.sel $0x180000  }
0x50: {  	[bflag:$0x0] =	sbarrier.arrive $0xFFFF  }
0x51: {  	p0 =	sne.s32 s0, $0x0;
	_ =	strace $0x90000053  }
0x52: {  	s0 =	sadd.s32 @!p0 $0x100000, s1;
	[bflag:$0x2] =	sbarrier.arrive $0xFFFF  }
0x53: {  	[sflag:s0] =	ssyncadd.tile.s32 @!p0 $0x1;
	_ =	shalt  }
.Lfunc_end2:
_tile_overlayer_lowered:
.L_overlay_start_2:
0x54: {  	(tag) =	ssettag $0x2  }
0x55: {  	s0 =	rddreg [dreg:$0x0];
	s2 =	stileid.u32  }
0x56: {  	s1 =	rddreg [dreg:$0x1];
	p0 =	sne.s32 s2, $0x0  }
0x57: {  	s3 =	rddreg [dreg:$0x2];
	[bflag:$0x3] =	sbarrier.arrive $0xFFFF;
	s2 =	simm.s32 @!p0 $0x1C02  }
0x58: {  	[timem:s3], [sflag:s2] =	dma.local @!p0 [hbm:s0], s1  }
0x59: {  	s0 =	simm.s32 @!p0 $0x2  }
0x5a: {  	_ =	swait.ge @!p0 [sflag:s0], s1  }
0x5b: {  	s1 =	ssub.s32 @!p0 $0x0, s1;
	[sflag:s0] =	ssyncset.done @!p0 $0x0  }
0x5c: {  	[sflag:s0] =	ssyncadd.s32 @!p0 s1  }
0x5d: {  	[bflag:$0x3] =	sbarrier.arrive $0xFFFF  }
0x5e: {  	_ =	shalt  }

// kernel: kernel.34.cloned.1.call-start
scs
__scs_entry_jumppad:
0x0: {  	(pc) =	sbr.rel $0x88, $3  }
0x1: {  	(tag) =	ssettag $0x0;
	lr =	simm.s32 $0x1  }
0x2: {  	[smem:$0x3F93] =	sst lr;
	_ =	strace $0xD0000000  }
0x3: {  	_ = 	snop  }
0x4: {  	_ = 	snop  }
0x5: {  	_ = 	snop  }
0x6: {  	_ = 	snop  }
0x7: {  	_ = 	snop  }
__scs_overlays_trampoline_lowered:
0x8: {  	[smem:$0x3FA2] =	sst s0  }
0x9: {  	[smem:$0x3FA3] =	sst s1  }
0xa: {  	[smem:$0x3FA4] =	sst s2  }
0xb: {  	[smem:$0x3FA5] =	sst s3  }
0xc: {  	[smem:$0x3FA6] =	sst s4  }
0xd: {  	[smem:$0x3FA7] =	sst s5  }
0xe: {  	[smem:$0x3FA8] =	sst s6  }
0xf: {  	[smem:$0x3FA9] =	sst s7  }
0x10: {  	[smem:$0x3FAA] =	sst s8  }
0x11: {  	[smem:$0x3FAB] =	sst s9;
	s0 =	simm.s32 @!p0 $0x0  }
0x12: {  	s1 =	sld [smem:$0x3F91];
	s0 =	simm.s32 @p0 $0x1  }
0x13: {  	[smem:$0x3FAC] =	sst s0;
	s0 =	simm.s32 @!p1 $0x0  }
0x14: {  	s2 =	sld [smem:$0x3F90];
	s0 =	simm.s32 @p1 $0x1  }
0x15: {  	[smem:$0x3FAD] =	sst s0;
	s0 =	simm.s32 @!p2 $0x0  }
0x16: {  	s3 =	sld [smem:$0x3FDB];
	s0 =	simm.s32 @p2 $0x1  }
0x17: {  	s4 =	simm.s32 $0x1BF5;
	[smem:$0x3FAF] =	sst s0  }
0x18: {  	s0 =	sld [smem:$0x3F92];
	_ =	swait.ge [sflag:s4], $0x0  }
0x19: {  	s7 =	sld [smem:$0x3F93]  }
0x1a: {  	s8 =	sadd.s32 $0xFFFFE003, lr  }
0x1b: {  	s9 =	sadd.s32 $0xFFFFFEF7, lr;
	s5 =	simm.s32 $0xFFFFFFFF;
	p2 =	slt.u32 s8, $0xFFFFF086  }
0x1c: {  	p1 =	slt.u32 s9, $0xF7A;
	s5 =	simm.s32 @!p2 $0x0  }
0x1d: {  	s5 =	simm.s32 @p1 $0x1;
	p0 =	seq.s32 s7, s2  }
0x1e: {  	s7 =	smul.u32 @!p0 $0xF7A, s2;
	p2 =	seq.s32 @!p0 s5, $0x0  }
0x1f: {  	s9 =	smul.u32 $0xF7A, s1;
	s8 =	simm.s32 @!p0 $0x1BF5;
	p2 =	por !p2, p0  }
0x20: {  	[sflag:s8] =	ssyncset.s32 @!p0 $0xFFFFF086;
	s6 =	sadd.s32 @!p0 s3, s7;
	s7 =	simm.s32 @!p0 $0x108  }
0x21: {  	s3 =	sadd.s32 s3, s9;
	s6 =	sadd.s32 @!p0 $0x88, s6;
	s7 =	simm.s32 @p2 $0x1082  }
0x22: {  	[simem:s7], [sflag:s8] =	dma.local @!p0 [hbm:s6], $0xF7A  }
0x23: {  	s9 =	sor.u32 $0xD0000000, s2;
	s6 =	simm.s32 $0x108;
	_ =	swait.ge @!p0 [sflag:s8], $0x0  }
0x24: {  	s3 =	sadd.s32 $0x88, s3;
	s6 =	simm.s32 @!p1 $0x1082;
	[sflag:s4] =	ssyncset.s32 $0xFFFFF086  }
0x25: {  	[simem:s6], [sflag:s4] =	dma.local [hbm:s3], $0xF7A  }
0x26: {  	[smem:$0x3F93] =	sst s1;
	(tag) =	ssettag s2;
	_ =	strace s9  }
0x27: {  	s1 =	sld [smem:$0x3FA3]  }
0x28: {  	s2 =	sld [smem:$0x3FA4]  }
0x29: {  	s4 =	sld [smem:$0x3FA6]  }
0x2a: {  	p0 =	seq.s32 s5, $0x0;
	s5 =	sld [smem:$0x3FA7]  }
0x2b: {  	s6 =	sld [smem:$0x3FA8]  }
0x2c: {  	s7 =	sld [smem:$0x3FA9]  }
0x2d: {  	s3 =	simm.s32 $0x108;
	s8 =	sld [smem:$0x3FAA]  }
0x2e: {  	s3 =	simm.s32 @!p0 $0x1082;
	s9 =	sld [smem:$0x3FAB]  }
0x2f: {  	lr =	sadd.s32 s0, s3;
	s0 =	sld [smem:$0x3FA2]  }
0x30: {  	s3 =	sld [smem:$0x3FA5]  }
0x31: {  	[smem:$0x3FAE] =	sst s10  }
0x32: {  	s10 =	sld [smem:$0x3FAC];
	_ =	sdelay $0x3  }
0x33: {  	p0 =	seq.s32 s10, $0x1;
	s10 =	sld [smem:$0x3FAE];
	_ =	sdelay $0x3  }
0x34: {  	[smem:$0x3FAE] =	sst s10  }
0x35: {  	s10 =	sld [smem:$0x3FAD];
	_ =	sdelay $0x3  }
0x36: {  	p1 =	seq.s32 s10, $0x1;
	s10 =	sld [smem:$0x3FAE];
	_ =	sdelay $0x3  }
0x37: {  	[smem:$0x3FAE] =	sst s10  }
0x38: {  	s10 =	sld [smem:$0x3FAF]  }
0x39: {  	_ = 	snop;
	(pc) =	sbr.ind lr, $3  }
0x3a: {  	_ = 	snop  }
0x3b: {  	_ = 	snop  }
0x3c: {  	p2 =	seq.s32 s10, $0x1;
	s10 =	sld [smem:$0x3FAE]  }
0x3d: {  	_ =	shalt  }
0x3e: {  	_ =	shalt  }
0x3f: {  	_ =	shalt  }
0x40: {  	_ =	shalt  }
0x41: {  	_ =	shalt  }
0x42: {  	_ =	shalt  }
0x43: {  	_ =	shalt  }
0x44: {  	_ =	shalt  }
0x45: {  	_ =	shalt  }
0x46: {  	_ =	shalt  }
0x47: {  	_ =	shalt  }
0x48: {  	_ =	shalt  }
0x49: {  	_ =	shalt  }
0x4a: {  	_ =	shalt  }
0x4b: {  	_ =	shalt  }
0x4c: {  	_ =	shalt  }
0x4d: {  	_ =	shalt  }
0x4e: {  	_ =	shalt  }
0x4f: {  	_ =	shalt  }
0x50: {  	_ =	shalt  }
0x51: {  	_ =	shalt  }
0x52: {  	_ =	shalt  }
0x53: {  	_ =	shalt  }
0x54: {  	_ =	shalt  }
0x55: {  	_ =	shalt  }
0x56: {  	_ =	shalt  }
0x57: {  	_ =	shalt  }
0x58: {  	_ =	shalt  }
0x59: {  	_ =	shalt  }
0x5a: {  	_ =	shalt  }
0x5b: {  	_ =	shalt  }
0x5c: {  	_ =	shalt  }
0x5d: {  	_ =	shalt  }
0x5e: {  	_ =	shalt  }
0x5f: {  	_ =	shalt  }
0x60: {  	_ =	shalt  }
0x61: {  	_ =	shalt  }
0x62: {  	_ =	shalt  }
0x63: {  	_ =	shalt  }
0x64: {  	_ =	shalt  }
0x65: {  	_ =	shalt  }
0x66: {  	_ =	shalt  }
0x67: {  	_ =	shalt  }
0x68: {  	_ =	shalt  }
0x69: {  	_ =	shalt  }
0x6a: {  	_ =	shalt  }
0x6b: {  	_ =	shalt  }
0x6c: {  	_ =	shalt  }
0x6d: {  	_ =	shalt  }
0x6e: {  	_ =	shalt  }
0x6f: {  	_ =	shalt  }
0x70: {  	_ =	shalt  }
0x71: {  	_ =	shalt  }
0x72: {  	_ =	shalt  }
0x73: {  	_ =	shalt  }
0x74: {  	_ =	shalt  }
0x75: {  	_ =	shalt  }
0x76: {  	_ =	shalt  }
0x77: {  	_ =	shalt  }
0x78: {  	_ =	shalt  }
0x79: {  	_ =	shalt  }
0x7a: {  	_ =	shalt  }
0x7b: {  	_ =	shalt  }
0x7c: {  	_ =	shalt  }
0x7d: {  	_ =	shalt  }
0x7e: {  	_ =	shalt  }
0x7f: {  	_ =	shalt  }
0x80: {  	_ =	shalt  }
0x81: {  	_ =	shalt  }
0x82: {  	_ =	shalt  }
0x83: {  	_ =	shalt  }
0x84: {  	_ =	shalt  }
0x85: {  	_ =	shalt  }
0x86: {  	_ =	shalt  }
0x87: {  	_ =	shalt  }
.Lfunc_end0:
.L_simem_size_0:
called_computation.5_lowered:
.L_overlay_start_0:
0x88: {  	s2 =	sld [smem:$0x3FD9]  }
0x89: {  	s3 =	sld [smem:$0x3FFE];
	_ =	sdelay $0x1  }
0x8a: {  	s1 =	srdreg.scid  }
0x8b: {  	s0 =	sand.u32 $0x1, s1  }
0x8c: {  	s16 =	sshll.u32 s0, $0xA;
	s2 =	sadd.s32 s3, s2  }
0x8d: {  	s2 =	sadd.s32 s2, s16  }
0x8e: {  	[smem:$0x3FBA] =	sst s2  }
0x8f: {  	_ = 	snop  }
0x90: {  	(tm) =	ssettm $0x1  }
0x91: {  	s17 =	sld [smem:$0x3FFB];
	_ =	sdelay $0x3  }
0x92: {  	_ =	strace s17  }
0x93: {  	s2 =	sld [smem:$0x3FFC];
	_ =	sdelay $0x3  }
0x94: {  	_ =	strace s2  }
0x95: {  	s2 =	sld [smem:$0x3FFD];
	_ =	sdelay $0x3  }
0x96: {  	_ =	strace s2  }
0x97: {  	_ =	strace $0x8FFFFFFF  }
0x98: {  	s18 =	sld [smem:$0x3FDB];
	_ =	sdelay $0x1  }
0x99: {  	s19 =	simm.s32 $_scs_section_size  }
0x9a: {  	s4 =	simm.s32 $_size__tile_overlayer_lowered;
	s5 =	simm.s32 $_tile_overlayer_lowered  }
0x9b: {  	s22 =	simm.s32 $0x1BFF;
	s21 =	sshll.u32 s5, $0x1;
	s2 =	sadd.s32 s19, s18  }
0x9c: {  	s6 =	simm.s32 $0x0;
	s20 =	sshll.u32 s4, $0x1;
	s4 =	sadd.s32 s21, s2  }
0x9d: {  	[timem:s6], [sflag:s22] =	dma.local [hbm:s4], s20  }
0x9e: {  	_ =	swait.ge [sflag:s22], s20  }
0x9f: {  	s3 =	ssub.s32 $0x0, s20;
	[sflag:s22] =	ssyncset.done $0x0  }
0xa0: {  	[sflag:s22] =	ssyncadd.s32 s3;
	_ =	sdelay $0x1  }
0xa1: {  	s23 =	simm.s32 $0x1B8B  }
0xa2: {  	_ =	swait.ge [sflag:s23], $0x1  }
0xa3: {  	[sflag:s23] =	ssyncset.done $0x0  }
0xa4: {  	s25 =	simm.s32 $0x1B8E;
	s24 =	sld [smem:$0x3FFE];
	[sflag:s23] =	ssyncadd.s32 $0xFFFFFFFF  }
0xa5: {  	s26 =	simm.s32 $execute0_lowered;
	[smem:$0x3FD2] =	sst s25  }
0xa6: {  	s4 =	sshll.u32 s26, $0x1;
	_ =	strace $0x80000055;
	[dreg:$0x1] =	wrdreg $0xFFFFFFFF  }
0xa7: {  	s28 =	simm.s32 $_size_execute0_lowered;
	s2 =	sadd.s32 s2, s4;
	[dreg:$0x0] =	wrdreg $0x0  }
0xa8: {  	s4 =	sshll.u32 s28, $0x1;
	[dreg:$0x2] =	wrdreg s2  }
0xa9: {  	[dreg:$0x3] =	wrdreg s4  }
0xaa: {  	[dreg:$0x4] =	wrdreg $0xC0  }
0xab: {  	_ =	task [dreg:s6], $0x5FFFF  }
0xac: {  	[dreg:$0x1] =	wrdreg $0xFFFFFFFF  }
0xad: {  	[dreg:$0x0] =	wrdreg $0x60  }
0xae: {  	[dreg:$0x2] =	wrdreg s24  }
0xaf: {  	[dreg:$0x3] =	wrdreg $0x90000  }
0xb0: {  	[dreg:$0x4] =	wrdreg $0x9  }
0xb1: {  	_ =	task.clear_ibuf [dreg:s6], $0x5FFFF;
	_ =	strace $0x90000055  }
0xb2: {  	s29 =	simm.s32 $0x9;
	_ =	strace $0x80000057  }
0xb3: {  	_ =	swait.ge [sflag:s29], $0x1  }
0xb4: {  	[sflag:s29] =	ssyncadd.s32 $0xFFFFFFFF  }
0xb5: {  	_ =	strace $0x90000057  }
0xb6: {  	_ =	sfence  }
0xb7: {  	s30 =	sld [smem:$0x0];
	_ =	sdelay $0x2  }
0xb8: {  	s31 =	sshll.u32 s1, $0xD;
	s1 =	sshrl.u32 s1, $0x2  }
0xb9: {  	s3 =	sand.u32 $0x4000, s31;
	s1 =	sadd.s32 s1, s30  }
0xba: {  	s0 =	sor.u32 s3, s0;
	s1 =	sshll.u32 s1, $0x11  }
0xbb: {  	s0 =	sor.u32 s1, s0  }
0xbc: {  	s0 =	sadd.s32 $0x8F2B, s0  }
0xbd: {  	[sflag:s0] =	ssyncadd.remote.s32 $0x1  }
0xbe: {  	_ =	sfence.sel $0xFFFF  }
0xbf: {  	[dreg:$0x0] =	wrdreg $0xFFFFFFFF;
	(pc) =	sbr.abs _section_cstart, $3  }
0xc0: {  	[dreg:$0x1] =	wrdreg $0xFFFFFFFF  }
0xc1: {  	_ =	task.clear_ibuf [dreg:s6], $0x2FFFF;
	_ =	strace $0x9FFFFFFF  }
0xc2: {  	(tm) =	ssettm $0x7FFFFFFF  }
0xc3: {  	_ =	shalt  }
tec
execute0_lowered:
.L_overlay_start_1:
0x0: {  	(tag) =	ssettag $0x1  }
0x1: {  	s1 =	srdreg.scid;
	s7 =	rddreg [dreg:$0x0]  }
0x2: {  	s0 =	stileid.u32;
	s2 =	rddreg [dreg:$0x1]  }
0x3: {  	s3 =	simm.s32 $0x0;
	s15 =	simm.s32 $0x5000;
	s16 =	simm.s32 $0x2  }
0x4: {  	s17 =	simm.s32 $0x2800;
	s18 =	simm.s32 $0x80;
	s19 =	simm.s32 $0x1  }
0x5: {  	s22 =	simm.s32 $0x0;
	s6 =	sand.u32 $0x1, s1;
	s28 =	sshll.u32 s0, $0x1  }
0x6: {  	[smem:$0x7FF] =	sst s3;
	s9 =	smul.u32 $0x14000, s0;
	s4 =	sadd.s32 $0x19400, s7  }
0x7: {  	s10 =	smul.u32 $0x50000, s0;
	s20 =	sshll.u32 s0, $0x6;
	s1 =	sor.u32 s6, s28  }
0x8: {  	s8 =	smul.u32 $0x140000, s6;
	s29 =	ssub.s32 $0x2, s6;
	s20 =	sor.u32 $0x1C02, s20  }
0x9: {  	s5 =	smul.u32 $0x500, s1;
	s1 =	rddreg [dreg:$0x2];
	_ =	strace $0x80000056  }
0xa: {  	s30 =	sshrl.u32 s10, $0x2;
	s31 =	sshrl.u32 s29, $0x1;
	s8 =	sadd.s32 s9, s8  }
0xb: {  	s6 =	sadd.s32 s30, s2;
	s14 =	ssub.s32 s29, s31;
	s12 =	sadd.s32 s5, s7  }
0xc: {  	s5 =	sadd.s32 $0xB5800, s7;
	s8 =	sshrl.u32 s8, $0x3;
	s9 =	sadd.s32 $0xC000, s6  }
0xd: {  	s10 =	sadd.s32 $0x10000, s6;
	s14 =	smax.u32 s14, $0x1;
	s21 =	sshrl.u32 s6, $0x3  }
0xe: {  	s13 =	sadd.s32 s8, s7;
	s7 =	sadd.s32 $0x4000, s6;
	s8 =	sadd.s32 $0x8000, s6  }
0xf: {  	s11 =	sadd.s32 $0x5400, s12;
	s12 =	sadd.s32 $0xF400, s12;
	s13 =	sadd.s32 $0xB6000, s13  }
.LBB2_1:
0x10: {  	[tilespmem:s15], [sflag:$0x2] =	stream.linear.gather [hbm4b:s5+s3], $0x4000, $0x38;
	[tilespmem:$0x1D000] =	vst v63  }
0x11: {  	_ =	swait.ge [sflag:s16], $0x4000  }
0x12: {  	[sflag:s16] =	ssyncset.done $0x0  }
0x13: {  	[sflag:s16] =	ssyncadd.s32 $0xFFFFC000  }
0x14: {  	[spmem:s6] =	stream.linear.scatter [tilespmem:s15], [sflag:$0x2], $0x4000, $0x38;
	[tilespmem:$0x1D000] =	vst v63  }
0x15: {  	_ =	swait.ge [sflag:s16], $0x4000  }
0x16: {  	[sflag:s16] =	ssyncset.done $0x0  }
0x17: {  	[sflag:s16] =	ssyncadd.s32 $0xFFFFC000  }
0x18: {  	[spmem:s7] =	stream.linear.scatter [tilespmem:s15], [sflag:$0x2], $0x4000, $0x38;
	[tilespmem:$0x1D000] =	vst v63  }
0x19: {  	_ =	swait.ge [sflag:s16], $0x4000  }
0x1a: {  	[sflag:s16] =	ssyncset.done $0x0  }
0x1b: {  	[sflag:s16] =	ssyncadd.s32 $0xFFFFC000  }
0x1c: {  	[spmem:s8] =	stream.linear.scatter [tilespmem:s15], [sflag:$0x2], $0x4000, $0x38;
	[tilespmem:$0x1D000] =	vst v63  }
0x1d: {  	_ =	swait.ge [sflag:s16], $0x4000  }
0x1e: {  	[sflag:s16] =	ssyncset.done $0x0  }
0x1f: {  	[sflag:s16] =	ssyncadd.s32 $0xFFFFC000  }
0x20: {  	[spmem:s9] =	stream.linear.scatter [tilespmem:s15], [sflag:$0x2], $0x4000, $0x38;
	[tilespmem:$0x1D000] =	vst v63  }
0x21: {  	_ =	swait.ge [sflag:s16], $0x4000  }
0x22: {  	[sflag:s16] =	ssyncset.done $0x0  }
0x23: {  	[sflag:s16] =	ssyncadd.s32 $0xFFFFC000  }
0x24: {  	[spmem:s10] =	stream.linear.scatter [tilespmem:s15], [sflag:$0x2], $0x4000, $0x38;
	[tilespmem:$0x1D000] =	vst v63  }
0x25: {  	_ =	swait.ge [sflag:s16], $0x4000  }
0x26: {  	[sflag:s16] =	ssyncset.done $0x0  }
0x27: {  	[sflag:s16] =	ssyncadd.s32 $0xFFFFC000  }
0x28: {  	[bflag:$0x0] =	sbarrier.arrive $0xFFFF  }
0x29: {  	[tilespmem:s3], [sflag:$0x2] =	stream.linear.gather [hbm4b:s11+s3], $0x2780, $0x38;
	[tilespmem:$0x1D000] =	vst v63  }
0x2a: {  	_ =	swait.ge [sflag:s16], $0x2780  }
0x2b: {  	[sflag:s16] =	ssyncset.done $0x0  }
0x2c: {  	[sflag:s16] =	ssyncadd.s32 $0xFFFFD880  }
0x2d: {  	[tilespmem:s17], [sflag:$0x2] =	stream.linear.gather [hbm4b:s12+s3], $0x2780, $0x38;
	[tilespmem:$0x1D000] =	vst v63  }
0x2e: {  	_ =	swait.ge [sflag:s16], $0x2780  }
0x2f: {  	[sflag:s16] =	ssyncset.done $0x0  }
0x30: {  	s23 =	simm.s32 $0x0;
	[sflag:s16] =	ssyncadd.s32 $0xFFFFD880  }
0x31: {  	[tilespmem:s15], [sflag:$0x1] =	stream.indirect.gather [hbm4b:s4+s18], $0x80, s23, s18, $0xb8;
	[tilespmem:$0x1D000] =	vst v63  }
0x32: {  	_ =	swait.ge [sflag:s19], $0x4000  }
0x33: {  	[sflag:s19] =	ssyncset.done $0x0  }
0x34: {  	s31 =	simm.s32 $0x2800;
	[sflag:s19] =	ssyncadd.s32 $0xFFFFC000  }
0x35: {  	[spmem:s2] =	stream.indirect.scatter.add.f32 [tilespmem:s15], [sflag:$0x2], $0x80, s31, s18, $0xb8;
	[tilespmem:$0x1D000] =	vst v63  }
0x36: {  	_ =	swait.ge [sflag:s16], $0x4000  }
0x37: {  	s24 =	simm.s32 $0x400;
	s23 =	simm.s32 $0x200;
	[sflag:s16] =	ssyncset.done $0x0  }
.LBB2_2:
0x38: {  	s25 =	sshra.s32 s23, $0x2  }
0x39: {  	[sflag:s16] =	ssyncadd.s32 $0xFFFFC000;
	s23 =	smov.u32 s24;
	s26 =	sadd.s32 $0x200, s24  }
0x3a: {  	[tilespmem:s15], [sflag:$0x1] =	stream.indirect.gather [hbm4b:s4+s18], $0x80, s25, s18, $0xb8;
	[tilespmem:$0x1D000] =	vst v63  }
0x3b: {  	p0 =	sne.s32 s24, $0x9C00;
	_ =	swait.ge [sflag:s19], $0x4000  }
.Ltmp0:
0x3c: {  	[sflag:s19] =	ssyncset.done $0x0;
	(pc) =	sbr.rel @p0 .LBB2_2-.Ltmp0, $4  }
0x3d: {  	s24 =	sadd.s32 $0x2800, s25;
	[sflag:s19] =	ssyncadd.s32 $0xFFFFC000  }
0x3e: {  	[spmem:s2] =	stream.indirect.scatter.add.f32 [tilespmem:s15], [sflag:$0x2], $0x80, s24, s18, $0xb8;
	[tilespmem:$0x1D000] =	vst v63  }
0x3f: {  	_ =	swait.ge [sflag:s16], $0x4000  }
0x40: {  	s24 =	smov.u32 s26;
	[sflag:s16] =	ssyncset.done $0x0  }
0x41: {  	s23 =	sshra.s32 s23, $0x2;
	[sflag:s16] =	ssyncadd.s32 $0xFFFFC000  }
0x42: {  	[tilespmem:s15], [sflag:$0x1] =	stream.indirect.gather [hbm4b:s4+s18], $0x80, s23, s18, $0xb8;
	[tilespmem:$0x1D000] =	vst v63  }
0x43: {  	_ =	swait.ge [sflag:s19], $0x4000  }
0x44: {  	[sflag:s19] =	ssyncset.done $0x0  }
0x45: {  	s23 =	sadd.s32 $0x2800, s23;
	[sflag:s19] =	ssyncadd.s32 $0xFFFFC000  }
0x46: {  	[spmem:s2] =	stream.indirect.scatter.add.f32 [tilespmem:s15], [sflag:$0x2], $0x80, s23, s18, $0xb8;
	[tilespmem:$0x1D000] =	vst v63  }
0x47: {  	_ =	swait.ge [sflag:s16], $0x4000  }
0x48: {  	s22 =	sadd.s32 $0x1, s22;
	[sflag:s16] =	ssyncset.done $0x0  }
0x49: {  	p0 =	sne.s32 s22, s14;
	[sflag:s16] =	ssyncadd.s32 $0xFFFFC000  }
.Ltmp1:
0x4a: {  	[bflag:$0x0] =	sbarrier.arrive $0xFFFF;
	(pc) =	sbr.rel @p0 .LBB2_1-.Ltmp1, $4  }
0x4b: {  	[hbm:s13], [sflag:s20] =	dma.local [spmem:s21], $0x2800  }
0x4c: {  	_ =	swait.ge [sflag:s16], $0x2800  }
0x4d: {  	[sflag:s16] =	ssyncset.done $0x0  }
0x4e: {  	[sflag:s16] =	ssyncadd.s32 $0xFFFFD800  }
0x4f: {  	_ =	sfence.sel $0x180000  }
0x50: {  	[bflag:$0x0] =	sbarrier.arrive $0xFFFF  }
0x51: {  	p0 =	sne.s32 s0, $0x0;
	_ =	strace $0x90000056  }
0x52: {  	s0 =	sadd.s32 @!p0 $0x100000, s1;
	[bflag:$0x2] =	sbarrier.arrive $0xFFFF  }
0x53: {  	[sflag:s0] =	ssyncadd.tile.s32 @!p0 $0x1;
	_ =	shalt  }
.Lfunc_end2:
_tile_overlayer_lowered:
.L_overlay_start_2:
0x54: {  	(tag) =	ssettag $0x2  }
0x55: {  	s0 =	rddreg [dreg:$0x0];
	s2 =	stileid.u32  }
0x56: {  	s1 =	rddreg [dreg:$0x1];
	p0 =	sne.s32 s2, $0x0  }
0x57: {  	s3 =	rddreg [dreg:$0x2];
	[bflag:$0x3] =	sbarrier.arrive $0xFFFF;
	s2 =	simm.s32 @!p0 $0x1C02  }
0x58: {  	[timem:s3], [sflag:s2] =	dma.local @!p0 [hbm:s0], s1  }
0x59: {  	s0 =	simm.s32 @!p0 $0x2  }
0x5a: {  	_ =	swait.ge @!p0 [sflag:s0], s1  }
0x5b: {  	s1 =	ssub.s32 @!p0 $0x0, s1;
	[sflag:s0] =	ssyncset.done @!p0 $0x0  }
0x5c: {  	[sflag:s0] =	ssyncadd.s32 @!p0 s1  }
0x5d: {  	[bflag:$0x3] =	sbarrier.arrive $0xFFFF  }
0x5e: {  	_ =	shalt  }

// kernel: kernel.37.cloned.1.call-start
scs
__scs_entry_jumppad:
0x0: {  	(pc) =	sbr.rel $0x88, $3  }
0x1: {  	(tag) =	ssettag $0x0;
	lr =	simm.s32 $0x1  }
0x2: {  	[smem:$0x3F93] =	sst lr;
	_ =	strace $0xD0000000  }
0x3: {  	_ = 	snop  }
0x4: {  	_ = 	snop  }
0x5: {  	_ = 	snop  }
0x6: {  	_ = 	snop  }
0x7: {  	_ = 	snop  }
__scs_overlays_trampoline_lowered:
0x8: {  	[smem:$0x3FA2] =	sst s0  }
0x9: {  	[smem:$0x3FA3] =	sst s1  }
0xa: {  	[smem:$0x3FA4] =	sst s2  }
0xb: {  	[smem:$0x3FA5] =	sst s3  }
0xc: {  	[smem:$0x3FA6] =	sst s4  }
0xd: {  	[smem:$0x3FA7] =	sst s5  }
0xe: {  	[smem:$0x3FA8] =	sst s6  }
0xf: {  	[smem:$0x3FA9] =	sst s7  }
0x10: {  	[smem:$0x3FAA] =	sst s8  }
0x11: {  	[smem:$0x3FAB] =	sst s9;
	s0 =	simm.s32 @!p0 $0x0  }
0x12: {  	s1 =	sld [smem:$0x3F91];
	s0 =	simm.s32 @p0 $0x1  }
0x13: {  	[smem:$0x3FAC] =	sst s0;
	s0 =	simm.s32 @!p1 $0x0  }
0x14: {  	s2 =	sld [smem:$0x3F90];
	s0 =	simm.s32 @p1 $0x1  }
0x15: {  	[smem:$0x3FAD] =	sst s0;
	s0 =	simm.s32 @!p2 $0x0  }
0x16: {  	s3 =	sld [smem:$0x3FDB];
	s0 =	simm.s32 @p2 $0x1  }
0x17: {  	s4 =	simm.s32 $0x1BF5;
	[smem:$0x3FAF] =	sst s0  }
0x18: {  	s0 =	sld [smem:$0x3F92];
	_ =	swait.ge [sflag:s4], $0x0  }
0x19: {  	s7 =	sld [smem:$0x3F93]  }
0x1a: {  	s8 =	sadd.s32 $0xFFFFE003, lr  }
0x1b: {  	s9 =	sadd.s32 $0xFFFFFEF7, lr;
	s5 =	simm.s32 $0xFFFFFFFF;
	p2 =	slt.u32 s8, $0xFFFFF086  }
0x1c: {  	p1 =	slt.u32 s9, $0xF7A;
	s5 =	simm.s32 @!p2 $0x0  }
0x1d: {  	s5 =	simm.s32 @p1 $0x1;
	p0 =	seq.s32 s7, s2  }
0x1e: {  	s7 =	smul.u32 @!p0 $0xF7A, s2;
	p2 =	seq.s32 @!p0 s5, $0x0  }
0x1f: {  	s9 =	smul.u32 $0xF7A, s1;
	s8 =	simm.s32 @!p0 $0x1BF5;
	p2 =	por !p2, p0  }
0x20: {  	[sflag:s8] =	ssyncset.s32 @!p0 $0xFFFFF086;
	s6 =	sadd.s32 @!p0 s3, s7;
	s7 =	simm.s32 @!p0 $0x108  }
0x21: {  	s3 =	sadd.s32 s3, s9;
	s6 =	sadd.s32 @!p0 $0x88, s6;
	s7 =	simm.s32 @p2 $0x1082  }
0x22: {  	[simem:s7], [sflag:s8] =	dma.local @!p0 [hbm:s6], $0xF7A  }
0x23: {  	s9 =	sor.u32 $0xD0000000, s2;
	s6 =	simm.s32 $0x108;
	_ =	swait.ge @!p0 [sflag:s8], $0x0  }
0x24: {  	s3 =	sadd.s32 $0x88, s3;
	s6 =	simm.s32 @!p1 $0x1082;
	[sflag:s4] =	ssyncset.s32 $0xFFFFF086  }
0x25: {  	[simem:s6], [sflag:s4] =	dma.local [hbm:s3], $0xF7A  }
0x26: {  	[smem:$0x3F93] =	sst s1;
	(tag) =	ssettag s2;
	_ =	strace s9  }
0x27: {  	s1 =	sld [smem:$0x3FA3]  }
0x28: {  	s2 =	sld [smem:$0x3FA4]  }
0x29: {  	s4 =	sld [smem:$0x3FA6]  }
0x2a: {  	p0 =	seq.s32 s5, $0x0;
	s5 =	sld [smem:$0x3FA7]  }
0x2b: {  	s6 =	sld [smem:$0x3FA8]  }
0x2c: {  	s7 =	sld [smem:$0x3FA9]  }
0x2d: {  	s3 =	simm.s32 $0x108;
	s8 =	sld [smem:$0x3FAA]  }
0x2e: {  	s3 =	simm.s32 @!p0 $0x1082;
	s9 =	sld [smem:$0x3FAB]  }
0x2f: {  	lr =	sadd.s32 s0, s3;
	s0 =	sld [smem:$0x3FA2]  }
0x30: {  	s3 =	sld [smem:$0x3FA5]  }
0x31: {  	[smem:$0x3FAE] =	sst s10  }
0x32: {  	s10 =	sld [smem:$0x3FAC];
	_ =	sdelay $0x3  }
0x33: {  	p0 =	seq.s32 s10, $0x1;
	s10 =	sld [smem:$0x3FAE];
	_ =	sdelay $0x3  }
0x34: {  	[smem:$0x3FAE] =	sst s10  }
0x35: {  	s10 =	sld [smem:$0x3FAD];
	_ =	sdelay $0x3  }
0x36: {  	p1 =	seq.s32 s10, $0x1;
	s10 =	sld [smem:$0x3FAE];
	_ =	sdelay $0x3  }
0x37: {  	[smem:$0x3FAE] =	sst s10  }
0x38: {  	s10 =	sld [smem:$0x3FAF]  }
0x39: {  	_ = 	snop;
	(pc) =	sbr.ind lr, $3  }
0x3a: {  	_ = 	snop  }
0x3b: {  	_ = 	snop  }
0x3c: {  	p2 =	seq.s32 s10, $0x1;
	s10 =	sld [smem:$0x3FAE]  }
0x3d: {  	_ =	shalt  }
0x3e: {  	_ =	shalt  }
0x3f: {  	_ =	shalt  }
0x40: {  	_ =	shalt  }
0x41: {  	_ =	shalt  }
0x42: {  	_ =	shalt  }
0x43: {  	_ =	shalt  }
0x44: {  	_ =	shalt  }
0x45: {  	_ =	shalt  }
0x46: {  	_ =	shalt  }
0x47: {  	_ =	shalt  }
0x48: {  	_ =	shalt  }
0x49: {  	_ =	shalt  }
0x4a: {  	_ =	shalt  }
0x4b: {  	_ =	shalt  }
0x4c: {  	_ =	shalt  }
0x4d: {  	_ =	shalt  }
0x4e: {  	_ =	shalt  }
0x4f: {  	_ =	shalt  }
0x50: {  	_ =	shalt  }
0x51: {  	_ =	shalt  }
0x52: {  	_ =	shalt  }
0x53: {  	_ =	shalt  }
0x54: {  	_ =	shalt  }
0x55: {  	_ =	shalt  }
0x56: {  	_ =	shalt  }
0x57: {  	_ =	shalt  }
0x58: {  	_ =	shalt  }
0x59: {  	_ =	shalt  }
0x5a: {  	_ =	shalt  }
0x5b: {  	_ =	shalt  }
0x5c: {  	_ =	shalt  }
0x5d: {  	_ =	shalt  }
0x5e: {  	_ =	shalt  }
0x5f: {  	_ =	shalt  }
0x60: {  	_ =	shalt  }
0x61: {  	_ =	shalt  }
0x62: {  	_ =	shalt  }
0x63: {  	_ =	shalt  }
0x64: {  	_ =	shalt  }
0x65: {  	_ =	shalt  }
0x66: {  	_ =	shalt  }
0x67: {  	_ =	shalt  }
0x68: {  	_ =	shalt  }
0x69: {  	_ =	shalt  }
0x6a: {  	_ =	shalt  }
0x6b: {  	_ =	shalt  }
0x6c: {  	_ =	shalt  }
0x6d: {  	_ =	shalt  }
0x6e: {  	_ =	shalt  }
0x6f: {  	_ =	shalt  }
0x70: {  	_ =	shalt  }
0x71: {  	_ =	shalt  }
0x72: {  	_ =	shalt  }
0x73: {  	_ =	shalt  }
0x74: {  	_ =	shalt  }
0x75: {  	_ =	shalt  }
0x76: {  	_ =	shalt  }
0x77: {  	_ =	shalt  }
0x78: {  	_ =	shalt  }
0x79: {  	_ =	shalt  }
0x7a: {  	_ =	shalt  }
0x7b: {  	_ =	shalt  }
0x7c: {  	_ =	shalt  }
0x7d: {  	_ =	shalt  }
0x7e: {  	_ =	shalt  }
0x7f: {  	_ =	shalt  }
0x80: {  	_ =	shalt  }
0x81: {  	_ =	shalt  }
0x82: {  	_ =	shalt  }
0x83: {  	_ =	shalt  }
0x84: {  	_ =	shalt  }
0x85: {  	_ =	shalt  }
0x86: {  	_ =	shalt  }
0x87: {  	_ =	shalt  }
.Lfunc_end0:
.L_simem_size_0:
called_computation.6_lowered:
.L_overlay_start_0:
0x88: {  	s2 =	sld [smem:$0x3FD9]  }
0x89: {  	s3 =	sld [smem:$0x3FFE];
	_ =	sdelay $0x1  }
0x8a: {  	s1 =	srdreg.scid  }
0x8b: {  	s0 =	sand.u32 $0x1, s1  }
0x8c: {  	s16 =	sshll.u32 s0, $0xA;
	s2 =	sadd.s32 s3, s2  }
0x8d: {  	s2 =	sadd.s32 s2, s16  }
0x8e: {  	[smem:$0x3FBA] =	sst s2  }
0x8f: {  	_ = 	snop  }
0x90: {  	(tm) =	ssettm $0x1  }
0x91: {  	s17 =	sld [smem:$0x3FFB];
	_ =	sdelay $0x3  }
0x92: {  	_ =	strace s17  }
0x93: {  	s2 =	sld [smem:$0x3FFC];
	_ =	sdelay $0x3  }
0x94: {  	_ =	strace s2  }
0x95: {  	s2 =	sld [smem:$0x3FFD];
	_ =	sdelay $0x3  }
0x96: {  	_ =	strace s2  }
0x97: {  	_ =	strace $0x8FFFFFFF  }
0x98: {  	s18 =	sld [smem:$0x3FDB];
	_ =	sdelay $0x1  }
0x99: {  	s19 =	simm.s32 $_scs_section_size  }
0x9a: {  	s4 =	simm.s32 $_size__tile_overlayer_lowered;
	s5 =	simm.s32 $_tile_overlayer_lowered  }
0x9b: {  	s22 =	simm.s32 $0x1BFF;
	s21 =	sshll.u32 s5, $0x1;
	s2 =	sadd.s32 s19, s18  }
0x9c: {  	s6 =	simm.s32 $0x0;
	s20 =	sshll.u32 s4, $0x1;
	s4 =	sadd.s32 s21, s2  }
0x9d: {  	[timem:s6], [sflag:s22] =	dma.local [hbm:s4], s20  }
0x9e: {  	_ =	swait.ge [sflag:s22], s20  }
0x9f: {  	s3 =	ssub.s32 $0x0, s20;
	[sflag:s22] =	ssyncset.done $0x0  }
0xa0: {  	[sflag:s22] =	ssyncadd.s32 s3;
	_ =	sdelay $0x1  }
0xa1: {  	s23 =	simm.s32 $0x1B8B  }
0xa2: {  	_ =	swait.ge [sflag:s23], $0x1  }
0xa3: {  	[sflag:s23] =	ssyncset.done $0x0  }
0xa4: {  	s25 =	simm.s32 $0x1B8E;
	s24 =	sld [smem:$0x3FFE];
	[sflag:s23] =	ssyncadd.s32 $0xFFFFFFFF  }
0xa5: {  	s26 =	simm.s32 $execute0_lowered;
	[smem:$0x3FD2] =	sst s25  }
0xa6: {  	s4 =	sshll.u32 s26, $0x1;
	_ =	strace $0x80000058;
	[dreg:$0x1] =	wrdreg $0xFFFFFFFF  }
0xa7: {  	s28 =	simm.s32 $_size_execute0_lowered;
	s2 =	sadd.s32 s2, s4;
	[dreg:$0x0] =	wrdreg $0x0  }
0xa8: {  	s4 =	sshll.u32 s28, $0x1;
	[dreg:$0x2] =	wrdreg s2  }
0xa9: {  	[dreg:$0x3] =	wrdreg s4  }
0xaa: {  	[dreg:$0x4] =	wrdreg $0xC0  }
0xab: {  	_ =	task [dreg:s6], $0x5FFFF  }
0xac: {  	[dreg:$0x1] =	wrdreg $0xFFFFFFFF  }
0xad: {  	[dreg:$0x0] =	wrdreg $0x60  }
0xae: {  	[dreg:$0x2] =	wrdreg s24  }
0xaf: {  	[dreg:$0x3] =	wrdreg $0x90000  }
0xb0: {  	[dreg:$0x4] =	wrdreg $0x9  }
0xb1: {  	_ =	task.clear_ibuf [dreg:s6], $0x5FFFF;
	_ =	strace $0x90000058  }
0xb2: {  	s29 =	simm.s32 $0x9;
	_ =	strace $0x8000005A  }
0xb3: {  	_ =	swait.ge [sflag:s29], $0x1  }
0xb4: {  	[sflag:s29] =	ssyncadd.s32 $0xFFFFFFFF  }
0xb5: {  	_ =	strace $0x9000005A  }
0xb6: {  	_ =	sfence  }
0xb7: {  	s30 =	sld [smem:$0x0];
	_ =	sdelay $0x2  }
0xb8: {  	s31 =	sshll.u32 s1, $0xD;
	s1 =	sshrl.u32 s1, $0x2  }
0xb9: {  	s3 =	sand.u32 $0x4000, s31;
	s1 =	sadd.s32 s1, s30  }
0xba: {  	s0 =	sor.u32 s3, s0;
	s1 =	sshll.u32 s1, $0x11  }
0xbb: {  	s0 =	sor.u32 s1, s0  }
0xbc: {  	s0 =	sadd.s32 $0x8F2B, s0  }
0xbd: {  	[sflag:s0] =	ssyncadd.remote.s32 $0x1  }
0xbe: {  	_ =	sfence.sel $0xFFFF  }
0xbf: {  	[dreg:$0x0] =	wrdreg $0xFFFFFFFF;
	(pc) =	sbr.abs _section_cstart, $3  }
0xc0: {  	[dreg:$0x1] =	wrdreg $0xFFFFFFFF  }
0xc1: {  	_ =	task.clear_ibuf [dreg:s6], $0x2FFFF;
	_ =	strace $0x9FFFFFFF  }
0xc2: {  	(tm) =	ssettm $0x7FFFFFFF  }
0xc3: {  	_ =	shalt  }
tec
execute0_lowered:
.L_overlay_start_1:
0x0: {  	(tag) =	ssettag $0x1  }
0x1: {  	s1 =	srdreg.scid;
	s7 =	rddreg [dreg:$0x0]  }
0x2: {  	s0 =	stileid.u32;
	s2 =	rddreg [dreg:$0x1]  }
0x3: {  	s3 =	simm.s32 $0x0;
	s15 =	simm.s32 $0x5000;
	s16 =	simm.s32 $0x2  }
0x4: {  	s17 =	simm.s32 $0x2800;
	s18 =	simm.s32 $0x80;
	s19 =	simm.s32 $0x1  }
0x5: {  	s22 =	simm.s32 $0x0;
	s6 =	sand.u32 $0x1, s1;
	s28 =	sshll.u32 s0, $0x1  }
0x6: {  	[smem:$0x7FF] =	sst s3;
	s9 =	smul.u32 $0x14000, s0;
	s4 =	sadd.s32 $0x19400, s7  }
0x7: {  	s10 =	smul.u32 $0x50000, s0;
	s20 =	sshll.u32 s0, $0x6;
	s1 =	sor.u32 s6, s28  }
0x8: {  	s8 =	smul.u32 $0x140000, s6;
	s29 =	ssub.s32 $0x2, s6;
	s20 =	sor.u32 $0x1C02, s20  }
0x9: {  	s5 =	smul.u32 $0x500, s1;
	s1 =	rddreg [dreg:$0x2];
	_ =	strace $0x80000059  }
0xa: {  	s30 =	sshrl.u32 s10, $0x2;
	s31 =	sshrl.u32 s29, $0x1;
	s8 =	sadd.s32 s9, s8  }
0xb: {  	s6 =	sadd.s32 s30, s2;
	s14 =	ssub.s32 s29, s31;
	s12 =	sadd.s32 s5, s7  }
0xc: {  	s5 =	sadd.s32 $0xB5800, s7;
	s8 =	sshrl.u32 s8, $0x3;
	s9 =	sadd.s32 $0xC000, s6  }
0xd: {  	s10 =	sadd.s32 $0x10000, s6;
	s14 =	smax.u32 s14, $0x1;
	s21 =	sshrl.u32 s6, $0x3  }
0xe: {  	s13 =	sadd.s32 s8, s7;
	s7 =	sadd.s32 $0x4000, s6;
	s8 =	sadd.s32 $0x8000, s6  }
0xf: {  	s11 =	sadd.s32 $0x5400, s12;
	s12 =	sadd.s32 $0xF400, s12;
	s13 =	sadd.s32 $0xB6000, s13  }
.LBB2_1:
0x10: {  	[tilespmem:s15], [sflag:$0x2] =	stream.linear.gather [hbm4b:s5+s3], $0x4000, $0x38;
	[tilespmem:$0x1D000] =	vst v63  }
0x11: {  	_ =	swait.ge [sflag:s16], $0x4000  }
0x12: {  	[sflag:s16] =	ssyncset.done $0x0  }
0x13: {  	[sflag:s16] =	ssyncadd.s32 $0xFFFFC000  }
0x14: {  	[spmem:s6] =	stream.linear.scatter [tilespmem:s15], [sflag:$0x2], $0x4000, $0x38;
	[tilespmem:$0x1D000] =	vst v63  }
0x15: {  	_ =	swait.ge [sflag:s16], $0x4000  }
0x16: {  	[sflag:s16] =	ssyncset.done $0x0  }
0x17: {  	[sflag:s16] =	ssyncadd.s32 $0xFFFFC000  }
0x18: {  	[spmem:s7] =	stream.linear.scatter [tilespmem:s15], [sflag:$0x2], $0x4000, $0x38;
	[tilespmem:$0x1D000] =	vst v63  }
0x19: {  	_ =	swait.ge [sflag:s16], $0x4000  }
0x1a: {  	[sflag:s16] =	ssyncset.done $0x0  }
0x1b: {  	[sflag:s16] =	ssyncadd.s32 $0xFFFFC000  }
0x1c: {  	[spmem:s8] =	stream.linear.scatter [tilespmem:s15], [sflag:$0x2], $0x4000, $0x38;
	[tilespmem:$0x1D000] =	vst v63  }
0x1d: {  	_ =	swait.ge [sflag:s16], $0x4000  }
0x1e: {  	[sflag:s16] =	ssyncset.done $0x0  }
0x1f: {  	[sflag:s16] =	ssyncadd.s32 $0xFFFFC000  }
0x20: {  	[spmem:s9] =	stream.linear.scatter [tilespmem:s15], [sflag:$0x2], $0x4000, $0x38;
	[tilespmem:$0x1D000] =	vst v63  }
0x21: {  	_ =	swait.ge [sflag:s16], $0x4000  }
0x22: {  	[sflag:s16] =	ssyncset.done $0x0  }
0x23: {  	[sflag:s16] =	ssyncadd.s32 $0xFFFFC000  }
0x24: {  	[spmem:s10] =	stream.linear.scatter [tilespmem:s15], [sflag:$0x2], $0x4000, $0x38;
	[tilespmem:$0x1D000] =	vst v63  }
0x25: {  	_ =	swait.ge [sflag:s16], $0x4000  }
0x26: {  	[sflag:s16] =	ssyncset.done $0x0  }
0x27: {  	[sflag:s16] =	ssyncadd.s32 $0xFFFFC000  }
0x28: {  	[bflag:$0x0] =	sbarrier.arrive $0xFFFF  }
0x29: {  	[tilespmem:s3], [sflag:$0x2] =	stream.linear.gather [hbm4b:s11+s3], $0x2780, $0x38;
	[tilespmem:$0x1D000] =	vst v63  }
0x2a: {  	_ =	swait.ge [sflag:s16], $0x2780  }
0x2b: {  	[sflag:s16] =	ssyncset.done $0x0  }
0x2c: {  	[sflag:s16] =	ssyncadd.s32 $0xFFFFD880  }
0x2d: {  	[tilespmem:s17], [sflag:$0x2] =	stream.linear.gather [hbm4b:s12+s3], $0x2780, $0x38;
	[tilespmem:$0x1D000] =	vst v63  }
0x2e: {  	_ =	swait.ge [sflag:s16], $0x2780  }
0x2f: {  	[sflag:s16] =	ssyncset.done $0x0  }
0x30: {  	s23 =	simm.s32 $0x0;
	[sflag:s16] =	ssyncadd.s32 $0xFFFFD880  }
0x31: {  	[tilespmem:s15], [sflag:$0x1] =	stream.indirect.gather [hbm4b:s4+s18], $0x80, s23, s18, $0xb8;
	[tilespmem:$0x1D000] =	vst v63  }
0x32: {  	_ =	swait.ge [sflag:s19], $0x4000  }
0x33: {  	[sflag:s19] =	ssyncset.done $0x0  }
0x34: {  	s31 =	simm.s32 $0x2800;
	[sflag:s19] =	ssyncadd.s32 $0xFFFFC000  }
0x35: {  	[spmem:s2] =	stream.indirect.scatter.add.f32 [tilespmem:s15], [sflag:$0x2], $0x80, s31, s18, $0xb8;
	[tilespmem:$0x1D000] =	vst v63  }
0x36: {  	_ =	swait.ge [sflag:s16], $0x4000  }
0x37: {  	s24 =	simm.s32 $0x400;
	s23 =	simm.s32 $0x200;
	[sflag:s16] =	ssyncset.done $0x0  }
.LBB2_2:
0x38: {  	s25 =	sshra.s32 s23, $0x2  }
0x39: {  	[sflag:s16] =	ssyncadd.s32 $0xFFFFC000;
	s23 =	smov.u32 s24;
	s26 =	sadd.s32 $0x200, s24  }
0x3a: {  	[tilespmem:s15], [sflag:$0x1] =	stream.indirect.gather [hbm4b:s4+s18], $0x80, s25, s18, $0xb8;
	[tilespmem:$0x1D000] =	vst v63  }
0x3b: {  	p0 =	sne.s32 s24, $0x9C00;
	_ =	swait.ge [sflag:s19], $0x4000  }
.Ltmp0:
0x3c: {  	[sflag:s19] =	ssyncset.done $0x0;
	(pc) =	sbr.rel @p0 .LBB2_2-.Ltmp0, $4  }
0x3d: {  	s24 =	sadd.s32 $0x2800, s25;
	[sflag:s19] =	ssyncadd.s32 $0xFFFFC000  }
0x3e: {  	[spmem:s2] =	stream.indirect.scatter.add.f32 [tilespmem:s15], [sflag:$0x2], $0x80, s24, s18, $0xb8;
	[tilespmem:$0x1D000] =	vst v63  }
0x3f: {  	_ =	swait.ge [sflag:s16], $0x4000  }
0x40: {  	s24 =	smov.u32 s26;
	[sflag:s16] =	ssyncset.done $0x0  }
0x41: {  	s23 =	sshra.s32 s23, $0x2;
	[sflag:s16] =	ssyncadd.s32 $0xFFFFC000  }
0x42: {  	[tilespmem:s15], [sflag:$0x1] =	stream.indirect.gather [hbm4b:s4+s18], $0x80, s23, s18, $0xb8;
	[tilespmem:$0x1D000] =	vst v63  }
0x43: {  	_ =	swait.ge [sflag:s19], $0x4000  }
0x44: {  	[sflag:s19] =	ssyncset.done $0x0  }
0x45: {  	s23 =	sadd.s32 $0x2800, s23;
	[sflag:s19] =	ssyncadd.s32 $0xFFFFC000  }
0x46: {  	[spmem:s2] =	stream.indirect.scatter.add.f32 [tilespmem:s15], [sflag:$0x2], $0x80, s23, s18, $0xb8;
	[tilespmem:$0x1D000] =	vst v63  }
0x47: {  	_ =	swait.ge [sflag:s16], $0x4000  }
0x48: {  	s22 =	sadd.s32 $0x1, s22;
	[sflag:s16] =	ssyncset.done $0x0  }
0x49: {  	p0 =	sne.s32 s22, s14;
	[sflag:s16] =	ssyncadd.s32 $0xFFFFC000  }
.Ltmp1:
0x4a: {  	[bflag:$0x0] =	sbarrier.arrive $0xFFFF;
	(pc) =	sbr.rel @p0 .LBB2_1-.Ltmp1, $4  }
0x4b: {  	[hbm:s13], [sflag:s20] =	dma.local [spmem:s21], $0x2800  }
0x4c: {  	_ =	swait.ge [sflag:s16], $0x2800  }
0x4d: {  	[sflag:s16] =	ssyncset.done $0x0  }
0x4e: {  	[sflag:s16] =	ssyncadd.s32 $0xFFFFD800  }
0x4f: {  	_ =	sfence.sel $0x180000  }
0x50: {  	[bflag:$0x0] =	sbarrier.arrive $0xFFFF  }
0x51: {  	p0 =	sne.s32 s0, $0x0;
	_ =	strace $0x90000059  }
0x52: {  	s0 =	sadd.s32 @!p0 $0x100000, s1;
	[bflag:$0x2] =	sbarrier.arrive $0xFFFF  }
0x53: {  	[sflag:s0] =	ssyncadd.tile.s32 @!p0 $0x1;
	_ =	shalt  }
.Lfunc_end2:
_tile_overlayer_lowered:
.L_overlay_start_2:
0x54: {  	(tag) =	ssettag $0x2  }
0x55: {  	s0 =	rddreg [dreg:$0x0];
	s2 =	stileid.u32  }
0x56: {  	s1 =	rddreg [dreg:$0x1];
	p0 =	sne.s32 s2, $0x0  }
0x57: {  	s3 =	rddreg [dreg:$0x2];
	[bflag:$0x3] =	sbarrier.arrive $0xFFFF;
	s2 =	simm.s32 @!p0 $0x1C02  }
0x58: {  	[timem:s3], [sflag:s2] =	dma.local @!p0 [hbm:s0], s1  }
0x59: {  	s0 =	simm.s32 @!p0 $0x2  }
0x5a: {  	_ =	swait.ge @!p0 [sflag:s0], s1  }
0x5b: {  	s1 =	ssub.s32 @!p0 $0x0, s1;
	[sflag:s0] =	ssyncset.done @!p0 $0x0  }
0x5c: {  	[sflag:s0] =	ssyncadd.s32 @!p0 s1  }
0x5d: {  	[bflag:$0x3] =	sbarrier.arrive $0xFFFF  }
0x5e: {  	_ =	shalt  }

// kernel: kernel.40.cloned.1.call-start
scs
__scs_entry_jumppad:
0x0: {  	(pc) =	sbr.rel $0x88, $3  }
0x1: {  	(tag) =	ssettag $0x0;
	lr =	simm.s32 $0x1  }
0x2: {  	[smem:$0x3F93] =	sst lr;
	_ =	strace $0xD0000000  }
0x3: {  	_ = 	snop  }
0x4: {  	_ = 	snop  }
0x5: {  	_ = 	snop  }
0x6: {  	_ = 	snop  }
0x7: {  	_ = 	snop  }
__scs_overlays_trampoline_lowered:
0x8: {  	[smem:$0x3FA2] =	sst s0  }
0x9: {  	[smem:$0x3FA3] =	sst s1  }
0xa: {  	[smem:$0x3FA4] =	sst s2  }
0xb: {  	[smem:$0x3FA5] =	sst s3  }
0xc: {  	[smem:$0x3FA6] =	sst s4  }
0xd: {  	[smem:$0x3FA7] =	sst s5  }
0xe: {  	[smem:$0x3FA8] =	sst s6  }
0xf: {  	[smem:$0x3FA9] =	sst s7  }
0x10: {  	[smem:$0x3FAA] =	sst s8  }
0x11: {  	[smem:$0x3FAB] =	sst s9;
	s0 =	simm.s32 @!p0 $0x0  }
0x12: {  	s1 =	sld [smem:$0x3F91];
	s0 =	simm.s32 @p0 $0x1  }
0x13: {  	[smem:$0x3FAC] =	sst s0;
	s0 =	simm.s32 @!p1 $0x0  }
0x14: {  	s2 =	sld [smem:$0x3F90];
	s0 =	simm.s32 @p1 $0x1  }
0x15: {  	[smem:$0x3FAD] =	sst s0;
	s0 =	simm.s32 @!p2 $0x0  }
0x16: {  	s3 =	sld [smem:$0x3FDB];
	s0 =	simm.s32 @p2 $0x1  }
0x17: {  	s4 =	simm.s32 $0x1BF5;
	[smem:$0x3FAF] =	sst s0  }
0x18: {  	s0 =	sld [smem:$0x3F92];
	_ =	swait.ge [sflag:s4], $0x0  }
0x19: {  	s7 =	sld [smem:$0x3F93]  }
0x1a: {  	s8 =	sadd.s32 $0xFFFFE003, lr  }
0x1b: {  	s9 =	sadd.s32 $0xFFFFFEF7, lr;
	s5 =	simm.s32 $0xFFFFFFFF;
	p2 =	slt.u32 s8, $0xFFFFF086  }
0x1c: {  	p1 =	slt.u32 s9, $0xF7A;
	s5 =	simm.s32 @!p2 $0x0  }
0x1d: {  	s5 =	simm.s32 @p1 $0x1;
	p0 =	seq.s32 s7, s2  }
0x1e: {  	s7 =	smul.u32 @!p0 $0xF7A, s2;
	p2 =	seq.s32 @!p0 s5, $0x0  }
0x1f: {  	s9 =	smul.u32 $0xF7A, s1;
	s8 =	simm.s32 @!p0 $0x1BF5;
	p2 =	por !p2, p0  }
0x20: {  	[sflag:s8] =	ssyncset.s32 @!p0 $0xFFFFF086;
	s6 =	sadd.s32 @!p0 s3, s7;
	s7 =	simm.s32 @!p0 $0x108  }
0x21: {  	s3 =	sadd.s32 s3, s9;
	s6 =	sadd.s32 @!p0 $0x88, s6;
	s7 =	simm.s32 @p2 $0x1082  }
0x22: {  	[simem:s7], [sflag:s8] =	dma.local @!p0 [hbm:s6], $0xF7A  }
0x23: {  	s9 =	sor.u32 $0xD0000000, s2;
	s6 =	simm.s32 $0x108;
	_ =	swait.ge @!p0 [sflag:s8], $0x0  }
0x24: {  	s3 =	sadd.s32 $0x88, s3;
	s6 =	simm.s32 @!p1 $0x1082;
	[sflag:s4] =	ssyncset.s32 $0xFFFFF086  }
0x25: {  	[simem:s6], [sflag:s4] =	dma.local [hbm:s3], $0xF7A  }
0x26: {  	[smem:$0x3F93] =	sst s1;
	(tag) =	ssettag s2;
	_ =	strace s9  }
0x27: {  	s1 =	sld [smem:$0x3FA3]  }
0x28: {  	s2 =	sld [smem:$0x3FA4]  }
0x29: {  	s4 =	sld [smem:$0x3FA6]  }
0x2a: {  	p0 =	seq.s32 s5, $0x0;
	s5 =	sld [smem:$0x3FA7]  }
0x2b: {  	s6 =	sld [smem:$0x3FA8]  }
0x2c: {  	s7 =	sld [smem:$0x3FA9]  }
0x2d: {  	s3 =	simm.s32 $0x108;
	s8 =	sld [smem:$0x3FAA]  }
0x2e: {  	s3 =	simm.s32 @!p0 $0x1082;
	s9 =	sld [smem:$0x3FAB]  }
0x2f: {  	lr =	sadd.s32 s0, s3;
	s0 =	sld [smem:$0x3FA2]  }
0x30: {  	s3 =	sld [smem:$0x3FA5]  }
0x31: {  	[smem:$0x3FAE] =	sst s10  }
0x32: {  	s10 =	sld [smem:$0x3FAC];
	_ =	sdelay $0x3  }
0x33: {  	p0 =	seq.s32 s10, $0x1;
	s10 =	sld [smem:$0x3FAE];
	_ =	sdelay $0x3  }
0x34: {  	[smem:$0x3FAE] =	sst s10  }
0x35: {  	s10 =	sld [smem:$0x3FAD];
	_ =	sdelay $0x3  }
0x36: {  	p1 =	seq.s32 s10, $0x1;
	s10 =	sld [smem:$0x3FAE];
	_ =	sdelay $0x3  }
0x37: {  	[smem:$0x3FAE] =	sst s10  }
0x38: {  	s10 =	sld [smem:$0x3FAF]  }
0x39: {  	_ = 	snop;
	(pc) =	sbr.ind lr, $3  }
0x3a: {  	_ = 	snop  }
0x3b: {  	_ = 	snop  }
0x3c: {  	p2 =	seq.s32 s10, $0x1;
	s10 =	sld [smem:$0x3FAE]  }
0x3d: {  	_ =	shalt  }
0x3e: {  	_ =	shalt  }
0x3f: {  	_ =	shalt  }
0x40: {  	_ =	shalt  }
0x41: {  	_ =	shalt  }
0x42: {  	_ =	shalt  }
0x43: {  	_ =	shalt  }
0x44: {  	_ =	shalt  }
0x45: {  	_ =	shalt  }
0x46: {  	_ =	shalt  }
0x47: {  	_ =	shalt  }
0x48: {  	_ =	shalt  }
0x49: {  	_ =	shalt  }
0x4a: {  	_ =	shalt  }
0x4b: {  	_ =	shalt  }
0x4c: {  	_ =	shalt  }
0x4d: {  	_ =	shalt  }
0x4e: {  	_ =	shalt  }
0x4f: {  	_ =	shalt  }
0x50: {  	_ =	shalt  }
0x51: {  	_ =	shalt  }
0x52: {  	_ =	shalt  }
0x53: {  	_ =	shalt  }
0x54: {  	_ =	shalt  }
0x55: {  	_ =	shalt  }
0x56: {  	_ =	shalt  }
0x57: {  	_ =	shalt  }
0x58: {  	_ =	shalt  }
0x59: {  	_ =	shalt  }
0x5a: {  	_ =	shalt  }
0x5b: {  	_ =	shalt  }
0x5c: {  	_ =	shalt  }
0x5d: {  	_ =	shalt  }
0x5e: {  	_ =	shalt  }
0x5f: {  	_ =	shalt  }
0x60: {  	_ =	shalt  }
0x61: {  	_ =	shalt  }
0x62: {  	_ =	shalt  }
0x63: {  	_ =	shalt  }
0x64: {  	_ =	shalt  }
0x65: {  	_ =	shalt  }
0x66: {  	_ =	shalt  }
0x67: {  	_ =	shalt  }
0x68: {  	_ =	shalt  }
0x69: {  	_ =	shalt  }
0x6a: {  	_ =	shalt  }
0x6b: {  	_ =	shalt  }
0x6c: {  	_ =	shalt  }
0x6d: {  	_ =	shalt  }
0x6e: {  	_ =	shalt  }
0x6f: {  	_ =	shalt  }
0x70: {  	_ =	shalt  }
0x71: {  	_ =	shalt  }
0x72: {  	_ =	shalt  }
0x73: {  	_ =	shalt  }
0x74: {  	_ =	shalt  }
0x75: {  	_ =	shalt  }
0x76: {  	_ =	shalt  }
0x77: {  	_ =	shalt  }
0x78: {  	_ =	shalt  }
0x79: {  	_ =	shalt  }
0x7a: {  	_ =	shalt  }
0x7b: {  	_ =	shalt  }
0x7c: {  	_ =	shalt  }
0x7d: {  	_ =	shalt  }
0x7e: {  	_ =	shalt  }
0x7f: {  	_ =	shalt  }
0x80: {  	_ =	shalt  }
0x81: {  	_ =	shalt  }
0x82: {  	_ =	shalt  }
0x83: {  	_ =	shalt  }
0x84: {  	_ =	shalt  }
0x85: {  	_ =	shalt  }
0x86: {  	_ =	shalt  }
0x87: {  	_ =	shalt  }
.Lfunc_end0:
.L_simem_size_0:
called_computation.7_lowered:
.L_overlay_start_0:
0x88: {  	s2 =	sld [smem:$0x3FD9]  }
0x89: {  	s3 =	sld [smem:$0x3FFE];
	_ =	sdelay $0x1  }
0x8a: {  	s1 =	srdreg.scid  }
0x8b: {  	s0 =	sand.u32 $0x1, s1  }
0x8c: {  	s16 =	sshll.u32 s0, $0xA;
	s2 =	sadd.s32 s3, s2  }
0x8d: {  	s2 =	sadd.s32 s2, s16  }
0x8e: {  	[smem:$0x3FBA] =	sst s2  }
0x8f: {  	_ = 	snop  }
0x90: {  	(tm) =	ssettm $0x1  }
0x91: {  	s17 =	sld [smem:$0x3FFB];
	_ =	sdelay $0x3  }
0x92: {  	_ =	strace s17  }
0x93: {  	s2 =	sld [smem:$0x3FFC];
	_ =	sdelay $0x3  }
0x94: {  	_ =	strace s2  }
0x95: {  	s2 =	sld [smem:$0x3FFD];
	_ =	sdelay $0x3  }
0x96: {  	_ =	strace s2  }
0x97: {  	_ =	strace $0x8FFFFFFF  }
0x98: {  	s18 =	sld [smem:$0x3FDB];
	_ =	sdelay $0x1  }
0x99: {  	s19 =	simm.s32 $_scs_section_size  }
0x9a: {  	s4 =	simm.s32 $_size__tile_overlayer_lowered;
	s5 =	simm.s32 $_tile_overlayer_lowered  }
0x9b: {  	s22 =	simm.s32 $0x1BFF;
	s21 =	sshll.u32 s5, $0x1;
	s2 =	sadd.s32 s19, s18  }
0x9c: {  	s6 =	simm.s32 $0x0;
	s20 =	sshll.u32 s4, $0x1;
	s4 =	sadd.s32 s21, s2  }
0x9d: {  	[timem:s6], [sflag:s22] =	dma.local [hbm:s4], s20  }
0x9e: {  	_ =	swait.ge [sflag:s22], s20  }
0x9f: {  	s3 =	ssub.s32 $0x0, s20;
	[sflag:s22] =	ssyncset.done $0x0  }
0xa0: {  	[sflag:s22] =	ssyncadd.s32 s3;
	_ =	sdelay $0x1  }
0xa1: {  	s23 =	simm.s32 $0x1B8B  }
0xa2: {  	_ =	swait.ge [sflag:s23], $0x1  }
0xa3: {  	[sflag:s23] =	ssyncset.done $0x0  }
0xa4: {  	s25 =	simm.s32 $0x1B8E;
	s24 =	sld [smem:$0x3FFE];
	[sflag:s23] =	ssyncadd.s32 $0xFFFFFFFF  }
0xa5: {  	s26 =	simm.s32 $execute0_lowered;
	[smem:$0x3FD2] =	sst s25  }
0xa6: {  	s4 =	sshll.u32 s26, $0x1;
	_ =	strace $0x8000005B;
	[dreg:$0x1] =	wrdreg $0xFFFFFFFF  }
0xa7: {  	s28 =	simm.s32 $_size_execute0_lowered;
	s2 =	sadd.s32 s2, s4;
	[dreg:$0x0] =	wrdreg $0x0  }
0xa8: {  	s4 =	sshll.u32 s28, $0x1;
	[dreg:$0x2] =	wrdreg s2  }
0xa9: {  	[dreg:$0x3] =	wrdreg s4  }
0xaa: {  	[dreg:$0x4] =	wrdreg $0xC0  }
0xab: {  	_ =	task [dreg:s6], $0x5FFFF  }
0xac: {  	[dreg:$0x1] =	wrdreg $0xFFFFFFFF  }
0xad: {  	[dreg:$0x0] =	wrdreg $0x60  }
0xae: {  	[dreg:$0x2] =	wrdreg s24  }
0xaf: {  	[dreg:$0x3] =	wrdreg $0x90000  }
0xb0: {  	[dreg:$0x4] =	wrdreg $0x9  }
0xb1: {  	_ =	task.clear_ibuf [dreg:s6], $0x5FFFF;
	_ =	strace $0x9000005B  }
0xb2: {  	s29 =	simm.s32 $0x9;
	_ =	strace $0x8000005D  }
0xb3: {  	_ =	swait.ge [sflag:s29], $0x1  }
0xb4: {  	[sflag:s29] =	ssyncadd.s32 $0xFFFFFFFF  }
0xb5: {  	_ =	strace $0x9000005D  }
0xb6: {  	_ =	sfence  }
0xb7: {  	s30 =	sld [smem:$0x0];
	_ =	sdelay $0x2  }
0xb8: {  	s31 =	sshll.u32 s1, $0xD;
	s1 =	sshrl.u32 s1, $0x2  }
0xb9: {  	s3 =	sand.u32 $0x4000, s31;
	s1 =	sadd.s32 s1, s30  }
0xba: {  	s0 =	sor.u32 s3, s0;
	s1 =	sshll.u32 s1, $0x11  }
0xbb: {  	s0 =	sor.u32 s1, s0  }
0xbc: {  	s0 =	sadd.s32 $0x8F2B, s0  }
0xbd: {  	[sflag:s0] =	ssyncadd.remote.s32 $0x1  }
0xbe: {  	_ =	sfence.sel $0xFFFF  }
0xbf: {  	[dreg:$0x0] =	wrdreg $0xFFFFFFFF;
	(pc) =	sbr.abs _section_cstart, $3  }
0xc0: {  	[dreg:$0x1] =	wrdreg $0xFFFFFFFF  }
0xc1: {  	_ =	task.clear_ibuf [dreg:s6], $0x2FFFF;
	_ =	strace $0x9FFFFFFF  }
0xc2: {  	(tm) =	ssettm $0x7FFFFFFF  }
0xc3: {  	_ =	shalt  }
tec
execute0_lowered:
.L_overlay_start_1:
0x0: {  	(tag) =	ssettag $0x1  }
0x1: {  	s1 =	srdreg.scid;
	s7 =	rddreg [dreg:$0x0]  }
0x2: {  	s0 =	stileid.u32;
	s2 =	rddreg [dreg:$0x1]  }
0x3: {  	s3 =	simm.s32 $0x0;
	s15 =	simm.s32 $0x5000;
	s16 =	simm.s32 $0x2  }
0x4: {  	s17 =	simm.s32 $0x2800;
	s18 =	simm.s32 $0x80;
	s19 =	simm.s32 $0x1  }
0x5: {  	s22 =	simm.s32 $0x0;
	s6 =	sand.u32 $0x1, s1;
	s28 =	sshll.u32 s0, $0x1  }
0x6: {  	[smem:$0x7FF] =	sst s3;
	s9 =	smul.u32 $0x14000, s0;
	s4 =	sadd.s32 $0x19400, s7  }
0x7: {  	s10 =	smul.u32 $0x50000, s0;
	s20 =	sshll.u32 s0, $0x6;
	s1 =	sor.u32 s6, s28  }
0x8: {  	s8 =	smul.u32 $0x140000, s6;
	s29 =	ssub.s32 $0x2, s6;
	s20 =	sor.u32 $0x1C02, s20  }
0x9: {  	s5 =	smul.u32 $0x500, s1;
	s1 =	rddreg [dreg:$0x2];
	_ =	strace $0x8000005C  }
0xa: {  	s30 =	sshrl.u32 s10, $0x2;
	s31 =	sshrl.u32 s29, $0x1;
	s8 =	sadd.s32 s9, s8  }
0xb: {  	s6 =	sadd.s32 s30, s2;
	s14 =	ssub.s32 s29, s31;
	s12 =	sadd.s32 s5, s7  }
0xc: {  	s5 =	sadd.s32 $0xB5800, s7;
	s8 =	sshrl.u32 s8, $0x3;
	s9 =	sadd.s32 $0xC000, s6  }
0xd: {  	s10 =	sadd.s32 $0x10000, s6;
	s14 =	smax.u32 s14, $0x1;
	s21 =	sshrl.u32 s6, $0x3  }
0xe: {  	s13 =	sadd.s32 s8, s7;
	s7 =	sadd.s32 $0x4000, s6;
	s8 =	sadd.s32 $0x8000, s6  }
0xf: {  	s11 =	sadd.s32 $0x5400, s12;
	s12 =	sadd.s32 $0xF400, s12;
	s13 =	sadd.s32 $0xB6000, s13  }
.LBB2_1:
0x10: {  	[tilespmem:s15], [sflag:$0x2] =	stream.linear.gather [hbm4b:s5+s3], $0x4000, $0x38;
	[tilespmem:$0x1D000] =	vst v63  }
0x11: {  	_ =	swait.ge [sflag:s16], $0x4000  }
0x12: {  	[sflag:s16] =	ssyncset.done $0x0  }
0x13: {  	[sflag:s16] =	ssyncadd.s32 $0xFFFFC000  }
0x14: {  	[spmem:s6] =	stream.linear.scatter [tilespmem:s15], [sflag:$0x2], $0x4000, $0x38;
	[tilespmem:$0x1D000] =	vst v63  }
0x15: {  	_ =	swait.ge [sflag:s16], $0x4000  }
0x16: {  	[sflag:s16] =	ssyncset.done $0x0  }
0x17: {  	[sflag:s16] =	ssyncadd.s32 $0xFFFFC000  }
0x18: {  	[spmem:s7] =	stream.linear.scatter [tilespmem:s15], [sflag:$0x2], $0x4000, $0x38;
	[tilespmem:$0x1D000] =	vst v63  }
0x19: {  	_ =	swait.ge [sflag:s16], $0x4000  }
0x1a: {  	[sflag:s16] =	ssyncset.done $0x0  }
0x1b: {  	[sflag:s16] =	ssyncadd.s32 $0xFFFFC000  }
0x1c: {  	[spmem:s8] =	stream.linear.scatter [tilespmem:s15], [sflag:$0x2], $0x4000, $0x38;
	[tilespmem:$0x1D000] =	vst v63  }
0x1d: {  	_ =	swait.ge [sflag:s16], $0x4000  }
0x1e: {  	[sflag:s16] =	ssyncset.done $0x0  }
0x1f: {  	[sflag:s16] =	ssyncadd.s32 $0xFFFFC000  }
0x20: {  	[spmem:s9] =	stream.linear.scatter [tilespmem:s15], [sflag:$0x2], $0x4000, $0x38;
	[tilespmem:$0x1D000] =	vst v63  }
0x21: {  	_ =	swait.ge [sflag:s16], $0x4000  }
0x22: {  	[sflag:s16] =	ssyncset.done $0x0  }
0x23: {  	[sflag:s16] =	ssyncadd.s32 $0xFFFFC000  }
0x24: {  	[spmem:s10] =	stream.linear.scatter [tilespmem:s15], [sflag:$0x2], $0x4000, $0x38;
	[tilespmem:$0x1D000] =	vst v63  }
0x25: {  	_ =	swait.ge [sflag:s16], $0x4000  }
0x26: {  	[sflag:s16] =	ssyncset.done $0x0  }
0x27: {  	[sflag:s16] =	ssyncadd.s32 $0xFFFFC000  }
0x28: {  	[bflag:$0x0] =	sbarrier.arrive $0xFFFF  }
0x29: {  	[tilespmem:s3], [sflag:$0x2] =	stream.linear.gather [hbm4b:s11+s3], $0x2780, $0x38;
	[tilespmem:$0x1D000] =	vst v63  }
0x2a: {  	_ =	swait.ge [sflag:s16], $0x2780  }
0x2b: {  	[sflag:s16] =	ssyncset.done $0x0  }
0x2c: {  	[sflag:s16] =	ssyncadd.s32 $0xFFFFD880  }
0x2d: {  	[tilespmem:s17], [sflag:$0x2] =	stream.linear.gather [hbm4b:s12+s3], $0x2780, $0x38;
	[tilespmem:$0x1D000] =	vst v63  }
0x2e: {  	_ =	swait.ge [sflag:s16], $0x2780  }
0x2f: {  	[sflag:s16] =	ssyncset.done $0x0  }
0x30: {  	s23 =	simm.s32 $0x0;
	[sflag:s16] =	ssyncadd.s32 $0xFFFFD880  }
0x31: {  	[tilespmem:s15], [sflag:$0x1] =	stream.indirect.gather [hbm4b:s4+s18], $0x80, s23, s18, $0xb8;
	[tilespmem:$0x1D000] =	vst v63  }
0x32: {  	_ =	swait.ge [sflag:s19], $0x4000  }
0x33: {  	[sflag:s19] =	ssyncset.done $0x0  }
0x34: {  	s31 =	simm.s32 $0x2800;
	[sflag:s19] =	ssyncadd.s32 $0xFFFFC000  }
0x35: {  	[spmem:s2] =	stream.indirect.scatter.add.f32 [tilespmem:s15], [sflag:$0x2], $0x80, s31, s18, $0xb8;
	[tilespmem:$0x1D000] =	vst v63  }
0x36: {  	_ =	swait.ge [sflag:s16], $0x4000  }
0x37: {  	s24 =	simm.s32 $0x400;
	s23 =	simm.s32 $0x200;
	[sflag:s16] =	ssyncset.done $0x0  }
.LBB2_2:
0x38: {  	s25 =	sshra.s32 s23, $0x2  }
0x39: {  	[sflag:s16] =	ssyncadd.s32 $0xFFFFC000;
	s23 =	smov.u32 s24;
	s26 =	sadd.s32 $0x200, s24  }
0x3a: {  	[tilespmem:s15], [sflag:$0x1] =	stream.indirect.gather [hbm4b:s4+s18], $0x80, s25, s18, $0xb8;
	[tilespmem:$0x1D000] =	vst v63  }
0x3b: {  	p0 =	sne.s32 s24, $0x9C00;
	_ =	swait.ge [sflag:s19], $0x4000  }
.Ltmp0:
0x3c: {  	[sflag:s19] =	ssyncset.done $0x0;
	(pc) =	sbr.rel @p0 .LBB2_2-.Ltmp0, $4  }
0x3d: {  	s24 =	sadd.s32 $0x2800, s25;
	[sflag:s19] =	ssyncadd.s32 $0xFFFFC000  }
0x3e: {  	[spmem:s2] =	stream.indirect.scatter.add.f32 [tilespmem:s15], [sflag:$0x2], $0x80, s24, s18, $0xb8;
	[tilespmem:$0x1D000] =	vst v63  }
0x3f: {  	_ =	swait.ge [sflag:s16], $0x4000  }
0x40: {  	s24 =	smov.u32 s26;
	[sflag:s16] =	ssyncset.done $0x0  }
0x41: {  	s23 =	sshra.s32 s23, $0x2;
	[sflag:s16] =	ssyncadd.s32 $0xFFFFC000  }
0x42: {  	[tilespmem:s15], [sflag:$0x1] =	stream.indirect.gather [hbm4b:s4+s18], $0x80, s23, s18, $0xb8;
	[tilespmem:$0x1D000] =	vst v63  }
0x43: {  	_ =	swait.ge [sflag:s19], $0x4000  }
0x44: {  	[sflag:s19] =	ssyncset.done $0x0  }
0x45: {  	s23 =	sadd.s32 $0x2800, s23;
	[sflag:s19] =	ssyncadd.s32 $0xFFFFC000  }
0x46: {  	[spmem:s2] =	stream.indirect.scatter.add.f32 [tilespmem:s15], [sflag:$0x2], $0x80, s23, s18, $0xb8;
	[tilespmem:$0x1D000] =	vst v63  }
0x47: {  	_ =	swait.ge [sflag:s16], $0x4000  }
0x48: {  	s22 =	sadd.s32 $0x1, s22;
	[sflag:s16] =	ssyncset.done $0x0  }
0x49: {  	p0 =	sne.s32 s22, s14;
	[sflag:s16] =	ssyncadd.s32 $0xFFFFC000  }
.Ltmp1:
0x4a: {  	[bflag:$0x0] =	sbarrier.arrive $0xFFFF;
	(pc) =	sbr.rel @p0 .LBB2_1-.Ltmp1, $4  }
0x4b: {  	[hbm:s13], [sflag:s20] =	dma.local [spmem:s21], $0x2800  }
0x4c: {  	_ =	swait.ge [sflag:s16], $0x2800  }
0x4d: {  	[sflag:s16] =	ssyncset.done $0x0  }
0x4e: {  	[sflag:s16] =	ssyncadd.s32 $0xFFFFD800  }
0x4f: {  	_ =	sfence.sel $0x180000  }
0x50: {  	[bflag:$0x0] =	sbarrier.arrive $0xFFFF  }
0x51: {  	p0 =	sne.s32 s0, $0x0;
	_ =	strace $0x9000005C  }
0x52: {  	s0 =	sadd.s32 @!p0 $0x100000, s1;
	[bflag:$0x2] =	sbarrier.arrive $0xFFFF  }
0x53: {  	[sflag:s0] =	ssyncadd.tile.s32 @!p0 $0x1;
	_ =	shalt  }
.Lfunc_end2:
_tile_overlayer_lowered:
.L_overlay_start_2:
0x54: {  	(tag) =	ssettag $0x2  }
0x55: {  	s0 =	rddreg [dreg:$0x0];
	s2 =	stileid.u32  }
0x56: {  	s1 =	rddreg [dreg:$0x1];
	p0 =	sne.s32 s2, $0x0  }
0x57: {  	s3 =	rddreg [dreg:$0x2];
	[bflag:$0x3] =	sbarrier.arrive $0xFFFF;
	s2 =	simm.s32 @!p0 $0x1C02  }
0x58: {  	[timem:s3], [sflag:s2] =	dma.local @!p0 [hbm:s0], s1  }
0x59: {  	s0 =	simm.s32 @!p0 $0x2  }
0x5a: {  	_ =	swait.ge @!p0 [sflag:s0], s1  }
0x5b: {  	s1 =	ssub.s32 @!p0 $0x0, s1;
	[sflag:s0] =	ssyncset.done @!p0 $0x0  }
0x5c: {  	[sflag:s0] =	ssyncadd.s32 @!p0 s1  }
0x5d: {  	[bflag:$0x3] =	sbarrier.arrive $0xFFFF  }
0x5e: {  	_ =	shalt  }

</sc_bundles>
